<compile_context>
chip_gen: v7x
topology: tpu7x:2x2x1
jax: 0.10.2.dev20260603
libtpu: 0.0.44.dev20260713+nightly
codegen_flags: <defaults>
</compile_context>

<pallas_src>
import functools

import jax
import jax.numpy as jnp
from jax import lax
from jax.experimental import pallas as pl
from jax.experimental.pallas import tpu as pltpu
from jax.experimental.pallas import tpu_sc as plsc

N = 10000
E = 160000
IN_DIM = 32
OUT_DIM = 32
E_DIM = 6
EDGE_H = 256
EPS = 1e-5

ROW = 128
RACC = 48
BLK = 3200
NB = E // BLK

NC = 2
NS = 16
NW = NC * NS
EPW = E // NW
CW = 128
CH = 39
TAIL = EPW - CH * CW
LAG = 3
NBUF = 6
NGRP = 6
NTI = 10
NPT = N // NTI


def _sc_gather(h, src3, srct, *, e2, ch, tail, ngrp):
    epw = ch * CW + tail
    mesh = plsc.VectorSubcoreMesh(core_axis_name="c", subcore_axis_name="s")

    @functools.partial(
        pl.kernel,
        out_type=jax.ShapeDtypeStruct((e2, IN_DIM), jnp.float32),
        mesh=mesh,
        scratch_types=[
            pltpu.VMEM((ch, CW), jnp.int32),
            pltpu.VMEM((1, tail), jnp.int32),
            [pltpu.VMEM((CW, IN_DIM), jnp.float32)] * NBUF,
            [pltpu.SemaphoreType.DMA] * NBUF,
            [pltpu.SemaphoreType.DMA] * NBUF,
        ],
        compiler_params=pltpu.CompilerParams(use_tc_tiling_on_sc=False),
    )
    def k(h_hbm, src_hbm, srct_hbm, out_hbm, idx_v, idxt_v, rows, gsem, wsem):
        wid = lax.axis_index("s") * NC + lax.axis_index("c")
        base = wid * epw

        def start_gather(j, b):
            pltpu.async_copy(h_hbm.at[idx_v.at[j]], rows[b], gsem[b])

        def wait_gather(j, b):
            pltpu.make_async_copy(
                h_hbm.at[idx_v.at[j]], rows[b], gsem[b]).wait()

        def start_write(j, b):
            pltpu.async_copy(
                rows[b], out_hbm.at[pl.ds(base + j * CW, CW)], wsem[b])

        def wait_write(j, b):
            pltpu.make_async_copy(
                rows[b], out_hbm.at[pl.ds(base + j * CW, CW)], wsem[b]).wait()

        pltpu.sync_copy(src_hbm.at[wid], idx_v)
        pltpu.sync_copy(srct_hbm.at[wid], idxt_v)
        for d in range(LAG):
            start_gather(d, d)

        def body(g, carry):
            for d in range(NBUF):
                j = g * NBUF + d
                bn = (d + LAG) % NBUF

                @pl.when(j >= LAG)
                def _():
                    wait_write(j - LAG, bn)

                @pl.when(j + LAG < ch)
                def _():
                    start_gather(j + LAG, bn)

                wait_gather(j, d)
                start_write(j, d)
            return carry

        lax.fori_loop(0, ngrp, body, 0)
        for j in range(ngrp * NBUF, ch):
            wait_write(j - LAG, (j - LAG) % NBUF)
            wait_gather(j, j % NBUF)
            start_write(j, j % NBUF)
        for j in range(ch - LAG, ch):
            wait_write(j, j % NBUF)
        pltpu.async_copy(h_hbm.at[idxt_v.at[0]],
                         rows[LAG].at[pl.ds(0, tail)], gsem[LAG]).wait()
        pltpu.sync_copy(rows[LAG].at[pl.ds(0, tail)],
                        out_hbm.at[pl.ds(base + ch * CW, tail)])

    return k(h, src3, srct)


def _sc_scatter(msg48, dst3, dstt, prime, *, ch, tail, ngrp):
    epw = ch * CW + tail
    mesh = plsc.VectorSubcoreMesh(core_axis_name="c", subcore_axis_name="s")

    @functools.partial(
        pl.kernel,
        out_type=jax.ShapeDtypeStruct((NC * N, RACC), jnp.float32),
        mesh=mesh,
        scratch_types=[
            pltpu.VMEM((ch, CW), jnp.int32),
            pltpu.VMEM((1, tail), jnp.int32),
            [pltpu.VMEM((CW, RACC), jnp.float32)] * NBUF,
            [pltpu.SemaphoreType.DMA] * NBUF,
            [pltpu.SemaphoreType.DMA] * NBUF,
            pltpu.SemaphoreType.DMA,
            pltpu.VMEM_SHARED((N, RACC), jnp.float32),
        ],
        compiler_params=pltpu.CompilerParams(use_tc_tiling_on_sc=False),
    )
    def k(msg_hbm, dst_hbm, dstt_hbm, zero_hbm, out_hbm, idx_v, idxt_v, vals,
          rsem, ssem, zsem, acc):
        c = lax.axis_index("c")
        s = lax.axis_index("s")
        wid = s * NC + c
        base = wid * epw

        def start_read(j, b):
            pltpu.async_copy(
                msg_hbm.at[pl.ds(base + j * CW, CW), pl.ds(0, RACC)],
                vals[b], rsem[b])

        def wait_read(j, b):
            pltpu.make_async_copy(
                msg_hbm.at[pl.ds(base + j * CW, CW), pl.ds(0, RACC)],
                vals[b], rsem[b]).wait()

        def start_scat(j, b):
            pltpu.async_copy(vals[b], acc.at[idx_v.at[j]], ssem[b], add=True)

        def wait_scat(j, b):
            pltpu.make_async_copy(
                vals[b], acc.at[idx_v.at[j]], ssem[b]).wait()

        @pl.when(s < NTI)
        def _():
            pltpu.async_copy(zero_hbm.at[pl.ds(c * N + s * NPT, NPT)],
                             acc.at[pl.ds(s * NPT, NPT)], zsem).wait()

        pltpu.sync_copy(dst_hbm.at[wid], idx_v)
        pltpu.sync_copy(dstt_hbm.at[wid], idxt_v)
        plsc.subcore_barrier()
        for d in range(LAG):
            start_read(d, d)

        def body(g, carry):
            for d in range(NBUF):
                j = g * NBUF + d
                bn = (d + LAG) % NBUF

                @pl.when(j >= LAG)
                def _():
                    wait_scat(j - LAG, bn)

                @pl.when(j + LAG < ch)
                def _():
                    start_read(j + LAG, bn)

                wait_read(j, d)
                start_scat(j, d)
            return carry

        lax.fori_loop(0, ngrp, body, 0)
        for j in range(ngrp * NBUF, ch):
            wait_scat(j - LAG, (j - LAG) % NBUF)
            wait_read(j, j % NBUF)
            start_scat(j, j % NBUF)
        for j in range(ch - LAG, ch):
            wait_scat(j, j % NBUF)
        pltpu.sync_copy(msg_hbm.at[pl.ds(base + ch * CW, tail), pl.ds(0, RACC)],
                        vals[LAG].at[pl.ds(0, tail)])
        pltpu.sync_copy(vals[LAG].at[pl.ds(0, tail)],
                        acc.at[idxt_v.at[0]], add=True)
        plsc.subcore_barrier()

        @pl.when(s < NTI)
        def _():
            pltpu.sync_copy(acc.at[pl.ds(s * NPT, NPT)],
                            out_hbm.at[pl.ds(c * N + s * NPT, NPT)])

    return k(msg48, dst3, dstt, prime)


def _tc_edge_body(eT_ref, hs_ref, w1T_ref, b1T_ref, w2T_ref, b2T_ref, o_ref):
    hidT = jnp.dot(w1T_ref[...], eT_ref[...],
                   preferred_element_type=jnp.float32)
    hidT = jnp.maximum(hidT + b1T_ref[...], 0.0).astype(jnp.bfloat16)
    pT = jnp.dot(w2T_ref[...], hidT, preferred_element_type=jnp.float32)
    pT = pT + b2T_ref[...]
    hsT = hs_ref[...].T
    acc = pT[0:OUT_DIM, :] * hsT[0:1, :]
    for i in range(1, IN_DIM):
        acc = acc + pT[i * OUT_DIM:(i + 1) * OUT_DIM, :] * hsT[i:i + 1, :]
    o_ref[:, 0:OUT_DIM] = acc.T
    o_ref[:, OUT_DIM:OUT_DIM + 1] = jnp.ones((BLK, 1), jnp.float32)
    o_ref[:, OUT_DIM + 1:ROW] = jnp.zeros((BLK, ROW - OUT_DIM - 1), jnp.float32)


def _tc_edge(eT, h_src, w1T, b1c, w2T, b2c, *, e2):
    return pl.pallas_call(
        _tc_edge_body,
        grid=(e2 // BLK,),
        in_specs=[
            pl.BlockSpec((E_DIM, BLK), lambda i: (0, i)),
            pl.BlockSpec((BLK, IN_DIM), lambda i: (i, 0)),
            pl.BlockSpec((EDGE_H, E_DIM), lambda i: (0, 0)),
            pl.BlockSpec((EDGE_H, 1), lambda i: (0, 0)),
            pl.BlockSpec((IN_DIM * OUT_DIM, EDGE_H), lambda i: (0, 0)),
            pl.BlockSpec((IN_DIM * OUT_DIM, 1), lambda i: (0, 0)),
        ],
        out_specs=pl.BlockSpec((BLK, ROW), lambda i: (i, 0)),
        out_shape=jax.ShapeDtypeStruct((e2, ROW), jnp.float32),
    )(eT, h_src, w1T, b1c, w2T, b2c)


def _tc_final_body(parts_ref, bias_ref, gamma_ref, beta_ref, y_ref):
    p0 = parts_ref[0:N, 0:OUT_DIM]
    p1 = parts_ref[N:2 * N, 0:OUT_DIM]
    agg = p0 + p1
    deg = parts_ref[0:N, OUT_DIM:OUT_DIM + 1] \
        + parts_ref[N:2 * N, OUT_DIM:OUT_DIM + 1]
    out = agg / jnp.maximum(deg, 1.0) + bias_ref[...]
    out = jnp.maximum(out, 0.0)
    mu = jnp.mean(out, axis=0, keepdims=True)
    ctr = out - mu
    var = jnp.mean(ctr * ctr, axis=0, keepdims=True)
    y_ref[...] = gamma_ref[...] * ctr * lax.rsqrt(var + EPS) + beta_ref[...]


def _tc_final(parts, bias, gamma, beta):
    return pl.pallas_call(
        _tc_final_body,
        grid=(1,),
        in_specs=[
            pl.BlockSpec((NC * N, RACC), lambda i: (0, 0)),
            pl.BlockSpec((1, OUT_DIM), lambda i: (0, 0)),
            pl.BlockSpec((1, OUT_DIM), lambda i: (0, 0)),
            pl.BlockSpec((1, OUT_DIM), lambda i: (0, 0)),
        ],
        out_specs=pl.BlockSpec((N, OUT_DIM), lambda i: (0, 0)),
        out_shape=jax.ShapeDtypeStruct((N, OUT_DIM), jnp.float32),
    )(parts, bias.reshape(1, OUT_DIM), gamma.reshape(1, OUT_DIM),
      beta.reshape(1, OUT_DIM))


E2 = E // 2
EPW2 = E2 // NW
CH2 = EPW2 // CW
TAIL2 = EPW2 - CH2 * CW
NGRP2 = CH2 // NBUF


def _split(iw):
    i3 = iw[:, :CH2 * CW].reshape(NW, CH2, CW)
    it = iw[:, CH2 * CW:].reshape(NW, 1, TAIL2)
    return i3, it


def kernel(h, edge_index, e, W1, b1, W2, b2, bias, gamma, beta):
    src = edge_index[0].reshape(2, NW, EPW2)
    dst = edge_index[1].reshape(2, NW, EPW2)
    sc_dims = dict(ch=CH2, tail=TAIL2, ngrp=NGRP2)
    zeros = jnp.zeros((NC * N, RACC), jnp.float32)
    eT = e.T
    w1T = W1.T
    b1c = b1.reshape(EDGE_H, 1)
    w2T = W2.T.astype(jnp.bfloat16)
    b2c = b2.reshape(IN_DIM * OUT_DIM, 1)

    hsA = _sc_gather(h, *_split(src[0]), e2=E2, **sc_dims)
    hsB = _sc_gather(h, *_split(src[1]), e2=E2, **sc_dims)
    msgA = _tc_edge(eT[:, :E2], hsA, w1T, b1c, w2T, b2c, e2=E2)
    msgB = _tc_edge(eT[:, E2:], hsB, w1T, b1c, w2T, b2c, e2=E2)
    partsA = _sc_scatter(msgA, *_split(dst[0]), zeros, **sc_dims)
    partsB = _sc_scatter(msgB, *_split(dst[1]), partsA, **sc_dims)
    return _tc_final(partsB, bias, gamma, beta)

# --- scband reference (transcript-rebuilt; emitter-appended) ---
"""Pipeline reference for scband-nnlayer-7748121002249 (READ-ONLY COPY).

The authoritative reference and input builder live on the scoring server;
editing this copy changes nothing except your own understanding.
"""

import jax, jax.numpy as jnp
import numpy as np

N = 10000
E = 160000
IN_DIM = 32
OUT_DIM = 32
E_DIM = 6
EDGE_H = 256
EPS = 1e-5


def setup_inputs(seed: int = 0) -> dict:
    key = jax.random.key(seed)
    ks = jax.random.split(key, 6)
    h = jax.random.normal(ks[0], (N, IN_DIM), dtype=jnp.float32)
    edge_index = jax.random.randint(ks[1], (2, E), 0, N, dtype=jnp.int32)
    e = jax.random.normal(ks[2], (E, E_DIM), dtype=jnp.float32)
    # edge_mlp params: Linear(e_dim, edge_h) -> ReLU -> Linear(edge_h, in*out)
    W1 = jax.random.normal(ks[3], (E_DIM, EDGE_H), dtype=jnp.float32) / np.sqrt(E_DIM)
    b1 = jnp.zeros((EDGE_H,), dtype=jnp.float32)
    W2 = jax.random.normal(ks[4], (EDGE_H, IN_DIM * OUT_DIM), dtype=jnp.float32) / np.sqrt(EDGE_H)
    b2 = jnp.zeros((IN_DIM * OUT_DIM,), dtype=jnp.float32)
    # NNConv output bias (DGL NNConv bias=True default)
    bias = jnp.zeros((OUT_DIM,), dtype=jnp.float32)
    # BatchNorm1d affine params
    gamma = jnp.ones((OUT_DIM,), dtype=jnp.float32)
    beta = jnp.zeros((OUT_DIM,), dtype=jnp.float32)
    return {"h": h, "edge_index": edge_index, "e": e, "W1": W1, "b1": b1,
            "W2": W2, "b2": b2, "bias": bias, "gamma": gamma, "beta": beta}


def reference(h, edge_index, e, W1, b1, W2, b2, bias, gamma, beta):
    src = edge_index[0]
    dst = edge_index[1]
    # edge-conditioned weight: edge_mlp(e) -> [E, in_dim, out_dim]
    hid = jax.nn.relu(e @ W1 + b1)
    w_edge = (hid @ W2 + b2).reshape(E, IN_DIM, OUT_DIM)
    # message: h_src projected by per-edge weight matrix
    h_src = jnp.take(h, src, axis=0)
    msg = jnp.einsum('ei,eio->eo', h_src, w_edge)
    # mean aggregation over incoming edges per dst node
    agg = jax.ops.segment_sum(msg, dst, num_segments=N)
    deg = jax.ops.segment_sum(jnp.ones((E,), dtype=jnp.float32), dst, num_segments=N)
    agg = agg / jnp.clip(deg, 1.0, None)[:, None]
    out = agg + bias
    # relu then BatchNorm1d (training-mode batch statistics)
    out = jax.nn.relu(out)
    mu = jnp.mean(out, axis=0)
    var = jnp.var(out, axis=0)
    y = gamma * (out - mu) * jax.lax.rsqrt(var + EPS) + beta
    return y

if __name__ == "__main__":
    import jax
    _d = setup_inputs()
    print(jax.jit(kernel)(*tuple(_d.values())))

</pallas_src>

<mosaic_0001>
#map = affine_map<(d0, d1) -> (0, 0)>
#map1 = affine_map<(d0, d1) -> (0, 0, 0)>
module attributes {stable_mosaic.version = 14 : i64} {
  func.func @k(%arg0: i32, %arg1: i32, %arg2: memref<10000x32xf32, #tpu.memory_space<hbm>>, %arg3: memref<32x19x128xi32, #tpu.memory_space<hbm>>, %arg4: memref<32x1x68xi32, #tpu.memory_space<hbm>>, %arg5: memref<80000x32xf32, #tpu.memory_space<hbm>>, %arg6: memref<19x128xi32, #tpu.memory_space<vmem>>, %arg7: memref<1x68xi32, #tpu.memory_space<vmem>>, %arg8: memref<128x32xf32, #tpu.memory_space<vmem>>, %arg9: memref<128x32xf32, #tpu.memory_space<vmem>>, %arg10: memref<128x32xf32, #tpu.memory_space<vmem>>, %arg11: memref<128x32xf32, #tpu.memory_space<vmem>>, %arg12: memref<128x32xf32, #tpu.memory_space<vmem>>, %arg13: memref<128x32xf32, #tpu.memory_space<vmem>>, %arg14: memref<!tpu.dma_semaphore, #tpu.memory_space<semaphore_mem>>, %arg15: memref<!tpu.dma_semaphore, #tpu.memory_space<semaphore_mem>>, %arg16: memref<!tpu.dma_semaphore, #tpu.memory_space<semaphore_mem>>, %arg17: memref<!tpu.dma_semaphore, #tpu.memory_space<semaphore_mem>>, %arg18: memref<!tpu.dma_semaphore, #tpu.memory_space<semaphore_mem>>, %arg19: memref<!tpu.dma_semaphore, #tpu.memory_space<semaphore_mem>>, %arg20: memref<!tpu.dma_semaphore, #tpu.memory_space<semaphore_mem>>, %arg21: memref<!tpu.dma_semaphore, #tpu.memory_space<semaphore_mem>>, %arg22: memref<!tpu.dma_semaphore, #tpu.memory_space<semaphore_mem>>, %arg23: memref<!tpu.dma_semaphore, #tpu.memory_space<semaphore_mem>>, %arg24: memref<!tpu.dma_semaphore, #tpu.memory_space<semaphore_mem>>, %arg25: memref<!tpu.dma_semaphore, #tpu.memory_space<semaphore_mem>>) attributes {dimension_semantics = [#tpu.dimension_semantics<core_parallel>, #tpu.dimension_semantics<subcore_parallel>], iteration_bounds = array<i64: 2, 16>, scalar_prefetch = 0 : i64, scratch_operands = 20 : i64, tpu.core_type = #tpu.core_type<sc_vector_subcore>, window_params = [{transform_indices = #map}, {transform_indices = #map1}, {transform_indices = #map1}, {transform_indices = #map}]} {
    %mul3A = arith.constant 2 : i32
    %mul3A_0 = arith.muli %arg1, %mul3A : i32
    %add3A = arith.addi %mul3A_0, %arg0 : i32
    %mul3A_1 = arith.constant 2500 : i32
    %mul3A_2 = arith.muli %add3A, %mul3A_1 : i32
    "tpu.region"() ({
      %run_scoped3A = tpu.sem_alloc : memref<!tpu.dma_semaphore, #tpu.memory_space<semaphore_mem>>
      %dma_start3A_86 = arith.constant 0 : i32
      %dma_start3A_87 = arith.constant 0 : i32
      %dma_start3A_88 = tpu.memref_slice %arg3[%add3A, %dma_start3A_86, %dma_start3A_87] : memref<32x19x128xi32, #tpu.memory_space<hbm>> -> memref<1x19x128xi32, #tpu.memory_space<hbm>>
      %dma_start3A_89 = tpu.memref_squeeze %dma_start3A_88 : memref<1x19x128xi32, #tpu.memory_space<hbm>> -> memref<19x128xi32, #tpu.memory_space<hbm>>
      %dma_start3A_90 = arith.constant 0 : i32
      %dma_start3A_91 = arith.constant 0 : i32
      %dma_start3A_92 = tpu.memref_slice %arg3[%add3A, %dma_start3A_90, %dma_start3A_91] : memref<32x19x128xi32, #tpu.memory_space<hbm>> -> memref<1x19x128xi32, #tpu.memory_space<hbm>>
      %dma_start3A_93 = tpu.memref_squeeze %dma_start3A_92 : memref<1x19x128xi32, #tpu.memory_space<hbm>> -> memref<19x128xi32, #tpu.memory_space<hbm>>
      tpu.enqueue_dma source(%dma_start3A_93 : memref<19x128xi32, #tpu.memory_space<hbm>>) target(%arg6 : memref<19x128xi32, #tpu.memory_space<vmem>>) target_semaphore(%run_scoped3A : memref<!tpu.dma_semaphore, #tpu.memory_space<semaphore_mem>>)
      %dma_wait3A_94 = arith.constant 0 : i32
      %dma_wait3A_95 = arith.constant 0 : i32
      %dma_wait3A_96 = tpu.memref_slice %arg3[%add3A, %dma_wait3A_94, %dma_wait3A_95] : memref<32x19x128xi32, #tpu.memory_space<hbm>> -> memref<1x19x128xi32, #tpu.memory_space<hbm>>
      %dma_wait3A_97 = tpu.memref_squeeze %dma_wait3A_96 : memref<1x19x128xi32, #tpu.memory_space<hbm>> -> memref<19x128xi32, #tpu.memory_space<hbm>>
      %dma_wait3A_98 = arith.constant 0 : i32
      %dma_wait3A_99 = arith.constant 0 : i32
      %dma_wait3A_100 = tpu.memref_slice %arg3[%add3A, %dma_wait3A_98, %dma_wait3A_99] : memref<32x19x128xi32, #tpu.memory_space<hbm>> -> memref<1x19x128xi32, #tpu.memory_space<hbm>>
      %dma_wait3A_101 = tpu.memref_squeeze %dma_wait3A_100 : memref<1x19x128xi32, #tpu.memory_space<hbm>> -> memref<19x128xi32, #tpu.memory_space<hbm>>
      tpu.wait_dma2 semaphore(%run_scoped3A : memref<!tpu.dma_semaphore, #tpu.memory_space<semaphore_mem>>) src(%dma_wait3A_101 : memref<19x128xi32, #tpu.memory_space<hbm>>) dst(%arg6 : memref<19x128xi32, #tpu.memory_space<vmem>>)
      tpu.yield
    }) : () -> ()
    "tpu.region"() ({
      %run_scoped3A = tpu.sem_alloc : memref<!tpu.dma_semaphore, #tpu.memory_space<semaphore_mem>>
      %dma_start3A_86 = arith.constant 0 : i32
      %dma_start3A_87 = arith.constant 0 : i32
      %dma_start3A_88 = tpu.memref_slice %arg4[%add3A, %dma_start3A_86, %dma_start3A_87] : memref<32x1x68xi32, #tpu.memory_space<hbm>> -> memref<1x1x68xi32, #tpu.memory_space<hbm>>
      %dma_start3A_89 = tpu.memref_squeeze %dma_start3A_88 : memref<1x1x68xi32, #tpu.memory_space<hbm>> -> memref<1x68xi32, #tpu.memory_space<hbm>>
      %dma_start3A_90 = arith.constant 0 : i32
      %dma_start3A_91 = arith.constant 0 : i32
      %dma_start3A_92 = tpu.memref_slice %arg4[%add3A, %dma_start3A_90, %dma_start3A_91] : memref<32x1x68xi32, #tpu.memory_space<hbm>> -> memref<1x1x68xi32, #tpu.memory_space<hbm>>
      %dma_start3A_93 = tpu.memref_squeeze %dma_start3A_92 : memref<1x1x68xi32, #tpu.memory_space<hbm>> -> memref<1x68xi32, #tpu.memory_space<hbm>>
      tpu.enqueue_dma source(%dma_start3A_93 : memref<1x68xi32, #tpu.memory_space<hbm>>) target(%arg7 : memref<1x68xi32, #tpu.memory_space<vmem>>) target_semaphore(%run_scoped3A : memref<!tpu.dma_semaphore, #tpu.memory_space<semaphore_mem>>)
      %dma_wait3A_94 = arith.constant 0 : i32
      %dma_wait3A_95 = arith.constant 0 : i32
      %dma_wait3A_96 = tpu.memref_slice %arg4[%add3A, %dma_wait3A_94, %dma_wait3A_95] : memref<32x1x68xi32, #tpu.memory_space<hbm>> -> memref<1x1x68xi32, #tpu.memory_space<hbm>>
      %dma_wait3A_97 = tpu.memref_squeeze %dma_wait3A_96 : memref<1x1x68xi32, #tpu.memory_space<hbm>> -> memref<1x68xi32, #tpu.memory_space<hbm>>
      %dma_wait3A_98 = arith.constant 0 : i32
      %dma_wait3A_99 = arith.constant 0 : i32
      %dma_wait3A_100 = tpu.memref_slice %arg4[%add3A, %dma_wait3A_98, %dma_wait3A_99] : memref<32x1x68xi32, #tpu.memory_space<hbm>> -> memref<1x1x68xi32, #tpu.memory_space<hbm>>
      %dma_wait3A_101 = tpu.memref_squeeze %dma_wait3A_100 : memref<1x1x68xi32, #tpu.memory_space<hbm>> -> memref<1x68xi32, #tpu.memory_space<hbm>>
      tpu.wait_dma2 semaphore(%run_scoped3A : memref<!tpu.dma_semaphore, #tpu.memory_space<semaphore_mem>>) src(%dma_wait3A_101 : memref<1x68xi32, #tpu.memory_space<hbm>>) dst(%arg7 : memref<1x68xi32, #tpu.memory_space<vmem>>)
      tpu.yield
    }) : () -> ()
    %dma_start3A = arith.constant 0 : i32
    %dma_start3A_3 = arith.constant 0 : i32
    %dma_start3A_4 = tpu.memref_slice %arg6[%dma_start3A, %dma_start3A_3] : memref<19x128xi32, #tpu.memory_space<vmem>> -> memref<1x128xi32, #tpu.memory_space<vmem>>
    %dma_start3A_5 = tpu.memref_squeeze %dma_start3A_4 : memref<1x128xi32, #tpu.memory_space<vmem>> -> memref<128xi32, #tpu.memory_space<vmem>>
    %dma_start3A_6 = arith.constant 0 : i32
    %dma_start3A_7 = arith.constant 0 : i32
    %dma_start3A_8 = tpu.memref_slice %arg2[%dma_start3A_6, %dma_start3A_7] : memref<10000x32xf32, #tpu.memory_space<hbm>> -> memref<10000x32xf32, #tpu.memory_space<hbm>>
    tpu.enqueue_indirect_dma source(%dma_start3A_8 : memref<10000x32xf32, #tpu.memory_space<hbm>>) target(%arg8 : memref<128x32xf32, #tpu.memory_space<vmem>>) offsets(%dma_start3A_5 : memref<128xi32, #tpu.memory_space<vmem>>) semaphore(%arg14 : memref<!tpu.dma_semaphore, #tpu.memory_space<semaphore_mem>>)
    %dma_start3A_9 = arith.constant 1 : i32
    %dma_start3A_10 = arith.constant 0 : i32
    %dma_start3A_11 = tpu.memref_slice %arg6[%dma_start3A_9, %dma_start3A_10] : memref<19x128xi32, #tpu.memory_space<vmem>> -> memref<1x128xi32, #tpu.memory_space<vmem>>
    %dma_start3A_12 = tpu.memref_squeeze %dma_start3A_11 : memref<1x128xi32, #tpu.memory_space<vmem>> -> memref<128xi32, #tpu.memory_space<vmem>>
    %dma_start3A_13 = arith.constant 0 : i32
    %dma_start3A_14 = arith.constant 0 : i32
    %dma_start3A_15 = tpu.memref_slice %arg2[%dma_start3A_13, %dma_start3A_14] : memref<10000x32xf32, #tpu.memory_space<hbm>> -> memref<10000x32xf32, #tpu.memory_space<hbm>>
    tpu.enqueue_indirect_dma source(%dma_start3A_15 : memref<10000x32xf32, #tpu.memory_space<hbm>>) target(%arg9 : memref<128x32xf32, #tpu.memory_space<vmem>>) offsets(%dma_start3A_12 : memref<128xi32, #tpu.memory_space<vmem>>) semaphore(%arg15 : memref<!tpu.dma_semaphore, #tpu.memory_space<semaphore_mem>>)
    %dma_start3A_16 = arith.constant 2 : i32
    %dma_start3A_17 = arith.constant 0 : i32
    %dma_start3A_18 = tpu.memref_slice %arg6[%dma_start3A_16, %dma_start3A_17] : memref<19x128xi32, #tpu.memory_space<vmem>> -> memref<1x128xi32, #tpu.memory_space<vmem>>
    %dma_start3A_19 = tpu.memref_squeeze %dma_start3A_18 : memref<1x128xi32, #tpu.memory_space<vmem>> -> memref<128xi32, #tpu.memory_space<vmem>>
    %dma_start3A_20 = arith.constant 0 : i32
    %dma_start3A_21 = arith.constant 0 : i32
    %dma_start3A_22 = tpu.memref_slice %arg2[%dma_start3A_20, %dma_start3A_21] : memref<10000x32xf32, #tpu.memory_space<hbm>> -> memref<10000x32xf32, #tpu.memory_space<hbm>>
    tpu.enqueue_indirect_dma source(%dma_start3A_22 : memref<10000x32xf32, #tpu.memory_space<hbm>>) target(%arg10 : memref<128x32xf32, #tpu.memory_space<vmem>>) offsets(%dma_start3A_19 : memref<128xi32, #tpu.memory_space<vmem>>) semaphore(%arg16 : memref<!tpu.dma_semaphore, #tpu.memory_space<semaphore_mem>>)
    %scan3A = arith.constant 0 : i32
    %scan3A_23 = arith.constant 0 : i32
    %scan3A_24 = arith.constant 3 : i32
    %scan3A_25 = arith.addi %scan3A_23, %scan3A_24 : i32
    %scan3A_26 = arith.constant 1 : i32
    scf.for %scan3A_86 = %scan3A_23 to %scan3A_25 step %scan3A_26  : i32 {
      %mul3A_87 = arith.constant 6 : i32
      %mul3A_88 = arith.muli %scan3A_86, %mul3A_87 : i32
      %add3A_89 = arith.constant 0 : i32
      %add3A_90 = arith.addi %mul3A_88, %add3A_89 : i32
      %ge3A = arith.constant 3 : i32
      %ge3A_91 = arith.cmpi sge, %add3A_90, %ge3A : i32
      %convert_element_type3A = arith.extui %ge3A_91 : i1 to i32
      %cond3A = arith.constant 0 : i32
      %cond3A_92 = arith.cmpi ne, %convert_element_type3A, %cond3A : i32
      scf.if %cond3A_92 {
        %sub3A = arith.constant 3 : i32
        %sub3A_257 = arith.subi %add3A_90, %sub3A : i32
        %mul3A_258 = arith.constant 128 : i32
        %mul3A_259 = arith.muli %sub3A_257, %mul3A_258 : i32
        %add3A_260 = arith.addi %mul3A_2, %mul3A_259 : i32
        %dma_wait3A_261 = arith.constant 0 : i32
        %dma_wait3A_262 = tpu.memref_slice %arg5[%add3A_260, %dma_wait3A_261] : memref<80000x32xf32, #tpu.memory_space<hbm>> -> memref<128x32xf32, #tpu.memory_space<hbm>>
        %dma_wait3A_263 = arith.constant 0 : i32
        %dma_wait3A_264 = tpu.memref_slice %arg5[%add3A_260, %dma_wait3A_263] : memref<80000x32xf32, #tpu.memory_space<hbm>> -> memref<128x32xf32, #tpu.memory_space<hbm>>
        tpu.wait_dma2 semaphore(%arg23 : memref<!tpu.dma_semaphore, #tpu.memory_space<semaphore_mem>>) src(%arg11 : memref<128x32xf32, #tpu.memory_space<vmem>>) dst(%dma_wait3A_264 : memref<128x32xf32, #tpu.memory_space<hbm>>)
      } else {
      }
      %add3A_93 = arith.constant 3 : i32
      %add3A_94 = arith.addi %add3A_90, %add3A_93 : i32
      %lt3A = arith.constant 19 : i32
      %lt3A_95 = arith.cmpi slt, %add3A_94, %lt3A : i32
      %convert_element_type3A_96 = arith.extui %lt3A_95 : i1 to i32
      %cond3A_97 = arith.constant 0 : i32
      %cond3A_98 = arith.cmpi ne, %convert_element_type3A_96, %cond3A_97 : i32
      scf.if %cond3A_98 {
        %add3A_257 = arith.constant 3 : i32
        %add3A_258 = arith.addi %add3A_90, %add3A_257 : i32
        %dma_start3A_259 = arith.constant 0 : i32
        %dma_start3A_260 = tpu.memref_slice %arg6[%add3A_258, %dma_start3A_259] : memref<19x128xi32, #tpu.memory_space<vmem>> -> memref<1x128xi32, #tpu.memory_space<vmem>>
        %dma_start3A_261 = tpu.memref_squeeze %dma_start3A_260 : memref<1x128xi32, #tpu.memory_space<vmem>> -> memref<128xi32, #tpu.memory_space<vmem>>
        %dma_start3A_262 = arith.constant 0 : i32
        %dma_start3A_263 = arith.constant 0 : i32
        %dma_start3A_264 = tpu.memref_slice %arg2[%dma_start3A_262, %dma_start3A_263] : memref<10000x32xf32, #tpu.memory_space<hbm>> -> memref<10000x32xf32, #tpu.memory_space<hbm>>
        tpu.enqueue_indirect_dma source(%dma_start3A_264 : memref<10000x32xf32, #tpu.memory_space<hbm>>) target(%arg11 : memref<128x32xf32, #tpu.memory_space<vmem>>) offsets(%dma_start3A_261 : memref<128xi32, #tpu.memory_space<vmem>>) semaphore(%arg17 : memref<!tpu.dma_semaphore, #tpu.memory_space<semaphore_mem>>)
      } else {
      }
      %dma_wait3A_99 = arith.constant 0 : i32
      %dma_wait3A_100 = tpu.memref_slice %arg6[%add3A_90, %dma_wait3A_99] : memref<19x128xi32, #tpu.memory_space<vmem>> -> memref<1x128xi32, #tpu.memory_space<vmem>>
      %dma_wait3A_101 = tpu.memref_squeeze %dma_wait3A_100 : memref<1x128xi32, #tpu.memory_space<vmem>> -> memref<128xi32, #tpu.memory_space<vmem>>
      %dma_wait3A_102 = arith.constant 0 : i32
      %dma_wait3A_103 = arith.constant 0 : i32
      %dma_wait3A_104 = tpu.memref_slice %arg2[%dma_wait3A_102, %dma_wait3A_103] : memref<10000x32xf32, #tpu.memory_space<hbm>> -> memref<10000x32xf32, #tpu.memory_space<hbm>>
      tpu.wait_indirect_dma semaphore(%arg14 : memref<!tpu.dma_semaphore, #tpu.memory_space<semaphore_mem>>) src(%dma_wait3A_104 : memref<10000x32xf32, #tpu.memory_space<hbm>>) dst(%arg8 : memref<128x32xf32, #tpu.memory_space<vmem>>)
      %mul3A_105 = arith.constant 128 : i32
      %mul3A_106 = arith.muli %add3A_90, %mul3A_105 : i32
      %add3A_107 = arith.addi %mul3A_2, %mul3A_106 : i32
      %dma_start3A_108 = arith.constant 0 : i32
      %dma_start3A_109 = tpu.memref_slice %arg5[%add3A_107, %dma_start3A_108] : memref<80000x32xf32, #tpu.memory_space<hbm>> -> memref<128x32xf32, #tpu.memory_space<hbm>>
      %dma_start3A_110 = arith.constant 0 : i32
      %dma_start3A_111 = tpu.memref_slice %arg5[%add3A_107, %dma_start3A_110] : memref<80000x32xf32, #tpu.memory_space<hbm>> -> memref<128x32xf32, #tpu.memory_space<hbm>>
      tpu.enqueue_dma source(%arg8 : memref<128x32xf32, #tpu.memory_space<vmem>>) target(%dma_start3A_111 : memref<128x32xf32, #tpu.memory_space<hbm>>) target_semaphore(%arg20 : memref<!tpu.dma_semaphore, #tpu.memory_space<semaphore_mem>>)
      %mul3A_112 = arith.constant 6 : i32
      %mul3A_113 = arith.muli %scan3A_86, %mul3A_112 : i32
      %add3A_114 = arith.constant 1 : i32
      %add3A_115 = arith.addi %mul3A_113, %add3A_114 : i32
      %ge3A_116 = arith.constant 3 : i32
      %ge3A_117 = arith.cmpi sge, %add3A_115, %ge3A_116 : i32
      %convert_element_type3A_118 = arith.extui %ge3A_117 : i1 to i32
      %cond3A_119 = arith.constant 0 : i32
      %cond3A_120 = arith.cmpi ne, %convert_element_type3A_118, %cond3A_119 : i32
      scf.if %cond3A_120 {
        %sub3A = arith.constant 3 : i32
        %sub3A_257 = arith.subi %add3A_115, %sub3A : i32
        %mul3A_258 = arith.constant 128 : i32
        %mul3A_259 = arith.muli %sub3A_257, %mul3A_258 : i32
        %add3A_260 = arith.addi %mul3A_2, %mul3A_259 : i32
        %dma_wait3A_261 = arith.constant 0 : i32
        %dma_wait3A_262 = tpu.memref_slice %arg5[%add3A_260, %dma_wait3A_261] : memref<80000x32xf32, #tpu.memory_space<hbm>> -> memref<128x32xf32, #tpu.memory_space<hbm>>
        %dma_wait3A_263 = arith.constant 0 : i32
        %dma_wait3A_264 = tpu.memref_slice %arg5[%add3A_260, %dma_wait3A_263] : memref<80000x32xf32, #tpu.memory_space<hbm>> -> memref<128x32xf32, #tpu.memory_space<hbm>>
        tpu.wait_dma2 semaphore(%arg24 : memref<!tpu.dma_semaphore, #tpu.memory_space<semaphore_mem>>) src(%arg12 : memref<128x32xf32, #tpu.memory_space<vmem>>) dst(%dma_wait3A_264 : memref<128x32xf32, #tpu.memory_space<hbm>>)
      } else {
      }
      %add3A_121 = arith.constant 3 : i32
      %add3A_122 = arith.addi %add3A_115, %add3A_121 : i32
      %lt3A_123 = arith.constant 19 : i32
      %lt3A_124 = arith.cmpi slt, %add3A_122, %lt3A_123 : i32
      %convert_element_type3A_125 = arith.extui %lt3A_124 : i1 to i32
      %cond3A_126 = arith.constant 0 : i32
      %cond3A_127 = arith.cmpi ne, %convert_element_type3A_125, %cond3A_126 : i32
      scf.if %cond3A_127 {
        %add3A_257 = arith.constant 3 : i32
        %add3A_258 = arith.addi %add3A_115, %add3A_257 : i32
        %dma_start3A_259 = arith.constant 0 : i32
        %dma_start3A_260 = tpu.memref_slice %arg6[%add3A_258, %dma_start3A_259] : memref<19x128xi32, #tpu.memory_space<vmem>> -> memref<1x128xi32, #tpu.memory_space<vmem>>
        %dma_start3A_261 = tpu.memref_squeeze %dma_start3A_260 : memref<1x128xi32, #tpu.memory_space<vmem>> -> memref<128xi32, #tpu.memory_space<vmem>>
        %dma_start3A_262 = arith.constant 0 : i32
        %dma_start3A_263 = arith.constant 0 : i32
        %dma_start3A_264 = tpu.memref_slice %arg2[%dma_start3A_262, %dma_start3A_263] : memref<10000x32xf32, #tpu.memory_space<hbm>> -> memref<10000x32xf32, #tpu.memory_space<hbm>>
        tpu.enqueue_indirect_dma source(%dma_start3A_264 : memref<10000x32xf32, #tpu.memory_space<hbm>>) target(%arg12 : memref<128x32xf32, #tpu.memory_space<vmem>>) offsets(%dma_start3A_261 : memref<128xi32, #tpu.memory_space<vmem>>) semaphore(%arg18 : memref<!tpu.dma_semaphore, #tpu.memory_space<semaphore_mem>>)
      } else {
      }
      %dma_wait3A_128 = arith.constant 0 : i32
      %dma_wait3A_129 = tpu.memref_slice %arg6[%add3A_115, %dma_wait3A_128] : memref<19x128xi32, #tpu.memory_space<vmem>> -> memref<1x128xi32, #tpu.memory_space<vmem>>
      %dma_wait3A_130 = tpu.memref_squeeze %dma_wait3A_129 : memref<1x128xi32, #tpu.memory_space<vmem>> -> memref<128xi32, #tpu.memory_space<vmem>>
      %dma_wait3A_131 = arith.constant 0 : i32
      %dma_wait3A_132 = arith.constant 0 : i32
      %dma_wait3A_133 = tpu.memref_slice %arg2[%dma_wait3A_131, %dma_wait3A_132] : memref<10000x32xf32, #tpu.memory_space<hbm>> -> memref<10000x32xf32, #tpu.memory_space<hbm>>
      tpu.wait_indirect_dma semaphore(%arg15 : memref<!tpu.dma_semaphore, #tpu.memory_space<semaphore_mem>>) src(%dma_wait3A_133 : memref<10000x32xf32, #tpu.memory_space<hbm>>) dst(%arg9 : memref<128x32xf32, #tpu.memory_space<vmem>>)
      %mul3A_134 = arith.constant 128 : i32
      %mul3A_135 = arith.muli %add3A_115, %mul3A_134 : i32
      %add3A_136 = arith.addi %mul3A_2, %mul3A_135 : i32
      %dma_start3A_137 = arith.constant 0 : i32
      %dma_start3A_138 = tpu.memref_slice %arg5[%add3A_136, %dma_start3A_137] : memref<80000x32xf32, #tpu.memory_space<hbm>> -> memref<128x32xf32, #tpu.memory_space<hbm>>
      %dma_start3A_139 = arith.constant 0 : i32
      %dma_start3A_140 = tpu.memref_slice %arg5[%add3A_136, %dma_start3A_139] : memref<80000x32xf32, #tpu.memory_space<hbm>> -> memref<128x32xf32, #tpu.memory_space<hbm>>
      tpu.enqueue_dma source(%arg9 : memref<128x32xf32, #tpu.memory_space<vmem>>) target(%dma_start3A_140 : memref<128x32xf32, #tpu.memory_space<hbm>>) target_semaphore(%arg21 : memref<!tpu.dma_semaphore, #tpu.memory_space<semaphore_mem>>)
      %mul3A_141 = arith.constant 6 : i32
      %mul3A_142 = arith.muli %scan3A_86, %mul3A_141 : i32
      %add3A_143 = arith.constant 2 : i32
      %add3A_144 = arith.addi %mul3A_142, %add3A_143 : i32
      %ge3A_145 = arith.constant 3 : i32
      %ge3A_146 = arith.cmpi sge, %add3A_144, %ge3A_145 : i32
      %convert_element_type3A_147 = arith.extui %ge3A_146 : i1 to i32
      %cond3A_148 = arith.constant 0 : i32
      %cond3A_149 = arith.cmpi ne, %convert_element_type3A_147, %cond3A_148 : i32
      scf.if %cond3A_149 {
        %sub3A = arith.constant 3 : i32
        %sub3A_257 = arith.subi %add3A_144, %sub3A : i32
        %mul3A_258 = arith.constant 128 : i32
        %mul3A_259 = arith.muli %sub3A_257, %mul3A_258 : i32
        %add3A_260 = arith.addi %mul3A_2, %mul3A_259 : i32
        %dma_wait3A_261 = arith.constant 0 : i32
        %dma_wait3A_262 = tpu.memref_slice %arg5[%add3A_260, %dma_wait3A_261] : memref<80000x32xf32, #tpu.memory_space<hbm>> -> memref<128x32xf32, #tpu.memory_space<hbm>>
        %dma_wait3A_263 = arith.constant 0 : i32
        %dma_wait3A_264 = tpu.memref_slice %arg5[%add3A_260, %dma_wait3A_263] : memref<80000x32xf32, #tpu.memory_space<hbm>> -> memref<128x32xf32, #tpu.memory_space<hbm>>
        tpu.wait_dma2 semaphore(%arg25 : memref<!tpu.dma_semaphore, #tpu.memory_space<semaphore_mem>>) src(%arg13 : memref<128x32xf32, #tpu.memory_space<vmem>>) dst(%dma_wait3A_264 : memref<128x32xf32, #tpu.memory_space<hbm>>)
      } else {
      }
      %add3A_150 = arith.constant 3 : i32
      %add3A_151 = arith.addi %add3A_144, %add3A_150 : i32
      %lt3A_152 = arith.constant 19 : i32
      %lt3A_153 = arith.cmpi slt, %add3A_151, %lt3A_152 : i32
      %convert_element_type3A_154 = arith.extui %lt3A_153 : i1 to i32
      %cond3A_155 = arith.constant 0 : i32
      %cond3A_156 = arith.cmpi ne, %convert_element_type3A_154, %cond3A_155 : i32
      scf.if %cond3A_156 {
        %add3A_257 = arith.constant 3 : i32
        %add3A_258 = arith.addi %add3A_144, %add3A_257 : i32
        %dma_start3A_259 = arith.constant 0 : i32
        %dma_start3A_260 = tpu.memref_slice %arg6[%add3A_258, %dma_start3A_259] : memref<19x128xi32, #tpu.memory_space<vmem>> -> memref<1x128xi32, #tpu.memory_space<vmem>>
        %dma_start3A_261 = tpu.memref_squeeze %dma_start3A_260 : memref<1x128xi32, #tpu.memory_space<vmem>> -> memref<128xi32, #tpu.memory_space<vmem>>
        %dma_start3A_262 = arith.constant 0 : i32
        %dma_start3A_263 = arith.constant 0 : i32
        %dma_start3A_264 = tpu.memref_slice %arg2[%dma_start3A_262, %dma_start3A_263] : memref<10000x32xf32, #tpu.memory_space<hbm>> -> memref<10000x32xf32, #tpu.memory_space<hbm>>
        tpu.enqueue_indirect_dma source(%dma_start3A_264 : memref<10000x32xf32, #tpu.memory_space<hbm>>) target(%arg13 : memref<128x32xf32, #tpu.memory_space<vmem>>) offsets(%dma_start3A_261 : memref<128xi32, #tpu.memory_space<vmem>>) semaphore(%arg19 : memref<!tpu.dma_semaphore, #tpu.memory_space<semaphore_mem>>)
      } else {
      }
      %dma_wait3A_157 = arith.constant 0 : i32
      %dma_wait3A_158 = tpu.memref_slice %arg6[%add3A_144, %dma_wait3A_157] : memref<19x128xi32, #tpu.memory_space<vmem>> -> memref<1x128xi32, #tpu.memory_space<vmem>>
      %dma_wait3A_159 = tpu.memref_squeeze %dma_wait3A_158 : memref<1x128xi32, #tpu.memory_space<vmem>> -> memref<128xi32, #tpu.memory_space<vmem>>
      %dma_wait3A_160 = arith.constant 0 : i32
      %dma_wait3A_161 = arith.constant 0 : i32
      %dma_wait3A_162 = tpu.memref_slice %arg2[%dma_wait3A_160, %dma_wait3A_161] : memref<10000x32xf32, #tpu.memory_space<hbm>> -> memref<10000x32xf32, #tpu.memory_space<hbm>>
      tpu.wait_indirect_dma semaphore(%arg16 : memref<!tpu.dma_semaphore, #tpu.memory_space<semaphore_mem>>) src(%dma_wait3A_162 : memref<10000x32xf32, #tpu.memory_space<hbm>>) dst(%arg10 : memref<128x32xf32, #tpu.memory_space<vmem>>)
      %mul3A_163 = arith.constant 128 : i32
      %mul3A_164 = arith.muli %add3A_144, %mul3A_163 : i32
      %add3A_165 = arith.addi %mul3A_2, %mul3A_164 : i32
      %dma_start3A_166 = arith.constant 0 : i32
      %dma_start3A_167 = tpu.memref_slice %arg5[%add3A_165, %dma_start3A_166] : memref<80000x32xf32, #tpu.memory_space<hbm>> -> memref<128x32xf32, #tpu.memory_space<hbm>>
      %dma_start3A_168 = arith.constant 0 : i32
      %dma_start3A_169 = tpu.memref_slice %arg5[%add3A_165, %dma_start3A_168] : memref<80000x32xf32, #tpu.memory_space<hbm>> -> memref<128x32xf32, #tpu.memory_space<hbm>>
      tpu.enqueue_dma source(%arg10 : memref<128x32xf32, #tpu.memory_space<vmem>>) target(%dma_start3A_169 : memref<128x32xf32, #tpu.memory_space<hbm>>) target_semaphore(%arg22 : memref<!tpu.dma_semaphore, #tpu.memory_space<semaphore_mem>>)
      %mul3A_170 = arith.constant 6 : i32
      %mul3A_171 = arith.muli %scan3A_86, %mul3A_170 : i32
      %add3A_172 = arith.constant 3 : i32
      %add3A_173 = arith.addi %mul3A_171, %add3A_172 : i32
      %ge3A_174 = arith.constant 3 : i32
      %ge3A_175 = arith.cmpi sge, %add3A_173, %ge3A_174 : i32
      %convert_element_type3A_176 = arith.extui %ge3A_175 : i1 to i32
      %cond3A_177 = arith.constant 0 : i32
      %cond3A_178 = arith.cmpi ne, %convert_element_type3A_176, %cond3A_177 : i32
      scf.if %cond3A_178 {
        %sub3A = arith.constant 3 : i32
        %sub3A_257 = arith.subi %add3A_173, %sub3A : i32
        %mul3A_258 = arith.constant 128 : i32
        %mul3A_259 = arith.muli %sub3A_257, %mul3A_258 : i32
        %add3A_260 = arith.addi %mul3A_2, %mul3A_259 : i32
        %dma_wait3A_261 = arith.constant 0 : i32
        %dma_wait3A_262 = tpu.memref_slice %arg5[%add3A_260, %dma_wait3A_261] : memref<80000x32xf32, #tpu.memory_space<hbm>> -> memref<128x32xf32, #tpu.memory_space<hbm>>
        %dma_wait3A_263 = arith.constant 0 : i32
        %dma_wait3A_264 = tpu.memref_slice %arg5[%add3A_260, %dma_wait3A_263] : memref<80000x32xf32, #tpu.memory_space<hbm>> -> memref<128x32xf32, #tpu.memory_space<hbm>>
        tpu.wait_dma2 semaphore(%arg20 : memref<!tpu.dma_semaphore, #tpu.memory_space<semaphore_mem>>) src(%arg8 : memref<128x32xf32, #tpu.memory_space<vmem>>) dst(%dma_wait3A_264 : memref<128x32xf32, #tpu.memory_space<hbm>>)
      } else {
      }
      %add3A_179 = arith.constant 3 : i32
      %add3A_180 = arith.addi %add3A_173, %add3A_179 : i32
      %lt3A_181 = arith.constant 19 : i32
      %lt3A_182 = arith.cmpi slt, %add3A_180, %lt3A_181 : i32
      %convert_element_type3A_183 = arith.extui %lt3A_182 : i1 to i32
      %cond3A_184 = arith.constant 0 : i32
      %cond3A_185 = arith.cmpi ne, %convert_element_type3A_183, %cond3A_184 : i32
      scf.if %cond3A_185 {
        %add3A_257 = arith.constant 3 : i32
        %add3A_258 = arith.addi %add3A_173, %add3A_257 : i32
        %dma_start3A_259 = arith.constant 0 : i32
        %dma_start3A_260 = tpu.memref_slice %arg6[%add3A_258, %dma_start3A_259] : memref<19x128xi32, #tpu.memory_space<vmem>> -> memref<1x128xi32, #tpu.memory_space<vmem>>
        %dma_start3A_261 = tpu.memref_squeeze %dma_start3A_260 : memref<1x128xi32, #tpu.memory_space<vmem>> -> memref<128xi32, #tpu.memory_space<vmem>>
        %dma_start3A_262 = arith.constant 0 : i32
        %dma_start3A_263 = arith.constant 0 : i32
        %dma_start3A_264 = tpu.memref_slice %arg2[%dma_start3A_262, %dma_start3A_263] : memref<10000x32xf32, #tpu.memory_space<hbm>> -> memref<10000x32xf32, #tpu.memory_space<hbm>>
        tpu.enqueue_indirect_dma source(%dma_start3A_264 : memref<10000x32xf32, #tpu.memory_space<hbm>>) target(%arg8 : memref<128x32xf32, #tpu.memory_space<vmem>>) offsets(%dma_start3A_261 : memref<128xi32, #tpu.memory_space<vmem>>) semaphore(%arg14 : memref<!tpu.dma_semaphore, #tpu.memory_space<semaphore_mem>>)
      } else {
      }
      %dma_wait3A_186 = arith.constant 0 : i32
      %dma_wait3A_187 = tpu.memref_slice %arg6[%add3A_173, %dma_wait3A_186] : memref<19x128xi32, #tpu.memory_space<vmem>> -> memref<1x128xi32, #tpu.memory_space<vmem>>
      %dma_wait3A_188 = tpu.memref_squeeze %dma_wait3A_187 : memref<1x128xi32, #tpu.memory_space<vmem>> -> memref<128xi32, #tpu.memory_space<vmem>>
      %dma_wait3A_189 = arith.constant 0 : i32
      %dma_wait3A_190 = arith.constant 0 : i32
      %dma_wait3A_191 = tpu.memref_slice %arg2[%dma_wait3A_189, %dma_wait3A_190] : memref<10000x32xf32, #tpu.memory_space<hbm>> -> memref<10000x32xf32, #tpu.memory_space<hbm>>
      tpu.wait_indirect_dma semaphore(%arg17 : memref<!tpu.dma_semaphore, #tpu.memory_space<semaphore_mem>>) src(%dma_wait3A_191 : memref<10000x32xf32, #tpu.memory_space<hbm>>) dst(%arg11 : memref<128x32xf32, #tpu.memory_space<vmem>>)
      %mul3A_192 = arith.constant 128 : i32
      %mul3A_193 = arith.muli %add3A_173, %mul3A_192 : i32
      %add3A_194 = arith.addi %mul3A_2, %mul3A_193 : i32
      %dma_start3A_195 = arith.constant 0 : i32
      %dma_start3A_196 = tpu.memref_slice %arg5[%add3A_194, %dma_start3A_195] : memref<80000x32xf32, #tpu.memory_space<hbm>> -> memref<128x32xf32, #tpu.memory_space<hbm>>
      %dma_start3A_197 = arith.constant 0 : i32
      %dma_start3A_198 = tpu.memref_slice %arg5[%add3A_194, %dma_start3A_197] : memref<80000x32xf32, #tpu.memory_space<hbm>> -> memref<128x32xf32, #tpu.memory_space<hbm>>
      tpu.enqueue_dma source(%arg11 : memref<128x32xf32, #tpu.memory_space<vmem>>) target(%dma_start3A_198 : memref<128x32xf32, #tpu.memory_space<hbm>>) target_semaphore(%arg23 : memref<!tpu.dma_semaphore, #tpu.memory_space<semaphore_mem>>)
      %mul3A_199 = arith.constant 6 : i32
      %mul3A_200 = arith.muli %scan3A_86, %mul3A_199 : i32
      %add3A_201 = arith.constant 4 : i32
      %add3A_202 = arith.addi %mul3A_200, %add3A_201 : i32
      %ge3A_203 = arith.constant 3 : i32
      %ge3A_204 = arith.cmpi sge, %add3A_202, %ge3A_203 : i32
      %convert_element_type3A_205 = arith.extui %ge3A_204 : i1 to i32
      %cond3A_206 = arith.constant 0 : i32
      %cond3A_207 = arith.cmpi ne, %convert_element_type3A_205, %cond3A_206 : i32
      scf.if %cond3A_207 {
        %sub3A = arith.constant 3 : i32
        %sub3A_257 = arith.subi %add3A_202, %sub3A : i32
        %mul3A_258 = arith.constant 128 : i32
        %mul3A_259 = arith.muli %sub3A_257, %mul3A_258 : i32
        %add3A_260 = arith.addi %mul3A_2, %mul3A_259 : i32
        %dma_wait3A_261 = arith.constant 0 : i32
        %dma_wait3A_262 = tpu.memref_slice %arg5[%add3A_260, %dma_wait3A_261] : memref<80000x32xf32, #tpu.memory_space<hbm>> -> memref<128x32xf32, #tpu.memory_space<hbm>>
        %dma_wait3A_263 = arith.constant 0 : i32
        %dma_wait3A_264 = tpu.memref_slice %arg5[%add3A_260, %dma_wait3A_263] : memref<80000x32xf32, #tpu.memory_space<hbm>> -> memref<128x32xf32, #tpu.memory_space<hbm>>
        tpu.wait_dma2 semaphore(%arg21 : memref<!tpu.dma_semaphore, #tpu.memory_space<semaphore_mem>>) src(%arg9 : memref<128x32xf32, #tpu.memory_space<vmem>>) dst(%dma_wait3A_264 : memref<128x32xf32, #tpu.memory_space<hbm>>)
      } else {
      }
      %add3A_208 = arith.constant 3 : i32
      %add3A_209 = arith.addi %add3A_202, %add3A_208 : i32
      %lt3A_210 = arith.constant 19 : i32
      %lt3A_211 = arith.cmpi slt, %add3A_209, %lt3A_210 : i32
      %convert_element_type3A_212 = arith.extui %lt3A_211 : i1 to i32
      %cond3A_213 = arith.constant 0 : i32
      %cond3A_214 = arith.cmpi ne, %convert_element_type3A_212, %cond3A_213 : i32
      scf.if %cond3A_214 {
        %add3A_257 = arith.constant 3 : i32
        %add3A_258 = arith.addi %add3A_202, %add3A_257 : i32
        %dma_start3A_259 = arith.constant 0 : i32
        %dma_start3A_260 = tpu.memref_slice %arg6[%add3A_258, %dma_start3A_259] : memref<19x128xi32, #tpu.memory_space<vmem>> -> memref<1x128xi32, #tpu.memory_space<vmem>>
        %dma_start3A_261 = tpu.memref_squeeze %dma_start3A_260 : memref<1x128xi32, #tpu.memory_space<vmem>> -> memref<128xi32, #tpu.memory_space<vmem>>
        %dma_start3A_262 = arith.constant 0 : i32
        %dma_start3A_263 = arith.constant 0 : i32
        %dma_start3A_264 = tpu.memref_slice %arg2[%dma_start3A_262, %dma_start3A_263] : memref<10000x32xf32, #tpu.memory_space<hbm>> -> memref<10000x32xf32, #tpu.memory_space<hbm>>
        tpu.enqueue_indirect_dma source(%dma_start3A_264 : memref<10000x32xf32, #tpu.memory_space<hbm>>) target(%arg9 : memref<128x32xf32, #tpu.memory_space<vmem>>) offsets(%dma_start3A_261 : memref<128xi32, #tpu.memory_space<vmem>>) semaphore(%arg15 : memref<!tpu.dma_semaphore, #tpu.memory_space<semaphore_mem>>)
      } else {
      }
      %dma_wait3A_215 = arith.constant 0 : i32
      %dma_wait3A_216 = tpu.memref_slice %arg6[%add3A_202, %dma_wait3A_215] : memref<19x128xi32, #tpu.memory_space<vmem>> -> memref<1x128xi32, #tpu.memory_space<vmem>>
      %dma_wait3A_217 = tpu.memref_squeeze %dma_wait3A_216 : memref<1x128xi32, #tpu.memory_space<vmem>> -> memref<128xi32, #tpu.memory_space<vmem>>
      %dma_wait3A_218 = arith.constant 0 : i32
      %dma_wait3A_219 = arith.constant 0 : i32
      %dma_wait3A_220 = tpu.memref_slice %arg2[%dma_wait3A_218, %dma_wait3A_219] : memref<10000x32xf32, #tpu.memory_space<hbm>> -> memref<10000x32xf32, #tpu.memory_space<hbm>>
      tpu.wait_indirect_dma semaphore(%arg18 : memref<!tpu.dma_semaphore, #tpu.memory_space<semaphore_mem>>) src(%dma_wait3A_220 : memref<10000x32xf32, #tpu.memory_space<hbm>>) dst(%arg12 : memref<128x32xf32, #tpu.memory_space<vmem>>)
      %mul3A_221 = arith.constant 128 : i32
      %mul3A_222 = arith.muli %add3A_202, %mul3A_221 : i32
      %add3A_223 = arith.addi %mul3A_2, %mul3A_222 : i32
      %dma_start3A_224 = arith.constant 0 : i32
      %dma_start3A_225 = tpu.memref_slice %arg5[%add3A_223, %dma_start3A_224] : memref<80000x32xf32, #tpu.memory_space<hbm>> -> memref<128x32xf32, #tpu.memory_space<hbm>>
      %dma_start3A_226 = arith.constant 0 : i32
      %dma_start3A_227 = tpu.memref_slice %arg5[%add3A_223, %dma_start3A_226] : memref<80000x32xf32, #tpu.memory_space<hbm>> -> memref<128x32xf32, #tpu.memory_space<hbm>>
      tpu.enqueue_dma source(%arg12 : memref<128x32xf32, #tpu.memory_space<vmem>>) target(%dma_start3A_227 : memref<128x32xf32, #tpu.memory_space<hbm>>) target_semaphore(%arg24 : memref<!tpu.dma_semaphore, #tpu.memory_space<semaphore_mem>>)
      %mul3A_228 = arith.constant 6 : i32
      %mul3A_229 = arith.muli %scan3A_86, %mul3A_228 : i32
      %add3A_230 = arith.constant 5 : i32
      %add3A_231 = arith.addi %mul3A_229, %add3A_230 : i32
      %ge3A_232 = arith.constant 3 : i32
      %ge3A_233 = arith.cmpi sge, %add3A_231, %ge3A_232 : i32
      %convert_element_type3A_234 = arith.extui %ge3A_233 : i1 to i32
      %cond3A_235 = arith.constant 0 : i32
      %cond3A_236 = arith.cmpi ne, %convert_element_type3A_234, %cond3A_235 : i32
      scf.if %cond3A_236 {
        %sub3A = arith.constant 3 : i32
        %sub3A_257 = arith.subi %add3A_231, %sub3A : i32
        %mul3A_258 = arith.constant 128 : i32
        %mul3A_259 = arith.muli %sub3A_257, %mul3A_258 : i32
        %add3A_260 = arith.addi %mul3A_2, %mul3A_259 : i32
        %dma_wait3A_261 = arith.constant 0 : i32
        %dma_wait3A_262 = tpu.memref_slice %arg5[%add3A_260, %dma_wait3A_261] : memref<80000x32xf32, #tpu.memory_space<hbm>> -> memref<128x32xf32, #tpu.memory_space<hbm>>
        %dma_wait3A_263 = arith.constant 0 : i32
        %dma_wait3A_264 = tpu.memref_slice %arg5[%add3A_260, %dma_wait3A_263] : memref<80000x32xf32, #tpu.memory_space<hbm>> -> memref<128x32xf32, #tpu.memory_space<hbm>>
        tpu.wait_dma2 semaphore(%arg22 : memref<!tpu.dma_semaphore, #tpu.memory_space<semaphore_mem>>) src(%arg10 : memref<128x32xf32, #tpu.memory_space<vmem>>) dst(%dma_wait3A_264 : memref<128x32xf32, #tpu.memory_space<hbm>>)
      } else {
      }
      %add3A_237 = arith.constant 3 : i32
      %add3A_238 = arith.addi %add3A_231, %add3A_237 : i32
      %lt3A_239 = arith.constant 19 : i32
      %lt3A_240 = arith.cmpi slt, %add3A_238, %lt3A_239 : i32
      %convert_element_type3A_241 = arith.extui %lt3A_240 : i1 to i32
      %cond3A_242 = arith.constant 0 : i32
      %cond3A_243 = arith.cmpi ne, %convert_element_type3A_241, %cond3A_242 : i32
      scf.if %cond3A_243 {
        %add3A_257 = arith.constant 3 : i32
        %add3A_258 = arith.addi %add3A_231, %add3A_257 : i32
        %dma_start3A_259 = arith.constant 0 : i32
        %dma_start3A_260 = tpu.memref_slice %arg6[%add3A_258, %dma_start3A_259] : memref<19x128xi32, #tpu.memory_space<vmem>> -> memref<1x128xi32, #tpu.memory_space<vmem>>
        %dma_start3A_261 = tpu.memref_squeeze %dma_start3A_260 : memref<1x128xi32, #tpu.memory_space<vmem>> -> memref<128xi32, #tpu.memory_space<vmem>>
        %dma_start3A_262 = arith.constant 0 : i32
        %dma_start3A_263 = arith.constant 0 : i32
        %dma_start3A_264 = tpu.memref_slice %arg2[%dma_start3A_262, %dma_start3A_263] : memref<10000x32xf32, #tpu.memory_space<hbm>> -> memref<10000x32xf32, #tpu.memory_space<hbm>>
        tpu.enqueue_indirect_dma source(%dma_start3A_264 : memref<10000x32xf32, #tpu.memory_space<hbm>>) target(%arg10 : memref<128x32xf32, #tpu.memory_space<vmem>>) offsets(%dma_start3A_261 : memref<128xi32, #tpu.memory_space<vmem>>) semaphore(%arg16 : memref<!tpu.dma_semaphore, #tpu.memory_space<semaphore_mem>>)
      } else {
      }
      %dma_wait3A_244 = arith.constant 0 : i32
      %dma_wait3A_245 = tpu.memref_slice %arg6[%add3A_231, %dma_wait3A_244] : memref<19x128xi32, #tpu.memory_space<vmem>> -> memref<1x128xi32, #tpu.memory_space<vmem>>
      %dma_wait3A_246 = tpu.memref_squeeze %dma_wait3A_245 : memref<1x128xi32, #tpu.memory_space<vmem>> -> memref<128xi32, #tpu.memory_space<vmem>>
      %dma_wait3A_247 = arith.constant 0 : i32
      %dma_wait3A_248 = arith.constant 0 : i32
      %dma_wait3A_249 = tpu.memref_slice %arg2[%dma_wait3A_247, %dma_wait3A_248] : memref<10000x32xf32, #tpu.memory_space<hbm>> -> memref<10000x32xf32, #tpu.memory_space<hbm>>
      tpu.wait_indirect_dma semaphore(%arg19 : memref<!tpu.dma_semaphore, #tpu.memory_space<semaphore_mem>>) src(%dma_wait3A_249 : memref<10000x32xf32, #tpu.memory_space<hbm>>) dst(%arg13 : memref<128x32xf32, #tpu.memory_space<vmem>>)
      %mul3A_250 = arith.constant 128 : i32
      %mul3A_251 = arith.muli %add3A_231, %mul3A_250 : i32
      %add3A_252 = arith.addi %mul3A_2, %mul3A_251 : i32
      %dma_start3A_253 = arith.constant 0 : i32
      %dma_start3A_254 = tpu.memref_slice %arg5[%add3A_252, %dma_start3A_253] : memref<80000x32xf32, #tpu.memory_space<hbm>> -> memref<128x32xf32, #tpu.memory_space<hbm>>
      %dma_start3A_255 = arith.constant 0 : i32
      %dma_start3A_256 = tpu.memref_slice %arg5[%add3A_252, %dma_start3A_255] : memref<80000x32xf32, #tpu.memory_space<hbm>> -> memref<128x32xf32, #tpu.memory_space<hbm>>
      tpu.enqueue_dma source(%arg13 : memref<128x32xf32, #tpu.memory_space<vmem>>) target(%dma_start3A_256 : memref<128x32xf32, #tpu.memory_space<hbm>>) target_semaphore(%arg25 : memref<!tpu.dma_semaphore, #tpu.memory_space<semaphore_mem>>)
    }
    %scan3A_27 = arith.constant 3 : i32
    %add3A_28 = arith.constant 1920 : i32
    %add3A_29 = arith.addi %mul3A_2, %add3A_28 : i32
    %dma_wait3A = arith.constant 0 : i32
    %dma_wait3A_30 = tpu.memref_slice %arg5[%add3A_29, %dma_wait3A] : memref<80000x32xf32, #tpu.memory_space<hbm>> -> memref<128x32xf32, #tpu.memory_space<hbm>>
    %dma_wait3A_31 = arith.constant 0 : i32
    %dma_wait3A_32 = tpu.memref_slice %arg5[%add3A_29, %dma_wait3A_31] : memref<80000x32xf32, #tpu.memory_space<hbm>> -> memref<128x32xf32, #tpu.memory_space<hbm>>
    tpu.wait_dma2 semaphore(%arg23 : memref<!tpu.dma_semaphore, #tpu.memory_space<semaphore_mem>>) src(%arg11 : memref<128x32xf32, #tpu.memory_space<vmem>>) dst(%dma_wait3A_32 : memref<128x32xf32, #tpu.memory_space<hbm>>)
    %dma_wait3A_33 = arith.constant 18 : i32
    %dma_wait3A_34 = arith.constant 0 : i32
    %dma_wait3A_35 = tpu.memref_slice %arg6[%dma_wait3A_33, %dma_wait3A_34] : memref<19x128xi32, #tpu.memory_space<vmem>> -> memref<1x128xi32, #tpu.memory_space<vmem>>
    %dma_wait3A_36 = tpu.memref_squeeze %dma_wait3A_35 : memref<1x128xi32, #tpu.memory_space<vmem>> -> memref<128xi32, #tpu.memory_space<vmem>>
    %dma_wait3A_37 = arith.constant 0 : i32
    %dma_wait3A_38 = arith.constant 0 : i32
    %dma_wait3A_39 = tpu.memref_slice %arg2[%dma_wait3A_37, %dma_wait3A_38] : memref<10000x32xf32, #tpu.memory_space<hbm>> -> memref<10000x32xf32, #tpu.memory_space<hbm>>
    tpu.wait_indirect_dma semaphore(%arg14 : memref<!tpu.dma_semaphore, #tpu.memory_space<semaphore_mem>>) src(%dma_wait3A_39 : memref<10000x32xf32, #tpu.memory_space<hbm>>) dst(%arg8 : memref<128x32xf32, #tpu.memory_space<vmem>>)
    %add3A_40 = arith.constant 2304 : i32
    %add3A_41 = arith.addi %mul3A_2, %add3A_40 : i32
    %dma_start3A_42 = arith.constant 0 : i32
    %dma_start3A_43 = tpu.memref_slice %arg5[%add3A_41, %dma_start3A_42] : memref<80000x32xf32, #tpu.memory_space<hbm>> -> memref<128x32xf32, #tpu.memory_space<hbm>>
    %dma_start3A_44 = arith.constant 0 : i32
    %dma_start3A_45 = tpu.memref_slice %arg5[%add3A_41, %dma_start3A_44] : memref<80000x32xf32, #tpu.memory_space<hbm>> -> memref<128x32xf32, #tpu.memory_space<hbm>>
    tpu.enqueue_dma source(%arg8 : memref<128x32xf32, #tpu.memory_space<vmem>>) target(%dma_start3A_45 : memref<128x32xf32, #tpu.memory_space<hbm>>) target_semaphore(%arg20 : memref<!tpu.dma_semaphore, #tpu.memory_space<semaphore_mem>>)
    %add3A_46 = arith.constant 2048 : i32
    %add3A_47 = arith.addi %mul3A_2, %add3A_46 : i32
    %dma_wait3A_48 = arith.constant 0 : i32
    %dma_wait3A_49 = tpu.memref_slice %arg5[%add3A_47, %dma_wait3A_48] : memref<80000x32xf32, #tpu.memory_space<hbm>> -> memref<128x32xf32, #tpu.memory_space<hbm>>
    %dma_wait3A_50 = arith.constant 0 : i32
    %dma_wait3A_51 = tpu.memref_slice %arg5[%add3A_47, %dma_wait3A_50] : memref<80000x32xf32, #tpu.memory_space<hbm>> -> memref<128x32xf32, #tpu.memory_space<hbm>>
    tpu.wait_dma2 semaphore(%arg24 : memref<!tpu.dma_semaphore, #tpu.memory_space<semaphore_mem>>) src(%arg12 : memref<128x32xf32, #tpu.memory_space<vmem>>) dst(%dma_wait3A_51 : memref<128x32xf32, #tpu.memory_space<hbm>>)
    %add3A_52 = arith.constant 2176 : i32
    %add3A_53 = arith.addi %mul3A_2, %add3A_52 : i32
    %dma_wait3A_54 = arith.constant 0 : i32
    %dma_wait3A_55 = tpu.memref_slice %arg5[%add3A_53, %dma_wait3A_54] : memref<80000x32xf32, #tpu.memory_space<hbm>> -> memref<128x32xf32, #tpu.memory_space<hbm>>
    %dma_wait3A_56 = arith.constant 0 : i32
    %dma_wait3A_57 = tpu.memref_slice %arg5[%add3A_53, %dma_wait3A_56] : memref<80000x32xf32, #tpu.memory_space<hbm>> -> memref<128x32xf32, #tpu.memory_space<hbm>>
    tpu.wait_dma2 semaphore(%arg25 : memref<!tpu.dma_semaphore, #tpu.memory_space<semaphore_mem>>) src(%arg13 : memref<128x32xf32, #tpu.memory_space<vmem>>) dst(%dma_wait3A_57 : memref<128x32xf32, #tpu.memory_space<hbm>>)
    %add3A_58 = arith.constant 2304 : i32
    %add3A_59 = arith.addi %mul3A_2, %add3A_58 : i32
    %dma_wait3A_60 = arith.constant 0 : i32
    %dma_wait3A_61 = tpu.memref_slice %arg5[%add3A_59, %dma_wait3A_60] : memref<80000x32xf32, #tpu.memory_space<hbm>> -> memref<128x32xf32, #tpu.memory_space<hbm>>
    %dma_wait3A_62 = arith.constant 0 : i32
    %dma_wait3A_63 = tpu.memref_slice %arg5[%add3A_59, %dma_wait3A_62] : memref<80000x32xf32, #tpu.memory_space<hbm>> -> memref<128x32xf32, #tpu.memory_space<hbm>>
    tpu.wait_dma2 semaphore(%arg20 : memref<!tpu.dma_semaphore, #tpu.memory_space<semaphore_mem>>) src(%arg8 : memref<128x32xf32, #tpu.memory_space<vmem>>) dst(%dma_wait3A_63 : memref<128x32xf32, #tpu.memory_space<hbm>>)
    %dma_start3A_64 = arith.constant 0 : i32
    %dma_start3A_65 = arith.constant 0 : i32
    %dma_start3A_66 = arith.constant 0 : i32
    %dma_start3A_67 = tpu.memref_slice %arg11[%dma_start3A_65, %dma_start3A_66] : memref<128x32xf32, #tpu.memory_space<vmem>> -> memref<68x32xf32, #tpu.memory_space<vmem>>
    %dma_start3A_68 = arith.constant 0 : i32
    %dma_start3A_69 = tpu.memref_slice %arg7[%dma_start3A_64, %dma_start3A_68] : memref<1x68xi32, #tpu.memory_space<vmem>> -> memref<1x68xi32, #tpu.memory_space<vmem>>
    %dma_start3A_70 = tpu.memref_squeeze %dma_start3A_69 : memref<1x68xi32, #tpu.memory_space<vmem>> -> memref<68xi32, #tpu.memory_space<vmem>>
    %dma_start3A_71 = arith.constant 0 : i32
    %dma_start3A_72 = arith.constant 0 : i32
    %dma_start3A_73 = tpu.memref_slice %arg2[%dma_start3A_71, %dma_start3A_72] : memref<10000x32xf32, #tpu.memory_space<hbm>> -> memref<10000x32xf32, #tpu.memory_space<hbm>>
    tpu.enqueue_indirect_dma source(%dma_start3A_73 : memref<10000x32xf32, #tpu.memory_space<hbm>>) target(%dma_start3A_67 : memref<68x32xf32, #tpu.memory_space<vmem>>) offsets(%dma_start3A_70 : memref<68xi32, #tpu.memory_space<vmem>>) semaphore(%arg17 : memref<!tpu.dma_semaphore, #tpu.memory_space<semaphore_mem>>)
    %dma_wait3A_74 = arith.constant 0 : i32
    %dma_wait3A_75 = arith.constant 0 : i32
    %dma_wait3A_76 = arith.constant 0 : i32
    %dma_wait3A_77 = tpu.memref_slice %arg11[%dma_wait3A_75, %dma_wait3A_76] : memref<128x32xf32, #tpu.memory_space<vmem>> -> memref<68x32xf32, #tpu.memory_space<vmem>>
    %dma_wait3A_78 = arith.constant 0 : i32
    %dma_wait3A_79 = tpu.memref_slice %arg7[%dma_wait3A_74, %dma_wait3A_78] : memref<1x68xi32, #tpu.memory_space<vmem>> -> memref<1x68xi32, #tpu.memory_space<vmem>>
    %dma_wait3A_80 = tpu.memref_squeeze %dma_wait3A_79 : memref<1x68xi32, #tpu.memory_space<vmem>> -> memref<68xi32, #tpu.memory_space<vmem>>
    %dma_wait3A_81 = arith.constant 0 : i32
    %dma_wait3A_82 = arith.constant 0 : i32
    %dma_wait3A_83 = tpu.memref_slice %arg2[%dma_wait3A_81, %dma_wait3A_82] : memref<10000x32xf32, #tpu.memory_space<hbm>> -> memref<10000x32xf32, #tpu.memory_space<hbm>>
    tpu.wait_indirect_dma semaphore(%arg17 : memref<!tpu.dma_semaphore, #tpu.memory_space<semaphore_mem>>) src(%dma_wait3A_83 : memref<10000x32xf32, #tpu.memory_space<hbm>>) dst(%dma_wait3A_77 : memref<68x32xf32, #tpu.memory_space<vmem>>)
    %add3A_84 = arith.constant 2432 : i32
    %add3A_85 = arith.addi %mul3A_2, %add3A_84 : i32
    "tpu.region"() ({
      %run_scoped3A = tpu.sem_alloc : memref<!tpu.dma_semaphore, #tpu.memory_space<semaphore_mem>>
      %dma_start3A_86 = arith.constant 0 : i32
      %dma_start3A_87 = arith.constant 0 : i32
      %dma_start3A_88 = tpu.memref_slice %arg11[%dma_start3A_86, %dma_start3A_87] : memref<128x32xf32, #tpu.memory_space<vmem>> -> memref<68x32xf32, #tpu.memory_space<vmem>>
      %dma_start3A_89 = arith.constant 0 : i32
      %dma_start3A_90 = tpu.memref_slice %arg5[%add3A_85, %dma_start3A_89] : memref<80000x32xf32, #tpu.memory_space<hbm>> -> memref<68x32xf32, #tpu.memory_space<hbm>>
      %dma_start3A_91 = arith.constant 0 : i32
      %dma_start3A_92 = tpu.memref_slice %arg5[%add3A_85, %dma_start3A_91] : memref<80000x32xf32, #tpu.memory_space<hbm>> -> memref<68x32xf32, #tpu.memory_space<hbm>>
      %dma_start3A_93 = arith.constant 0 : i32
      %dma_start3A_94 = arith.constant 0 : i32
      %dma_start3A_95 = tpu.memref_slice %arg11[%dma_start3A_93, %dma_start3A_94] : memref<128x32xf32, #tpu.memory_space<vmem>> -> memref<68x32xf32, #tpu.memory_space<vmem>>
      tpu.enqueue_dma source(%dma_start3A_95 : memref<68x32xf32, #tpu.memory_space<vmem>>) target(%dma_start3A_92 : memref<68x32xf32, #tpu.memory_space<hbm>>) target_semaphore(%run_scoped3A : memref<!tpu.dma_semaphore, #tpu.memory_space<semaphore_mem>>)
      %dma_wait3A_96 = arith.constant 0 : i32
      %dma_wait3A_97 = arith.constant 0 : i32
      %dma_wait3A_98 = tpu.memref_slice %arg11[%dma_wait3A_96, %dma_wait3A_97] : memref<128x32xf32, #tpu.memory_space<vmem>> -> memref<68x32xf32, #tpu.memory_space<vmem>>
      %dma_wait3A_99 = arith.constant 0 : i32
      %dma_wait3A_100 = tpu.memref_slice %arg5[%add3A_85, %dma_wait3A_99] : memref<80000x32xf32, #tpu.memory_space<hbm>> -> memref<68x32xf32, #tpu.memory_space<hbm>>
      %dma_wait3A_101 = arith.constant 0 : i32
      %dma_wait3A_102 = tpu.memref_slice %arg5[%add3A_85, %dma_wait3A_101] : memref<80000x32xf32, #tpu.memory_space<hbm>> -> memref<68x32xf32, #tpu.memory_space<hbm>>
      %dma_wait3A_103 = arith.constant 0 : i32
      %dma_wait3A_104 = arith.constant 0 : i32
      %dma_wait3A_105 = tpu.memref_slice %arg11[%dma_wait3A_103, %dma_wait3A_104] : memref<128x32xf32, #tpu.memory_space<vmem>> -> memref<68x32xf32, #tpu.memory_space<vmem>>
      tpu.wait_dma2 semaphore(%run_scoped3A : memref<!tpu.dma_semaphore, #tpu.memory_space<semaphore_mem>>) src(%dma_wait3A_105 : memref<68x32xf32, #tpu.memory_space<vmem>>) dst(%dma_wait3A_102 : memref<68x32xf32, #tpu.memory_space<hbm>>)
      tpu.yield
    }) : () -> ()
    return
  }
}

#map = affine_map<(d0, d1) -> (0, 0)>
#map1 = affine_map<(d0, d1) -> (0, 0, 0)>
module attributes {stable_mosaic.version = 14 : i64} {
  func.func @k(%arg0: i32, %arg1: i32, %arg2: memref<10000x32xf32, #tpu.memory_space<hbm>>, %arg3: memref<32x19x128xi32, #tpu.memory_space<hbm>>, %arg4: memref<32x1x68xi32, #tpu.memory_space<hbm>>, %arg5: memref<80000x32xf32, #tpu.memory_space<hbm>>, %arg6: memref<19x128xi32, #tpu.memory_space<vmem>>, %arg7: memref<1x68xi32, #tpu.memory_space<vmem>>, %arg8: memref<128x32xf32, #tpu.memory_space<vmem>>, %arg9: memref<128x32xf32, #tpu.memory_space<vmem>>, %arg10: memref<128x32xf32, #tpu.memory_space<vmem>>, %arg11: memref<128x32xf32, #tpu.memory_space<vmem>>, %arg12: memref<128x32xf32, #tpu.memory_space<vmem>>, %arg13: memref<128x32xf32, #tpu.memory_space<vmem>>, %arg14: memref<!tpu.dma_semaphore, #tpu.memory_space<semaphore_mem>>, %arg15: memref<!tpu.dma_semaphore, #tpu.memory_space<semaphore_mem>>, %arg16: memref<!tpu.dma_semaphore, #tpu.memory_space<semaphore_mem>>, %arg17: memref<!tpu.dma_semaphore, #tpu.memory_space<semaphore_mem>>, %arg18: memref<!tpu.dma_semaphore, #tpu.memory_space<semaphore_mem>>, %arg19: memref<!tpu.dma_semaphore, #tpu.memory_space<semaphore_mem>>, %arg20: memref<!tpu.dma_semaphore, #tpu.memory_space<semaphore_mem>>, %arg21: memref<!tpu.dma_semaphore, #tpu.memory_space<semaphore_mem>>, %arg22: memref<!tpu.dma_semaphore, #tpu.memory_space<semaphore_mem>>, %arg23: memref<!tpu.dma_semaphore, #tpu.memory_space<semaphore_mem>>, %arg24: memref<!tpu.dma_semaphore, #tpu.memory_space<semaphore_mem>>, %arg25: memref<!tpu.dma_semaphore, #tpu.memory_space<semaphore_mem>>) attributes {dimension_semantics = [#tpu.dimension_semantics<core_parallel>, #tpu.dimension_semantics<subcore_parallel>], iteration_bounds = array<i64: 2, 16>, scalar_prefetch = 0 : i64, scratch_operands = 20 : i64, tpu.core_type = #tpu.core_type<sc_vector_subcore>, window_params = [{transform_indices = #map}, {transform_indices = #map1}, {transform_indices = #map1}, {transform_indices = #map}]} {
    %mul3A = arith.constant 2 : i32
    %mul3A_0 = arith.muli %arg1, %mul3A : i32
    %add3A = arith.addi %mul3A_0, %arg0 : i32
    %mul3A_1 = arith.constant 2500 : i32
    %mul3A_2 = arith.muli %add3A, %mul3A_1 : i32
    "tpu.region"() ({
      %run_scoped3A = tpu.sem_alloc : memref<!tpu.dma_semaphore, #tpu.memory_space<semaphore_mem>>
      %dma_start3A_86 = arith.constant 0 : i32
      %dma_start3A_87 = arith.constant 0 : i32
      %dma_start3A_88 = tpu.memref_slice %arg3[%add3A, %dma_start3A_86, %dma_start3A_87] : memref<32x19x128xi32, #tpu.memory_space<hbm>> -> memref<1x19x128xi32, #tpu.memory_space<hbm>>
      %dma_start3A_89 = tpu.memref_squeeze %dma_start3A_88 : memref<1x19x128xi32, #tpu.memory_space<hbm>> -> memref<19x128xi32, #tpu.memory_space<hbm>>
      %dma_start3A_90 = arith.constant 0 : i32
      %dma_start3A_91 = arith.constant 0 : i32
      %dma_start3A_92 = tpu.memref_slice %arg3[%add3A, %dma_start3A_90, %dma_start3A_91] : memref<32x19x128xi32, #tpu.memory_space<hbm>> -> memref<1x19x128xi32, #tpu.memory_space<hbm>>
      %dma_start3A_93 = tpu.memref_squeeze %dma_start3A_92 : memref<1x19x128xi32, #tpu.memory_space<hbm>> -> memref<19x128xi32, #tpu.memory_space<hbm>>
      tpu.enqueue_dma source(%dma_start3A_93 : memref<19x128xi32, #tpu.memory_space<hbm>>) target(%arg6 : memref<19x128xi32, #tpu.memory_space<vmem>>) target_semaphore(%run_scoped3A : memref<!tpu.dma_semaphore, #tpu.memory_space<semaphore_mem>>)
      %dma_wait3A_94 = arith.constant 0 : i32
      %dma_wait3A_95 = arith.constant 0 : i32
      %dma_wait3A_96 = tpu.memref_slice %arg3[%add3A, %dma_wait3A_94, %dma_wait3A_95] : memref<32x19x128xi32, #tpu.memory_space<hbm>> -> memref<1x19x128xi32, #tpu.memory_space<hbm>>
      %dma_wait3A_97 = tpu.memref_squeeze %dma_wait3A_96 : memref<1x19x128xi32, #tpu.memory_space<hbm>> -> memref<19x128xi32, #tpu.memory_space<hbm>>
      %dma_wait3A_98 = arith.constant 0 : i32
      %dma_wait3A_99 = arith.constant 0 : i32
      %dma_wait3A_100 = tpu.memref_slice %arg3[%add3A, %dma_wait3A_98, %dma_wait3A_99] : memref<32x19x128xi32, #tpu.memory_space<hbm>> -> memref<1x19x128xi32, #tpu.memory_space<hbm>>
      %dma_wait3A_101 = tpu.memref_squeeze %dma_wait3A_100 : memref<1x19x128xi32, #tpu.memory_space<hbm>> -> memref<19x128xi32, #tpu.memory_space<hbm>>
      tpu.wait_dma2 semaphore(%run_scoped3A : memref<!tpu.dma_semaphore, #tpu.memory_space<semaphore_mem>>) src(%dma_wait3A_101 : memref<19x128xi32, #tpu.memory_space<hbm>>) dst(%arg6 : memref<19x128xi32, #tpu.memory_space<vmem>>)
      tpu.yield
    }) : () -> ()
    "tpu.region"() ({
      %run_scoped3A = tpu.sem_alloc : memref<!tpu.dma_semaphore, #tpu.memory_space<semaphore_mem>>
      %dma_start3A_86 = arith.constant 0 : i32
      %dma_start3A_87 = arith.constant 0 : i32
      %dma_start3A_88 = tpu.memref_slice %arg4[%add3A, %dma_start3A_86, %dma_start3A_87] : memref<32x1x68xi32, #tpu.memory_space<hbm>> -> memref<1x1x68xi32, #tpu.memory_space<hbm>>
      %dma_start3A_89 = tpu.memref_squeeze %dma_start3A_88 : memref<1x1x68xi32, #tpu.memory_space<hbm>> -> memref<1x68xi32, #tpu.memory_space<hbm>>
      %dma_start3A_90 = arith.constant 0 : i32
      %dma_start3A_91 = arith.constant 0 : i32
      %dma_start3A_92 = tpu.memref_slice %arg4[%add3A, %dma_start3A_90, %dma_start3A_91] : memref<32x1x68xi32, #tpu.memory_space<hbm>> -> memref<1x1x68xi32, #tpu.memory_space<hbm>>
      %dma_start3A_93 = tpu.memref_squeeze %dma_start3A_92 : memref<1x1x68xi32, #tpu.memory_space<hbm>> -> memref<1x68xi32, #tpu.memory_space<hbm>>
      tpu.enqueue_dma source(%dma_start3A_93 : memref<1x68xi32, #tpu.memory_space<hbm>>) target(%arg7 : memref<1x68xi32, #tpu.memory_space<vmem>>) target_semaphore(%run_scoped3A : memref<!tpu.dma_semaphore, #tpu.memory_space<semaphore_mem>>)
      %dma_wait3A_94 = arith.constant 0 : i32
      %dma_wait3A_95 = arith.constant 0 : i32
      %dma_wait3A_96 = tpu.memref_slice %arg4[%add3A, %dma_wait3A_94, %dma_wait3A_95] : memref<32x1x68xi32, #tpu.memory_space<hbm>> -> memref<1x1x68xi32, #tpu.memory_space<hbm>>
      %dma_wait3A_97 = tpu.memref_squeeze %dma_wait3A_96 : memref<1x1x68xi32, #tpu.memory_space<hbm>> -> memref<1x68xi32, #tpu.memory_space<hbm>>
      %dma_wait3A_98 = arith.constant 0 : i32
      %dma_wait3A_99 = arith.constant 0 : i32
      %dma_wait3A_100 = tpu.memref_slice %arg4[%add3A, %dma_wait3A_98, %dma_wait3A_99] : memref<32x1x68xi32, #tpu.memory_space<hbm>> -> memref<1x1x68xi32, #tpu.memory_space<hbm>>
      %dma_wait3A_101 = tpu.memref_squeeze %dma_wait3A_100 : memref<1x1x68xi32, #tpu.memory_space<hbm>> -> memref<1x68xi32, #tpu.memory_space<hbm>>
      tpu.wait_dma2 semaphore(%run_scoped3A : memref<!tpu.dma_semaphore, #tpu.memory_space<semaphore_mem>>) src(%dma_wait3A_101 : memref<1x68xi32, #tpu.memory_space<hbm>>) dst(%arg7 : memref<1x68xi32, #tpu.memory_space<vmem>>)
      tpu.yield
    }) : () -> ()
    %dma_start3A = arith.constant 0 : i32
    %dma_start3A_3 = arith.constant 0 : i32
    %dma_start3A_4 = tpu.memref_slice %arg6[%dma_start3A, %dma_start3A_3] : memref<19x128xi32, #tpu.memory_space<vmem>> -> memref<1x128xi32, #tpu.memory_space<vmem>>
    %dma_start3A_5 = tpu.memref_squeeze %dma_start3A_4 : memref<1x128xi32, #tpu.memory_space<vmem>> -> memref<128xi32, #tpu.memory_space<vmem>>
    %dma_start3A_6 = arith.constant 0 : i32
    %dma_start3A_7 = arith.constant 0 : i32
    %dma_start3A_8 = tpu.memref_slice %arg2[%dma_start3A_6, %dma_start3A_7] : memref<10000x32xf32, #tpu.memory_space<hbm>> -> memref<10000x32xf32, #tpu.memory_space<hbm>>
    tpu.enqueue_indirect_dma source(%dma_start3A_8 : memref<10000x32xf32, #tpu.memory_space<hbm>>) target(%arg8 : memref<128x32xf32, #tpu.memory_space<vmem>>) offsets(%dma_start3A_5 : memref<128xi32, #tpu.memory_space<vmem>>) semaphore(%arg14 : memref<!tpu.dma_semaphore, #tpu.memory_space<semaphore_mem>>)
    %dma_start3A_9 = arith.constant 1 : i32
    %dma_start3A_10 = arith.constant 0 : i32
    %dma_start3A_11 = tpu.memref_slice %arg6[%dma_start3A_9, %dma_start3A_10] : memref<19x128xi32, #tpu.memory_space<vmem>> -> memref<1x128xi32, #tpu.memory_space<vmem>>
    %dma_start3A_12 = tpu.memref_squeeze %dma_start3A_11 : memref<1x128xi32, #tpu.memory_space<vmem>> -> memref<128xi32, #tpu.memory_space<vmem>>
    %dma_start3A_13 = arith.constant 0 : i32
    %dma_start3A_14 = arith.constant 0 : i32
    %dma_start3A_15 = tpu.memref_slice %arg2[%dma_start3A_13, %dma_start3A_14] : memref<10000x32xf32, #tpu.memory_space<hbm>> -> memref<10000x32xf32, #tpu.memory_space<hbm>>
    tpu.enqueue_indirect_dma source(%dma_start3A_15 : memref<10000x32xf32, #tpu.memory_space<hbm>>) target(%arg9 : memref<128x32xf32, #tpu.memory_space<vmem>>) offsets(%dma_start3A_12 : memref<128xi32, #tpu.memory_space<vmem>>) semaphore(%arg15 : memref<!tpu.dma_semaphore, #tpu.memory_space<semaphore_mem>>)
    %dma_start3A_16 = arith.constant 2 : i32
    %dma_start3A_17 = arith.constant 0 : i32
    %dma_start3A_18 = tpu.memref_slice %arg6[%dma_start3A_16, %dma_start3A_17] : memref<19x128xi32, #tpu.memory_space<vmem>> -> memref<1x128xi32, #tpu.memory_space<vmem>>
    %dma_start3A_19 = tpu.memref_squeeze %dma_start3A_18 : memref<1x128xi32, #tpu.memory_space<vmem>> -> memref<128xi32, #tpu.memory_space<vmem>>
    %dma_start3A_20 = arith.constant 0 : i32
    %dma_start3A_21 = arith.constant 0 : i32
    %dma_start3A_22 = tpu.memref_slice %arg2[%dma_start3A_20, %dma_start3A_21] : memref<10000x32xf32, #tpu.memory_space<hbm>> -> memref<10000x32xf32, #tpu.memory_space<hbm>>
    tpu.enqueue_indirect_dma source(%dma_start3A_22 : memref<10000x32xf32, #tpu.memory_space<hbm>>) target(%arg10 : memref<128x32xf32, #tpu.memory_space<vmem>>) offsets(%dma_start3A_19 : memref<128xi32, #tpu.memory_space<vmem>>) semaphore(%arg16 : memref<!tpu.dma_semaphore, #tpu.memory_space<semaphore_mem>>)
    %scan3A = arith.constant 0 : i32
    %scan3A_23 = arith.constant 0 : i32
    %scan3A_24 = arith.constant 3 : i32
    %scan3A_25 = arith.addi %scan3A_23, %scan3A_24 : i32
    %scan3A_26 = arith.constant 1 : i32
    scf.for %scan3A_86 = %scan3A_23 to %scan3A_25 step %scan3A_26  : i32 {
      %mul3A_87 = arith.constant 6 : i32
      %mul3A_88 = arith.muli %scan3A_86, %mul3A_87 : i32
      %add3A_89 = arith.constant 0 : i32
      %add3A_90 = arith.addi %mul3A_88, %add3A_89 : i32
      %ge3A = arith.constant 3 : i32
      %ge3A_91 = arith.cmpi sge, %add3A_90, %ge3A : i32
      %convert_element_type3A = arith.extui %ge3A_91 : i1 to i32
      %cond3A = arith.constant 0 : i32
      %cond3A_92 = arith.cmpi ne, %convert_element_type3A, %cond3A : i32
      scf.if %cond3A_92 {
        %sub3A = arith.constant 3 : i32
        %sub3A_257 = arith.subi %add3A_90, %sub3A : i32
        %mul3A_258 = arith.constant 128 : i32
        %mul3A_259 = arith.muli %sub3A_257, %mul3A_258 : i32
        %add3A_260 = arith.addi %mul3A_2, %mul3A_259 : i32
        %dma_wait3A_261 = arith.constant 0 : i32
        %dma_wait3A_262 = tpu.memref_slice %arg5[%add3A_260, %dma_wait3A_261] : memref<80000x32xf32, #tpu.memory_space<hbm>> -> memref<128x32xf32, #tpu.memory_space<hbm>>
        %dma_wait3A_263 = arith.constant 0 : i32
        %dma_wait3A_264 = tpu.memref_slice %arg5[%add3A_260, %dma_wait3A_263] : memref<80000x32xf32, #tpu.memory_space<hbm>> -> memref<128x32xf32, #tpu.memory_space<hbm>>
        tpu.wait_dma2 semaphore(%arg23 : memref<!tpu.dma_semaphore, #tpu.memory_space<semaphore_mem>>) src(%arg11 : memref<128x32xf32, #tpu.memory_space<vmem>>) dst(%dma_wait3A_264 : memref<128x32xf32, #tpu.memory_space<hbm>>)
      } else {
      }
      %add3A_93 = arith.constant 3 : i32
      %add3A_94 = arith.addi %add3A_90, %add3A_93 : i32
      %lt3A = arith.constant 19 : i32
      %lt3A_95 = arith.cmpi slt, %add3A_94, %lt3A : i32
      %convert_element_type3A_96 = arith.extui %lt3A_95 : i1 to i32
      %cond3A_97 = arith.constant 0 : i32
      %cond3A_98 = arith.cmpi ne, %convert_element_type3A_96, %cond3A_97 : i32
      scf.if %cond3A_98 {
        %add3A_257 = arith.constant 3 : i32
        %add3A_258 = arith.addi %add3A_90, %add3A_257 : i32
        %dma_start3A_259 = arith.constant 0 : i32
        %dma_start3A_260 = tpu.memref_slice %arg6[%add3A_258, %dma_start3A_259] : memref<19x128xi32, #tpu.memory_space<vmem>> -> memref<1x128xi32, #tpu.memory_space<vmem>>
        %dma_start3A_261 = tpu.memref_squeeze %dma_start3A_260 : memref<1x128xi32, #tpu.memory_space<vmem>> -> memref<128xi32, #tpu.memory_space<vmem>>
        %dma_start3A_262 = arith.constant 0 : i32
        %dma_start3A_263 = arith.constant 0 : i32
        %dma_start3A_264 = tpu.memref_slice %arg2[%dma_start3A_262, %dma_start3A_263] : memref<10000x32xf32, #tpu.memory_space<hbm>> -> memref<10000x32xf32, #tpu.memory_space<hbm>>
        tpu.enqueue_indirect_dma source(%dma_start3A_264 : memref<10000x32xf32, #tpu.memory_space<hbm>>) target(%arg11 : memref<128x32xf32, #tpu.memory_space<vmem>>) offsets(%dma_start3A_261 : memref<128xi32, #tpu.memory_space<vmem>>) semaphore(%arg17 : memref<!tpu.dma_semaphore, #tpu.memory_space<semaphore_mem>>)
      } else {
      }
      %dma_wait3A_99 = arith.constant 0 : i32
      %dma_wait3A_100 = tpu.memref_slice %arg6[%add3A_90, %dma_wait3A_99] : memref<19x128xi32, #tpu.memory_space<vmem>> -> memref<1x128xi32, #tpu.memory_space<vmem>>
      %dma_wait3A_101 = tpu.memref_squeeze %dma_wait3A_100 : memref<1x128xi32, #tpu.memory_space<vmem>> -> memref<128xi32, #tpu.memory_space<vmem>>
      %dma_wait3A_102 = arith.constant 0 : i32
      %dma_wait3A_103 = arith.constant 0 : i32
      %dma_wait3A_104 = tpu.memref_slice %arg2[%dma_wait3A_102, %dma_wait3A_103] : memref<10000x32xf32, #tpu.memory_space<hbm>> -> memref<10000x32xf32, #tpu.memory_space<hbm>>
      tpu.wait_indirect_dma semaphore(%arg14 : memref<!tpu.dma_semaphore, #tpu.memory_space<semaphore_mem>>) src(%dma_wait3A_104 : memref<10000x32xf32, #tpu.memory_space<hbm>>) dst(%arg8 : memref<128x32xf32, #tpu.memory_space<vmem>>)
      %mul3A_105 = arith.constant 128 : i32
      %mul3A_106 = arith.muli %add3A_90, %mul3A_105 : i32
      %add3A_107 = arith.addi %mul3A_2, %mul3A_106 : i32
      %dma_start3A_108 = arith.constant 0 : i32
      %dma_start3A_109 = tpu.memref_slice %arg5[%add3A_107, %dma_start3A_108] : memref<80000x32xf32, #tpu.memory_space<hbm>> -> memref<128x32xf32, #tpu.memory_space<hbm>>
      %dma_start3A_110 = arith.constant 0 : i32
      %dma_start3A_111 = tpu.memref_slice %arg5[%add3A_107, %dma_start3A_110] : memref<80000x32xf32, #tpu.memory_space<hbm>> -> memref<128x32xf32, #tpu.memory_space<hbm>>
      tpu.enqueue_dma source(%arg8 : memref<128x32xf32, #tpu.memory_space<vmem>>) target(%dma_start3A_111 : memref<128x32xf32, #tpu.memory_space<hbm>>) target_semaphore(%arg20 : memref<!tpu.dma_semaphore, #tpu.memory_space<semaphore_mem>>)
      %mul3A_112 = arith.constant 6 : i32
      %mul3A_113 = arith.muli %scan3A_86, %mul3A_112 : i32
      %add3A_114 = arith.constant 1 : i32
      %add3A_115 = arith.addi %mul3A_113, %add3A_114 : i32
      %ge3A_116 = arith.constant 3 : i32
      %ge3A_117 = arith.cmpi sge, %add3A_115, %ge3A_116 : i32
      %convert_element_type3A_118 = arith.extui %ge3A_117 : i1 to i32
      %cond3A_119 = arith.constant 0 : i32
      %cond3A_120 = arith.cmpi ne, %convert_element_type3A_118, %cond3A_119 : i32
      scf.if %cond3A_120 {
        %sub3A = arith.constant 3 : i32
        %sub3A_257 = arith.subi %add3A_115, %sub3A : i32
        %mul3A_258 = arith.constant 128 : i32
        %mul3A_259 = arith.muli %sub3A_257, %mul3A_258 : i32
        %add3A_260 = arith.addi %mul3A_2, %mul3A_259 : i32
        %dma_wait3A_261 = arith.constant 0 : i32
        %dma_wait3A_262 = tpu.memref_slice %arg5[%add3A_260, %dma_wait3A_261] : memref<80000x32xf32, #tpu.memory_space<hbm>> -> memref<128x32xf32, #tpu.memory_space<hbm>>
        %dma_wait3A_263 = arith.constant 0 : i32
        %dma_wait3A_264 = tpu.memref_slice %arg5[%add3A_260, %dma_wait3A_263] : memref<80000x32xf32, #tpu.memory_space<hbm>> -> memref<128x32xf32, #tpu.memory_space<hbm>>
        tpu.wait_dma2 semaphore(%arg24 : memref<!tpu.dma_semaphore, #tpu.memory_space<semaphore_mem>>) src(%arg12 : memref<128x32xf32, #tpu.memory_space<vmem>>) dst(%dma_wait3A_264 : memref<128x32xf32, #tpu.memory_space<hbm>>)
      } else {
      }
      %add3A_121 = arith.constant 3 : i32
      %add3A_122 = arith.addi %add3A_115, %add3A_121 : i32
      %lt3A_123 = arith.constant 19 : i32
      %lt3A_124 = arith.cmpi slt, %add3A_122, %lt3A_123 : i32
      %convert_element_type3A_125 = arith.extui %lt3A_124 : i1 to i32
      %cond3A_126 = arith.constant 0 : i32
      %cond3A_127 = arith.cmpi ne, %convert_element_type3A_125, %cond3A_126 : i32
      scf.if %cond3A_127 {
        %add3A_257 = arith.constant 3 : i32
        %add3A_258 = arith.addi %add3A_115, %add3A_257 : i32
        %dma_start3A_259 = arith.constant 0 : i32
        %dma_start3A_260 = tpu.memref_slice %arg6[%add3A_258, %dma_start3A_259] : memref<19x128xi32, #tpu.memory_space<vmem>> -> memref<1x128xi32, #tpu.memory_space<vmem>>
        %dma_start3A_261 = tpu.memref_squeeze %dma_start3A_260 : memref<1x128xi32, #tpu.memory_space<vmem>> -> memref<128xi32, #tpu.memory_space<vmem>>
        %dma_start3A_262 = arith.constant 0 : i32
        %dma_start3A_263 = arith.constant 0 : i32
        %dma_start3A_264 = tpu.memref_slice %arg2[%dma_start3A_262, %dma_start3A_263] : memref<10000x32xf32, #tpu.memory_space<hbm>> -> memref<10000x32xf32, #tpu.memory_space<hbm>>
        tpu.enqueue_indirect_dma source(%dma_start3A_264 : memref<10000x32xf32, #tpu.memory_space<hbm>>) target(%arg12 : memref<128x32xf32, #tpu.memory_space<vmem>>) offsets(%dma_start3A_261 : memref<128xi32, #tpu.memory_space<vmem>>) semaphore(%arg18 : memref<!tpu.dma_semaphore, #tpu.memory_space<semaphore_mem>>)
      } else {
      }
      %dma_wait3A_128 = arith.constant 0 : i32
      %dma_wait3A_129 = tpu.memref_slice %arg6[%add3A_115, %dma_wait3A_128] : memref<19x128xi32, #tpu.memory_space<vmem>> -> memref<1x128xi32, #tpu.memory_space<vmem>>
      %dma_wait3A_130 = tpu.memref_squeeze %dma_wait3A_129 : memref<1x128xi32, #tpu.memory_space<vmem>> -> memref<128xi32, #tpu.memory_space<vmem>>
      %dma_wait3A_131 = arith.constant 0 : i32
      %dma_wait3A_132 = arith.constant 0 : i32
      %dma_wait3A_133 = tpu.memref_slice %arg2[%dma_wait3A_131, %dma_wait3A_132] : memref<10000x32xf32, #tpu.memory_space<hbm>> -> memref<10000x32xf32, #tpu.memory_space<hbm>>
      tpu.wait_indirect_dma semaphore(%arg15 : memref<!tpu.dma_semaphore, #tpu.memory_space<semaphore_mem>>) src(%dma_wait3A_133 : memref<10000x32xf32, #tpu.memory_space<hbm>>) dst(%arg9 : memref<128x32xf32, #tpu.memory_space<vmem>>)
      %mul3A_134 = arith.constant 128 : i32
      %mul3A_135 = arith.muli %add3A_115, %mul3A_134 : i32
      %add3A_136 = arith.addi %mul3A_2, %mul3A_135 : i32
      %dma_start3A_137 = arith.constant 0 : i32
      %dma_start3A_138 = tpu.memref_slice %arg5[%add3A_136, %dma_start3A_137] : memref<80000x32xf32, #tpu.memory_space<hbm>> -> memref<128x32xf32, #tpu.memory_space<hbm>>
      %dma_start3A_139 = arith.constant 0 : i32
      %dma_start3A_140 = tpu.memref_slice %arg5[%add3A_136, %dma_start3A_139] : memref<80000x32xf32, #tpu.memory_space<hbm>> -> memref<128x32xf32, #tpu.memory_space<hbm>>
      tpu.enqueue_dma source(%arg9 : memref<128x32xf32, #tpu.memory_space<vmem>>) target(%dma_start3A_140 : memref<128x32xf32, #tpu.memory_space<hbm>>) target_semaphore(%arg21 : memref<!tpu.dma_semaphore, #tpu.memory_space<semaphore_mem>>)
      %mul3A_141 = arith.constant 6 : i32
      %mul3A_142 = arith.muli %scan3A_86, %mul3A_141 : i32
      %add3A_143 = arith.constant 2 : i32
      %add3A_144 = arith.addi %mul3A_142, %add3A_143 : i32
      %ge3A_145 = arith.constant 3 : i32
      %ge3A_146 = arith.cmpi sge, %add3A_144, %ge3A_145 : i32
      %convert_element_type3A_147 = arith.extui %ge3A_146 : i1 to i32
      %cond3A_148 = arith.constant 0 : i32
      %cond3A_149 = arith.cmpi ne, %convert_element_type3A_147, %cond3A_148 : i32
      scf.if %cond3A_149 {
        %sub3A = arith.constant 3 : i32
        %sub3A_257 = arith.subi %add3A_144, %sub3A : i32
        %mul3A_258 = arith.constant 128 : i32
        %mul3A_259 = arith.muli %sub3A_257, %mul3A_258 : i32
        %add3A_260 = arith.addi %mul3A_2, %mul3A_259 : i32
        %dma_wait3A_261 = arith.constant 0 : i32
        %dma_wait3A_262 = tpu.memref_slice %arg5[%add3A_260, %dma_wait3A_261] : memref<80000x32xf32, #tpu.memory_space<hbm>> -> memref<128x32xf32, #tpu.memory_space<hbm>>
        %dma_wait3A_263 = arith.constant 0 : i32
        %dma_wait3A_264 = tpu.memref_slice %arg5[%add3A_260, %dma_wait3A_263] : memref<80000x32xf32, #tpu.memory_space<hbm>> -> memref<128x32xf32, #tpu.memory_space<hbm>>
        tpu.wait_dma2 semaphore(%arg25 : memref<!tpu.dma_semaphore, #tpu.memory_space<semaphore_mem>>) src(%arg13 : memref<128x32xf32, #tpu.memory_space<vmem>>) dst(%dma_wait3A_264 : memref<128x32xf32, #tpu.memory_space<hbm>>)
      } else {
      }
      %add3A_150 = arith.constant 3 : i32
      %add3A_151 = arith.addi %add3A_144, %add3A_150 : i32
      %lt3A_152 = arith.constant 19 : i32
      %lt3A_153 = arith.cmpi slt, %add3A_151, %lt3A_152 : i32
      %convert_element_type3A_154 = arith.extui %lt3A_153 : i1 to i32
      %cond3A_155 = arith.constant 0 : i32
      %cond3A_156 = arith.cmpi ne, %convert_element_type3A_154, %cond3A_155 : i32
      scf.if %cond3A_156 {
        %add3A_257 = arith.constant 3 : i32
        %add3A_258 = arith.addi %add3A_144, %add3A_257 : i32
        %dma_start3A_259 = arith.constant 0 : i32
        %dma_start3A_260 = tpu.memref_slice %arg6[%add3A_258, %dma_start3A_259] : memref<19x128xi32, #tpu.memory_space<vmem>> -> memref<1x128xi32, #tpu.memory_space<vmem>>
        %dma_start3A_261 = tpu.memref_squeeze %dma_start3A_260 : memref<1x128xi32, #tpu.memory_space<vmem>> -> memref<128xi32, #tpu.memory_space<vmem>>
        %dma_start3A_262 = arith.constant 0 : i32
        %dma_start3A_263 = arith.constant 0 : i32
        %dma_start3A_264 = tpu.memref_slice %arg2[%dma_start3A_262, %dma_start3A_263] : memref<10000x32xf32, #tpu.memory_space<hbm>> -> memref<10000x32xf32, #tpu.memory_space<hbm>>
        tpu.enqueue_indirect_dma source(%dma_start3A_264 : memref<10000x32xf32, #tpu.memory_space<hbm>>) target(%arg13 : memref<128x32xf32, #tpu.memory_space<vmem>>) offsets(%dma_start3A_261 : memref<128xi32, #tpu.memory_space<vmem>>) semaphore(%arg19 : memref<!tpu.dma_semaphore, #tpu.memory_space<semaphore_mem>>)
      } else {
      }
      %dma_wait3A_157 = arith.constant 0 : i32
      %dma_wait3A_158 = tpu.memref_slice %arg6[%add3A_144, %dma_wait3A_157] : memref<19x128xi32, #tpu.memory_space<vmem>> -> memref<1x128xi32, #tpu.memory_space<vmem>>
      %dma_wait3A_159 = tpu.memref_squeeze %dma_wait3A_158 : memref<1x128xi32, #tpu.memory_space<vmem>> -> memref<128xi32, #tpu.memory_space<vmem>>
      %dma_wait3A_160 = arith.constant 0 : i32
      %dma_wait3A_161 = arith.constant 0 : i32
      %dma_wait3A_162 = tpu.memref_slice %arg2[%dma_wait3A_160, %dma_wait3A_161] : memref<10000x32xf32, #tpu.memory_space<hbm>> -> memref<10000x32xf32, #tpu.memory_space<hbm>>
      tpu.wait_indirect_dma semaphore(%arg16 : memref<!tpu.dma_semaphore, #tpu.memory_space<semaphore_mem>>) src(%dma_wait3A_162 : memref<10000x32xf32, #tpu.memory_space<hbm>>) dst(%arg10 : memref<128x32xf32, #tpu.memory_space<vmem>>)
      %mul3A_163 = arith.constant 128 : i32
      %mul3A_164 = arith.muli %add3A_144, %mul3A_163 : i32
      %add3A_165 = arith.addi %mul3A_2, %mul3A_164 : i32
      %dma_start3A_166 = arith.constant 0 : i32
      %dma_start3A_167 = tpu.memref_slice %arg5[%add3A_165, %dma_start3A_166] : memref<80000x32xf32, #tpu.memory_space<hbm>> -> memref<128x32xf32, #tpu.memory_space<hbm>>
      %dma_start3A_168 = arith.constant 0 : i32
      %dma_start3A_169 = tpu.memref_slice %arg5[%add3A_165, %dma_start3A_168] : memref<80000x32xf32, #tpu.memory_space<hbm>> -> memref<128x32xf32, #tpu.memory_space<hbm>>
      tpu.enqueue_dma source(%arg10 : memref<128x32xf32, #tpu.memory_space<vmem>>) target(%dma_start3A_169 : memref<128x32xf32, #tpu.memory_space<hbm>>) target_semaphore(%arg22 : memref<!tpu.dma_semaphore, #tpu.memory_space<semaphore_mem>>)
      %mul3A_170 = arith.constant 6 : i32
      %mul3A_171 = arith.muli %scan3A_86, %mul3A_170 : i32
      %add3A_172 = arith.constant 3 : i32
      %add3A_173 = arith.addi %mul3A_171, %add3A_172 : i32
      %ge3A_174 = arith.constant 3 : i32
      %ge3A_175 = arith.cmpi sge, %add3A_173, %ge3A_174 : i32
      %convert_element_type3A_176 = arith.extui %ge3A_175 : i1 to i32
      %cond3A_177 = arith.constant 0 : i32
      %cond3A_178 = arith.cmpi ne, %convert_element_type3A_176, %cond3A_177 : i32
      scf.if %cond3A_178 {
        %sub3A = arith.constant 3 : i32
        %sub3A_257 = arith.subi %add3A_173, %sub3A : i32
        %mul3A_258 = arith.constant 128 : i32
        %mul3A_259 = arith.muli %sub3A_257, %mul3A_258 : i32
        %add3A_260 = arith.addi %mul3A_2, %mul3A_259 : i32
        %dma_wait3A_261 = arith.constant 0 : i32
        %dma_wait3A_262 = tpu.memref_slice %arg5[%add3A_260, %dma_wait3A_261] : memref<80000x32xf32, #tpu.memory_space<hbm>> -> memref<128x32xf32, #tpu.memory_space<hbm>>
        %dma_wait3A_263 = arith.constant 0 : i32
        %dma_wait3A_264 = tpu.memref_slice %arg5[%add3A_260, %dma_wait3A_263] : memref<80000x32xf32, #tpu.memory_space<hbm>> -> memref<128x32xf32, #tpu.memory_space<hbm>>
        tpu.wait_dma2 semaphore(%arg20 : memref<!tpu.dma_semaphore, #tpu.memory_space<semaphore_mem>>) src(%arg8 : memref<128x32xf32, #tpu.memory_space<vmem>>) dst(%dma_wait3A_264 : memref<128x32xf32, #tpu.memory_space<hbm>>)
      } else {
      }
      %add3A_179 = arith.constant 3 : i32
      %add3A_180 = arith.addi %add3A_173, %add3A_179 : i32
      %lt3A_181 = arith.constant 19 : i32
      %lt3A_182 = arith.cmpi slt, %add3A_180, %lt3A_181 : i32
      %convert_element_type3A_183 = arith.extui %lt3A_182 : i1 to i32
      %cond3A_184 = arith.constant 0 : i32
      %cond3A_185 = arith.cmpi ne, %convert_element_type3A_183, %cond3A_184 : i32
      scf.if %cond3A_185 {
        %add3A_257 = arith.constant 3 : i32
        %add3A_258 = arith.addi %add3A_173, %add3A_257 : i32
        %dma_start3A_259 = arith.constant 0 : i32
        %dma_start3A_260 = tpu.memref_slice %arg6[%add3A_258, %dma_start3A_259] : memref<19x128xi32, #tpu.memory_space<vmem>> -> memref<1x128xi32, #tpu.memory_space<vmem>>
        %dma_start3A_261 = tpu.memref_squeeze %dma_start3A_260 : memref<1x128xi32, #tpu.memory_space<vmem>> -> memref<128xi32, #tpu.memory_space<vmem>>
        %dma_start3A_262 = arith.constant 0 : i32
        %dma_start3A_263 = arith.constant 0 : i32
        %dma_start3A_264 = tpu.memref_slice %arg2[%dma_start3A_262, %dma_start3A_263] : memref<10000x32xf32, #tpu.memory_space<hbm>> -> memref<10000x32xf32, #tpu.memory_space<hbm>>
        tpu.enqueue_indirect_dma source(%dma_start3A_264 : memref<10000x32xf32, #tpu.memory_space<hbm>>) target(%arg8 : memref<128x32xf32, #tpu.memory_space<vmem>>) offsets(%dma_start3A_261 : memref<128xi32, #tpu.memory_space<vmem>>) semaphore(%arg14 : memref<!tpu.dma_semaphore, #tpu.memory_space<semaphore_mem>>)
      } else {
      }
      %dma_wait3A_186 = arith.constant 0 : i32
      %dma_wait3A_187 = tpu.memref_slice %arg6[%add3A_173, %dma_wait3A_186] : memref<19x128xi32, #tpu.memory_space<vmem>> -> memref<1x128xi32, #tpu.memory_space<vmem>>
      %dma_wait3A_188 = tpu.memref_squeeze %dma_wait3A_187 : memref<1x128xi32, #tpu.memory_space<vmem>> -> memref<128xi32, #tpu.memory_space<vmem>>
      %dma_wait3A_189 = arith.constant 0 : i32
      %dma_wait3A_190 = arith.constant 0 : i32
      %dma_wait3A_191 = tpu.memref_slice %arg2[%dma_wait3A_189, %dma_wait3A_190] : memref<10000x32xf32, #tpu.memory_space<hbm>> -> memref<10000x32xf32, #tpu.memory_space<hbm>>
      tpu.wait_indirect_dma semaphore(%arg17 : memref<!tpu.dma_semaphore, #tpu.memory_space<semaphore_mem>>) src(%dma_wait3A_191 : memref<10000x32xf32, #tpu.memory_space<hbm>>) dst(%arg11 : memref<128x32xf32, #tpu.memory_space<vmem>>)
      %mul3A_192 = arith.constant 128 : i32
      %mul3A_193 = arith.muli %add3A_173, %mul3A_192 : i32
      %add3A_194 = arith.addi %mul3A_2, %mul3A_193 : i32
      %dma_start3A_195 = arith.constant 0 : i32
      %dma_start3A_196 = tpu.memref_slice %arg5[%add3A_194, %dma_start3A_195] : memref<80000x32xf32, #tpu.memory_space<hbm>> -> memref<128x32xf32, #tpu.memory_space<hbm>>
      %dma_start3A_197 = arith.constant 0 : i32
      %dma_start3A_198 = tpu.memref_slice %arg5[%add3A_194, %dma_start3A_197] : memref<80000x32xf32, #tpu.memory_space<hbm>> -> memref<128x32xf32, #tpu.memory_space<hbm>>
      tpu.enqueue_dma source(%arg11 : memref<128x32xf32, #tpu.memory_space<vmem>>) target(%dma_start3A_198 : memref<128x32xf32, #tpu.memory_space<hbm>>) target_semaphore(%arg23 : memref<!tpu.dma_semaphore, #tpu.memory_space<semaphore_mem>>)
      %mul3A_199 = arith.constant 6 : i32
      %mul3A_200 = arith.muli %scan3A_86, %mul3A_199 : i32
      %add3A_201 = arith.constant 4 : i32
      %add3A_202 = arith.addi %mul3A_200, %add3A_201 : i32
      %ge3A_203 = arith.constant 3 : i32
      %ge3A_204 = arith.cmpi sge, %add3A_202, %ge3A_203 : i32
      %convert_element_type3A_205 = arith.extui %ge3A_204 : i1 to i32
      %cond3A_206 = arith.constant 0 : i32
      %cond3A_207 = arith.cmpi ne, %convert_element_type3A_205, %cond3A_206 : i32
      scf.if %cond3A_207 {
        %sub3A = arith.constant 3 : i32
        %sub3A_257 = arith.subi %add3A_202, %sub3A : i32
        %mul3A_258 = arith.constant 128 : i32
        %mul3A_259 = arith.muli %sub3A_257, %mul3A_258 : i32
        %add3A_260 = arith.addi %mul3A_2, %mul3A_259 : i32
        %dma_wait3A_261 = arith.constant 0 : i32
        %dma_wait3A_262 = tpu.memref_slice %arg5[%add3A_260, %dma_wait3A_261] : memref<80000x32xf32, #tpu.memory_space<hbm>> -> memref<128x32xf32, #tpu.memory_space<hbm>>
        %dma_wait3A_263 = arith.constant 0 : i32
        %dma_wait3A_264 = tpu.memref_slice %arg5[%add3A_260, %dma_wait3A_263] : memref<80000x32xf32, #tpu.memory_space<hbm>> -> memref<128x32xf32, #tpu.memory_space<hbm>>
        tpu.wait_dma2 semaphore(%arg21 : memref<!tpu.dma_semaphore, #tpu.memory_space<semaphore_mem>>) src(%arg9 : memref<128x32xf32, #tpu.memory_space<vmem>>) dst(%dma_wait3A_264 : memref<128x32xf32, #tpu.memory_space<hbm>>)
      } else {
      }
      %add3A_208 = arith.constant 3 : i32
      %add3A_209 = arith.addi %add3A_202, %add3A_208 : i32
      %lt3A_210 = arith.constant 19 : i32
      %lt3A_211 = arith.cmpi slt, %add3A_209, %lt3A_210 : i32
      %convert_element_type3A_212 = arith.extui %lt3A_211 : i1 to i32
      %cond3A_213 = arith.constant 0 : i32
      %cond3A_214 = arith.cmpi ne, %convert_element_type3A_212, %cond3A_213 : i32
      scf.if %cond3A_214 {
        %add3A_257 = arith.constant 3 : i32
        %add3A_258 = arith.addi %add3A_202, %add3A_257 : i32
        %dma_start3A_259 = arith.constant 0 : i32
        %dma_start3A_260 = tpu.memref_slice %arg6[%add3A_258, %dma_start3A_259] : memref<19x128xi32, #tpu.memory_space<vmem>> -> memref<1x128xi32, #tpu.memory_space<vmem>>
        %dma_start3A_261 = tpu.memref_squeeze %dma_start3A_260 : memref<1x128xi32, #tpu.memory_space<vmem>> -> memref<128xi32, #tpu.memory_space<vmem>>
        %dma_start3A_262 = arith.constant 0 : i32
        %dma_start3A_263 = arith.constant 0 : i32
        %dma_start3A_264 = tpu.memref_slice %arg2[%dma_start3A_262, %dma_start3A_263] : memref<10000x32xf32, #tpu.memory_space<hbm>> -> memref<10000x32xf32, #tpu.memory_space<hbm>>
        tpu.enqueue_indirect_dma source(%dma_start3A_264 : memref<10000x32xf32, #tpu.memory_space<hbm>>) target(%arg9 : memref<128x32xf32, #tpu.memory_space<vmem>>) offsets(%dma_start3A_261 : memref<128xi32, #tpu.memory_space<vmem>>) semaphore(%arg15 : memref<!tpu.dma_semaphore, #tpu.memory_space<semaphore_mem>>)
      } else {
      }
      %dma_wait3A_215 = arith.constant 0 : i32
      %dma_wait3A_216 = tpu.memref_slice %arg6[%add3A_202, %dma_wait3A_215] : memref<19x128xi32, #tpu.memory_space<vmem>> -> memref<1x128xi32, #tpu.memory_space<vmem>>
      %dma_wait3A_217 = tpu.memref_squeeze %dma_wait3A_216 : memref<1x128xi32, #tpu.memory_space<vmem>> -> memref<128xi32, #tpu.memory_space<vmem>>
      %dma_wait3A_218 = arith.constant 0 : i32
      %dma_wait3A_219 = arith.constant 0 : i32
      %dma_wait3A_220 = tpu.memref_slice %arg2[%dma_wait3A_218, %dma_wait3A_219] : memref<10000x32xf32, #tpu.memory_space<hbm>> -> memref<10000x32xf32, #tpu.memory_space<hbm>>
      tpu.wait_indirect_dma semaphore(%arg18 : memref<!tpu.dma_semaphore, #tpu.memory_space<semaphore_mem>>) src(%dma_wait3A_220 : memref<10000x32xf32, #tpu.memory_space<hbm>>) dst(%arg12 : memref<128x32xf32, #tpu.memory_space<vmem>>)
      %mul3A_221 = arith.constant 128 : i32
      %mul3A_222 = arith.muli %add3A_202, %mul3A_221 : i32
      %add3A_223 = arith.addi %mul3A_2, %mul3A_222 : i32
      %dma_start3A_224 = arith.constant 0 : i32
      %dma_start3A_225 = tpu.memref_slice %arg5[%add3A_223, %dma_start3A_224] : memref<80000x32xf32, #tpu.memory_space<hbm>> -> memref<128x32xf32, #tpu.memory_space<hbm>>
      %dma_start3A_226 = arith.constant 0 : i32
      %dma_start3A_227 = tpu.memref_slice %arg5[%add3A_223, %dma_start3A_226] : memref<80000x32xf32, #tpu.memory_space<hbm>> -> memref<128x32xf32, #tpu.memory_space<hbm>>
      tpu.enqueue_dma source(%arg12 : memref<128x32xf32, #tpu.memory_space<vmem>>) target(%dma_start3A_227 : memref<128x32xf32, #tpu.memory_space<hbm>>) target_semaphore(%arg24 : memref<!tpu.dma_semaphore, #tpu.memory_space<semaphore_mem>>)
      %mul3A_228 = arith.constant 6 : i32
      %mul3A_229 = arith.muli %scan3A_86, %mul3A_228 : i32
      %add3A_230 = arith.constant 5 : i32
      %add3A_231 = arith.addi %mul3A_229, %add3A_230 : i32
      %ge3A_232 = arith.constant 3 : i32
      %ge3A_233 = arith.cmpi sge, %add3A_231, %ge3A_232 : i32
      %convert_element_type3A_234 = arith.extui %ge3A_233 : i1 to i32
      %cond3A_235 = arith.constant 0 : i32
      %cond3A_236 = arith.cmpi ne, %convert_element_type3A_234, %cond3A_235 : i32
      scf.if %cond3A_236 {
        %sub3A = arith.constant 3 : i32
        %sub3A_257 = arith.subi %add3A_231, %sub3A : i32
        %mul3A_258 = arith.constant 128 : i32
        %mul3A_259 = arith.muli %sub3A_257, %mul3A_258 : i32
        %add3A_260 = arith.addi %mul3A_2, %mul3A_259 : i32
        %dma_wait3A_261 = arith.constant 0 : i32
        %dma_wait3A_262 = tpu.memref_slice %arg5[%add3A_260, %dma_wait3A_261] : memref<80000x32xf32, #tpu.memory_space<hbm>> -> memref<128x32xf32, #tpu.memory_space<hbm>>
        %dma_wait3A_263 = arith.constant 0 : i32
        %dma_wait3A_264 = tpu.memref_slice %arg5[%add3A_260, %dma_wait3A_263] : memref<80000x32xf32, #tpu.memory_space<hbm>> -> memref<128x32xf32, #tpu.memory_space<hbm>>
        tpu.wait_dma2 semaphore(%arg22 : memref<!tpu.dma_semaphore, #tpu.memory_space<semaphore_mem>>) src(%arg10 : memref<128x32xf32, #tpu.memory_space<vmem>>) dst(%dma_wait3A_264 : memref<128x32xf32, #tpu.memory_space<hbm>>)
      } else {
      }
      %add3A_237 = arith.constant 3 : i32
      %add3A_238 = arith.addi %add3A_231, %add3A_237 : i32
      %lt3A_239 = arith.constant 19 : i32
      %lt3A_240 = arith.cmpi slt, %add3A_238, %lt3A_239 : i32
      %convert_element_type3A_241 = arith.extui %lt3A_240 : i1 to i32
      %cond3A_242 = arith.constant 0 : i32
      %cond3A_243 = arith.cmpi ne, %convert_element_type3A_241, %cond3A_242 : i32
      scf.if %cond3A_243 {
        %add3A_257 = arith.constant 3 : i32
        %add3A_258 = arith.addi %add3A_231, %add3A_257 : i32
        %dma_start3A_259 = arith.constant 0 : i32
        %dma_start3A_260 = tpu.memref_slice %arg6[%add3A_258, %dma_start3A_259] : memref<19x128xi32, #tpu.memory_space<vmem>> -> memref<1x128xi32, #tpu.memory_space<vmem>>
        %dma_start3A_261 = tpu.memref_squeeze %dma_start3A_260 : memref<1x128xi32, #tpu.memory_space<vmem>> -> memref<128xi32, #tpu.memory_space<vmem>>
        %dma_start3A_262 = arith.constant 0 : i32
        %dma_start3A_263 = arith.constant 0 : i32
        %dma_start3A_264 = tpu.memref_slice %arg2[%dma_start3A_262, %dma_start3A_263] : memref<10000x32xf32, #tpu.memory_space<hbm>> -> memref<10000x32xf32, #tpu.memory_space<hbm>>
        tpu.enqueue_indirect_dma source(%dma_start3A_264 : memref<10000x32xf32, #tpu.memory_space<hbm>>) target(%arg10 : memref<128x32xf32, #tpu.memory_space<vmem>>) offsets(%dma_start3A_261 : memref<128xi32, #tpu.memory_space<vmem>>) semaphore(%arg16 : memref<!tpu.dma_semaphore, #tpu.memory_space<semaphore_mem>>)
      } else {
      }
      %dma_wait3A_244 = arith.constant 0 : i32
      %dma_wait3A_245 = tpu.memref_slice %arg6[%add3A_231, %dma_wait3A_244] : memref<19x128xi32, #tpu.memory_space<vmem>> -> memref<1x128xi32, #tpu.memory_space<vmem>>
      %dma_wait3A_246 = tpu.memref_squeeze %dma_wait3A_245 : memref<1x128xi32, #tpu.memory_space<vmem>> -> memref<128xi32, #tpu.memory_space<vmem>>
      %dma_wait3A_247 = arith.constant 0 : i32
      %dma_wait3A_248 = arith.constant 0 : i32
      %dma_wait3A_249 = tpu.memref_slice %arg2[%dma_wait3A_247, %dma_wait3A_248] : memref<10000x32xf32, #tpu.memory_space<hbm>> -> memref<10000x32xf32, #tpu.memory_space<hbm>>
      tpu.wait_indirect_dma semaphore(%arg19 : memref<!tpu.dma_semaphore, #tpu.memory_space<semaphore_mem>>) src(%dma_wait3A_249 : memref<10000x32xf32, #tpu.memory_space<hbm>>) dst(%arg13 : memref<128x32xf32, #tpu.memory_space<vmem>>)
      %mul3A_250 = arith.constant 128 : i32
      %mul3A_251 = arith.muli %add3A_231, %mul3A_250 : i32
      %add3A_252 = arith.addi %mul3A_2, %mul3A_251 : i32
      %dma_start3A_253 = arith.constant 0 : i32
      %dma_start3A_254 = tpu.memref_slice %arg5[%add3A_252, %dma_start3A_253] : memref<80000x32xf32, #tpu.memory_space<hbm>> -> memref<128x32xf32, #tpu.memory_space<hbm>>
      %dma_start3A_255 = arith.constant 0 : i32
      %dma_start3A_256 = tpu.memref_slice %arg5[%add3A_252, %dma_start3A_255] : memref<80000x32xf32, #tpu.memory_space<hbm>> -> memref<128x32xf32, #tpu.memory_space<hbm>>
      tpu.enqueue_dma source(%arg13 : memref<128x32xf32, #tpu.memory_space<vmem>>) target(%dma_start3A_256 : memref<128x32xf32, #tpu.memory_space<hbm>>) target_semaphore(%arg25 : memref<!tpu.dma_semaphore, #tpu.memory_space<semaphore_mem>>)
    }
    %scan3A_27 = arith.constant 3 : i32
    %add3A_28 = arith.constant 1920 : i32
    %add3A_29 = arith.addi %mul3A_2, %add3A_28 : i32
    %dma_wait3A = arith.constant 0 : i32
    %dma_wait3A_30 = tpu.memref_slice %arg5[%add3A_29, %dma_wait3A] : memref<80000x32xf32, #tpu.memory_space<hbm>> -> memref<128x32xf32, #tpu.memory_space<hbm>>
    %dma_wait3A_31 = arith.constant 0 : i32
    %dma_wait3A_32 = tpu.memref_slice %arg5[%add3A_29, %dma_wait3A_31] : memref<80000x32xf32, #tpu.memory_space<hbm>> -> memref<128x32xf32, #tpu.memory_space<hbm>>
    tpu.wait_dma2 semaphore(%arg23 : memref<!tpu.dma_semaphore, #tpu.memory_space<semaphore_mem>>) src(%arg11 : memref<128x32xf32, #tpu.memory_space<vmem>>) dst(%dma_wait3A_32 : memref<128x32xf32, #tpu.memory_space<hbm>>)
    %dma_wait3A_33 = arith.constant 18 : i32
    %dma_wait3A_34 = arith.constant 0 : i32
    %dma_wait3A_35 = tpu.memref_slice %arg6[%dma_wait3A_33, %dma_wait3A_34] : memref<19x128xi32, #tpu.memory_space<vmem>> -> memref<1x128xi32, #tpu.memory_space<vmem>>
    %dma_wait3A_36 = tpu.memref_squeeze %dma_wait3A_35 : memref<1x128xi32, #tpu.memory_space<vmem>> -> memref<128xi32, #tpu.memory_space<vmem>>
    %dma_wait3A_37 = arith.constant 0 : i32
    %dma_wait3A_38 = arith.constant 0 : i32
    %dma_wait3A_39 = tpu.memref_slice %arg2[%dma_wait3A_37, %dma_wait3A_38] : memref<10000x32xf32, #tpu.memory_space<hbm>> -> memref<10000x32xf32, #tpu.memory_space<hbm>>
    tpu.wait_indirect_dma semaphore(%arg14 : memref<!tpu.dma_semaphore, #tpu.memory_space<semaphore_mem>>) src(%dma_wait3A_39 : memref<10000x32xf32, #tpu.memory_space<hbm>>) dst(%arg8 : memref<128x32xf32, #tpu.memory_space<vmem>>)
    %add3A_40 = arith.constant 2304 : i32
    %add3A_41 = arith.addi %mul3A_2, %add3A_40 : i32
    %dma_start3A_42 = arith.constant 0 : i32
    %dma_start3A_43 = tpu.memref_slice %arg5[%add3A_41, %dma_start3A_42] : memref<80000x32xf32, #tpu.memory_space<hbm>> -> memref<128x32xf32, #tpu.memory_space<hbm>>
    %dma_start3A_44 = arith.constant 0 : i32
    %dma_start3A_45 = tpu.memref_slice %arg5[%add3A_41, %dma_start3A_44] : memref<80000x32xf32, #tpu.memory_space<hbm>> -> memref<128x32xf32, #tpu.memory_space<hbm>>
    tpu.enqueue_dma source(%arg8 : memref<128x32xf32, #tpu.memory_space<vmem>>) target(%dma_start3A_45 : memref<128x32xf32, #tpu.memory_space<hbm>>) target_semaphore(%arg20 : memref<!tpu.dma_semaphore, #tpu.memory_space<semaphore_mem>>)
    %add3A_46 = arith.constant 2048 : i32
    %add3A_47 = arith.addi %mul3A_2, %add3A_46 : i32
    %dma_wait3A_48 = arith.constant 0 : i32
    %dma_wait3A_49 = tpu.memref_slice %arg5[%add3A_47, %dma_wait3A_48] : memref<80000x32xf32, #tpu.memory_space<hbm>> -> memref<128x32xf32, #tpu.memory_space<hbm>>
    %dma_wait3A_50 = arith.constant 0 : i32
    %dma_wait3A_51 = tpu.memref_slice %arg5[%add3A_47, %dma_wait3A_50] : memref<80000x32xf32, #tpu.memory_space<hbm>> -> memref<128x32xf32, #tpu.memory_space<hbm>>
    tpu.wait_dma2 semaphore(%arg24 : memref<!tpu.dma_semaphore, #tpu.memory_space<semaphore_mem>>) src(%arg12 : memref<128x32xf32, #tpu.memory_space<vmem>>) dst(%dma_wait3A_51 : memref<128x32xf32, #tpu.memory_space<hbm>>)
    %add3A_52 = arith.constant 2176 : i32
    %add3A_53 = arith.addi %mul3A_2, %add3A_52 : i32
    %dma_wait3A_54 = arith.constant 0 : i32
    %dma_wait3A_55 = tpu.memref_slice %arg5[%add3A_53, %dma_wait3A_54] : memref<80000x32xf32, #tpu.memory_space<hbm>> -> memref<128x32xf32, #tpu.memory_space<hbm>>
    %dma_wait3A_56 = arith.constant 0 : i32
    %dma_wait3A_57 = tpu.memref_slice %arg5[%add3A_53, %dma_wait3A_56] : memref<80000x32xf32, #tpu.memory_space<hbm>> -> memref<128x32xf32, #tpu.memory_space<hbm>>
    tpu.wait_dma2 semaphore(%arg25 : memref<!tpu.dma_semaphore, #tpu.memory_space<semaphore_mem>>) src(%arg13 : memref<128x32xf32, #tpu.memory_space<vmem>>) dst(%dma_wait3A_57 : memref<128x32xf32, #tpu.memory_space<hbm>>)
    %add3A_58 = arith.constant 2304 : i32
    %add3A_59 = arith.addi %mul3A_2, %add3A_58 : i32
    %dma_wait3A_60 = arith.constant 0 : i32
    %dma_wait3A_61 = tpu.memref_slice %arg5[%add3A_59, %dma_wait3A_60] : memref<80000x32xf32, #tpu.memory_space<hbm>> -> memref<128x32xf32, #tpu.memory_space<hbm>>
    %dma_wait3A_62 = arith.constant 0 : i32
    %dma_wait3A_63 = tpu.memref_slice %arg5[%add3A_59, %dma_wait3A_62] : memref<80000x32xf32, #tpu.memory_space<hbm>> -> memref<128x32xf32, #tpu.memory_space<hbm>>
    tpu.wait_dma2 semaphore(%arg20 : memref<!tpu.dma_semaphore, #tpu.memory_space<semaphore_mem>>) src(%arg8 : memref<128x32xf32, #tpu.memory_space<vmem>>) dst(%dma_wait3A_63 : memref<128x32xf32, #tpu.memory_space<hbm>>)
    %dma_start3A_64 = arith.constant 0 : i32
    %dma_start3A_65 = arith.constant 0 : i32
    %dma_start3A_66 = arith.constant 0 : i32
    %dma_start3A_67 = tpu.memref_slice %arg11[%dma_start3A_65, %dma_start3A_66] : memref<128x32xf32, #tpu.memory_space<vmem>> -> memref<68x32xf32, #tpu.memory_space<vmem>>
    %dma_start3A_68 = arith.constant 0 : i32
    %dma_start3A_69 = tpu.memref_slice %arg7[%dma_start3A_64, %dma_start3A_68] : memref<1x68xi32, #tpu.memory_space<vmem>> -> memref<1x68xi32, #tpu.memory_space<vmem>>
    %dma_start3A_70 = tpu.memref_squeeze %dma_start3A_69 : memref<1x68xi32, #tpu.memory_space<vmem>> -> memref<68xi32, #tpu.memory_space<vmem>>
    %dma_start3A_71 = arith.constant 0 : i32
    %dma_start3A_72 = arith.constant 0 : i32
    %dma_start3A_73 = tpu.memref_slice %arg2[%dma_start3A_71, %dma_start3A_72] : memref<10000x32xf32, #tpu.memory_space<hbm>> -> memref<10000x32xf32, #tpu.memory_space<hbm>>
    tpu.enqueue_indirect_dma source(%dma_start3A_73 : memref<10000x32xf32, #tpu.memory_space<hbm>>) target(%dma_start3A_67 : memref<68x32xf32, #tpu.memory_space<vmem>>) offsets(%dma_start3A_70 : memref<68xi32, #tpu.memory_space<vmem>>) semaphore(%arg17 : memref<!tpu.dma_semaphore, #tpu.memory_space<semaphore_mem>>)
    %dma_wait3A_74 = arith.constant 0 : i32
    %dma_wait3A_75 = arith.constant 0 : i32
    %dma_wait3A_76 = arith.constant 0 : i32
    %dma_wait3A_77 = tpu.memref_slice %arg11[%dma_wait3A_75, %dma_wait3A_76] : memref<128x32xf32, #tpu.memory_space<vmem>> -> memref<68x32xf32, #tpu.memory_space<vmem>>
    %dma_wait3A_78 = arith.constant 0 : i32
    %dma_wait3A_79 = tpu.memref_slice %arg7[%dma_wait3A_74, %dma_wait3A_78] : memref<1x68xi32, #tpu.memory_space<vmem>> -> memref<1x68xi32, #tpu.memory_space<vmem>>
    %dma_wait3A_80 = tpu.memref_squeeze %dma_wait3A_79 : memref<1x68xi32, #tpu.memory_space<vmem>> -> memref<68xi32, #tpu.memory_space<vmem>>
    %dma_wait3A_81 = arith.constant 0 : i32
    %dma_wait3A_82 = arith.constant 0 : i32
    %dma_wait3A_83 = tpu.memref_slice %arg2[%dma_wait3A_81, %dma_wait3A_82] : memref<10000x32xf32, #tpu.memory_space<hbm>> -> memref<10000x32xf32, #tpu.memory_space<hbm>>
    tpu.wait_indirect_dma semaphore(%arg17 : memref<!tpu.dma_semaphore, #tpu.memory_space<semaphore_mem>>) src(%dma_wait3A_83 : memref<10000x32xf32, #tpu.memory_space<hbm>>) dst(%dma_wait3A_77 : memref<68x32xf32, #tpu.memory_space<vmem>>)
    %add3A_84 = arith.constant 2432 : i32
    %add3A_85 = arith.addi %mul3A_2, %add3A_84 : i32
    "tpu.region"() ({
      %run_scoped3A = tpu.sem_alloc : memref<!tpu.dma_semaphore, #tpu.memory_space<semaphore_mem>>
      %dma_start3A_86 = arith.constant 0 : i32
      %dma_start3A_87 = arith.constant 0 : i32
      %dma_start3A_88 = tpu.memref_slice %arg11[%dma_start3A_86, %dma_start3A_87] : memref<128x32xf32, #tpu.memory_space<vmem>> -> memref<68x32xf32, #tpu.memory_space<vmem>>
      %dma_start3A_89 = arith.constant 0 : i32
      %dma_start3A_90 = tpu.memref_slice %arg5[%add3A_85, %dma_start3A_89] : memref<80000x32xf32, #tpu.memory_space<hbm>> -> memref<68x32xf32, #tpu.memory_space<hbm>>
      %dma_start3A_91 = arith.constant 0 : i32
      %dma_start3A_92 = tpu.memref_slice %arg5[%add3A_85, %dma_start3A_91] : memref<80000x32xf32, #tpu.memory_space<hbm>> -> memref<68x32xf32, #tpu.memory_space<hbm>>
      %dma_start3A_93 = arith.constant 0 : i32
      %dma_start3A_94 = arith.constant 0 : i32
      %dma_start3A_95 = tpu.memref_slice %arg11[%dma_start3A_93, %dma_start3A_94] : memref<128x32xf32, #tpu.memory_space<vmem>> -> memref<68x32xf32, #tpu.memory_space<vmem>>
      tpu.enqueue_dma source(%dma_start3A_95 : memref<68x32xf32, #tpu.memory_space<vmem>>) target(%dma_start3A_92 : memref<68x32xf32, #tpu.memory_space<hbm>>) target_semaphore(%run_scoped3A : memref<!tpu.dma_semaphore, #tpu.memory_space<semaphore_mem>>)
      %dma_wait3A_96 = arith.constant 0 : i32
      %dma_wait3A_97 = arith.constant 0 : i32
      %dma_wait3A_98 = tpu.memref_slice %arg11[%dma_wait3A_96, %dma_wait3A_97] : memref<128x32xf32, #tpu.memory_space<vmem>> -> memref<68x32xf32, #tpu.memory_space<vmem>>
      %dma_wait3A_99 = arith.constant 0 : i32
      %dma_wait3A_100 = tpu.memref_slice %arg5[%add3A_85, %dma_wait3A_99] : memref<80000x32xf32, #tpu.memory_space<hbm>> -> memref<68x32xf32, #tpu.memory_space<hbm>>
      %dma_wait3A_101 = arith.constant 0 : i32
      %dma_wait3A_102 = tpu.memref_slice %arg5[%add3A_85, %dma_wait3A_101] : memref<80000x32xf32, #tpu.memory_space<hbm>> -> memref<68x32xf32, #tpu.memory_space<hbm>>
      %dma_wait3A_103 = arith.constant 0 : i32
      %dma_wait3A_104 = arith.constant 0 : i32
      %dma_wait3A_105 = tpu.memref_slice %arg11[%dma_wait3A_103, %dma_wait3A_104] : memref<128x32xf32, #tpu.memory_space<vmem>> -> memref<68x32xf32, #tpu.memory_space<vmem>>
      tpu.wait_dma2 semaphore(%run_scoped3A : memref<!tpu.dma_semaphore, #tpu.memory_space<semaphore_mem>>) src(%dma_wait3A_105 : memref<68x32xf32, #tpu.memory_space<vmem>>) dst(%dma_wait3A_102 : memref<68x32xf32, #tpu.memory_space<hbm>>)
      tpu.yield
    }) : () -> ()
    return
  }
}

#map = affine_map<(d0, d1) -> (0, 0)>
#map1 = affine_map<(d0, d1) -> (0, 0, 0)>
module attributes {stable_mosaic.version = 14 : i64} {
  func.func @k(%arg0: i32, %arg1: i32, %arg2: memref<80000x128xf32, #tpu.memory_space<hbm>>, %arg3: memref<32x19x128xi32, #tpu.memory_space<hbm>>, %arg4: memref<32x1x68xi32, #tpu.memory_space<hbm>>, %arg5: memref<20000x48xf32, #tpu.memory_space<hbm>>, %arg6: memref<20000x48xf32, #tpu.memory_space<hbm>>, %arg7: memref<19x128xi32, #tpu.memory_space<vmem>>, %arg8: memref<1x68xi32, #tpu.memory_space<vmem>>, %arg9: memref<128x48xf32, #tpu.memory_space<vmem>>, %arg10: memref<128x48xf32, #tpu.memory_space<vmem>>, %arg11: memref<128x48xf32, #tpu.memory_space<vmem>>, %arg12: memref<128x48xf32, #tpu.memory_space<vmem>>, %arg13: memref<128x48xf32, #tpu.memory_space<vmem>>, %arg14: memref<128x48xf32, #tpu.memory_space<vmem>>, %arg15: memref<!tpu.dma_semaphore, #tpu.memory_space<semaphore_mem>>, %arg16: memref<!tpu.dma_semaphore, #tpu.memory_space<semaphore_mem>>, %arg17: memref<!tpu.dma_semaphore, #tpu.memory_space<semaphore_mem>>, %arg18: memref<!tpu.dma_semaphore, #tpu.memory_space<semaphore_mem>>, %arg19: memref<!tpu.dma_semaphore, #tpu.memory_space<semaphore_mem>>, %arg20: memref<!tpu.dma_semaphore, #tpu.memory_space<semaphore_mem>>, %arg21: memref<!tpu.dma_semaphore, #tpu.memory_space<semaphore_mem>>, %arg22: memref<!tpu.dma_semaphore, #tpu.memory_space<semaphore_mem>>, %arg23: memref<!tpu.dma_semaphore, #tpu.memory_space<semaphore_mem>>, %arg24: memref<!tpu.dma_semaphore, #tpu.memory_space<semaphore_mem>>, %arg25: memref<!tpu.dma_semaphore, #tpu.memory_space<semaphore_mem>>, %arg26: memref<!tpu.dma_semaphore, #tpu.memory_space<semaphore_mem>>, %arg27: memref<!tpu.dma_semaphore, #tpu.memory_space<semaphore_mem>>, %arg28: memref<10000x48xf32, #tpu.memory_space<vmem_shared>>) attributes {dimension_semantics = [#tpu.dimension_semantics<core_parallel>, #tpu.dimension_semantics<subcore_parallel>], iteration_bounds = array<i64: 2, 16>, scalar_prefetch = 0 : i64, scratch_operands = 22 : i64, tpu.core_type = #tpu.core_type<sc_vector_subcore>, window_params = [{transform_indices = #map}, {transform_indices = #map1}, {transform_indices = #map1}, {transform_indices = #map}, {transform_indices = #map}]} {
    %mul3A = arith.constant 2 : i32
    %mul3A_0 = arith.muli %arg1, %mul3A : i32
    %add3A = arith.addi %mul3A_0, %arg0 : i32
    %mul3A_1 = arith.constant 2500 : i32
    %mul3A_2 = arith.muli %add3A, %mul3A_1 : i32
    %lt3A = arith.constant 10 : i32
    %lt3A_3 = arith.cmpi slt, %arg1, %lt3A : i32
    %convert_element_type3A = arith.extui %lt3A_3 : i1 to i32
    %cond3A = arith.constant 0 : i32
    %cond3A_4 = arith.cmpi ne, %convert_element_type3A, %cond3A : i32
    scf.if %cond3A_4 {
      %mul3A_75 = arith.constant 10000 : i32
      %mul3A_76 = arith.muli %arg0, %mul3A_75 : i32
      %mul3A_77 = arith.constant 1000 : i32
      %mul3A_78 = arith.muli %arg1, %mul3A_77 : i32
      %add3A_79 = arith.addi %mul3A_76, %mul3A_78 : i32
      %mul3A_80 = arith.constant 1000 : i32
      %mul3A_81 = arith.muli %arg1, %mul3A_80 : i32
      %dma_start3A_82 = arith.constant 0 : i32
      %dma_start3A_83 = tpu.memref_slice %arg28[%mul3A_81, %dma_start3A_82] : memref<10000x48xf32, #tpu.memory_space<vmem_shared>> -> memref<1000x48xf32, #tpu.memory_space<vmem_shared>>
      %dma_start3A_84 = arith.constant 0 : i32
      %dma_start3A_85 = tpu.memref_slice %arg5[%add3A_79, %dma_start3A_84] : memref<20000x48xf32, #tpu.memory_space<hbm>> -> memref<1000x48xf32, #tpu.memory_space<hbm>>
      tpu.enqueue_dma source(%dma_start3A_85 : memref<1000x48xf32, #tpu.memory_space<hbm>>) target(%dma_start3A_83 : memref<1000x48xf32, #tpu.memory_space<vmem_shared>>) target_semaphore(%arg27 : memref<!tpu.dma_semaphore, #tpu.memory_space<semaphore_mem>>)
      %dma_wait3A_86 = arith.constant 0 : i32
      %dma_wait3A_87 = tpu.memref_slice %arg28[%mul3A_81, %dma_wait3A_86] : memref<10000x48xf32, #tpu.memory_space<vmem_shared>> -> memref<1000x48xf32, #tpu.memory_space<vmem_shared>>
      %dma_wait3A_88 = arith.constant 0 : i32
      %dma_wait3A_89 = tpu.memref_slice %arg5[%add3A_79, %dma_wait3A_88] : memref<20000x48xf32, #tpu.memory_space<hbm>> -> memref<1000x48xf32, #tpu.memory_space<hbm>>
      tpu.wait_dma2 semaphore(%arg27 : memref<!tpu.dma_semaphore, #tpu.memory_space<semaphore_mem>>) src(%dma_wait3A_89 : memref<1000x48xf32, #tpu.memory_space<hbm>>) dst(%dma_wait3A_87 : memref<1000x48xf32, #tpu.memory_space<vmem_shared>>)
    } else {
    }
    "tpu.region"() ({
      %run_scoped3A_75 = tpu.sem_alloc : memref<!tpu.dma_semaphore, #tpu.memory_space<semaphore_mem>>
      %dma_start3A_76 = arith.constant 0 : i32
      %dma_start3A_77 = arith.constant 0 : i32
      %dma_start3A_78 = tpu.memref_slice %arg3[%add3A, %dma_start3A_76, %dma_start3A_77] : memref<32x19x128xi32, #tpu.memory_space<hbm>> -> memref<1x19x128xi32, #tpu.memory_space<hbm>>
      %dma_start3A_79 = tpu.memref_squeeze %dma_start3A_78 : memref<1x19x128xi32, #tpu.memory_space<hbm>> -> memref<19x128xi32, #tpu.memory_space<hbm>>
      %dma_start3A_80 = arith.constant 0 : i32
      %dma_start3A_81 = arith.constant 0 : i32
      %dma_start3A_82 = tpu.memref_slice %arg3[%add3A, %dma_start3A_80, %dma_start3A_81] : memref<32x19x128xi32, #tpu.memory_space<hbm>> -> memref<1x19x128xi32, #tpu.memory_space<hbm>>
      %dma_start3A_83 = tpu.memref_squeeze %dma_start3A_82 : memref<1x19x128xi32, #tpu.memory_space<hbm>> -> memref<19x128xi32, #tpu.memory_space<hbm>>
      tpu.enqueue_dma source(%dma_start3A_83 : memref<19x128xi32, #tpu.memory_space<hbm>>) target(%arg7 : memref<19x128xi32, #tpu.memory_space<vmem>>) target_semaphore(%run_scoped3A_75 : memref<!tpu.dma_semaphore, #tpu.memory_space<semaphore_mem>>)
      %dma_wait3A_84 = arith.constant 0 : i32
      %dma_wait3A_85 = arith.constant 0 : i32
      %dma_wait3A_86 = tpu.memref_slice %arg3[%add3A, %dma_wait3A_84, %dma_wait3A_85] : memref<32x19x128xi32, #tpu.memory_space<hbm>> -> memref<1x19x128xi32, #tpu.memory_space<hbm>>
      %dma_wait3A_87 = tpu.memref_squeeze %dma_wait3A_86 : memref<1x19x128xi32, #tpu.memory_space<hbm>> -> memref<19x128xi32, #tpu.memory_space<hbm>>
      %dma_wait3A_88 = arith.constant 0 : i32
      %dma_wait3A_89 = arith.constant 0 : i32
      %dma_wait3A_90 = tpu.memref_slice %arg3[%add3A, %dma_wait3A_88, %dma_wait3A_89] : memref<32x19x128xi32, #tpu.memory_space<hbm>> -> memref<1x19x128xi32, #tpu.memory_space<hbm>>
      %dma_wait3A_91 = tpu.memref_squeeze %dma_wait3A_90 : memref<1x19x128xi32, #tpu.memory_space<hbm>> -> memref<19x128xi32, #tpu.memory_space<hbm>>
      tpu.wait_dma2 semaphore(%run_scoped3A_75 : memref<!tpu.dma_semaphore, #tpu.memory_space<semaphore_mem>>) src(%dma_wait3A_91 : memref<19x128xi32, #tpu.memory_space<hbm>>) dst(%arg7 : memref<19x128xi32, #tpu.memory_space<vmem>>)
      tpu.yield
    }) : () -> ()
    "tpu.region"() ({
      %run_scoped3A_75 = tpu.sem_alloc : memref<!tpu.dma_semaphore, #tpu.memory_space<semaphore_mem>>
      %dma_start3A_76 = arith.constant 0 : i32
      %dma_start3A_77 = arith.constant 0 : i32
      %dma_start3A_78 = tpu.memref_slice %arg4[%add3A, %dma_start3A_76, %dma_start3A_77] : memref<32x1x68xi32, #tpu.memory_space<hbm>> -> memref<1x1x68xi32, #tpu.memory_space<hbm>>
      %dma_start3A_79 = tpu.memref_squeeze %dma_start3A_78 : memref<1x1x68xi32, #tpu.memory_space<hbm>> -> memref<1x68xi32, #tpu.memory_space<hbm>>
      %dma_start3A_80 = arith.constant 0 : i32
      %dma_start3A_81 = arith.constant 0 : i32
      %dma_start3A_82 = tpu.memref_slice %arg4[%add3A, %dma_start3A_80, %dma_start3A_81] : memref<32x1x68xi32, #tpu.memory_space<hbm>> -> memref<1x1x68xi32, #tpu.memory_space<hbm>>
      %dma_start3A_83 = tpu.memref_squeeze %dma_start3A_82 : memref<1x1x68xi32, #tpu.memory_space<hbm>> -> memref<1x68xi32, #tpu.memory_space<hbm>>
      tpu.enqueue_dma source(%dma_start3A_83 : memref<1x68xi32, #tpu.memory_space<hbm>>) target(%arg8 : memref<1x68xi32, #tpu.memory_space<vmem>>) target_semaphore(%run_scoped3A_75 : memref<!tpu.dma_semaphore, #tpu.memory_space<semaphore_mem>>)
      %dma_wait3A_84 = arith.constant 0 : i32
      %dma_wait3A_85 = arith.constant 0 : i32
      %dma_wait3A_86 = tpu.memref_slice %arg4[%add3A, %dma_wait3A_84, %dma_wait3A_85] : memref<32x1x68xi32, #tpu.memory_space<hbm>> -> memref<1x1x68xi32, #tpu.memory_space<hbm>>
      %dma_wait3A_87 = tpu.memref_squeeze %dma_wait3A_86 : memref<1x1x68xi32, #tpu.memory_space<hbm>> -> memref<1x68xi32, #tpu.memory_space<hbm>>
      %dma_wait3A_88 = arith.constant 0 : i32
      %dma_wait3A_89 = arith.constant 0 : i32
      %dma_wait3A_90 = tpu.memref_slice %arg4[%add3A, %dma_wait3A_88, %dma_wait3A_89] : memref<32x1x68xi32, #tpu.memory_space<hbm>> -> memref<1x1x68xi32, #tpu.memory_space<hbm>>
      %dma_wait3A_91 = tpu.memref_squeeze %dma_wait3A_90 : memref<1x1x68xi32, #tpu.memory_space<hbm>> -> memref<1x68xi32, #tpu.memory_space<hbm>>
      tpu.wait_dma2 semaphore(%run_scoped3A_75 : memref<!tpu.dma_semaphore, #tpu.memory_space<semaphore_mem>>) src(%dma_wait3A_91 : memref<1x68xi32, #tpu.memory_space<hbm>>) dst(%arg8 : memref<1x68xi32, #tpu.memory_space<vmem>>)
      tpu.yield
    }) : () -> ()
    %barrier3A = arith.constant 0 : index
    tpu.barrier barrier_id(%barrier3A)
    %add3A_5 = arith.constant 0 : i32
    %add3A_6 = arith.addi %mul3A_2, %add3A_5 : i32
    %dma_start3A = arith.constant 0 : i32
    %dma_start3A_7 = tpu.memref_slice %arg2[%add3A_6, %dma_start3A] : memref<80000x128xf32, #tpu.memory_space<hbm>> -> memref<128x48xf32, #tpu.memory_space<hbm>>
    %dma_start3A_8 = arith.constant 0 : i32
    %dma_start3A_9 = tpu.memref_slice %arg2[%add3A_6, %dma_start3A_8] : memref<80000x128xf32, #tpu.memory_space<hbm>> -> memref<128x48xf32, #tpu.memory_space<hbm>>
    tpu.enqueue_dma source(%dma_start3A_9 : memref<128x48xf32, #tpu.memory_space<hbm>>) target(%arg9 : memref<128x48xf32, #tpu.memory_space<vmem>>) target_semaphore(%arg15 : memref<!tpu.dma_semaphore, #tpu.memory_space<semaphore_mem>>)
    %add3A_10 = arith.constant 128 : i32
    %add3A_11 = arith.addi %mul3A_2, %add3A_10 : i32
    %dma_start3A_12 = arith.constant 0 : i32
    %dma_start3A_13 = tpu.memref_slice %arg2[%add3A_11, %dma_start3A_12] : memref<80000x128xf32, #tpu.memory_space<hbm>> -> memref<128x48xf32, #tpu.memory_space<hbm>>
    %dma_start3A_14 = arith.constant 0 : i32
    %dma_start3A_15 = tpu.memref_slice %arg2[%add3A_11, %dma_start3A_14] : memref<80000x128xf32, #tpu.memory_space<hbm>> -> memref<128x48xf32, #tpu.memory_space<hbm>>
    tpu.enqueue_dma source(%dma_start3A_15 : memref<128x48xf32, #tpu.memory_space<hbm>>) target(%arg10 : memref<128x48xf32, #tpu.memory_space<vmem>>) target_semaphore(%arg16 : memref<!tpu.dma_semaphore, #tpu.memory_space<semaphore_mem>>)
    %add3A_16 = arith.constant 256 : i32
    %add3A_17 = arith.addi %mul3A_2, %add3A_16 : i32
    %dma_start3A_18 = arith.constant 0 : i32
    %dma_start3A_19 = tpu.memref_slice %arg2[%add3A_17, %dma_start3A_18] : memref<80000x128xf32, #tpu.memory_space<hbm>> -> memref<128x48xf32, #tpu.memory_space<hbm>>
    %dma_start3A_20 = arith.constant 0 : i32
    %dma_start3A_21 = tpu.memref_slice %arg2[%add3A_17, %dma_start3A_20] : memref<80000x128xf32, #tpu.memory_space<hbm>> -> memref<128x48xf32, #tpu.memory_space<hbm>>
    tpu.enqueue_dma source(%dma_start3A_21 : memref<128x48xf32, #tpu.memory_space<hbm>>) target(%arg11 : memref<128x48xf32, #tpu.memory_space<vmem>>) target_semaphore(%arg17 : memref<!tpu.dma_semaphore, #tpu.memory_space<semaphore_mem>>)
    %scan3A = arith.constant 0 : i32
    %scan3A_22 = arith.constant 0 : i32
    %scan3A_23 = arith.constant 3 : i32
    %scan3A_24 = arith.addi %scan3A_22, %scan3A_23 : i32
    %scan3A_25 = arith.constant 1 : i32
    scf.for %scan3A_75 = %scan3A_22 to %scan3A_24 step %scan3A_25  : i32 {
      %mul3A_76 = arith.constant 6 : i32
      %mul3A_77 = arith.muli %scan3A_75, %mul3A_76 : i32
      %add3A_78 = arith.constant 0 : i32
      %add3A_79 = arith.addi %mul3A_77, %add3A_78 : i32
      %ge3A = arith.constant 3 : i32
      %ge3A_80 = arith.cmpi sge, %add3A_79, %ge3A : i32
      %convert_element_type3A_81 = arith.extui %ge3A_80 : i1 to i32
      %cond3A_82 = arith.constant 0 : i32
      %cond3A_83 = arith.cmpi ne, %convert_element_type3A_81, %cond3A_82 : i32
      scf.if %cond3A_83 {
        %sub3A = arith.constant 3 : i32
        %sub3A_249 = arith.subi %add3A_79, %sub3A : i32
        %dma_wait3A_250 = arith.constant 0 : i32
        %dma_wait3A_251 = tpu.memref_slice %arg7[%sub3A_249, %dma_wait3A_250] : memref<19x128xi32, #tpu.memory_space<vmem>> -> memref<1x128xi32, #tpu.memory_space<vmem>>
        %dma_wait3A_252 = tpu.memref_squeeze %dma_wait3A_251 : memref<1x128xi32, #tpu.memory_space<vmem>> -> memref<128xi32, #tpu.memory_space<vmem>>
        %dma_wait3A_253 = arith.constant 0 : i32
        %dma_wait3A_254 = arith.constant 0 : i32
        %dma_wait3A_255 = tpu.memref_slice %arg28[%dma_wait3A_253, %dma_wait3A_254] : memref<10000x48xf32, #tpu.memory_space<vmem_shared>> -> memref<10000x48xf32, #tpu.memory_space<vmem_shared>>
        tpu.wait_indirect_dma semaphore(%arg24 : memref<!tpu.dma_semaphore, #tpu.memory_space<semaphore_mem>>) src(%arg12 : memref<128x48xf32, #tpu.memory_space<vmem>>) dst(%dma_wait3A_255 : memref<10000x48xf32, #tpu.memory_space<vmem_shared>>)
      } else {
      }
      %add3A_84 = arith.constant 3 : i32
      %add3A_85 = arith.addi %add3A_79, %add3A_84 : i32
      %lt3A_86 = arith.constant 19 : i32
      %lt3A_87 = arith.cmpi slt, %add3A_85, %lt3A_86 : i32
      %convert_element_type3A_88 = arith.extui %lt3A_87 : i1 to i32
      %cond3A_89 = arith.constant 0 : i32
      %cond3A_90 = arith.cmpi ne, %convert_element_type3A_88, %cond3A_89 : i32
      scf.if %cond3A_90 {
        %add3A_249 = arith.constant 3 : i32
        %add3A_250 = arith.addi %add3A_79, %add3A_249 : i32
        %mul3A_251 = arith.constant 128 : i32
        %mul3A_252 = arith.muli %add3A_250, %mul3A_251 : i32
        %add3A_253 = arith.addi %mul3A_2, %mul3A_252 : i32
        %dma_start3A_254 = arith.constant 0 : i32
        %dma_start3A_255 = tpu.memref_slice %arg2[%add3A_253, %dma_start3A_254] : memref<80000x128xf32, #tpu.memory_space<hbm>> -> memref<128x48xf32, #tpu.memory_space<hbm>>
        %dma_start3A_256 = arith.constant 0 : i32
        %dma_start3A_257 = tpu.memref_slice %arg2[%add3A_253, %dma_start3A_256] : memref<80000x128xf32, #tpu.memory_space<hbm>> -> memref<128x48xf32, #tpu.memory_space<hbm>>
        tpu.enqueue_dma source(%dma_start3A_257 : memref<128x48xf32, #tpu.memory_space<hbm>>) target(%arg12 : memref<128x48xf32, #tpu.memory_space<vmem>>) target_semaphore(%arg18 : memref<!tpu.dma_semaphore, #tpu.memory_space<semaphore_mem>>)
      } else {
      }
      %mul3A_91 = arith.constant 128 : i32
      %mul3A_92 = arith.muli %add3A_79, %mul3A_91 : i32
      %add3A_93 = arith.addi %mul3A_2, %mul3A_92 : i32
      %dma_wait3A_94 = arith.constant 0 : i32
      %dma_wait3A_95 = tpu.memref_slice %arg2[%add3A_93, %dma_wait3A_94] : memref<80000x128xf32, #tpu.memory_space<hbm>> -> memref<128x48xf32, #tpu.memory_space<hbm>>
      %dma_wait3A_96 = arith.constant 0 : i32
      %dma_wait3A_97 = tpu.memref_slice %arg2[%add3A_93, %dma_wait3A_96] : memref<80000x128xf32, #tpu.memory_space<hbm>> -> memref<128x48xf32, #tpu.memory_space<hbm>>
      tpu.wait_dma2 semaphore(%arg15 : memref<!tpu.dma_semaphore, #tpu.memory_space<semaphore_mem>>) src(%dma_wait3A_97 : memref<128x48xf32, #tpu.memory_space<hbm>>) dst(%arg9 : memref<128x48xf32, #tpu.memory_space<vmem>>)
      %dma_start3A_98 = arith.constant 0 : i32
      %dma_start3A_99 = tpu.memref_slice %arg7[%add3A_79, %dma_start3A_98] : memref<19x128xi32, #tpu.memory_space<vmem>> -> memref<1x128xi32, #tpu.memory_space<vmem>>
      %dma_start3A_100 = tpu.memref_squeeze %dma_start3A_99 : memref<1x128xi32, #tpu.memory_space<vmem>> -> memref<128xi32, #tpu.memory_space<vmem>>
      %dma_start3A_101 = arith.constant 0 : i32
      %dma_start3A_102 = arith.constant 0 : i32
      %dma_start3A_103 = tpu.memref_slice %arg28[%dma_start3A_101, %dma_start3A_102] : memref<10000x48xf32, #tpu.memory_space<vmem_shared>> -> memref<10000x48xf32, #tpu.memory_space<vmem_shared>>
      tpu.enqueue_indirect_dma source(%arg9 : memref<128x48xf32, #tpu.memory_space<vmem>>) target(%dma_start3A_103 : memref<10000x48xf32, #tpu.memory_space<vmem_shared>>) offsets(%dma_start3A_100 : memref<128xi32, #tpu.memory_space<vmem>>) semaphore(%arg21 : memref<!tpu.dma_semaphore, #tpu.memory_space<semaphore_mem>>) {add = true}
      %mul3A_104 = arith.constant 6 : i32
      %mul3A_105 = arith.muli %scan3A_75, %mul3A_104 : i32
      %add3A_106 = arith.constant 1 : i32
      %add3A_107 = arith.addi %mul3A_105, %add3A_106 : i32
      %ge3A_108 = arith.constant 3 : i32
      %ge3A_109 = arith.cmpi sge, %add3A_107, %ge3A_108 : i32
      %convert_element_type3A_110 = arith.extui %ge3A_109 : i1 to i32
      %cond3A_111 = arith.constant 0 : i32
      %cond3A_112 = arith.cmpi ne, %convert_element_type3A_110, %cond3A_111 : i32
      scf.if %cond3A_112 {
        %sub3A = arith.constant 3 : i32
        %sub3A_249 = arith.subi %add3A_107, %sub3A : i32
        %dma_wait3A_250 = arith.constant 0 : i32
        %dma_wait3A_251 = tpu.memref_slice %arg7[%sub3A_249, %dma_wait3A_250] : memref<19x128xi32, #tpu.memory_space<vmem>> -> memref<1x128xi32, #tpu.memory_space<vmem>>
        %dma_wait3A_252 = tpu.memref_squeeze %dma_wait3A_251 : memref<1x128xi32, #tpu.memory_space<vmem>> -> memref<128xi32, #tpu.memory_space<vmem>>
        %dma_wait3A_253 = arith.constant 0 : i32
        %dma_wait3A_254 = arith.constant 0 : i32
        %dma_wait3A_255 = tpu.memref_slice %arg28[%dma_wait3A_253, %dma_wait3A_254] : memref<10000x48xf32, #tpu.memory_space<vmem_shared>> -> memref<10000x48xf32, #tpu.memory_space<vmem_shared>>
        tpu.wait_indirect_dma semaphore(%arg25 : memref<!tpu.dma_semaphore, #tpu.memory_space<semaphore_mem>>) src(%arg13 : memref<128x48xf32, #tpu.memory_space<vmem>>) dst(%dma_wait3A_255 : memref<10000x48xf32, #tpu.memory_space<vmem_shared>>)
      } else {
      }
      %add3A_113 = arith.constant 3 : i32
      %add3A_114 = arith.addi %add3A_107, %add3A_113 : i32
      %lt3A_115 = arith.constant 19 : i32
      %lt3A_116 = arith.cmpi slt, %add3A_114, %lt3A_115 : i32
      %convert_element_type3A_117 = arith.extui %lt3A_116 : i1 to i32
      %cond3A_118 = arith.constant 0 : i32
      %cond3A_119 = arith.cmpi ne, %convert_element_type3A_117, %cond3A_118 : i32
      scf.if %cond3A_119 {
        %add3A_249 = arith.constant 3 : i32
        %add3A_250 = arith.addi %add3A_107, %add3A_249 : i32
        %mul3A_251 = arith.constant 128 : i32
        %mul3A_252 = arith.muli %add3A_250, %mul3A_251 : i32
        %add3A_253 = arith.addi %mul3A_2, %mul3A_252 : i32
        %dma_start3A_254 = arith.constant 0 : i32
        %dma_start3A_255 = tpu.memref_slice %arg2[%add3A_253, %dma_start3A_254] : memref<80000x128xf32, #tpu.memory_space<hbm>> -> memref<128x48xf32, #tpu.memory_space<hbm>>
        %dma_start3A_256 = arith.constant 0 : i32
        %dma_start3A_257 = tpu.memref_slice %arg2[%add3A_253, %dma_start3A_256] : memref<80000x128xf32, #tpu.memory_space<hbm>> -> memref<128x48xf32, #tpu.memory_space<hbm>>
        tpu.enqueue_dma source(%dma_start3A_257 : memref<128x48xf32, #tpu.memory_space<hbm>>) target(%arg13 : memref<128x48xf32, #tpu.memory_space<vmem>>) target_semaphore(%arg19 : memref<!tpu.dma_semaphore, #tpu.memory_space<semaphore_mem>>)
      } else {
      }
      %mul3A_120 = arith.constant 128 : i32
      %mul3A_121 = arith.muli %add3A_107, %mul3A_120 : i32
      %add3A_122 = arith.addi %mul3A_2, %mul3A_121 : i32
      %dma_wait3A_123 = arith.constant 0 : i32
      %dma_wait3A_124 = tpu.memref_slice %arg2[%add3A_122, %dma_wait3A_123] : memref<80000x128xf32, #tpu.memory_space<hbm>> -> memref<128x48xf32, #tpu.memory_space<hbm>>
      %dma_wait3A_125 = arith.constant 0 : i32
      %dma_wait3A_126 = tpu.memref_slice %arg2[%add3A_122, %dma_wait3A_125] : memref<80000x128xf32, #tpu.memory_space<hbm>> -> memref<128x48xf32, #tpu.memory_space<hbm>>
      tpu.wait_dma2 semaphore(%arg16 : memref<!tpu.dma_semaphore, #tpu.memory_space<semaphore_mem>>) src(%dma_wait3A_126 : memref<128x48xf32, #tpu.memory_space<hbm>>) dst(%arg10 : memref<128x48xf32, #tpu.memory_space<vmem>>)
      %dma_start3A_127 = arith.constant 0 : i32
      %dma_start3A_128 = tpu.memref_slice %arg7[%add3A_107, %dma_start3A_127] : memref<19x128xi32, #tpu.memory_space<vmem>> -> memref<1x128xi32, #tpu.memory_space<vmem>>
      %dma_start3A_129 = tpu.memref_squeeze %dma_start3A_128 : memref<1x128xi32, #tpu.memory_space<vmem>> -> memref<128xi32, #tpu.memory_space<vmem>>
      %dma_start3A_130 = arith.constant 0 : i32
      %dma_start3A_131 = arith.constant 0 : i32
      %dma_start3A_132 = tpu.memref_slice %arg28[%dma_start3A_130, %dma_start3A_131] : memref<10000x48xf32, #tpu.memory_space<vmem_shared>> -> memref<10000x48xf32, #tpu.memory_space<vmem_shared>>
      tpu.enqueue_indirect_dma source(%arg10 : memref<128x48xf32, #tpu.memory_space<vmem>>) target(%dma_start3A_132 : memref<10000x48xf32, #tpu.memory_space<vmem_shared>>) offsets(%dma_start3A_129 : memref<128xi32, #tpu.memory_space<vmem>>) semaphore(%arg22 : memref<!tpu.dma_semaphore, #tpu.memory_space<semaphore_mem>>) {add = true}
      %mul3A_133 = arith.constant 6 : i32
      %mul3A_134 = arith.muli %scan3A_75, %mul3A_133 : i32
      %add3A_135 = arith.constant 2 : i32
      %add3A_136 = arith.addi %mul3A_134, %add3A_135 : i32
      %ge3A_137 = arith.constant 3 : i32
      %ge3A_138 = arith.cmpi sge, %add3A_136, %ge3A_137 : i32
      %convert_element_type3A_139 = arith.extui %ge3A_138 : i1 to i32
      %cond3A_140 = arith.constant 0 : i32
      %cond3A_141 = arith.cmpi ne, %convert_element_type3A_139, %cond3A_140 : i32
      scf.if %cond3A_141 {
        %sub3A = arith.constant 3 : i32
        %sub3A_249 = arith.subi %add3A_136, %sub3A : i32
        %dma_wait3A_250 = arith.constant 0 : i32
        %dma_wait3A_251 = tpu.memref_slice %arg7[%sub3A_249, %dma_wait3A_250] : memref<19x128xi32, #tpu.memory_space<vmem>> -> memref<1x128xi32, #tpu.memory_space<vmem>>
        %dma_wait3A_252 = tpu.memref_squeeze %dma_wait3A_251 : memref<1x128xi32, #tpu.memory_space<vmem>> -> memref<128xi32, #tpu.memory_space<vmem>>
        %dma_wait3A_253 = arith.constant 0 : i32
        %dma_wait3A_254 = arith.constant 0 : i32
        %dma_wait3A_255 = tpu.memref_slice %arg28[%dma_wait3A_253, %dma_wait3A_254] : memref<10000x48xf32, #tpu.memory_space<vmem_shared>> -> memref<10000x48xf32, #tpu.memory_space<vmem_shared>>
        tpu.wait_indirect_dma semaphore(%arg26 : memref<!tpu.dma_semaphore, #tpu.memory_space<semaphore_mem>>) src(%arg14 : memref<128x48xf32, #tpu.memory_space<vmem>>) dst(%dma_wait3A_255 : memref<10000x48xf32, #tpu.memory_space<vmem_shared>>)
      } else {
      }
      %add3A_142 = arith.constant 3 : i32
      %add3A_143 = arith.addi %add3A_136, %add3A_142 : i32
      %lt3A_144 = arith.constant 19 : i32
      %lt3A_145 = arith.cmpi slt, %add3A_143, %lt3A_144 : i32
      %convert_element_type3A_146 = arith.extui %lt3A_145 : i1 to i32
      %cond3A_147 = arith.constant 0 : i32
      %cond3A_148 = arith.cmpi ne, %convert_element_type3A_146, %cond3A_147 : i32
      scf.if %cond3A_148 {
        %add3A_249 = arith.constant 3 : i32
        %add3A_250 = arith.addi %add3A_136, %add3A_249 : i32
        %mul3A_251 = arith.constant 128 : i32
        %mul3A_252 = arith.muli %add3A_250, %mul3A_251 : i32
        %add3A_253 = arith.addi %mul3A_2, %mul3A_252 : i32
        %dma_start3A_254 = arith.constant 0 : i32
        %dma_start3A_255 = tpu.memref_slice %arg2[%add3A_253, %dma_start3A_254] : memref<80000x128xf32, #tpu.memory_space<hbm>> -> memref<128x48xf32, #tpu.memory_space<hbm>>
        %dma_start3A_256 = arith.constant 0 : i32
        %dma_start3A_257 = tpu.memref_slice %arg2[%add3A_253, %dma_start3A_256] : memref<80000x128xf32, #tpu.memory_space<hbm>> -> memref<128x48xf32, #tpu.memory_space<hbm>>
        tpu.enqueue_dma source(%dma_start3A_257 : memref<128x48xf32, #tpu.memory_space<hbm>>) target(%arg14 : memref<128x48xf32, #tpu.memory_space<vmem>>) target_semaphore(%arg20 : memref<!tpu.dma_semaphore, #tpu.memory_space<semaphore_mem>>)
      } else {
      }
      %mul3A_149 = arith.constant 128 : i32
      %mul3A_150 = arith.muli %add3A_136, %mul3A_149 : i32
      %add3A_151 = arith.addi %mul3A_2, %mul3A_150 : i32
      %dma_wait3A_152 = arith.constant 0 : i32
      %dma_wait3A_153 = tpu.memref_slice %arg2[%add3A_151, %dma_wait3A_152] : memref<80000x128xf32, #tpu.memory_space<hbm>> -> memref<128x48xf32, #tpu.memory_space<hbm>>
      %dma_wait3A_154 = arith.constant 0 : i32
      %dma_wait3A_155 = tpu.memref_slice %arg2[%add3A_151, %dma_wait3A_154] : memref<80000x128xf32, #tpu.memory_space<hbm>> -> memref<128x48xf32, #tpu.memory_space<hbm>>
      tpu.wait_dma2 semaphore(%arg17 : memref<!tpu.dma_semaphore, #tpu.memory_space<semaphore_mem>>) src(%dma_wait3A_155 : memref<128x48xf32, #tpu.memory_space<hbm>>) dst(%arg11 : memref<128x48xf32, #tpu.memory_space<vmem>>)
      %dma_start3A_156 = arith.constant 0 : i32
      %dma_start3A_157 = tpu.memref_slice %arg7[%add3A_136, %dma_start3A_156] : memref<19x128xi32, #tpu.memory_space<vmem>> -> memref<1x128xi32, #tpu.memory_space<vmem>>
      %dma_start3A_158 = tpu.memref_squeeze %dma_start3A_157 : memref<1x128xi32, #tpu.memory_space<vmem>> -> memref<128xi32, #tpu.memory_space<vmem>>
      %dma_start3A_159 = arith.constant 0 : i32
      %dma_start3A_160 = arith.constant 0 : i32
      %dma_start3A_161 = tpu.memref_slice %arg28[%dma_start3A_159, %dma_start3A_160] : memref<10000x48xf32, #tpu.memory_space<vmem_shared>> -> memref<10000x48xf32, #tpu.memory_space<vmem_shared>>
      tpu.enqueue_indirect_dma source(%arg11 : memref<128x48xf32, #tpu.memory_space<vmem>>) target(%dma_start3A_161 : memref<10000x48xf32, #tpu.memory_space<vmem_shared>>) offsets(%dma_start3A_158 : memref<128xi32, #tpu.memory_space<vmem>>) semaphore(%arg23 : memref<!tpu.dma_semaphore, #tpu.memory_space<semaphore_mem>>) {add = true}
      %mul3A_162 = arith.constant 6 : i32
      %mul3A_163 = arith.muli %scan3A_75, %mul3A_162 : i32
      %add3A_164 = arith.constant 3 : i32
      %add3A_165 = arith.addi %mul3A_163, %add3A_164 : i32
      %ge3A_166 = arith.constant 3 : i32
      %ge3A_167 = arith.cmpi sge, %add3A_165, %ge3A_166 : i32
      %convert_element_type3A_168 = arith.extui %ge3A_167 : i1 to i32
      %cond3A_169 = arith.constant 0 : i32
      %cond3A_170 = arith.cmpi ne, %convert_element_type3A_168, %cond3A_169 : i32
      scf.if %cond3A_170 {
        %sub3A = arith.constant 3 : i32
        %sub3A_249 = arith.subi %add3A_165, %sub3A : i32
        %dma_wait3A_250 = arith.constant 0 : i32
        %dma_wait3A_251 = tpu.memref_slice %arg7[%sub3A_249, %dma_wait3A_250] : memref<19x128xi32, #tpu.memory_space<vmem>> -> memref<1x128xi32, #tpu.memory_space<vmem>>
        %dma_wait3A_252 = tpu.memref_squeeze %dma_wait3A_251 : memref<1x128xi32, #tpu.memory_space<vmem>> -> memref<128xi32, #tpu.memory_space<vmem>>
        %dma_wait3A_253 = arith.constant 0 : i32
        %dma_wait3A_254 = arith.constant 0 : i32
        %dma_wait3A_255 = tpu.memref_slice %arg28[%dma_wait3A_253, %dma_wait3A_254] : memref<10000x48xf32, #tpu.memory_space<vmem_shared>> -> memref<10000x48xf32, #tpu.memory_space<vmem_shared>>
        tpu.wait_indirect_dma semaphore(%arg21 : memref<!tpu.dma_semaphore, #tpu.memory_space<semaphore_mem>>) src(%arg9 : memref<128x48xf32, #tpu.memory_space<vmem>>) dst(%dma_wait3A_255 : memref<10000x48xf32, #tpu.memory_space<vmem_shared>>)
      } else {
      }
      %add3A_171 = arith.constant 3 : i32
      %add3A_172 = arith.addi %add3A_165, %add3A_171 : i32
      %lt3A_173 = arith.constant 19 : i32
      %lt3A_174 = arith.cmpi slt, %add3A_172, %lt3A_173 : i32
      %convert_element_type3A_175 = arith.extui %lt3A_174 : i1 to i32
      %cond3A_176 = arith.constant 0 : i32
      %cond3A_177 = arith.cmpi ne, %convert_element_type3A_175, %cond3A_176 : i32
      scf.if %cond3A_177 {
        %add3A_249 = arith.constant 3 : i32
        %add3A_250 = arith.addi %add3A_165, %add3A_249 : i32
        %mul3A_251 = arith.constant 128 : i32
        %mul3A_252 = arith.muli %add3A_250, %mul3A_251 : i32
        %add3A_253 = arith.addi %mul3A_2, %mul3A_252 : i32
        %dma_start3A_254 = arith.constant 0 : i32
        %dma_start3A_255 = tpu.memref_slice %arg2[%add3A_253, %dma_start3A_254] : memref<80000x128xf32, #tpu.memory_space<hbm>> -> memref<128x48xf32, #tpu.memory_space<hbm>>
        %dma_start3A_256 = arith.constant 0 : i32
        %dma_start3A_257 = tpu.memref_slice %arg2[%add3A_253, %dma_start3A_256] : memref<80000x128xf32, #tpu.memory_space<hbm>> -> memref<128x48xf32, #tpu.memory_space<hbm>>
        tpu.enqueue_dma source(%dma_start3A_257 : memref<128x48xf32, #tpu.memory_space<hbm>>) target(%arg9 : memref<128x48xf32, #tpu.memory_space<vmem>>) target_semaphore(%arg15 : memref<!tpu.dma_semaphore, #tpu.memory_space<semaphore_mem>>)
      } else {
      }
      %mul3A_178 = arith.constant 128 : i32
      %mul3A_179 = arith.muli %add3A_165, %mul3A_178 : i32
      %add3A_180 = arith.addi %mul3A_2, %mul3A_179 : i32
      %dma_wait3A_181 = arith.constant 0 : i32
      %dma_wait3A_182 = tpu.memref_slice %arg2[%add3A_180, %dma_wait3A_181] : memref<80000x128xf32, #tpu.memory_space<hbm>> -> memref<128x48xf32, #tpu.memory_space<hbm>>
      %dma_wait3A_183 = arith.constant 0 : i32
      %dma_wait3A_184 = tpu.memref_slice %arg2[%add3A_180, %dma_wait3A_183] : memref<80000x128xf32, #tpu.memory_space<hbm>> -> memref<128x48xf32, #tpu.memory_space<hbm>>
      tpu.wait_dma2 semaphore(%arg18 : memref<!tpu.dma_semaphore, #tpu.memory_space<semaphore_mem>>) src(%dma_wait3A_184 : memref<128x48xf32, #tpu.memory_space<hbm>>) dst(%arg12 : memref<128x48xf32, #tpu.memory_space<vmem>>)
      %dma_start3A_185 = arith.constant 0 : i32
      %dma_start3A_186 = tpu.memref_slice %arg7[%add3A_165, %dma_start3A_185] : memref<19x128xi32, #tpu.memory_space<vmem>> -> memref<1x128xi32, #tpu.memory_space<vmem>>
      %dma_start3A_187 = tpu.memref_squeeze %dma_start3A_186 : memref<1x128xi32, #tpu.memory_space<vmem>> -> memref<128xi32, #tpu.memory_space<vmem>>
      %dma_start3A_188 = arith.constant 0 : i32
      %dma_start3A_189 = arith.constant 0 : i32
      %dma_start3A_190 = tpu.memref_slice %arg28[%dma_start3A_188, %dma_start3A_189] : memref<10000x48xf32, #tpu.memory_space<vmem_shared>> -> memref<10000x48xf32, #tpu.memory_space<vmem_shared>>
      tpu.enqueue_indirect_dma source(%arg12 : memref<128x48xf32, #tpu.memory_space<vmem>>) target(%dma_start3A_190 : memref<10000x48xf32, #tpu.memory_space<vmem_shared>>) offsets(%dma_start3A_187 : memref<128xi32, #tpu.memory_space<vmem>>) semaphore(%arg24 : memref<!tpu.dma_semaphore, #tpu.memory_space<semaphore_mem>>) {add = true}
      %mul3A_191 = arith.constant 6 : i32
      %mul3A_192 = arith.muli %scan3A_75, %mul3A_191 : i32
      %add3A_193 = arith.constant 4 : i32
      %add3A_194 = arith.addi %mul3A_192, %add3A_193 : i32
      %ge3A_195 = arith.constant 3 : i32
      %ge3A_196 = arith.cmpi sge, %add3A_194, %ge3A_195 : i32
      %convert_element_type3A_197 = arith.extui %ge3A_196 : i1 to i32
      %cond3A_198 = arith.constant 0 : i32
      %cond3A_199 = arith.cmpi ne, %convert_element_type3A_197, %cond3A_198 : i32
      scf.if %cond3A_199 {
        %sub3A = arith.constant 3 : i32
        %sub3A_249 = arith.subi %add3A_194, %sub3A : i32
        %dma_wait3A_250 = arith.constant 0 : i32
        %dma_wait3A_251 = tpu.memref_slice %arg7[%sub3A_249, %dma_wait3A_250] : memref<19x128xi32, #tpu.memory_space<vmem>> -> memref<1x128xi32, #tpu.memory_space<vmem>>
        %dma_wait3A_252 = tpu.memref_squeeze %dma_wait3A_251 : memref<1x128xi32, #tpu.memory_space<vmem>> -> memref<128xi32, #tpu.memory_space<vmem>>
        %dma_wait3A_253 = arith.constant 0 : i32
        %dma_wait3A_254 = arith.constant 0 : i32
        %dma_wait3A_255 = tpu.memref_slice %arg28[%dma_wait3A_253, %dma_wait3A_254] : memref<10000x48xf32, #tpu.memory_space<vmem_shared>> -> memref<10000x48xf32, #tpu.memory_space<vmem_shared>>
        tpu.wait_indirect_dma semaphore(%arg22 : memref<!tpu.dma_semaphore, #tpu.memory_space<semaphore_mem>>) src(%arg10 : memref<128x48xf32, #tpu.memory_space<vmem>>) dst(%dma_wait3A_255 : memref<10000x48xf32, #tpu.memory_space<vmem_shared>>)
      } else {
      }
      %add3A_200 = arith.constant 3 : i32
      %add3A_201 = arith.addi %add3A_194, %add3A_200 : i32
      %lt3A_202 = arith.constant 19 : i32
      %lt3A_203 = arith.cmpi slt, %add3A_201, %lt3A_202 : i32
      %convert_element_type3A_204 = arith.extui %lt3A_203 : i1 to i32
      %cond3A_205 = arith.constant 0 : i32
      %cond3A_206 = arith.cmpi ne, %convert_element_type3A_204, %cond3A_205 : i32
      scf.if %cond3A_206 {
        %add3A_249 = arith.constant 3 : i32
        %add3A_250 = arith.addi %add3A_194, %add3A_249 : i32
        %mul3A_251 = arith.constant 128 : i32
        %mul3A_252 = arith.muli %add3A_250, %mul3A_251 : i32
        %add3A_253 = arith.addi %mul3A_2, %mul3A_252 : i32
        %dma_start3A_254 = arith.constant 0 : i32
        %dma_start3A_255 = tpu.memref_slice %arg2[%add3A_253, %dma_start3A_254] : memref<80000x128xf32, #tpu.memory_space<hbm>> -> memref<128x48xf32, #tpu.memory_space<hbm>>
        %dma_start3A_256 = arith.constant 0 : i32
        %dma_start3A_257 = tpu.memref_slice %arg2[%add3A_253, %dma_start3A_256] : memref<80000x128xf32, #tpu.memory_space<hbm>> -> memref<128x48xf32, #tpu.memory_space<hbm>>
        tpu.enqueue_dma source(%dma_start3A_257 : memref<128x48xf32, #tpu.memory_space<hbm>>) target(%arg10 : memref<128x48xf32, #tpu.memory_space<vmem>>) target_semaphore(%arg16 : memref<!tpu.dma_semaphore, #tpu.memory_space<semaphore_mem>>)
      } else {
      }
      %mul3A_207 = arith.constant 128 : i32
      %mul3A_208 = arith.muli %add3A_194, %mul3A_207 : i32
      %add3A_209 = arith.addi %mul3A_2, %mul3A_208 : i32
      %dma_wait3A_210 = arith.constant 0 : i32
      %dma_wait3A_211 = tpu.memref_slice %arg2[%add3A_209, %dma_wait3A_210] : memref<80000x128xf32, #tpu.memory_space<hbm>> -> memref<128x48xf32, #tpu.memory_space<hbm>>
      %dma_wait3A_212 = arith.constant 0 : i32
      %dma_wait3A_213 = tpu.memref_slice %arg2[%add3A_209, %dma_wait3A_212] : memref<80000x128xf32, #tpu.memory_space<hbm>> -> memref<128x48xf32, #tpu.memory_space<hbm>>
      tpu.wait_dma2 semaphore(%arg19 : memref<!tpu.dma_semaphore, #tpu.memory_space<semaphore_mem>>) src(%dma_wait3A_213 : memref<128x48xf32, #tpu.memory_space<hbm>>) dst(%arg13 : memref<128x48xf32, #tpu.memory_space<vmem>>)
      %dma_start3A_214 = arith.constant 0 : i32
      %dma_start3A_215 = tpu.memref_slice %arg7[%add3A_194, %dma_start3A_214] : memref<19x128xi32, #tpu.memory_space<vmem>> -> memref<1x128xi32, #tpu.memory_space<vmem>>
      %dma_start3A_216 = tpu.memref_squeeze %dma_start3A_215 : memref<1x128xi32, #tpu.memory_space<vmem>> -> memref<128xi32, #tpu.memory_space<vmem>>
      %dma_start3A_217 = arith.constant 0 : i32
      %dma_start3A_218 = arith.constant 0 : i32
      %dma_start3A_219 = tpu.memref_slice %arg28[%dma_start3A_217, %dma_start3A_218] : memref<10000x48xf32, #tpu.memory_space<vmem_shared>> -> memref<10000x48xf32, #tpu.memory_space<vmem_shared>>
      tpu.enqueue_indirect_dma source(%arg13 : memref<128x48xf32, #tpu.memory_space<vmem>>) target(%dma_start3A_219 : memref<10000x48xf32, #tpu.memory_space<vmem_shared>>) offsets(%dma_start3A_216 : memref<128xi32, #tpu.memory_space<vmem>>) semaphore(%arg25 : memref<!tpu.dma_semaphore, #tpu.memory_space<semaphore_mem>>) {add = true}
      %mul3A_220 = arith.constant 6 : i32
      %mul3A_221 = arith.muli %scan3A_75, %mul3A_220 : i32
      %add3A_222 = arith.constant 5 : i32
      %add3A_223 = arith.addi %mul3A_221, %add3A_222 : i32
      %ge3A_224 = arith.constant 3 : i32
      %ge3A_225 = arith.cmpi sge, %add3A_223, %ge3A_224 : i32
      %convert_element_type3A_226 = arith.extui %ge3A_225 : i1 to i32
      %cond3A_227 = arith.constant 0 : i32
      %cond3A_228 = arith.cmpi ne, %convert_element_type3A_226, %cond3A_227 : i32
      scf.if %cond3A_228 {
        %sub3A = arith.constant 3 : i32
        %sub3A_249 = arith.subi %add3A_223, %sub3A : i32
        %dma_wait3A_250 = arith.constant 0 : i32
        %dma_wait3A_251 = tpu.memref_slice %arg7[%sub3A_249, %dma_wait3A_250] : memref<19x128xi32, #tpu.memory_space<vmem>> -> memref<1x128xi32, #tpu.memory_space<vmem>>
        %dma_wait3A_252 = tpu.memref_squeeze %dma_wait3A_251 : memref<1x128xi32, #tpu.memory_space<vmem>> -> memref<128xi32, #tpu.memory_space<vmem>>
        %dma_wait3A_253 = arith.constant 0 : i32
        %dma_wait3A_254 = arith.constant 0 : i32
        %dma_wait3A_255 = tpu.memref_slice %arg28[%dma_wait3A_253, %dma_wait3A_254] : memref<10000x48xf32, #tpu.memory_space<vmem_shared>> -> memref<10000x48xf32, #tpu.memory_space<vmem_shared>>
        tpu.wait_indirect_dma semaphore(%arg23 : memref<!tpu.dma_semaphore, #tpu.memory_space<semaphore_mem>>) src(%arg11 : memref<128x48xf32, #tpu.memory_space<vmem>>) dst(%dma_wait3A_255 : memref<10000x48xf32, #tpu.memory_space<vmem_shared>>)
      } else {
      }
      %add3A_229 = arith.constant 3 : i32
      %add3A_230 = arith.addi %add3A_223, %add3A_229 : i32
      %lt3A_231 = arith.constant 19 : i32
      %lt3A_232 = arith.cmpi slt, %add3A_230, %lt3A_231 : i32
      %convert_element_type3A_233 = arith.extui %lt3A_232 : i1 to i32
      %cond3A_234 = arith.constant 0 : i32
      %cond3A_235 = arith.cmpi ne, %convert_element_type3A_233, %cond3A_234 : i32
      scf.if %cond3A_235 {
        %add3A_249 = arith.constant 3 : i32
        %add3A_250 = arith.addi %add3A_223, %add3A_249 : i32
        %mul3A_251 = arith.constant 128 : i32
        %mul3A_252 = arith.muli %add3A_250, %mul3A_251 : i32
        %add3A_253 = arith.addi %mul3A_2, %mul3A_252 : i32
        %dma_start3A_254 = arith.constant 0 : i32
        %dma_start3A_255 = tpu.memref_slice %arg2[%add3A_253, %dma_start3A_254] : memref<80000x128xf32, #tpu.memory_space<hbm>> -> memref<128x48xf32, #tpu.memory_space<hbm>>
        %dma_start3A_256 = arith.constant 0 : i32
        %dma_start3A_257 = tpu.memref_slice %arg2[%add3A_253, %dma_start3A_256] : memref<80000x128xf32, #tpu.memory_space<hbm>> -> memref<128x48xf32, #tpu.memory_space<hbm>>
        tpu.enqueue_dma source(%dma_start3A_257 : memref<128x48xf32, #tpu.memory_space<hbm>>) target(%arg11 : memref<128x48xf32, #tpu.memory_space<vmem>>) target_semaphore(%arg17 : memref<!tpu.dma_semaphore, #tpu.memory_space<semaphore_mem>>)
      } else {
      }
      %mul3A_236 = arith.constant 128 : i32
      %mul3A_237 = arith.muli %add3A_223, %mul3A_236 : i32
      %add3A_238 = arith.addi %mul3A_2, %mul3A_237 : i32
      %dma_wait3A_239 = arith.constant 0 : i32
      %dma_wait3A_240 = tpu.memref_slice %arg2[%add3A_238, %dma_wait3A_239] : memref<80000x128xf32, #tpu.memory_space<hbm>> -> memref<128x48xf32, #tpu.memory_space<hbm>>
      %dma_wait3A_241 = arith.constant 0 : i32
      %dma_wait3A_242 = tpu.memref_slice %arg2[%add3A_238, %dma_wait3A_241] : memref<80000x128xf32, #tpu.memory_space<hbm>> -> memref<128x48xf32, #tpu.memory_space<hbm>>
      tpu.wait_dma2 semaphore(%arg20 : memref<!tpu.dma_semaphore, #tpu.memory_space<semaphore_mem>>) src(%dma_wait3A_242 : memref<128x48xf32, #tpu.memory_space<hbm>>) dst(%arg14 : memref<128x48xf32, #tpu.memory_space<vmem>>)
      %dma_start3A_243 = arith.constant 0 : i32
      %dma_start3A_244 = tpu.memref_slice %arg7[%add3A_223, %dma_start3A_243] : memref<19x128xi32, #tpu.memory_space<vmem>> -> memref<1x128xi32, #tpu.memory_space<vmem>>
      %dma_start3A_245 = tpu.memref_squeeze %dma_start3A_244 : memref<1x128xi32, #tpu.memory_space<vmem>> -> memref<128xi32, #tpu.memory_space<vmem>>
      %dma_start3A_246 = arith.constant 0 : i32
      %dma_start3A_247 = arith.constant 0 : i32
      %dma_start3A_248 = tpu.memref_slice %arg28[%dma_start3A_246, %dma_start3A_247] : memref<10000x48xf32, #tpu.memory_space<vmem_shared>> -> memref<10000x48xf32, #tpu.memory_space<vmem_shared>>
      tpu.enqueue_indirect_dma source(%arg14 : memref<128x48xf32, #tpu.memory_space<vmem>>) target(%dma_start3A_248 : memref<10000x48xf32, #tpu.memory_space<vmem_shared>>) offsets(%dma_start3A_245 : memref<128xi32, #tpu.memory_space<vmem>>) semaphore(%arg26 : memref<!tpu.dma_semaphore, #tpu.memory_space<semaphore_mem>>) {add = true}
    }
    %scan3A_26 = arith.constant 3 : i32
    %dma_wait3A = arith.constant 15 : i32
    %dma_wait3A_27 = arith.constant 0 : i32
    %dma_wait3A_28 = tpu.memref_slice %arg7[%dma_wait3A, %dma_wait3A_27] : memref<19x128xi32, #tpu.memory_space<vmem>> -> memref<1x128xi32, #tpu.memory_space<vmem>>
    %dma_wait3A_29 = tpu.memref_squeeze %dma_wait3A_28 : memref<1x128xi32, #tpu.memory_space<vmem>> -> memref<128xi32, #tpu.memory_space<vmem>>
    %dma_wait3A_30 = arith.constant 0 : i32
    %dma_wait3A_31 = arith.constant 0 : i32
    %dma_wait3A_32 = tpu.memref_slice %arg28[%dma_wait3A_30, %dma_wait3A_31] : memref<10000x48xf32, #tpu.memory_space<vmem_shared>> -> memref<10000x48xf32, #tpu.memory_space<vmem_shared>>
    tpu.wait_indirect_dma semaphore(%arg24 : memref<!tpu.dma_semaphore, #tpu.memory_space<semaphore_mem>>) src(%arg12 : memref<128x48xf32, #tpu.memory_space<vmem>>) dst(%dma_wait3A_32 : memref<10000x48xf32, #tpu.memory_space<vmem_shared>>)
    %add3A_33 = arith.constant 2304 : i32
    %add3A_34 = arith.addi %mul3A_2, %add3A_33 : i32
    %dma_wait3A_35 = arith.constant 0 : i32
    %dma_wait3A_36 = tpu.memref_slice %arg2[%add3A_34, %dma_wait3A_35] : memref<80000x128xf32, #tpu.memory_space<hbm>> -> memref<128x48xf32, #tpu.memory_space<hbm>>
    %dma_wait3A_37 = arith.constant 0 : i32
    %dma_wait3A_38 = tpu.memref_slice %arg2[%add3A_34, %dma_wait3A_37] : memref<80000x128xf32, #tpu.memory_space<hbm>> -> memref<128x48xf32, #tpu.memory_space<hbm>>
    tpu.wait_dma2 semaphore(%arg15 : memref<!tpu.dma_semaphore, #tpu.memory_space<semaphore_mem>>) src(%dma_wait3A_38 : memref<128x48xf32, #tpu.memory_space<hbm>>) dst(%arg9 : memref<128x48xf32, #tpu.memory_space<vmem>>)
    %dma_start3A_39 = arith.constant 18 : i32
    %dma_start3A_40 = arith.constant 0 : i32
    %dma_start3A_41 = tpu.memref_slice %arg7[%dma_start3A_39, %dma_start3A_40] : memref<19x128xi32, #tpu.memory_space<vmem>> -> memref<1x128xi32, #tpu.memory_space<vmem>>
    %dma_start3A_42 = tpu.memref_squeeze %dma_start3A_41 : memref<1x128xi32, #tpu.memory_space<vmem>> -> memref<128xi32, #tpu.memory_space<vmem>>
    %dma_start3A_43 = arith.constant 0 : i32
    %dma_start3A_44 = arith.constant 0 : i32
    %dma_start3A_45 = tpu.memref_slice %arg28[%dma_start3A_43, %dma_start3A_44] : memref<10000x48xf32, #tpu.memory_space<vmem_shared>> -> memref<10000x48xf32, #tpu.memory_space<vmem_shared>>
    tpu.enqueue_indirect_dma source(%arg9 : memref<128x48xf32, #tpu.memory_space<vmem>>) target(%dma_start3A_45 : memref<10000x48xf32, #tpu.memory_space<vmem_shared>>) offsets(%dma_start3A_42 : memref<128xi32, #tpu.memory_space<vmem>>) semaphore(%arg21 : memref<!tpu.dma_semaphore, #tpu.memory_space<semaphore_mem>>) {add = true}
    %dma_wait3A_46 = arith.constant 16 : i32
    %dma_wait3A_47 = arith.constant 0 : i32
    %dma_wait3A_48 = tpu.memref_slice %arg7[%dma_wait3A_46, %dma_wait3A_47] : memref<19x128xi32, #tpu.memory_space<vmem>> -> memref<1x128xi32, #tpu.memory_space<vmem>>
    %dma_wait3A_49 = tpu.memref_squeeze %dma_wait3A_48 : memref<1x128xi32, #tpu.memory_space<vmem>> -> memref<128xi32, #tpu.memory_space<vmem>>
    %dma_wait3A_50 = arith.constant 0 : i32
    %dma_wait3A_51 = arith.constant 0 : i32
    %dma_wait3A_52 = tpu.memref_slice %arg28[%dma_wait3A_50, %dma_wait3A_51] : memref<10000x48xf32, #tpu.memory_space<vmem_shared>> -> memref<10000x48xf32, #tpu.memory_space<vmem_shared>>
    tpu.wait_indirect_dma semaphore(%arg25 : memref<!tpu.dma_semaphore, #tpu.memory_space<semaphore_mem>>) src(%arg13 : memref<128x48xf32, #tpu.memory_space<vmem>>) dst(%dma_wait3A_52 : memref<10000x48xf32, #tpu.memory_space<vmem_shared>>)
    %dma_wait3A_53 = arith.constant 17 : i32
    %dma_wait3A_54 = arith.constant 0 : i32
    %dma_wait3A_55 = tpu.memref_slice %arg7[%dma_wait3A_53, %dma_wait3A_54] : memref<19x128xi32, #tpu.memory_space<vmem>> -> memref<1x128xi32, #tpu.memory_space<vmem>>
    %dma_wait3A_56 = tpu.memref_squeeze %dma_wait3A_55 : memref<1x128xi32, #tpu.memory_space<vmem>> -> memref<128xi32, #tpu.memory_space<vmem>>
    %dma_wait3A_57 = arith.constant 0 : i32
    %dma_wait3A_58 = arith.constant 0 : i32
    %dma_wait3A_59 = tpu.memref_slice %arg28[%dma_wait3A_57, %dma_wait3A_58] : memref<10000x48xf32, #tpu.memory_space<vmem_shared>> -> memref<10000x48xf32, #tpu.memory_space<vmem_shared>>
    tpu.wait_indirect_dma semaphore(%arg26 : memref<!tpu.dma_semaphore, #tpu.memory_space<semaphore_mem>>) src(%arg14 : memref<128x48xf32, #tpu.memory_space<vmem>>) dst(%dma_wait3A_59 : memref<10000x48xf32, #tpu.memory_space<vmem_shared>>)
    %dma_wait3A_60 = arith.constant 18 : i32
    %dma_wait3A_61 = arith.constant 0 : i32
    %dma_wait3A_62 = tpu.memref_slice %arg7[%dma_wait3A_60, %dma_wait3A_61] : memref<19x128xi32, #tpu.memory_space<vmem>> -> memref<1x128xi32, #tpu.memory_space<vmem>>
    %dma_wait3A_63 = tpu.memref_squeeze %dma_wait3A_62 : memref<1x128xi32, #tpu.memory_space<vmem>> -> memref<128xi32, #tpu.memory_space<vmem>>
    %dma_wait3A_64 = arith.constant 0 : i32
    %dma_wait3A_65 = arith.constant 0 : i32
    %dma_wait3A_66 = tpu.memref_slice %arg28[%dma_wait3A_64, %dma_wait3A_65] : memref<10000x48xf32, #tpu.memory_space<vmem_shared>> -> memref<10000x48xf32, #tpu.memory_space<vmem_shared>>
    tpu.wait_indirect_dma semaphore(%arg21 : memref<!tpu.dma_semaphore, #tpu.memory_space<semaphore_mem>>) src(%arg9 : memref<128x48xf32, #tpu.memory_space<vmem>>) dst(%dma_wait3A_66 : memref<10000x48xf32, #tpu.memory_space<vmem_shared>>)
    %add3A_67 = arith.constant 2432 : i32
    %add3A_68 = arith.addi %mul3A_2, %add3A_67 : i32
    "tpu.region"() ({
      %run_scoped3A_75 = tpu.sem_alloc : memref<!tpu.dma_semaphore, #tpu.memory_space<semaphore_mem>>
      %dma_start3A_76 = arith.constant 0 : i32
      %dma_start3A_77 = arith.constant 0 : i32
      %dma_start3A_78 = tpu.memref_slice %arg12[%dma_start3A_76, %dma_start3A_77] : memref<128x48xf32, #tpu.memory_space<vmem>> -> memref<68x48xf32, #tpu.memory_space<vmem>>
      %dma_start3A_79 = arith.constant 0 : i32
      %dma_start3A_80 = tpu.memref_slice %arg2[%add3A_68, %dma_start3A_79] : memref<80000x128xf32, #tpu.memory_space<hbm>> -> memref<68x48xf32, #tpu.memory_space<hbm>>
      %dma_start3A_81 = arith.constant 0 : i32
      %dma_start3A_82 = arith.constant 0 : i32
      %dma_start3A_83 = tpu.memref_slice %arg12[%dma_start3A_81, %dma_start3A_82] : memref<128x48xf32, #tpu.memory_space<vmem>> -> memref<68x48xf32, #tpu.memory_space<vmem>>
      %dma_start3A_84 = arith.constant 0 : i32
      %dma_start3A_85 = tpu.memref_slice %arg2[%add3A_68, %dma_start3A_84] : memref<80000x128xf32, #tpu.memory_space<hbm>> -> memref<68x48xf32, #tpu.memory_space<hbm>>
      tpu.enqueue_dma source(%dma_start3A_85 : memref<68x48xf32, #tpu.memory_space<hbm>>) target(%dma_start3A_83 : memref<68x48xf32, #tpu.memory_space<vmem>>) target_semaphore(%run_scoped3A_75 : memref<!tpu.dma_semaphore, #tpu.memory_space<semaphore_mem>>)
      %dma_wait3A_86 = arith.constant 0 : i32
      %dma_wait3A_87 = arith.constant 0 : i32
      %dma_wait3A_88 = tpu.memref_slice %arg12[%dma_wait3A_86, %dma_wait3A_87] : memref<128x48xf32, #tpu.memory_space<vmem>> -> memref<68x48xf32, #tpu.memory_space<vmem>>
      %dma_wait3A_89 = arith.constant 0 : i32
      %dma_wait3A_90 = tpu.memref_slice %arg2[%add3A_68, %dma_wait3A_89] : memref<80000x128xf32, #tpu.memory_space<hbm>> -> memref<68x48xf32, #tpu.memory_space<hbm>>
      %dma_wait3A_91 = arith.constant 0 : i32
      %dma_wait3A_92 = arith.constant 0 : i32
      %dma_wait3A_93 = tpu.memref_slice %arg12[%dma_wait3A_91, %dma_wait3A_92] : memref<128x48xf32, #tpu.memory_space<vmem>> -> memref<68x48xf32, #tpu.memory_space<vmem>>
      %dma_wait3A_94 = arith.constant 0 : i32
      %dma_wait3A_95 = tpu.memref_slice %arg2[%add3A_68, %dma_wait3A_94] : memref<80000x128xf32, #tpu.memory_space<hbm>> -> memref<68x48xf32, #tpu.memory_space<hbm>>
      tpu.wait_dma2 semaphore(%run_scoped3A_75 : memref<!tpu.dma_semaphore, #tpu.memory_space<semaphore_mem>>) src(%dma_wait3A_95 : memref<68x48xf32, #tpu.memory_space<hbm>>) dst(%dma_wait3A_93 : memref<68x48xf32, #tpu.memory_space<vmem>>)
      tpu.yield
    }) : () -> ()
    %run_scoped3A = arith.constant 0 : i32
    "tpu.region"() ({
      %run_scoped3A_75 = tpu.sem_alloc : memref<!tpu.dma_semaphore, #tpu.memory_space<semaphore_mem>>
      %dma_start3A_76 = arith.constant 0 : i32
      %dma_start3A_77 = arith.constant 0 : i32
      %dma_start3A_78 = tpu.memref_slice %arg12[%dma_start3A_76, %dma_start3A_77] : memref<128x48xf32, #tpu.memory_space<vmem>> -> memref<68x48xf32, #tpu.memory_space<vmem>>
      %dma_start3A_79 = arith.constant 0 : i32
      %dma_start3A_80 = tpu.memref_slice %arg8[%run_scoped3A, %dma_start3A_79] : memref<1x68xi32, #tpu.memory_space<vmem>> -> memref<1x68xi32, #tpu.memory_space<vmem>>
      %dma_start3A_81 = tpu.memref_squeeze %dma_start3A_80 : memref<1x68xi32, #tpu.memory_space<vmem>> -> memref<68xi32, #tpu.memory_space<vmem>>
      %dma_start3A_82 = arith.constant 0 : i32
      %dma_start3A_83 = arith.constant 0 : i32
      %dma_start3A_84 = tpu.memref_slice %arg28[%dma_start3A_82, %dma_start3A_83] : memref<10000x48xf32, #tpu.memory_space<vmem_shared>> -> memref<10000x48xf32, #tpu.memory_space<vmem_shared>>
      tpu.enqueue_indirect_dma source(%dma_start3A_78 : memref<68x48xf32, #tpu.memory_space<vmem>>) target(%dma_start3A_84 : memref<10000x48xf32, #tpu.memory_space<vmem_shared>>) offsets(%dma_start3A_81 : memref<68xi32, #tpu.memory_space<vmem>>) semaphore(%run_scoped3A_75 : memref<!tpu.dma_semaphore, #tpu.memory_space<semaphore_mem>>) {add = true}
      %dma_wait3A_85 = arith.constant 0 : i32
      %dma_wait3A_86 = arith.constant 0 : i32
      %dma_wait3A_87 = tpu.memref_slice %arg12[%dma_wait3A_85, %dma_wait3A_86] : memref<128x48xf32, #tpu.memory_space<vmem>> -> memref<68x48xf32, #tpu.memory_space<vmem>>
      %dma_wait3A_88 = arith.constant 0 : i32
      %dma_wait3A_89 = tpu.memref_slice %arg8[%run_scoped3A, %dma_wait3A_88] : memref<1x68xi32, #tpu.memory_space<vmem>> -> memref<1x68xi32, #tpu.memory_space<vmem>>
      %dma_wait3A_90 = tpu.memref_squeeze %dma_wait3A_89 : memref<1x68xi32, #tpu.memory_space<vmem>> -> memref<68xi32, #tpu.memory_space<vmem>>
      %dma_wait3A_91 = arith.constant 0 : i32
      %dma_wait3A_92 = arith.constant 0 : i32
      %dma_wait3A_93 = tpu.memref_slice %arg28[%dma_wait3A_91, %dma_wait3A_92] : memref<10000x48xf32, #tpu.memory_space<vmem_shared>> -> memref<10000x48xf32, #tpu.memory_space<vmem_shared>>
      tpu.wait_indirect_dma semaphore(%run_scoped3A_75 : memref<!tpu.dma_semaphore, #tpu.memory_space<semaphore_mem>>) src(%dma_wait3A_87 : memref<68x48xf32, #tpu.memory_space<vmem>>) dst(%dma_wait3A_93 : memref<10000x48xf32, #tpu.memory_space<vmem_shared>>)
      tpu.yield
    }) : () -> ()
    %barrier3A_69 = arith.constant 0 : index
    tpu.barrier barrier_id(%barrier3A_69)
    %lt3A_70 = arith.constant 10 : i32
    %lt3A_71 = arith.cmpi slt, %arg1, %lt3A_70 : i32
    %convert_element_type3A_72 = arith.extui %lt3A_71 : i1 to i32
    %cond3A_73 = arith.constant 0 : i32
    %cond3A_74 = arith.cmpi ne, %convert_element_type3A_72, %cond3A_73 : i32
    scf.if %cond3A_74 {
      %mul3A_75 = arith.constant 1000 : i32
      %mul3A_76 = arith.muli %arg1, %mul3A_75 : i32
      %mul3A_77 = arith.constant 10000 : i32
      %mul3A_78 = arith.muli %arg0, %mul3A_77 : i32
      %mul3A_79 = arith.constant 1000 : i32
      %mul3A_80 = arith.muli %arg1, %mul3A_79 : i32
      %add3A_81 = arith.addi %mul3A_78, %mul3A_80 : i32
      "tpu.region"() ({
        %run_scoped3A_82 = tpu.sem_alloc : memref<!tpu.dma_semaphore, #tpu.memory_space<semaphore_mem>>
        %dma_start3A_83 = arith.constant 0 : i32
        %dma_start3A_84 = tpu.memref_slice %arg6[%add3A_81, %dma_start3A_83] : memref<20000x48xf32, #tpu.memory_space<hbm>> -> memref<1000x48xf32, #tpu.memory_space<hbm>>
        %dma_start3A_85 = arith.constant 0 : i32
        %dma_start3A_86 = tpu.memref_slice %arg28[%mul3A_76, %dma_start3A_85] : memref<10000x48xf32, #tpu.memory_space<vmem_shared>> -> memref<1000x48xf32, #tpu.memory_space<vmem_shared>>
        tpu.enqueue_dma source(%dma_start3A_86 : memref<1000x48xf32, #tpu.memory_space<vmem_shared>>) target(%dma_start3A_84 : memref<1000x48xf32, #tpu.memory_space<hbm>>) target_semaphore(%run_scoped3A_82 : memref<!tpu.dma_semaphore, #tpu.memory_space<semaphore_mem>>)
        %dma_wait3A_87 = arith.constant 0 : i32
        %dma_wait3A_88 = tpu.memref_slice %arg6[%add3A_81, %dma_wait3A_87] : memref<20000x48xf32, #tpu.memory_space<hbm>> -> memref<1000x48xf32, #tpu.memory_space<hbm>>
        %dma_wait3A_89 = arith.constant 0 : i32
        %dma_wait3A_90 = tpu.memref_slice %arg28[%mul3A_76, %dma_wait3A_89] : memref<10000x48xf32, #tpu.memory_space<vmem_shared>> -> memref<1000x48xf32, #tpu.memory_space<vmem_shared>>
        tpu.wait_dma2 semaphore(%run_scoped3A_82 : memref<!tpu.dma_semaphore, #tpu.memory_space<semaphore_mem>>) src(%dma_wait3A_90 : memref<1000x48xf32, #tpu.memory_space<vmem_shared>>) dst(%dma_wait3A_88 : memref<1000x48xf32, #tpu.memory_space<hbm>>)
        tpu.yield
      }) : () -> ()
    } else {
    }
    return
  }
}

#map = affine_map<(d0, d1) -> (0, 0)>
#map1 = affine_map<(d0, d1) -> (0, 0, 0)>
module attributes {stable_mosaic.version = 14 : i64} {
  func.func @k(%arg0: i32, %arg1: i32, %arg2: memref<80000x128xf32, #tpu.memory_space<hbm>>, %arg3: memref<32x19x128xi32, #tpu.memory_space<hbm>>, %arg4: memref<32x1x68xi32, #tpu.memory_space<hbm>>, %arg5: memref<20000x48xf32, #tpu.memory_space<hbm>>, %arg6: memref<20000x48xf32, #tpu.memory_space<hbm>>, %arg7: memref<19x128xi32, #tpu.memory_space<vmem>>, %arg8: memref<1x68xi32, #tpu.memory_space<vmem>>, %arg9: memref<128x48xf32, #tpu.memory_space<vmem>>, %arg10: memref<128x48xf32, #tpu.memory_space<vmem>>, %arg11: memref<128x48xf32, #tpu.memory_space<vmem>>, %arg12: memref<128x48xf32, #tpu.memory_space<vmem>>, %arg13: memref<128x48xf32, #tpu.memory_space<vmem>>, %arg14: memref<128x48xf32, #tpu.memory_space<vmem>>, %arg15: memref<!tpu.dma_semaphore, #tpu.memory_space<semaphore_mem>>, %arg16: memref<!tpu.dma_semaphore, #tpu.memory_space<semaphore_mem>>, %arg17: memref<!tpu.dma_semaphore, #tpu.memory_space<semaphore_mem>>, %arg18: memref<!tpu.dma_semaphore, #tpu.memory_space<semaphore_mem>>, %arg19: memref<!tpu.dma_semaphore, #tpu.memory_space<semaphore_mem>>, %arg20: memref<!tpu.dma_semaphore, #tpu.memory_space<semaphore_mem>>, %arg21: memref<!tpu.dma_semaphore, #tpu.memory_space<semaphore_mem>>, %arg22: memref<!tpu.dma_semaphore, #tpu.memory_space<semaphore_mem>>, %arg23: memref<!tpu.dma_semaphore, #tpu.memory_space<semaphore_mem>>, %arg24: memref<!tpu.dma_semaphore, #tpu.memory_space<semaphore_mem>>, %arg25: memref<!tpu.dma_semaphore, #tpu.memory_space<semaphore_mem>>, %arg26: memref<!tpu.dma_semaphore, #tpu.memory_space<semaphore_mem>>, %arg27: memref<!tpu.dma_semaphore, #tpu.memory_space<semaphore_mem>>, %arg28: memref<10000x48xf32, #tpu.memory_space<vmem_shared>>) attributes {dimension_semantics = [#tpu.dimension_semantics<core_parallel>, #tpu.dimension_semantics<subcore_parallel>], iteration_bounds = array<i64: 2, 16>, scalar_prefetch = 0 : i64, scratch_operands = 22 : i64, tpu.core_type = #tpu.core_type<sc_vector_subcore>, window_params = [{transform_indices = #map}, {transform_indices = #map1}, {transform_indices = #map1}, {transform_indices = #map}, {transform_indices = #map}]} {
    %mul3A = arith.constant 2 : i32
    %mul3A_0 = arith.muli %arg1, %mul3A : i32
    %add3A = arith.addi %mul3A_0, %arg0 : i32
    %mul3A_1 = arith.constant 2500 : i32
    %mul3A_2 = arith.muli %add3A, %mul3A_1 : i32
    %lt3A = arith.constant 10 : i32
    %lt3A_3 = arith.cmpi slt, %arg1, %lt3A : i32
    %convert_element_type3A = arith.extui %lt3A_3 : i1 to i32
    %cond3A = arith.constant 0 : i32
    %cond3A_4 = arith.cmpi ne, %convert_element_type3A, %cond3A : i32
    scf.if %cond3A_4 {
      %mul3A_75 = arith.constant 10000 : i32
      %mul3A_76 = arith.muli %arg0, %mul3A_75 : i32
      %mul3A_77 = arith.constant 1000 : i32
      %mul3A_78 = arith.muli %arg1, %mul3A_77 : i32
      %add3A_79 = arith.addi %mul3A_76, %mul3A_78 : i32
      %mul3A_80 = arith.constant 1000 : i32
      %mul3A_81 = arith.muli %arg1, %mul3A_80 : i32
      %dma_start3A_82 = arith.constant 0 : i32
      %dma_start3A_83 = tpu.memref_slice %arg28[%mul3A_81, %dma_start3A_82] : memref<10000x48xf32, #tpu.memory_space<vmem_shared>> -> memref<1000x48xf32, #tpu.memory_space<vmem_shared>>
      %dma_start3A_84 = arith.constant 0 : i32
      %dma_start3A_85 = tpu.memref_slice %arg5[%add3A_79, %dma_start3A_84] : memref<20000x48xf32, #tpu.memory_space<hbm>> -> memref<1000x48xf32, #tpu.memory_space<hbm>>
      tpu.enqueue_dma source(%dma_start3A_85 : memref<1000x48xf32, #tpu.memory_space<hbm>>) target(%dma_start3A_83 : memref<1000x48xf32, #tpu.memory_space<vmem_shared>>) target_semaphore(%arg27 : memref<!tpu.dma_semaphore, #tpu.memory_space<semaphore_mem>>)
      %dma_wait3A_86 = arith.constant 0 : i32
      %dma_wait3A_87 = tpu.memref_slice %arg28[%mul3A_81, %dma_wait3A_86] : memref<10000x48xf32, #tpu.memory_space<vmem_shared>> -> memref<1000x48xf32, #tpu.memory_space<vmem_shared>>
      %dma_wait3A_88 = arith.constant 0 : i32
      %dma_wait3A_89 = tpu.memref_slice %arg5[%add3A_79, %dma_wait3A_88] : memref<20000x48xf32, #tpu.memory_space<hbm>> -> memref<1000x48xf32, #tpu.memory_space<hbm>>
      tpu.wait_dma2 semaphore(%arg27 : memref<!tpu.dma_semaphore, #tpu.memory_space<semaphore_mem>>) src(%dma_wait3A_89 : memref<1000x48xf32, #tpu.memory_space<hbm>>) dst(%dma_wait3A_87 : memref<1000x48xf32, #tpu.memory_space<vmem_shared>>)
    } else {
    }
    "tpu.region"() ({
      %run_scoped3A_75 = tpu.sem_alloc : memref<!tpu.dma_semaphore, #tpu.memory_space<semaphore_mem>>
      %dma_start3A_76 = arith.constant 0 : i32
      %dma_start3A_77 = arith.constant 0 : i32
      %dma_start3A_78 = tpu.memref_slice %arg3[%add3A, %dma_start3A_76, %dma_start3A_77] : memref<32x19x128xi32, #tpu.memory_space<hbm>> -> memref<1x19x128xi32, #tpu.memory_space<hbm>>
      %dma_start3A_79 = tpu.memref_squeeze %dma_start3A_78 : memref<1x19x128xi32, #tpu.memory_space<hbm>> -> memref<19x128xi32, #tpu.memory_space<hbm>>
      %dma_start3A_80 = arith.constant 0 : i32
      %dma_start3A_81 = arith.constant 0 : i32
      %dma_start3A_82 = tpu.memref_slice %arg3[%add3A, %dma_start3A_80, %dma_start3A_81] : memref<32x19x128xi32, #tpu.memory_space<hbm>> -> memref<1x19x128xi32, #tpu.memory_space<hbm>>
      %dma_start3A_83 = tpu.memref_squeeze %dma_start3A_82 : memref<1x19x128xi32, #tpu.memory_space<hbm>> -> memref<19x128xi32, #tpu.memory_space<hbm>>
      tpu.enqueue_dma source(%dma_start3A_83 : memref<19x128xi32, #tpu.memory_space<hbm>>) target(%arg7 : memref<19x128xi32, #tpu.memory_space<vmem>>) target_semaphore(%run_scoped3A_75 : memref<!tpu.dma_semaphore, #tpu.memory_space<semaphore_mem>>)
      %dma_wait3A_84 = arith.constant 0 : i32
      %dma_wait3A_85 = arith.constant 0 : i32
      %dma_wait3A_86 = tpu.memref_slice %arg3[%add3A, %dma_wait3A_84, %dma_wait3A_85] : memref<32x19x128xi32, #tpu.memory_space<hbm>> -> memref<1x19x128xi32, #tpu.memory_space<hbm>>
      %dma_wait3A_87 = tpu.memref_squeeze %dma_wait3A_86 : memref<1x19x128xi32, #tpu.memory_space<hbm>> -> memref<19x128xi32, #tpu.memory_space<hbm>>
      %dma_wait3A_88 = arith.constant 0 : i32
      %dma_wait3A_89 = arith.constant 0 : i32
      %dma_wait3A_90 = tpu.memref_slice %arg3[%add3A, %dma_wait3A_88, %dma_wait3A_89] : memref<32x19x128xi32, #tpu.memory_space<hbm>> -> memref<1x19x128xi32, #tpu.memory_space<hbm>>
      %dma_wait3A_91 = tpu.memref_squeeze %dma_wait3A_90 : memref<1x19x128xi32, #tpu.memory_space<hbm>> -> memref<19x128xi32, #tpu.memory_space<hbm>>
      tpu.wait_dma2 semaphore(%run_scoped3A_75 : memref<!tpu.dma_semaphore, #tpu.memory_space<semaphore_mem>>) src(%dma_wait3A_91 : memref<19x128xi32, #tpu.memory_space<hbm>>) dst(%arg7 : memref<19x128xi32, #tpu.memory_space<vmem>>)
      tpu.yield
    }) : () -> ()
    "tpu.region"() ({
      %run_scoped3A_75 = tpu.sem_alloc : memref<!tpu.dma_semaphore, #tpu.memory_space<semaphore_mem>>
      %dma_start3A_76 = arith.constant 0 : i32
      %dma_start3A_77 = arith.constant 0 : i32
      %dma_start3A_78 = tpu.memref_slice %arg4[%add3A, %dma_start3A_76, %dma_start3A_77] : memref<32x1x68xi32, #tpu.memory_space<hbm>> -> memref<1x1x68xi32, #tpu.memory_space<hbm>>
      %dma_start3A_79 = tpu.memref_squeeze %dma_start3A_78 : memref<1x1x68xi32, #tpu.memory_space<hbm>> -> memref<1x68xi32, #tpu.memory_space<hbm>>
      %dma_start3A_80 = arith.constant 0 : i32
      %dma_start3A_81 = arith.constant 0 : i32
      %dma_start3A_82 = tpu.memref_slice %arg4[%add3A, %dma_start3A_80, %dma_start3A_81] : memref<32x1x68xi32, #tpu.memory_space<hbm>> -> memref<1x1x68xi32, #tpu.memory_space<hbm>>
      %dma_start3A_83 = tpu.memref_squeeze %dma_start3A_82 : memref<1x1x68xi32, #tpu.memory_space<hbm>> -> memref<1x68xi32, #tpu.memory_space<hbm>>
      tpu.enqueue_dma source(%dma_start3A_83 : memref<1x68xi32, #tpu.memory_space<hbm>>) target(%arg8 : memref<1x68xi32, #tpu.memory_space<vmem>>) target_semaphore(%run_scoped3A_75 : memref<!tpu.dma_semaphore, #tpu.memory_space<semaphore_mem>>)
      %dma_wait3A_84 = arith.constant 0 : i32
      %dma_wait3A_85 = arith.constant 0 : i32
      %dma_wait3A_86 = tpu.memref_slice %arg4[%add3A, %dma_wait3A_84, %dma_wait3A_85] : memref<32x1x68xi32, #tpu.memory_space<hbm>> -> memref<1x1x68xi32, #tpu.memory_space<hbm>>
      %dma_wait3A_87 = tpu.memref_squeeze %dma_wait3A_86 : memref<1x1x68xi32, #tpu.memory_space<hbm>> -> memref<1x68xi32, #tpu.memory_space<hbm>>
      %dma_wait3A_88 = arith.constant 0 : i32
      %dma_wait3A_89 = arith.constant 0 : i32
      %dma_wait3A_90 = tpu.memref_slice %arg4[%add3A, %dma_wait3A_88, %dma_wait3A_89] : memref<32x1x68xi32, #tpu.memory_space<hbm>> -> memref<1x1x68xi32, #tpu.memory_space<hbm>>
      %dma_wait3A_91 = tpu.memref_squeeze %dma_wait3A_90 : memref<1x1x68xi32, #tpu.memory_space<hbm>> -> memref<1x68xi32, #tpu.memory_space<hbm>>
      tpu.wait_dma2 semaphore(%run_scoped3A_75 : memref<!tpu.dma_semaphore, #tpu.memory_space<semaphore_mem>>) src(%dma_wait3A_91 : memref<1x68xi32, #tpu.memory_space<hbm>>) dst(%arg8 : memref<1x68xi32, #tpu.memory_space<vmem>>)
      tpu.yield
    }) : () -> ()
    %barrier3A = arith.constant 0 : index
    tpu.barrier barrier_id(%barrier3A)
    %add3A_5 = arith.constant 0 : i32
    %add3A_6 = arith.addi %mul3A_2, %add3A_5 : i32
    %dma_start3A = arith.constant 0 : i32
    %dma_start3A_7 = tpu.memref_slice %arg2[%add3A_6, %dma_start3A] : memref<80000x128xf32, #tpu.memory_space<hbm>> -> memref<128x48xf32, #tpu.memory_space<hbm>>
    %dma_start3A_8 = arith.constant 0 : i32
    %dma_start3A_9 = tpu.memref_slice %arg2[%add3A_6, %dma_start3A_8] : memref<80000x128xf32, #tpu.memory_space<hbm>> -> memref<128x48xf32, #tpu.memory_space<hbm>>
    tpu.enqueue_dma source(%dma_start3A_9 : memref<128x48xf32, #tpu.memory_space<hbm>>) target(%arg9 : memref<128x48xf32, #tpu.memory_space<vmem>>) target_semaphore(%arg15 : memref<!tpu.dma_semaphore, #tpu.memory_space<semaphore_mem>>)
    %add3A_10 = arith.constant 128 : i32
    %add3A_11 = arith.addi %mul3A_2, %add3A_10 : i32
    %dma_start3A_12 = arith.constant 0 : i32
    %dma_start3A_13 = tpu.memref_slice %arg2[%add3A_11, %dma_start3A_12] : memref<80000x128xf32, #tpu.memory_space<hbm>> -> memref<128x48xf32, #tpu.memory_space<hbm>>
    %dma_start3A_14 = arith.constant 0 : i32
    %dma_start3A_15 = tpu.memref_slice %arg2[%add3A_11, %dma_start3A_14] : memref<80000x128xf32, #tpu.memory_space<hbm>> -> memref<128x48xf32, #tpu.memory_space<hbm>>
    tpu.enqueue_dma source(%dma_start3A_15 : memref<128x48xf32, #tpu.memory_space<hbm>>) target(%arg10 : memref<128x48xf32, #tpu.memory_space<vmem>>) target_semaphore(%arg16 : memref<!tpu.dma_semaphore, #tpu.memory_space<semaphore_mem>>)
    %add3A_16 = arith.constant 256 : i32
    %add3A_17 = arith.addi %mul3A_2, %add3A_16 : i32
    %dma_start3A_18 = arith.constant 0 : i32
    %dma_start3A_19 = tpu.memref_slice %arg2[%add3A_17, %dma_start3A_18] : memref<80000x128xf32, #tpu.memory_space<hbm>> -> memref<128x48xf32, #tpu.memory_space<hbm>>
    %dma_start3A_20 = arith.constant 0 : i32
    %dma_start3A_21 = tpu.memref_slice %arg2[%add3A_17, %dma_start3A_20] : memref<80000x128xf32, #tpu.memory_space<hbm>> -> memref<128x48xf32, #tpu.memory_space<hbm>>
    tpu.enqueue_dma source(%dma_start3A_21 : memref<128x48xf32, #tpu.memory_space<hbm>>) target(%arg11 : memref<128x48xf32, #tpu.memory_space<vmem>>) target_semaphore(%arg17 : memref<!tpu.dma_semaphore, #tpu.memory_space<semaphore_mem>>)
    %scan3A = arith.constant 0 : i32
    %scan3A_22 = arith.constant 0 : i32
    %scan3A_23 = arith.constant 3 : i32
    %scan3A_24 = arith.addi %scan3A_22, %scan3A_23 : i32
    %scan3A_25 = arith.constant 1 : i32
    scf.for %scan3A_75 = %scan3A_22 to %scan3A_24 step %scan3A_25  : i32 {
      %mul3A_76 = arith.constant 6 : i32
      %mul3A_77 = arith.muli %scan3A_75, %mul3A_76 : i32
      %add3A_78 = arith.constant 0 : i32
      %add3A_79 = arith.addi %mul3A_77, %add3A_78 : i32
      %ge3A = arith.constant 3 : i32
      %ge3A_80 = arith.cmpi sge, %add3A_79, %ge3A : i32
      %convert_element_type3A_81 = arith.extui %ge3A_80 : i1 to i32
      %cond3A_82 = arith.constant 0 : i32
      %cond3A_83 = arith.cmpi ne, %convert_element_type3A_81, %cond3A_82 : i32
      scf.if %cond3A_83 {
        %sub3A = arith.constant 3 : i32
        %sub3A_249 = arith.subi %add3A_79, %sub3A : i32
        %dma_wait3A_250 = arith.constant 0 : i32
        %dma_wait3A_251 = tpu.memref_slice %arg7[%sub3A_249, %dma_wait3A_250] : memref<19x128xi32, #tpu.memory_space<vmem>> -> memref<1x128xi32, #tpu.memory_space<vmem>>
        %dma_wait3A_252 = tpu.memref_squeeze %dma_wait3A_251 : memref<1x128xi32, #tpu.memory_space<vmem>> -> memref<128xi32, #tpu.memory_space<vmem>>
        %dma_wait3A_253 = arith.constant 0 : i32
        %dma_wait3A_254 = arith.constant 0 : i32
        %dma_wait3A_255 = tpu.memref_slice %arg28[%dma_wait3A_253, %dma_wait3A_254] : memref<10000x48xf32, #tpu.memory_space<vmem_shared>> -> memref<10000x48xf32, #tpu.memory_space<vmem_shared>>
        tpu.wait_indirect_dma semaphore(%arg24 : memref<!tpu.dma_semaphore, #tpu.memory_space<semaphore_mem>>) src(%arg12 : memref<128x48xf32, #tpu.memory_space<vmem>>) dst(%dma_wait3A_255 : memref<10000x48xf32, #tpu.memory_space<vmem_shared>>)
      } else {
      }
      %add3A_84 = arith.constant 3 : i32
      %add3A_85 = arith.addi %add3A_79, %add3A_84 : i32
      %lt3A_86 = arith.constant 19 : i32
      %lt3A_87 = arith.cmpi slt, %add3A_85, %lt3A_86 : i32
      %convert_element_type3A_88 = arith.extui %lt3A_87 : i1 to i32
      %cond3A_89 = arith.constant 0 : i32
      %cond3A_90 = arith.cmpi ne, %convert_element_type3A_88, %cond3A_89 : i32
      scf.if %cond3A_90 {
        %add3A_249 = arith.constant 3 : i32
        %add3A_250 = arith.addi %add3A_79, %add3A_249 : i32
        %mul3A_251 = arith.constant 128 : i32
        %mul3A_252 = arith.muli %add3A_250, %mul3A_251 : i32
        %add3A_253 = arith.addi %mul3A_2, %mul3A_252 : i32
        %dma_start3A_254 = arith.constant 0 : i32
        %dma_start3A_255 = tpu.memref_slice %arg2[%add3A_253, %dma_start3A_254] : memref<80000x128xf32, #tpu.memory_space<hbm>> -> memref<128x48xf32, #tpu.memory_space<hbm>>
        %dma_start3A_256 = arith.constant 0 : i32
        %dma_start3A_257 = tpu.memref_slice %arg2[%add3A_253, %dma_start3A_256] : memref<80000x128xf32, #tpu.memory_space<hbm>> -> memref<128x48xf32, #tpu.memory_space<hbm>>
        tpu.enqueue_dma source(%dma_start3A_257 : memref<128x48xf32, #tpu.memory_space<hbm>>) target(%arg12 : memref<128x48xf32, #tpu.memory_space<vmem>>) target_semaphore(%arg18 : memref<!tpu.dma_semaphore, #tpu.memory_space<semaphore_mem>>)
      } else {
      }
      %mul3A_91 = arith.constant 128 : i32
      %mul3A_92 = arith.muli %add3A_79, %mul3A_91 : i32
      %add3A_93 = arith.addi %mul3A_2, %mul3A_92 : i32
      %dma_wait3A_94 = arith.constant 0 : i32
      %dma_wait3A_95 = tpu.memref_slice %arg2[%add3A_93, %dma_wait3A_94] : memref<80000x128xf32, #tpu.memory_space<hbm>> -> memref<128x48xf32, #tpu.memory_space<hbm>>
      %dma_wait3A_96 = arith.constant 0 : i32
      %dma_wait3A_97 = tpu.memref_slice %arg2[%add3A_93, %dma_wait3A_96] : memref<80000x128xf32, #tpu.memory_space<hbm>> -> memref<128x48xf32, #tpu.memory_space<hbm>>
      tpu.wait_dma2 semaphore(%arg15 : memref<!tpu.dma_semaphore, #tpu.memory_space<semaphore_mem>>) src(%dma_wait3A_97 : memref<128x48xf32, #tpu.memory_space<hbm>>) dst(%arg9 : memref<128x48xf32, #tpu.memory_space<vmem>>)
      %dma_start3A_98 = arith.constant 0 : i32
      %dma_start3A_99 = tpu.memref_slice %arg7[%add3A_79, %dma_start3A_98] : memref<19x128xi32, #tpu.memory_space<vmem>> -> memref<1x128xi32, #tpu.memory_space<vmem>>
      %dma_start3A_100 = tpu.memref_squeeze %dma_start3A_99 : memref<1x128xi32, #tpu.memory_space<vmem>> -> memref<128xi32, #tpu.memory_space<vmem>>
      %dma_start3A_101 = arith.constant 0 : i32
      %dma_start3A_102 = arith.constant 0 : i32
      %dma_start3A_103 = tpu.memref_slice %arg28[%dma_start3A_101, %dma_start3A_102] : memref<10000x48xf32, #tpu.memory_space<vmem_shared>> -> memref<10000x48xf32, #tpu.memory_space<vmem_shared>>
      tpu.enqueue_indirect_dma source(%arg9 : memref<128x48xf32, #tpu.memory_space<vmem>>) target(%dma_start3A_103 : memref<10000x48xf32, #tpu.memory_space<vmem_shared>>) offsets(%dma_start3A_100 : memref<128xi32, #tpu.memory_space<vmem>>) semaphore(%arg21 : memref<!tpu.dma_semaphore, #tpu.memory_space<semaphore_mem>>) {add = true}
      %mul3A_104 = arith.constant 6 : i32
      %mul3A_105 = arith.muli %scan3A_75, %mul3A_104 : i32
      %add3A_106 = arith.constant 1 : i32
      %add3A_107 = arith.addi %mul3A_105, %add3A_106 : i32
      %ge3A_108 = arith.constant 3 : i32
      %ge3A_109 = arith.cmpi sge, %add3A_107, %ge3A_108 : i32
      %convert_element_type3A_110 = arith.extui %ge3A_109 : i1 to i32
      %cond3A_111 = arith.constant 0 : i32
      %cond3A_112 = arith.cmpi ne, %convert_element_type3A_110, %cond3A_111 : i32
      scf.if %cond3A_112 {
        %sub3A = arith.constant 3 : i32
        %sub3A_249 = arith.subi %add3A_107, %sub3A : i32
        %dma_wait3A_250 = arith.constant 0 : i32
        %dma_wait3A_251 = tpu.memref_slice %arg7[%sub3A_249, %dma_wait3A_250] : memref<19x128xi32, #tpu.memory_space<vmem>> -> memref<1x128xi32, #tpu.memory_space<vmem>>
        %dma_wait3A_252 = tpu.memref_squeeze %dma_wait3A_251 : memref<1x128xi32, #tpu.memory_space<vmem>> -> memref<128xi32, #tpu.memory_space<vmem>>
        %dma_wait3A_253 = arith.constant 0 : i32
        %dma_wait3A_254 = arith.constant 0 : i32
        %dma_wait3A_255 = tpu.memref_slice %arg28[%dma_wait3A_253, %dma_wait3A_254] : memref<10000x48xf32, #tpu.memory_space<vmem_shared>> -> memref<10000x48xf32, #tpu.memory_space<vmem_shared>>
        tpu.wait_indirect_dma semaphore(%arg25 : memref<!tpu.dma_semaphore, #tpu.memory_space<semaphore_mem>>) src(%arg13 : memref<128x48xf32, #tpu.memory_space<vmem>>) dst(%dma_wait3A_255 : memref<10000x48xf32, #tpu.memory_space<vmem_shared>>)
      } else {
      }
      %add3A_113 = arith.constant 3 : i32
      %add3A_114 = arith.addi %add3A_107, %add3A_113 : i32
      %lt3A_115 = arith.constant 19 : i32
      %lt3A_116 = arith.cmpi slt, %add3A_114, %lt3A_115 : i32
      %convert_element_type3A_117 = arith.extui %lt3A_116 : i1 to i32
      %cond3A_118 = arith.constant 0 : i32
      %cond3A_119 = arith.cmpi ne, %convert_element_type3A_117, %cond3A_118 : i32
      scf.if %cond3A_119 {
        %add3A_249 = arith.constant 3 : i32
        %add3A_250 = arith.addi %add3A_107, %add3A_249 : i32
        %mul3A_251 = arith.constant 128 : i32
        %mul3A_252 = arith.muli %add3A_250, %mul3A_251 : i32
        %add3A_253 = arith.addi %mul3A_2, %mul3A_252 : i32
        %dma_start3A_254 = arith.constant 0 : i32
        %dma_start3A_255 = tpu.memref_slice %arg2[%add3A_253, %dma_start3A_254] : memref<80000x128xf32, #tpu.memory_space<hbm>> -> memref<128x48xf32, #tpu.memory_space<hbm>>
        %dma_start3A_256 = arith.constant 0 : i32
        %dma_start3A_257 = tpu.memref_slice %arg2[%add3A_253, %dma_start3A_256] : memref<80000x128xf32, #tpu.memory_space<hbm>> -> memref<128x48xf32, #tpu.memory_space<hbm>>
        tpu.enqueue_dma source(%dma_start3A_257 : memref<128x48xf32, #tpu.memory_space<hbm>>) target(%arg13 : memref<128x48xf32, #tpu.memory_space<vmem>>) target_semaphore(%arg19 : memref<!tpu.dma_semaphore, #tpu.memory_space<semaphore_mem>>)
      } else {
      }
      %mul3A_120 = arith.constant 128 : i32
      %mul3A_121 = arith.muli %add3A_107, %mul3A_120 : i32
      %add3A_122 = arith.addi %mul3A_2, %mul3A_121 : i32
      %dma_wait3A_123 = arith.constant 0 : i32
      %dma_wait3A_124 = tpu.memref_slice %arg2[%add3A_122, %dma_wait3A_123] : memref<80000x128xf32, #tpu.memory_space<hbm>> -> memref<128x48xf32, #tpu.memory_space<hbm>>
      %dma_wait3A_125 = arith.constant 0 : i32
      %dma_wait3A_126 = tpu.memref_slice %arg2[%add3A_122, %dma_wait3A_125] : memref<80000x128xf32, #tpu.memory_space<hbm>> -> memref<128x48xf32, #tpu.memory_space<hbm>>
      tpu.wait_dma2 semaphore(%arg16 : memref<!tpu.dma_semaphore, #tpu.memory_space<semaphore_mem>>) src(%dma_wait3A_126 : memref<128x48xf32, #tpu.memory_space<hbm>>) dst(%arg10 : memref<128x48xf32, #tpu.memory_space<vmem>>)
      %dma_start3A_127 = arith.constant 0 : i32
      %dma_start3A_128 = tpu.memref_slice %arg7[%add3A_107, %dma_start3A_127] : memref<19x128xi32, #tpu.memory_space<vmem>> -> memref<1x128xi32, #tpu.memory_space<vmem>>
      %dma_start3A_129 = tpu.memref_squeeze %dma_start3A_128 : memref<1x128xi32, #tpu.memory_space<vmem>> -> memref<128xi32, #tpu.memory_space<vmem>>
      %dma_start3A_130 = arith.constant 0 : i32
      %dma_start3A_131 = arith.constant 0 : i32
      %dma_start3A_132 = tpu.memref_slice %arg28[%dma_start3A_130, %dma_start3A_131] : memref<10000x48xf32, #tpu.memory_space<vmem_shared>> -> memref<10000x48xf32, #tpu.memory_space<vmem_shared>>
      tpu.enqueue_indirect_dma source(%arg10 : memref<128x48xf32, #tpu.memory_space<vmem>>) target(%dma_start3A_132 : memref<10000x48xf32, #tpu.memory_space<vmem_shared>>) offsets(%dma_start3A_129 : memref<128xi32, #tpu.memory_space<vmem>>) semaphore(%arg22 : memref<!tpu.dma_semaphore, #tpu.memory_space<semaphore_mem>>) {add = true}
      %mul3A_133 = arith.constant 6 : i32
      %mul3A_134 = arith.muli %scan3A_75, %mul3A_133 : i32
      %add3A_135 = arith.constant 2 : i32
      %add3A_136 = arith.addi %mul3A_134, %add3A_135 : i32
      %ge3A_137 = arith.constant 3 : i32
      %ge3A_138 = arith.cmpi sge, %add3A_136, %ge3A_137 : i32
      %convert_element_type3A_139 = arith.extui %ge3A_138 : i1 to i32
      %cond3A_140 = arith.constant 0 : i32
      %cond3A_141 = arith.cmpi ne, %convert_element_type3A_139, %cond3A_140 : i32
      scf.if %cond3A_141 {
        %sub3A = arith.constant 3 : i32
        %sub3A_249 = arith.subi %add3A_136, %sub3A : i32
        %dma_wait3A_250 = arith.constant 0 : i32
        %dma_wait3A_251 = tpu.memref_slice %arg7[%sub3A_249, %dma_wait3A_250] : memref<19x128xi32, #tpu.memory_space<vmem>> -> memref<1x128xi32, #tpu.memory_space<vmem>>
        %dma_wait3A_252 = tpu.memref_squeeze %dma_wait3A_251 : memref<1x128xi32, #tpu.memory_space<vmem>> -> memref<128xi32, #tpu.memory_space<vmem>>
        %dma_wait3A_253 = arith.constant 0 : i32
        %dma_wait3A_254 = arith.constant 0 : i32
        %dma_wait3A_255 = tpu.memref_slice %arg28[%dma_wait3A_253, %dma_wait3A_254] : memref<10000x48xf32, #tpu.memory_space<vmem_shared>> -> memref<10000x48xf32, #tpu.memory_space<vmem_shared>>
        tpu.wait_indirect_dma semaphore(%arg26 : memref<!tpu.dma_semaphore, #tpu.memory_space<semaphore_mem>>) src(%arg14 : memref<128x48xf32, #tpu.memory_space<vmem>>) dst(%dma_wait3A_255 : memref<10000x48xf32, #tpu.memory_space<vmem_shared>>)
      } else {
      }
      %add3A_142 = arith.constant 3 : i32
      %add3A_143 = arith.addi %add3A_136, %add3A_142 : i32
      %lt3A_144 = arith.constant 19 : i32
      %lt3A_145 = arith.cmpi slt, %add3A_143, %lt3A_144 : i32
      %convert_element_type3A_146 = arith.extui %lt3A_145 : i1 to i32
      %cond3A_147 = arith.constant 0 : i32
      %cond3A_148 = arith.cmpi ne, %convert_element_type3A_146, %cond3A_147 : i32
      scf.if %cond3A_148 {
        %add3A_249 = arith.constant 3 : i32
        %add3A_250 = arith.addi %add3A_136, %add3A_249 : i32
        %mul3A_251 = arith.constant 128 : i32
        %mul3A_252 = arith.muli %add3A_250, %mul3A_251 : i32
        %add3A_253 = arith.addi %mul3A_2, %mul3A_252 : i32
        %dma_start3A_254 = arith.constant 0 : i32
        %dma_start3A_255 = tpu.memref_slice %arg2[%add3A_253, %dma_start3A_254] : memref<80000x128xf32, #tpu.memory_space<hbm>> -> memref<128x48xf32, #tpu.memory_space<hbm>>
        %dma_start3A_256 = arith.constant 0 : i32
        %dma_start3A_257 = tpu.memref_slice %arg2[%add3A_253, %dma_start3A_256] : memref<80000x128xf32, #tpu.memory_space<hbm>> -> memref<128x48xf32, #tpu.memory_space<hbm>>
        tpu.enqueue_dma source(%dma_start3A_257 : memref<128x48xf32, #tpu.memory_space<hbm>>) target(%arg14 : memref<128x48xf32, #tpu.memory_space<vmem>>) target_semaphore(%arg20 : memref<!tpu.dma_semaphore, #tpu.memory_space<semaphore_mem>>)
      } else {
      }
      %mul3A_149 = arith.constant 128 : i32
      %mul3A_150 = arith.muli %add3A_136, %mul3A_149 : i32
      %add3A_151 = arith.addi %mul3A_2, %mul3A_150 : i32
      %dma_wait3A_152 = arith.constant 0 : i32
      %dma_wait3A_153 = tpu.memref_slice %arg2[%add3A_151, %dma_wait3A_152] : memref<80000x128xf32, #tpu.memory_space<hbm>> -> memref<128x48xf32, #tpu.memory_space<hbm>>
      %dma_wait3A_154 = arith.constant 0 : i32
      %dma_wait3A_155 = tpu.memref_slice %arg2[%add3A_151, %dma_wait3A_154] : memref<80000x128xf32, #tpu.memory_space<hbm>> -> memref<128x48xf32, #tpu.memory_space<hbm>>
      tpu.wait_dma2 semaphore(%arg17 : memref<!tpu.dma_semaphore, #tpu.memory_space<semaphore_mem>>) src(%dma_wait3A_155 : memref<128x48xf32, #tpu.memory_space<hbm>>) dst(%arg11 : memref<128x48xf32, #tpu.memory_space<vmem>>)
      %dma_start3A_156 = arith.constant 0 : i32
      %dma_start3A_157 = tpu.memref_slice %arg7[%add3A_136, %dma_start3A_156] : memref<19x128xi32, #tpu.memory_space<vmem>> -> memref<1x128xi32, #tpu.memory_space<vmem>>
      %dma_start3A_158 = tpu.memref_squeeze %dma_start3A_157 : memref<1x128xi32, #tpu.memory_space<vmem>> -> memref<128xi32, #tpu.memory_space<vmem>>
      %dma_start3A_159 = arith.constant 0 : i32
      %dma_start3A_160 = arith.constant 0 : i32
      %dma_start3A_161 = tpu.memref_slice %arg28[%dma_start3A_159, %dma_start3A_160] : memref<10000x48xf32, #tpu.memory_space<vmem_shared>> -> memref<10000x48xf32, #tpu.memory_space<vmem_shared>>
      tpu.enqueue_indirect_dma source(%arg11 : memref<128x48xf32, #tpu.memory_space<vmem>>) target(%dma_start3A_161 : memref<10000x48xf32, #tpu.memory_space<vmem_shared>>) offsets(%dma_start3A_158 : memref<128xi32, #tpu.memory_space<vmem>>) semaphore(%arg23 : memref<!tpu.dma_semaphore, #tpu.memory_space<semaphore_mem>>) {add = true}
      %mul3A_162 = arith.constant 6 : i32
      %mul3A_163 = arith.muli %scan3A_75, %mul3A_162 : i32
      %add3A_164 = arith.constant 3 : i32
      %add3A_165 = arith.addi %mul3A_163, %add3A_164 : i32
      %ge3A_166 = arith.constant 3 : i32
      %ge3A_167 = arith.cmpi sge, %add3A_165, %ge3A_166 : i32
      %convert_element_type3A_168 = arith.extui %ge3A_167 : i1 to i32
      %cond3A_169 = arith.constant 0 : i32
      %cond3A_170 = arith.cmpi ne, %convert_element_type3A_168, %cond3A_169 : i32
      scf.if %cond3A_170 {
        %sub3A = arith.constant 3 : i32
        %sub3A_249 = arith.subi %add3A_165, %sub3A : i32
        %dma_wait3A_250 = arith.constant 0 : i32
        %dma_wait3A_251 = tpu.memref_slice %arg7[%sub3A_249, %dma_wait3A_250] : memref<19x128xi32, #tpu.memory_space<vmem>> -> memref<1x128xi32, #tpu.memory_space<vmem>>
        %dma_wait3A_252 = tpu.memref_squeeze %dma_wait3A_251 : memref<1x128xi32, #tpu.memory_space<vmem>> -> memref<128xi32, #tpu.memory_space<vmem>>
        %dma_wait3A_253 = arith.constant 0 : i32
        %dma_wait3A_254 = arith.constant 0 : i32
        %dma_wait3A_255 = tpu.memref_slice %arg28[%dma_wait3A_253, %dma_wait3A_254] : memref<10000x48xf32, #tpu.memory_space<vmem_shared>> -> memref<10000x48xf32, #tpu.memory_space<vmem_shared>>
        tpu.wait_indirect_dma semaphore(%arg21 : memref<!tpu.dma_semaphore, #tpu.memory_space<semaphore_mem>>) src(%arg9 : memref<128x48xf32, #tpu.memory_space<vmem>>) dst(%dma_wait3A_255 : memref<10000x48xf32, #tpu.memory_space<vmem_shared>>)
      } else {
      }
      %add3A_171 = arith.constant 3 : i32
      %add3A_172 = arith.addi %add3A_165, %add3A_171 : i32
      %lt3A_173 = arith.constant 19 : i32
      %lt3A_174 = arith.cmpi slt, %add3A_172, %lt3A_173 : i32
      %convert_element_type3A_175 = arith.extui %lt3A_174 : i1 to i32
      %cond3A_176 = arith.constant 0 : i32
      %cond3A_177 = arith.cmpi ne, %convert_element_type3A_175, %cond3A_176 : i32
      scf.if %cond3A_177 {
        %add3A_249 = arith.constant 3 : i32
        %add3A_250 = arith.addi %add3A_165, %add3A_249 : i32
        %mul3A_251 = arith.constant 128 : i32
        %mul3A_252 = arith.muli %add3A_250, %mul3A_251 : i32
        %add3A_253 = arith.addi %mul3A_2, %mul3A_252 : i32
        %dma_start3A_254 = arith.constant 0 : i32
        %dma_start3A_255 = tpu.memref_slice %arg2[%add3A_253, %dma_start3A_254] : memref<80000x128xf32, #tpu.memory_space<hbm>> -> memref<128x48xf32, #tpu.memory_space<hbm>>
        %dma_start3A_256 = arith.constant 0 : i32
        %dma_start3A_257 = tpu.memref_slice %arg2[%add3A_253, %dma_start3A_256] : memref<80000x128xf32, #tpu.memory_space<hbm>> -> memref<128x48xf32, #tpu.memory_space<hbm>>
        tpu.enqueue_dma source(%dma_start3A_257 : memref<128x48xf32, #tpu.memory_space<hbm>>) target(%arg9 : memref<128x48xf32, #tpu.memory_space<vmem>>) target_semaphore(%arg15 : memref<!tpu.dma_semaphore, #tpu.memory_space<semaphore_mem>>)
      } else {
      }
      %mul3A_178 = arith.constant 128 : i32
      %mul3A_179 = arith.muli %add3A_165, %mul3A_178 : i32
      %add3A_180 = arith.addi %mul3A_2, %mul3A_179 : i32
      %dma_wait3A_181 = arith.constant 0 : i32
      %dma_wait3A_182 = tpu.memref_slice %arg2[%add3A_180, %dma_wait3A_181] : memref<80000x128xf32, #tpu.memory_space<hbm>> -> memref<128x48xf32, #tpu.memory_space<hbm>>
      %dma_wait3A_183 = arith.constant 0 : i32
      %dma_wait3A_184 = tpu.memref_slice %arg2[%add3A_180, %dma_wait3A_183] : memref<80000x128xf32, #tpu.memory_space<hbm>> -> memref<128x48xf32, #tpu.memory_space<hbm>>
      tpu.wait_dma2 semaphore(%arg18 : memref<!tpu.dma_semaphore, #tpu.memory_space<semaphore_mem>>) src(%dma_wait3A_184 : memref<128x48xf32, #tpu.memory_space<hbm>>) dst(%arg12 : memref<128x48xf32, #tpu.memory_space<vmem>>)
      %dma_start3A_185 = arith.constant 0 : i32
      %dma_start3A_186 = tpu.memref_slice %arg7[%add3A_165, %dma_start3A_185] : memref<19x128xi32, #tpu.memory_space<vmem>> -> memref<1x128xi32, #tpu.memory_space<vmem>>
      %dma_start3A_187 = tpu.memref_squeeze %dma_start3A_186 : memref<1x128xi32, #tpu.memory_space<vmem>> -> memref<128xi32, #tpu.memory_space<vmem>>
      %dma_start3A_188 = arith.constant 0 : i32
      %dma_start3A_189 = arith.constant 0 : i32
      %dma_start3A_190 = tpu.memref_slice %arg28[%dma_start3A_188, %dma_start3A_189] : memref<10000x48xf32, #tpu.memory_space<vmem_shared>> -> memref<10000x48xf32, #tpu.memory_space<vmem_shared>>
      tpu.enqueue_indirect_dma source(%arg12 : memref<128x48xf32, #tpu.memory_space<vmem>>) target(%dma_start3A_190 : memref<10000x48xf32, #tpu.memory_space<vmem_shared>>) offsets(%dma_start3A_187 : memref<128xi32, #tpu.memory_space<vmem>>) semaphore(%arg24 : memref<!tpu.dma_semaphore, #tpu.memory_space<semaphore_mem>>) {add = true}
      %mul3A_191 = arith.constant 6 : i32
      %mul3A_192 = arith.muli %scan3A_75, %mul3A_191 : i32
      %add3A_193 = arith.constant 4 : i32
      %add3A_194 = arith.addi %mul3A_192, %add3A_193 : i32
      %ge3A_195 = arith.constant 3 : i32
      %ge3A_196 = arith.cmpi sge, %add3A_194, %ge3A_195 : i32
      %convert_element_type3A_197 = arith.extui %ge3A_196 : i1 to i32
      %cond3A_198 = arith.constant 0 : i32
      %cond3A_199 = arith.cmpi ne, %convert_element_type3A_197, %cond3A_198 : i32
      scf.if %cond3A_199 {
        %sub3A = arith.constant 3 : i32
        %sub3A_249 = arith.subi %add3A_194, %sub3A : i32
        %dma_wait3A_250 = arith.constant 0 : i32
        %dma_wait3A_251 = tpu.memref_slice %arg7[%sub3A_249, %dma_wait3A_250] : memref<19x128xi32, #tpu.memory_space<vmem>> -> memref<1x128xi32, #tpu.memory_space<vmem>>
        %dma_wait3A_252 = tpu.memref_squeeze %dma_wait3A_251 : memref<1x128xi32, #tpu.memory_space<vmem>> -> memref<128xi32, #tpu.memory_space<vmem>>
        %dma_wait3A_253 = arith.constant 0 : i32
        %dma_wait3A_254 = arith.constant 0 : i32
        %dma_wait3A_255 = tpu.memref_slice %arg28[%dma_wait3A_253, %dma_wait3A_254] : memref<10000x48xf32, #tpu.memory_space<vmem_shared>> -> memref<10000x48xf32, #tpu.memory_space<vmem_shared>>
        tpu.wait_indirect_dma semaphore(%arg22 : memref<!tpu.dma_semaphore, #tpu.memory_space<semaphore_mem>>) src(%arg10 : memref<128x48xf32, #tpu.memory_space<vmem>>) dst(%dma_wait3A_255 : memref<10000x48xf32, #tpu.memory_space<vmem_shared>>)
      } else {
      }
      %add3A_200 = arith.constant 3 : i32
      %add3A_201 = arith.addi %add3A_194, %add3A_200 : i32
      %lt3A_202 = arith.constant 19 : i32
      %lt3A_203 = arith.cmpi slt, %add3A_201, %lt3A_202 : i32
      %convert_element_type3A_204 = arith.extui %lt3A_203 : i1 to i32
      %cond3A_205 = arith.constant 0 : i32
      %cond3A_206 = arith.cmpi ne, %convert_element_type3A_204, %cond3A_205 : i32
      scf.if %cond3A_206 {
        %add3A_249 = arith.constant 3 : i32
        %add3A_250 = arith.addi %add3A_194, %add3A_249 : i32
        %mul3A_251 = arith.constant 128 : i32
        %mul3A_252 = arith.muli %add3A_250, %mul3A_251 : i32
        %add3A_253 = arith.addi %mul3A_2, %mul3A_252 : i32
        %dma_start3A_254 = arith.constant 0 : i32
        %dma_start3A_255 = tpu.memref_slice %arg2[%add3A_253, %dma_start3A_254] : memref<80000x128xf32, #tpu.memory_space<hbm>> -> memref<128x48xf32, #tpu.memory_space<hbm>>
        %dma_start3A_256 = arith.constant 0 : i32
        %dma_start3A_257 = tpu.memref_slice %arg2[%add3A_253, %dma_start3A_256] : memref<80000x128xf32, #tpu.memory_space<hbm>> -> memref<128x48xf32, #tpu.memory_space<hbm>>
        tpu.enqueue_dma source(%dma_start3A_257 : memref<128x48xf32, #tpu.memory_space<hbm>>) target(%arg10 : memref<128x48xf32, #tpu.memory_space<vmem>>) target_semaphore(%arg16 : memref<!tpu.dma_semaphore, #tpu.memory_space<semaphore_mem>>)
      } else {
      }
      %mul3A_207 = arith.constant 128 : i32
      %mul3A_208 = arith.muli %add3A_194, %mul3A_207 : i32
      %add3A_209 = arith.addi %mul3A_2, %mul3A_208 : i32
      %dma_wait3A_210 = arith.constant 0 : i32
      %dma_wait3A_211 = tpu.memref_slice %arg2[%add3A_209, %dma_wait3A_210] : memref<80000x128xf32, #tpu.memory_space<hbm>> -> memref<128x48xf32, #tpu.memory_space<hbm>>
      %dma_wait3A_212 = arith.constant 0 : i32
      %dma_wait3A_213 = tpu.memref_slice %arg2[%add3A_209, %dma_wait3A_212] : memref<80000x128xf32, #tpu.memory_space<hbm>> -> memref<128x48xf32, #tpu.memory_space<hbm>>
      tpu.wait_dma2 semaphore(%arg19 : memref<!tpu.dma_semaphore, #tpu.memory_space<semaphore_mem>>) src(%dma_wait3A_213 : memref<128x48xf32, #tpu.memory_space<hbm>>) dst(%arg13 : memref<128x48xf32, #tpu.memory_space<vmem>>)
      %dma_start3A_214 = arith.constant 0 : i32
      %dma_start3A_215 = tpu.memref_slice %arg7[%add3A_194, %dma_start3A_214] : memref<19x128xi32, #tpu.memory_space<vmem>> -> memref<1x128xi32, #tpu.memory_space<vmem>>
      %dma_start3A_216 = tpu.memref_squeeze %dma_start3A_215 : memref<1x128xi32, #tpu.memory_space<vmem>> -> memref<128xi32, #tpu.memory_space<vmem>>
      %dma_start3A_217 = arith.constant 0 : i32
      %dma_start3A_218 = arith.constant 0 : i32
      %dma_start3A_219 = tpu.memref_slice %arg28[%dma_start3A_217, %dma_start3A_218] : memref<10000x48xf32, #tpu.memory_space<vmem_shared>> -> memref<10000x48xf32, #tpu.memory_space<vmem_shared>>
      tpu.enqueue_indirect_dma source(%arg13 : memref<128x48xf32, #tpu.memory_space<vmem>>) target(%dma_start3A_219 : memref<10000x48xf32, #tpu.memory_space<vmem_shared>>) offsets(%dma_start3A_216 : memref<128xi32, #tpu.memory_space<vmem>>) semaphore(%arg25 : memref<!tpu.dma_semaphore, #tpu.memory_space<semaphore_mem>>) {add = true}
      %mul3A_220 = arith.constant 6 : i32
      %mul3A_221 = arith.muli %scan3A_75, %mul3A_220 : i32
      %add3A_222 = arith.constant 5 : i32
      %add3A_223 = arith.addi %mul3A_221, %add3A_222 : i32
      %ge3A_224 = arith.constant 3 : i32
      %ge3A_225 = arith.cmpi sge, %add3A_223, %ge3A_224 : i32
      %convert_element_type3A_226 = arith.extui %ge3A_225 : i1 to i32
      %cond3A_227 = arith.constant 0 : i32
      %cond3A_228 = arith.cmpi ne, %convert_element_type3A_226, %cond3A_227 : i32
      scf.if %cond3A_228 {
        %sub3A = arith.constant 3 : i32
        %sub3A_249 = arith.subi %add3A_223, %sub3A : i32
        %dma_wait3A_250 = arith.constant 0 : i32
        %dma_wait3A_251 = tpu.memref_slice %arg7[%sub3A_249, %dma_wait3A_250] : memref<19x128xi32, #tpu.memory_space<vmem>> -> memref<1x128xi32, #tpu.memory_space<vmem>>
        %dma_wait3A_252 = tpu.memref_squeeze %dma_wait3A_251 : memref<1x128xi32, #tpu.memory_space<vmem>> -> memref<128xi32, #tpu.memory_space<vmem>>
        %dma_wait3A_253 = arith.constant 0 : i32
        %dma_wait3A_254 = arith.constant 0 : i32
        %dma_wait3A_255 = tpu.memref_slice %arg28[%dma_wait3A_253, %dma_wait3A_254] : memref<10000x48xf32, #tpu.memory_space<vmem_shared>> -> memref<10000x48xf32, #tpu.memory_space<vmem_shared>>
        tpu.wait_indirect_dma semaphore(%arg23 : memref<!tpu.dma_semaphore, #tpu.memory_space<semaphore_mem>>) src(%arg11 : memref<128x48xf32, #tpu.memory_space<vmem>>) dst(%dma_wait3A_255 : memref<10000x48xf32, #tpu.memory_space<vmem_shared>>)
      } else {
      }
      %add3A_229 = arith.constant 3 : i32
      %add3A_230 = arith.addi %add3A_223, %add3A_229 : i32
      %lt3A_231 = arith.constant 19 : i32
      %lt3A_232 = arith.cmpi slt, %add3A_230, %lt3A_231 : i32
      %convert_element_type3A_233 = arith.extui %lt3A_232 : i1 to i32
      %cond3A_234 = arith.constant 0 : i32
      %cond3A_235 = arith.cmpi ne, %convert_element_type3A_233, %cond3A_234 : i32
      scf.if %cond3A_235 {
        %add3A_249 = arith.constant 3 : i32
        %add3A_250 = arith.addi %add3A_223, %add3A_249 : i32
        %mul3A_251 = arith.constant 128 : i32
        %mul3A_252 = arith.muli %add3A_250, %mul3A_251 : i32
        %add3A_253 = arith.addi %mul3A_2, %mul3A_252 : i32
        %dma_start3A_254 = arith.constant 0 : i32
        %dma_start3A_255 = tpu.memref_slice %arg2[%add3A_253, %dma_start3A_254] : memref<80000x128xf32, #tpu.memory_space<hbm>> -> memref<128x48xf32, #tpu.memory_space<hbm>>
        %dma_start3A_256 = arith.constant 0 : i32
        %dma_start3A_257 = tpu.memref_slice %arg2[%add3A_253, %dma_start3A_256] : memref<80000x128xf32, #tpu.memory_space<hbm>> -> memref<128x48xf32, #tpu.memory_space<hbm>>
        tpu.enqueue_dma source(%dma_start3A_257 : memref<128x48xf32, #tpu.memory_space<hbm>>) target(%arg11 : memref<128x48xf32, #tpu.memory_space<vmem>>) target_semaphore(%arg17 : memref<!tpu.dma_semaphore, #tpu.memory_space<semaphore_mem>>)
      } else {
      }
      %mul3A_236 = arith.constant 128 : i32
      %mul3A_237 = arith.muli %add3A_223, %mul3A_236 : i32
      %add3A_238 = arith.addi %mul3A_2, %mul3A_237 : i32
      %dma_wait3A_239 = arith.constant 0 : i32
      %dma_wait3A_240 = tpu.memref_slice %arg2[%add3A_238, %dma_wait3A_239] : memref<80000x128xf32, #tpu.memory_space<hbm>> -> memref<128x48xf32, #tpu.memory_space<hbm>>
      %dma_wait3A_241 = arith.constant 0 : i32
      %dma_wait3A_242 = tpu.memref_slice %arg2[%add3A_238, %dma_wait3A_241] : memref<80000x128xf32, #tpu.memory_space<hbm>> -> memref<128x48xf32, #tpu.memory_space<hbm>>
      tpu.wait_dma2 semaphore(%arg20 : memref<!tpu.dma_semaphore, #tpu.memory_space<semaphore_mem>>) src(%dma_wait3A_242 : memref<128x48xf32, #tpu.memory_space<hbm>>) dst(%arg14 : memref<128x48xf32, #tpu.memory_space<vmem>>)
      %dma_start3A_243 = arith.constant 0 : i32
      %dma_start3A_244 = tpu.memref_slice %arg7[%add3A_223, %dma_start3A_243] : memref<19x128xi32, #tpu.memory_space<vmem>> -> memref<1x128xi32, #tpu.memory_space<vmem>>
      %dma_start3A_245 = tpu.memref_squeeze %dma_start3A_244 : memref<1x128xi32, #tpu.memory_space<vmem>> -> memref<128xi32, #tpu.memory_space<vmem>>
      %dma_start3A_246 = arith.constant 0 : i32
      %dma_start3A_247 = arith.constant 0 : i32
      %dma_start3A_248 = tpu.memref_slice %arg28[%dma_start3A_246, %dma_start3A_247] : memref<10000x48xf32, #tpu.memory_space<vmem_shared>> -> memref<10000x48xf32, #tpu.memory_space<vmem_shared>>
      tpu.enqueue_indirect_dma source(%arg14 : memref<128x48xf32, #tpu.memory_space<vmem>>) target(%dma_start3A_248 : memref<10000x48xf32, #tpu.memory_space<vmem_shared>>) offsets(%dma_start3A_245 : memref<128xi32, #tpu.memory_space<vmem>>) semaphore(%arg26 : memref<!tpu.dma_semaphore, #tpu.memory_space<semaphore_mem>>) {add = true}
    }
    %scan3A_26 = arith.constant 3 : i32
    %dma_wait3A = arith.constant 15 : i32
    %dma_wait3A_27 = arith.constant 0 : i32
    %dma_wait3A_28 = tpu.memref_slice %arg7[%dma_wait3A, %dma_wait3A_27] : memref<19x128xi32, #tpu.memory_space<vmem>> -> memref<1x128xi32, #tpu.memory_space<vmem>>
    %dma_wait3A_29 = tpu.memref_squeeze %dma_wait3A_28 : memref<1x128xi32, #tpu.memory_space<vmem>> -> memref<128xi32, #tpu.memory_space<vmem>>
    %dma_wait3A_30 = arith.constant 0 : i32
    %dma_wait3A_31 = arith.constant 0 : i32
    %dma_wait3A_32 = tpu.memref_slice %arg28[%dma_wait3A_30, %dma_wait3A_31] : memref<10000x48xf32, #tpu.memory_space<vmem_shared>> -> memref<10000x48xf32, #tpu.memory_space<vmem_shared>>
    tpu.wait_indirect_dma semaphore(%arg24 : memref<!tpu.dma_semaphore, #tpu.memory_space<semaphore_mem>>) src(%arg12 : memref<128x48xf32, #tpu.memory_space<vmem>>) dst(%dma_wait3A_32 : memref<10000x48xf32, #tpu.memory_space<vmem_shared>>)
    %add3A_33 = arith.constant 2304 : i32
    %add3A_34 = arith.addi %mul3A_2, %add3A_33 : i32
    %dma_wait3A_35 = arith.constant 0 : i32
    %dma_wait3A_36 = tpu.memref_slice %arg2[%add3A_34, %dma_wait3A_35] : memref<80000x128xf32, #tpu.memory_space<hbm>> -> memref<128x48xf32, #tpu.memory_space<hbm>>
    %dma_wait3A_37 = arith.constant 0 : i32
    %dma_wait3A_38 = tpu.memref_slice %arg2[%add3A_34, %dma_wait3A_37] : memref<80000x128xf32, #tpu.memory_space<hbm>> -> memref<128x48xf32, #tpu.memory_space<hbm>>
    tpu.wait_dma2 semaphore(%arg15 : memref<!tpu.dma_semaphore, #tpu.memory_space<semaphore_mem>>) src(%dma_wait3A_38 : memref<128x48xf32, #tpu.memory_space<hbm>>) dst(%arg9 : memref<128x48xf32, #tpu.memory_space<vmem>>)
    %dma_start3A_39 = arith.constant 18 : i32
    %dma_start3A_40 = arith.constant 0 : i32
    %dma_start3A_41 = tpu.memref_slice %arg7[%dma_start3A_39, %dma_start3A_40] : memref<19x128xi32, #tpu.memory_space<vmem>> -> memref<1x128xi32, #tpu.memory_space<vmem>>
    %dma_start3A_42 = tpu.memref_squeeze %dma_start3A_41 : memref<1x128xi32, #tpu.memory_space<vmem>> -> memref<128xi32, #tpu.memory_space<vmem>>
    %dma_start3A_43 = arith.constant 0 : i32
    %dma_start3A_44 = arith.constant 0 : i32
    %dma_start3A_45 = tpu.memref_slice %arg28[%dma_start3A_43, %dma_start3A_44] : memref<10000x48xf32, #tpu.memory_space<vmem_shared>> -> memref<10000x48xf32, #tpu.memory_space<vmem_shared>>
    tpu.enqueue_indirect_dma source(%arg9 : memref<128x48xf32, #tpu.memory_space<vmem>>) target(%dma_start3A_45 : memref<10000x48xf32, #tpu.memory_space<vmem_shared>>) offsets(%dma_start3A_42 : memref<128xi32, #tpu.memory_space<vmem>>) semaphore(%arg21 : memref<!tpu.dma_semaphore, #tpu.memory_space<semaphore_mem>>) {add = true}
    %dma_wait3A_46 = arith.constant 16 : i32
    %dma_wait3A_47 = arith.constant 0 : i32
    %dma_wait3A_48 = tpu.memref_slice %arg7[%dma_wait3A_46, %dma_wait3A_47] : memref<19x128xi32, #tpu.memory_space<vmem>> -> memref<1x128xi32, #tpu.memory_space<vmem>>
    %dma_wait3A_49 = tpu.memref_squeeze %dma_wait3A_48 : memref<1x128xi32, #tpu.memory_space<vmem>> -> memref<128xi32, #tpu.memory_space<vmem>>
    %dma_wait3A_50 = arith.constant 0 : i32
    %dma_wait3A_51 = arith.constant 0 : i32
    %dma_wait3A_52 = tpu.memref_slice %arg28[%dma_wait3A_50, %dma_wait3A_51] : memref<10000x48xf32, #tpu.memory_space<vmem_shared>> -> memref<10000x48xf32, #tpu.memory_space<vmem_shared>>
    tpu.wait_indirect_dma semaphore(%arg25 : memref<!tpu.dma_semaphore, #tpu.memory_space<semaphore_mem>>) src(%arg13 : memref<128x48xf32, #tpu.memory_space<vmem>>) dst(%dma_wait3A_52 : memref<10000x48xf32, #tpu.memory_space<vmem_shared>>)
    %dma_wait3A_53 = arith.constant 17 : i32
    %dma_wait3A_54 = arith.constant 0 : i32
    %dma_wait3A_55 = tpu.memref_slice %arg7[%dma_wait3A_53, %dma_wait3A_54] : memref<19x128xi32, #tpu.memory_space<vmem>> -> memref<1x128xi32, #tpu.memory_space<vmem>>
    %dma_wait3A_56 = tpu.memref_squeeze %dma_wait3A_55 : memref<1x128xi32, #tpu.memory_space<vmem>> -> memref<128xi32, #tpu.memory_space<vmem>>
    %dma_wait3A_57 = arith.constant 0 : i32
    %dma_wait3A_58 = arith.constant 0 : i32
    %dma_wait3A_59 = tpu.memref_slice %arg28[%dma_wait3A_57, %dma_wait3A_58] : memref<10000x48xf32, #tpu.memory_space<vmem_shared>> -> memref<10000x48xf32, #tpu.memory_space<vmem_shared>>
    tpu.wait_indirect_dma semaphore(%arg26 : memref<!tpu.dma_semaphore, #tpu.memory_space<semaphore_mem>>) src(%arg14 : memref<128x48xf32, #tpu.memory_space<vmem>>) dst(%dma_wait3A_59 : memref<10000x48xf32, #tpu.memory_space<vmem_shared>>)
    %dma_wait3A_60 = arith.constant 18 : i32
    %dma_wait3A_61 = arith.constant 0 : i32
    %dma_wait3A_62 = tpu.memref_slice %arg7[%dma_wait3A_60, %dma_wait3A_61] : memref<19x128xi32, #tpu.memory_space<vmem>> -> memref<1x128xi32, #tpu.memory_space<vmem>>
    %dma_wait3A_63 = tpu.memref_squeeze %dma_wait3A_62 : memref<1x128xi32, #tpu.memory_space<vmem>> -> memref<128xi32, #tpu.memory_space<vmem>>
    %dma_wait3A_64 = arith.constant 0 : i32
    %dma_wait3A_65 = arith.constant 0 : i32
    %dma_wait3A_66 = tpu.memref_slice %arg28[%dma_wait3A_64, %dma_wait3A_65] : memref<10000x48xf32, #tpu.memory_space<vmem_shared>> -> memref<10000x48xf32, #tpu.memory_space<vmem_shared>>
    tpu.wait_indirect_dma semaphore(%arg21 : memref<!tpu.dma_semaphore, #tpu.memory_space<semaphore_mem>>) src(%arg9 : memref<128x48xf32, #tpu.memory_space<vmem>>) dst(%dma_wait3A_66 : memref<10000x48xf32, #tpu.memory_space<vmem_shared>>)
    %add3A_67 = arith.constant 2432 : i32
    %add3A_68 = arith.addi %mul3A_2, %add3A_67 : i32
    "tpu.region"() ({
      %run_scoped3A_75 = tpu.sem_alloc : memref<!tpu.dma_semaphore, #tpu.memory_space<semaphore_mem>>
      %dma_start3A_76 = arith.constant 0 : i32
      %dma_start3A_77 = arith.constant 0 : i32
      %dma_start3A_78 = tpu.memref_slice %arg12[%dma_start3A_76, %dma_start3A_77] : memref<128x48xf32, #tpu.memory_space<vmem>> -> memref<68x48xf32, #tpu.memory_space<vmem>>
      %dma_start3A_79 = arith.constant 0 : i32
      %dma_start3A_80 = tpu.memref_slice %arg2[%add3A_68, %dma_start3A_79] : memref<80000x128xf32, #tpu.memory_space<hbm>> -> memref<68x48xf32, #tpu.memory_space<hbm>>
      %dma_start3A_81 = arith.constant 0 : i32
      %dma_start3A_82 = arith.constant 0 : i32
      %dma_start3A_83 = tpu.memref_slice %arg12[%dma_start3A_81, %dma_start3A_82] : memref<128x48xf32, #tpu.memory_space<vmem>> -> memref<68x48xf32, #tpu.memory_space<vmem>>
      %dma_start3A_84 = arith.constant 0 : i32
      %dma_start3A_85 = tpu.memref_slice %arg2[%add3A_68, %dma_start3A_84] : memref<80000x128xf32, #tpu.memory_space<hbm>> -> memref<68x48xf32, #tpu.memory_space<hbm>>
      tpu.enqueue_dma source(%dma_start3A_85 : memref<68x48xf32, #tpu.memory_space<hbm>>) target(%dma_start3A_83 : memref<68x48xf32, #tpu.memory_space<vmem>>) target_semaphore(%run_scoped3A_75 : memref<!tpu.dma_semaphore, #tpu.memory_space<semaphore_mem>>)
      %dma_wait3A_86 = arith.constant 0 : i32
      %dma_wait3A_87 = arith.constant 0 : i32
      %dma_wait3A_88 = tpu.memref_slice %arg12[%dma_wait3A_86, %dma_wait3A_87] : memref<128x48xf32, #tpu.memory_space<vmem>> -> memref<68x48xf32, #tpu.memory_space<vmem>>
      %dma_wait3A_89 = arith.constant 0 : i32
      %dma_wait3A_90 = tpu.memref_slice %arg2[%add3A_68, %dma_wait3A_89] : memref<80000x128xf32, #tpu.memory_space<hbm>> -> memref<68x48xf32, #tpu.memory_space<hbm>>
      %dma_wait3A_91 = arith.constant 0 : i32
      %dma_wait3A_92 = arith.constant 0 : i32
      %dma_wait3A_93 = tpu.memref_slice %arg12[%dma_wait3A_91, %dma_wait3A_92] : memref<128x48xf32, #tpu.memory_space<vmem>> -> memref<68x48xf32, #tpu.memory_space<vmem>>
      %dma_wait3A_94 = arith.constant 0 : i32
      %dma_wait3A_95 = tpu.memref_slice %arg2[%add3A_68, %dma_wait3A_94] : memref<80000x128xf32, #tpu.memory_space<hbm>> -> memref<68x48xf32, #tpu.memory_space<hbm>>
      tpu.wait_dma2 semaphore(%run_scoped3A_75 : memref<!tpu.dma_semaphore, #tpu.memory_space<semaphore_mem>>) src(%dma_wait3A_95 : memref<68x48xf32, #tpu.memory_space<hbm>>) dst(%dma_wait3A_93 : memref<68x48xf32, #tpu.memory_space<vmem>>)
      tpu.yield
    }) : () -> ()
    %run_scoped3A = arith.constant 0 : i32
    "tpu.region"() ({
      %run_scoped3A_75 = tpu.sem_alloc : memref<!tpu.dma_semaphore, #tpu.memory_space<semaphore_mem>>
      %dma_start3A_76 = arith.constant 0 : i32
      %dma_start3A_77 = arith.constant 0 : i32
      %dma_start3A_78 = tpu.memref_slice %arg12[%dma_start3A_76, %dma_start3A_77] : memref<128x48xf32, #tpu.memory_space<vmem>> -> memref<68x48xf32, #tpu.memory_space<vmem>>
      %dma_start3A_79 = arith.constant 0 : i32
      %dma_start3A_80 = tpu.memref_slice %arg8[%run_scoped3A, %dma_start3A_79] : memref<1x68xi32, #tpu.memory_space<vmem>> -> memref<1x68xi32, #tpu.memory_space<vmem>>
      %dma_start3A_81 = tpu.memref_squeeze %dma_start3A_80 : memref<1x68xi32, #tpu.memory_space<vmem>> -> memref<68xi32, #tpu.memory_space<vmem>>
      %dma_start3A_82 = arith.constant 0 : i32
      %dma_start3A_83 = arith.constant 0 : i32
      %dma_start3A_84 = tpu.memref_slice %arg28[%dma_start3A_82, %dma_start3A_83] : memref<10000x48xf32, #tpu.memory_space<vmem_shared>> -> memref<10000x48xf32, #tpu.memory_space<vmem_shared>>
      tpu.enqueue_indirect_dma source(%dma_start3A_78 : memref<68x48xf32, #tpu.memory_space<vmem>>) target(%dma_start3A_84 : memref<10000x48xf32, #tpu.memory_space<vmem_shared>>) offsets(%dma_start3A_81 : memref<68xi32, #tpu.memory_space<vmem>>) semaphore(%run_scoped3A_75 : memref<!tpu.dma_semaphore, #tpu.memory_space<semaphore_mem>>) {add = true}
      %dma_wait3A_85 = arith.constant 0 : i32
      %dma_wait3A_86 = arith.constant 0 : i32
      %dma_wait3A_87 = tpu.memref_slice %arg12[%dma_wait3A_85, %dma_wait3A_86] : memref<128x48xf32, #tpu.memory_space<vmem>> -> memref<68x48xf32, #tpu.memory_space<vmem>>
      %dma_wait3A_88 = arith.constant 0 : i32
      %dma_wait3A_89 = tpu.memref_slice %arg8[%run_scoped3A, %dma_wait3A_88] : memref<1x68xi32, #tpu.memory_space<vmem>> -> memref<1x68xi32, #tpu.memory_space<vmem>>
      %dma_wait3A_90 = tpu.memref_squeeze %dma_wait3A_89 : memref<1x68xi32, #tpu.memory_space<vmem>> -> memref<68xi32, #tpu.memory_space<vmem>>
      %dma_wait3A_91 = arith.constant 0 : i32
      %dma_wait3A_92 = arith.constant 0 : i32
      %dma_wait3A_93 = tpu.memref_slice %arg28[%dma_wait3A_91, %dma_wait3A_92] : memref<10000x48xf32, #tpu.memory_space<vmem_shared>> -> memref<10000x48xf32, #tpu.memory_space<vmem_shared>>
      tpu.wait_indirect_dma semaphore(%run_scoped3A_75 : memref<!tpu.dma_semaphore, #tpu.memory_space<semaphore_mem>>) src(%dma_wait3A_87 : memref<68x48xf32, #tpu.memory_space<vmem>>) dst(%dma_wait3A_93 : memref<10000x48xf32, #tpu.memory_space<vmem_shared>>)
      tpu.yield
    }) : () -> ()
    %barrier3A_69 = arith.constant 0 : index
    tpu.barrier barrier_id(%barrier3A_69)
    %lt3A_70 = arith.constant 10 : i32
    %lt3A_71 = arith.cmpi slt, %arg1, %lt3A_70 : i32
    %convert_element_type3A_72 = arith.extui %lt3A_71 : i1 to i32
    %cond3A_73 = arith.constant 0 : i32
    %cond3A_74 = arith.cmpi ne, %convert_element_type3A_72, %cond3A_73 : i32
    scf.if %cond3A_74 {
      %mul3A_75 = arith.constant 1000 : i32
      %mul3A_76 = arith.muli %arg1, %mul3A_75 : i32
      %mul3A_77 = arith.constant 10000 : i32
      %mul3A_78 = arith.muli %arg0, %mul3A_77 : i32
      %mul3A_79 = arith.constant 1000 : i32
      %mul3A_80 = arith.muli %arg1, %mul3A_79 : i32
      %add3A_81 = arith.addi %mul3A_78, %mul3A_80 : i32
      "tpu.region"() ({
        %run_scoped3A_82 = tpu.sem_alloc : memref<!tpu.dma_semaphore, #tpu.memory_space<semaphore_mem>>
        %dma_start3A_83 = arith.constant 0 : i32
        %dma_start3A_84 = tpu.memref_slice %arg6[%add3A_81, %dma_start3A_83] : memref<20000x48xf32, #tpu.memory_space<hbm>> -> memref<1000x48xf32, #tpu.memory_space<hbm>>
        %dma_start3A_85 = arith.constant 0 : i32
        %dma_start3A_86 = tpu.memref_slice %arg28[%mul3A_76, %dma_start3A_85] : memref<10000x48xf32, #tpu.memory_space<vmem_shared>> -> memref<1000x48xf32, #tpu.memory_space<vmem_shared>>
        tpu.enqueue_dma source(%dma_start3A_86 : memref<1000x48xf32, #tpu.memory_space<vmem_shared>>) target(%dma_start3A_84 : memref<1000x48xf32, #tpu.memory_space<hbm>>) target_semaphore(%run_scoped3A_82 : memref<!tpu.dma_semaphore, #tpu.memory_space<semaphore_mem>>)
        %dma_wait3A_87 = arith.constant 0 : i32
        %dma_wait3A_88 = tpu.memref_slice %arg6[%add3A_81, %dma_wait3A_87] : memref<20000x48xf32, #tpu.memory_space<hbm>> -> memref<1000x48xf32, #tpu.memory_space<hbm>>
        %dma_wait3A_89 = arith.constant 0 : i32
        %dma_wait3A_90 = tpu.memref_slice %arg28[%mul3A_76, %dma_wait3A_89] : memref<10000x48xf32, #tpu.memory_space<vmem_shared>> -> memref<1000x48xf32, #tpu.memory_space<vmem_shared>>
        tpu.wait_dma2 semaphore(%run_scoped3A_82 : memref<!tpu.dma_semaphore, #tpu.memory_space<semaphore_mem>>) src(%dma_wait3A_90 : memref<1000x48xf32, #tpu.memory_space<vmem_shared>>) dst(%dma_wait3A_88 : memref<1000x48xf32, #tpu.memory_space<hbm>>)
        tpu.yield
      }) : () -> ()
    } else {
    }
    return
  }
}

module attributes {stable_mosaic.version = 14 : i64} {
  func.func @_tc_edge_body(%arg0: i32, %arg1: memref<6x3200xf32, #tpu.memory_space<vmem>>, %arg2: memref<3200x32xf32, #tpu.memory_space<vmem>>, %arg3: memref<256x6xf32, #tpu.memory_space<vmem>>, %arg4: memref<256x1xf32, #tpu.memory_space<vmem>>, %arg5: memref<1024x256xbf16, #tpu.memory_space<vmem>>, %arg6: memref<1024x1xf32, #tpu.memory_space<vmem>>, %arg7: memref<3200x128xf32, #tpu.memory_space<vmem>>) attributes {dimension_semantics = [#tpu.dimension_semantics<arbitrary>], iteration_bounds = array<i64: 25>, scalar_prefetch = 0 : i64, scratch_operands = 0 : i64, tpu.core_type = #tpu.core_type<tc>, window_params = [{transform_indices = @transform_0, window_bounds = array<i64: 6, 3200>}, {transform_indices = @transform_1, window_bounds = array<i64: 3200, 32>}, {pipeline_mode = #tpu.pipeline_mode<synchronous>, transform_indices = @transform_2, window_bounds = array<i64: 256, 6>}, {pipeline_mode = #tpu.pipeline_mode<synchronous>, transform_indices = @transform_3, window_bounds = array<i64: 256, 1>}, {pipeline_mode = #tpu.pipeline_mode<synchronous>, transform_indices = @transform_4, window_bounds = array<i64: 1024, 256>}, {pipeline_mode = #tpu.pipeline_mode<synchronous>, transform_indices = @transform_5, window_bounds = array<i64: 1024, 1>}, {transform_indices = @transform_6, window_bounds = array<i64: 3200, 128>}]} {
    %get3A = arith.constant 0 : index
    %get3A_0 = arith.constant 0 : index
    %get3A_1 = vector.load %arg3[%get3A, %get3A_0] : memref<256x6xf32, #tpu.memory_space<vmem>>, vector<256x6xf32>
    %get3A_2 = arith.constant 0 : index
    %get3A_3 = arith.constant 0 : index
    %get3A_4 = vector.load %arg1[%get3A_2, %get3A_3] : memref<6x3200xf32, #tpu.memory_space<vmem>>, vector<6x3200xf32>
    %dot_general3A = arith.constant dense<0.000000e+00> : vector<256x3200xf32>
    %dot_general3A_5 = tpu.matmul %get3A_1, %get3A_4, %dot_general3A {dimension_numbers = #tpu.dot_dimension_numbers<[1], [0], [0], [1], [0, 0, 1, 1], [], []>, transpose_lhs_hint = false} : vector<256x6xf32>, vector<6x3200xf32>, vector<256x3200xf32> -> vector<256x3200xf32>
    %get3A_6 = arith.constant 0 : index
    %get3A_7 = arith.constant 0 : index
    %get3A_8 = vector.load %arg4[%get3A_6, %get3A_7] : memref<256x1xf32, #tpu.memory_space<vmem>>, vector<256x1xf32>
    %add3A = vector.broadcast %get3A_8 : vector<256x1xf32> to vector<256x3200xf32>
    %add3A_9 = arith.addf %dot_general3A_5, %add3A : vector<256x3200xf32>
    %max3A = arith.constant 0.000000e+00 : f32
    %max3A_10 = vector.broadcast %max3A : f32 to vector<256x3200xf32>
    %max3A_11 = arith.maximumf %add3A_9, %max3A_10 : vector<256x3200xf32>
    %convert_element_type3A = arith.truncf %max3A_11 : vector<256x3200xf32> to vector<256x3200xbf16>
    %get3A_12 = arith.constant 0 : index
    %get3A_13 = arith.constant 0 : index
    %get3A_14 = vector.load %arg5[%get3A_12, %get3A_13] : memref<1024x256xbf16, #tpu.memory_space<vmem>>, vector<1024x256xbf16>
    %dot_general3A_15 = arith.constant dense<0.000000e+00> : vector<1024x3200xf32>
    %dot_general3A_16 = tpu.matmul %get3A_14, %convert_element_type3A, %dot_general3A_15 {dimension_numbers = #tpu.dot_dimension_numbers<[1], [0], [0], [1], [0, 0, 1, 1], [], []>, transpose_lhs_hint = false} : vector<1024x256xbf16>, vector<256x3200xbf16>, vector<1024x3200xf32> -> vector<1024x3200xf32>
    %get3A_17 = arith.constant 0 : index
    %get3A_18 = arith.constant 0 : index
    %get3A_19 = vector.load %arg6[%get3A_17, %get3A_18] : memref<1024x1xf32, #tpu.memory_space<vmem>>, vector<1024x1xf32>
    %add3A_20 = vector.broadcast %get3A_19 : vector<1024x1xf32> to vector<1024x3200xf32>
    %add3A_21 = arith.addf %dot_general3A_16, %add3A_20 : vector<1024x3200xf32>
    %get3A_22 = arith.constant 0 : index
    %get3A_23 = arith.constant 0 : index
    %get3A_24 = vector.load %arg2[%get3A_22, %get3A_23] : memref<3200x32xf32, #tpu.memory_space<vmem>>, vector<3200x32xf32>
    %transpose3A = tpu.transpose %get3A_24, [1, 0] : vector<3200x32xf32> -> vector<32x3200xf32>
    %slice3A = vector.extract_strided_slice %add3A_21 {offsets = [0, 0], sizes = [32, 3200], strides = [1, 1]} : vector<1024x3200xf32> to vector<32x3200xf32>
    %slice3A_25 = vector.extract_strided_slice %transpose3A {offsets = [0, 0], sizes = [1, 3200], strides = [1, 1]} : vector<32x3200xf32> to vector<1x3200xf32>
    %mul3A = vector.broadcast %slice3A_25 : vector<1x3200xf32> to vector<32x3200xf32>
    %mul3A_26 = arith.mulf %slice3A, %mul3A : vector<32x3200xf32>
    %slice3A_27 = vector.extract_strided_slice %add3A_21 {offsets = [32, 0], sizes = [32, 3200], strides = [1, 1]} : vector<1024x3200xf32> to vector<32x3200xf32>
    %slice3A_28 = vector.extract_strided_slice %transpose3A {offsets = [1, 0], sizes = [1, 3200], strides = [1, 1]} : vector<32x3200xf32> to vector<1x3200xf32>
    %mul3A_29 = vector.broadcast %slice3A_28 : vector<1x3200xf32> to vector<32x3200xf32>
    %mul3A_30 = arith.mulf %slice3A_27, %mul3A_29 : vector<32x3200xf32>
    %add3A_31 = arith.addf %mul3A_26, %mul3A_30 : vector<32x3200xf32>
    %slice3A_32 = vector.extract_strided_slice %add3A_21 {offsets = [64, 0], sizes = [32, 3200], strides = [1, 1]} : vector<1024x3200xf32> to vector<32x3200xf32>
    %slice3A_33 = vector.extract_strided_slice %transpose3A {offsets = [2, 0], sizes = [1, 3200], strides = [1, 1]} : vector<32x3200xf32> to vector<1x3200xf32>
    %mul3A_34 = vector.broadcast %slice3A_33 : vector<1x3200xf32> to vector<32x3200xf32>
    %mul3A_35 = arith.mulf %slice3A_32, %mul3A_34 : vector<32x3200xf32>
    %add3A_36 = arith.addf %add3A_31, %mul3A_35 : vector<32x3200xf32>
    %slice3A_37 = vector.extract_strided_slice %add3A_21 {offsets = [96, 0], sizes = [32, 3200], strides = [1, 1]} : vector<1024x3200xf32> to vector<32x3200xf32>
    %slice3A_38 = vector.extract_strided_slice %transpose3A {offsets = [3, 0], sizes = [1, 3200], strides = [1, 1]} : vector<32x3200xf32> to vector<1x3200xf32>
    %mul3A_39 = vector.broadcast %slice3A_38 : vector<1x3200xf32> to vector<32x3200xf32>
    %mul3A_40 = arith.mulf %slice3A_37, %mul3A_39 : vector<32x3200xf32>
    %add3A_41 = arith.addf %add3A_36, %mul3A_40 : vector<32x3200xf32>
    %slice3A_42 = vector.extract_strided_slice %add3A_21 {offsets = [128, 0], sizes = [32, 3200], strides = [1, 1]} : vector<1024x3200xf32> to vector<32x3200xf32>
    %slice3A_43 = vector.extract_strided_slice %transpose3A {offsets = [4, 0], sizes = [1, 3200], strides = [1, 1]} : vector<32x3200xf32> to vector<1x3200xf32>
    %mul3A_44 = vector.broadcast %slice3A_43 : vector<1x3200xf32> to vector<32x3200xf32>
    %mul3A_45 = arith.mulf %slice3A_42, %mul3A_44 : vector<32x3200xf32>
    %add3A_46 = arith.addf %add3A_41, %mul3A_45 : vector<32x3200xf32>
    %slice3A_47 = vector.extract_strided_slice %add3A_21 {offsets = [160, 0], sizes = [32, 3200], strides = [1, 1]} : vector<1024x3200xf32> to vector<32x3200xf32>
    %slice3A_48 = vector.extract_strided_slice %transpose3A {offsets = [5, 0], sizes = [1, 3200], strides = [1, 1]} : vector<32x3200xf32> to vector<1x3200xf32>
    %mul3A_49 = vector.broadcast %slice3A_48 : vector<1x3200xf32> to vector<32x3200xf32>
    %mul3A_50 = arith.mulf %slice3A_47, %mul3A_49 : vector<32x3200xf32>
    %add3A_51 = arith.addf %add3A_46, %mul3A_50 : vector<32x3200xf32>
    %slice3A_52 = vector.extract_strided_slice %add3A_21 {offsets = [192, 0], sizes = [32, 3200], strides = [1, 1]} : vector<1024x3200xf32> to vector<32x3200xf32>
    %slice3A_53 = vector.extract_strided_slice %transpose3A {offsets = [6, 0], sizes = [1, 3200], strides = [1, 1]} : vector<32x3200xf32> to vector<1x3200xf32>
    %mul3A_54 = vector.broadcast %slice3A_53 : vector<1x3200xf32> to vector<32x3200xf32>
    %mul3A_55 = arith.mulf %slice3A_52, %mul3A_54 : vector<32x3200xf32>
    %add3A_56 = arith.addf %add3A_51, %mul3A_55 : vector<32x3200xf32>
    %slice3A_57 = vector.extract_strided_slice %add3A_21 {offsets = [224, 0], sizes = [32, 3200], strides = [1, 1]} : vector<1024x3200xf32> to vector<32x3200xf32>
    %slice3A_58 = vector.extract_strided_slice %transpose3A {offsets = [7, 0], sizes = [1, 3200], strides = [1, 1]} : vector<32x3200xf32> to vector<1x3200xf32>
    %mul3A_59 = vector.broadcast %slice3A_58 : vector<1x3200xf32> to vector<32x3200xf32>
    %mul3A_60 = arith.mulf %slice3A_57, %mul3A_59 : vector<32x3200xf32>
    %add3A_61 = arith.addf %add3A_56, %mul3A_60 : vector<32x3200xf32>
    %slice3A_62 = vector.extract_strided_slice %add3A_21 {offsets = [256, 0], sizes = [32, 3200], strides = [1, 1]} : vector<1024x3200xf32> to vector<32x3200xf32>
    %slice3A_63 = vector.extract_strided_slice %transpose3A {offsets = [8, 0], sizes = [1, 3200], strides = [1, 1]} : vector<32x3200xf32> to vector<1x3200xf32>
    %mul3A_64 = vector.broadcast %slice3A_63 : vector<1x3200xf32> to vector<32x3200xf32>
    %mul3A_65 = arith.mulf %slice3A_62, %mul3A_64 : vector<32x3200xf32>
    %add3A_66 = arith.addf %add3A_61, %mul3A_65 : vector<32x3200xf32>
    %slice3A_67 = vector.extract_strided_slice %add3A_21 {offsets = [288, 0], sizes = [32, 3200], strides = [1, 1]} : vector<1024x3200xf32> to vector<32x3200xf32>
    %slice3A_68 = vector.extract_strided_slice %transpose3A {offsets = [9, 0], sizes = [1, 3200], strides = [1, 1]} : vector<32x3200xf32> to vector<1x3200xf32>
    %mul3A_69 = vector.broadcast %slice3A_68 : vector<1x3200xf32> to vector<32x3200xf32>
    %mul3A_70 = arith.mulf %slice3A_67, %mul3A_69 : vector<32x3200xf32>
    %add3A_71 = arith.addf %add3A_66, %mul3A_70 : vector<32x3200xf32>
    %slice3A_72 = vector.extract_strided_slice %add3A_21 {offsets = [320, 0], sizes = [32, 3200], strides = [1, 1]} : vector<1024x3200xf32> to vector<32x3200xf32>
    %slice3A_73 = vector.extract_strided_slice %transpose3A {offsets = [10, 0], sizes = [1, 3200], strides = [1, 1]} : vector<32x3200xf32> to vector<1x3200xf32>
    %mul3A_74 = vector.broadcast %slice3A_73 : vector<1x3200xf32> to vector<32x3200xf32>
    %mul3A_75 = arith.mulf %slice3A_72, %mul3A_74 : vector<32x3200xf32>
    %add3A_76 = arith.addf %add3A_71, %mul3A_75 : vector<32x3200xf32>
    %slice3A_77 = vector.extract_strided_slice %add3A_21 {offsets = [352, 0], sizes = [32, 3200], strides = [1, 1]} : vector<1024x3200xf32> to vector<32x3200xf32>
    %slice3A_78 = vector.extract_strided_slice %transpose3A {offsets = [11, 0], sizes = [1, 3200], strides = [1, 1]} : vector<32x3200xf32> to vector<1x3200xf32>
    %mul3A_79 = vector.broadcast %slice3A_78 : vector<1x3200xf32> to vector<32x3200xf32>
    %mul3A_80 = arith.mulf %slice3A_77, %mul3A_79 : vector<32x3200xf32>
    %add3A_81 = arith.addf %add3A_76, %mul3A_80 : vector<32x3200xf32>
    %slice3A_82 = vector.extract_strided_slice %add3A_21 {offsets = [384, 0], sizes = [32, 3200], strides = [1, 1]} : vector<1024x3200xf32> to vector<32x3200xf32>
    %slice3A_83 = vector.extract_strided_slice %transpose3A {offsets = [12, 0], sizes = [1, 3200], strides = [1, 1]} : vector<32x3200xf32> to vector<1x3200xf32>
    %mul3A_84 = vector.broadcast %slice3A_83 : vector<1x3200xf32> to vector<32x3200xf32>
    %mul3A_85 = arith.mulf %slice3A_82, %mul3A_84 : vector<32x3200xf32>
    %add3A_86 = arith.addf %add3A_81, %mul3A_85 : vector<32x3200xf32>
    %slice3A_87 = vector.extract_strided_slice %add3A_21 {offsets = [416, 0], sizes = [32, 3200], strides = [1, 1]} : vector<1024x3200xf32> to vector<32x3200xf32>
    %slice3A_88 = vector.extract_strided_slice %transpose3A {offsets = [13, 0], sizes = [1, 3200], strides = [1, 1]} : vector<32x3200xf32> to vector<1x3200xf32>
    %mul3A_89 = vector.broadcast %slice3A_88 : vector<1x3200xf32> to vector<32x3200xf32>
    %mul3A_90 = arith.mulf %slice3A_87, %mul3A_89 : vector<32x3200xf32>
    %add3A_91 = arith.addf %add3A_86, %mul3A_90 : vector<32x3200xf32>
    %slice3A_92 = vector.extract_strided_slice %add3A_21 {offsets = [448, 0], sizes = [32, 3200], strides = [1, 1]} : vector<1024x3200xf32> to vector<32x3200xf32>
    %slice3A_93 = vector.extract_strided_slice %transpose3A {offsets = [14, 0], sizes = [1, 3200], strides = [1, 1]} : vector<32x3200xf32> to vector<1x3200xf32>
    %mul3A_94 = vector.broadcast %slice3A_93 : vector<1x3200xf32> to vector<32x3200xf32>
    %mul3A_95 = arith.mulf %slice3A_92, %mul3A_94 : vector<32x3200xf32>
    %add3A_96 = arith.addf %add3A_91, %mul3A_95 : vector<32x3200xf32>
    %slice3A_97 = vector.extract_strided_slice %add3A_21 {offsets = [480, 0], sizes = [32, 3200], strides = [1, 1]} : vector<1024x3200xf32> to vector<32x3200xf32>
    %slice3A_98 = vector.extract_strided_slice %transpose3A {offsets = [15, 0], sizes = [1, 3200], strides = [1, 1]} : vector<32x3200xf32> to vector<1x3200xf32>
    %mul3A_99 = vector.broadcast %slice3A_98 : vector<1x3200xf32> to vector<32x3200xf32>
    %mul3A_100 = arith.mulf %slice3A_97, %mul3A_99 : vector<32x3200xf32>
    %add3A_101 = arith.addf %add3A_96, %mul3A_100 : vector<32x3200xf32>
    %slice3A_102 = vector.extract_strided_slice %add3A_21 {offsets = [512, 0], sizes = [32, 3200], strides = [1, 1]} : vector<1024x3200xf32> to vector<32x3200xf32>
    %slice3A_103 = vector.extract_strided_slice %transpose3A {offsets = [16, 0], sizes = [1, 3200], strides = [1, 1]} : vector<32x3200xf32> to vector<1x3200xf32>
    %mul3A_104 = vector.broadcast %slice3A_103 : vector<1x3200xf32> to vector<32x3200xf32>
    %mul3A_105 = arith.mulf %slice3A_102, %mul3A_104 : vector<32x3200xf32>
    %add3A_106 = arith.addf %add3A_101, %mul3A_105 : vector<32x3200xf32>
    %slice3A_107 = vector.extract_strided_slice %add3A_21 {offsets = [544, 0], sizes = [32, 3200], strides = [1, 1]} : vector<1024x3200xf32> to vector<32x3200xf32>
    %slice3A_108 = vector.extract_strided_slice %transpose3A {offsets = [17, 0], sizes = [1, 3200], strides = [1, 1]} : vector<32x3200xf32> to vector<1x3200xf32>
    %mul3A_109 = vector.broadcast %slice3A_108 : vector<1x3200xf32> to vector<32x3200xf32>
    %mul3A_110 = arith.mulf %slice3A_107, %mul3A_109 : vector<32x3200xf32>
    %add3A_111 = arith.addf %add3A_106, %mul3A_110 : vector<32x3200xf32>
    %slice3A_112 = vector.extract_strided_slice %add3A_21 {offsets = [576, 0], sizes = [32, 3200], strides = [1, 1]} : vector<1024x3200xf32> to vector<32x3200xf32>
    %slice3A_113 = vector.extract_strided_slice %transpose3A {offsets = [18, 0], sizes = [1, 3200], strides = [1, 1]} : vector<32x3200xf32> to vector<1x3200xf32>
    %mul3A_114 = vector.broadcast %slice3A_113 : vector<1x3200xf32> to vector<32x3200xf32>
    %mul3A_115 = arith.mulf %slice3A_112, %mul3A_114 : vector<32x3200xf32>
    %add3A_116 = arith.addf %add3A_111, %mul3A_115 : vector<32x3200xf32>
    %slice3A_117 = vector.extract_strided_slice %add3A_21 {offsets = [608, 0], sizes = [32, 3200], strides = [1, 1]} : vector<1024x3200xf32> to vector<32x3200xf32>
    %slice3A_118 = vector.extract_strided_slice %transpose3A {offsets = [19, 0], sizes = [1, 3200], strides = [1, 1]} : vector<32x3200xf32> to vector<1x3200xf32>
    %mul3A_119 = vector.broadcast %slice3A_118 : vector<1x3200xf32> to vector<32x3200xf32>
    %mul3A_120 = arith.mulf %slice3A_117, %mul3A_119 : vector<32x3200xf32>
    %add3A_121 = arith.addf %add3A_116, %mul3A_120 : vector<32x3200xf32>
    %slice3A_122 = vector.extract_strided_slice %add3A_21 {offsets = [640, 0], sizes = [32, 3200], strides = [1, 1]} : vector<1024x3200xf32> to vector<32x3200xf32>
    %slice3A_123 = vector.extract_strided_slice %transpose3A {offsets = [20, 0], sizes = [1, 3200], strides = [1, 1]} : vector<32x3200xf32> to vector<1x3200xf32>
    %mul3A_124 = vector.broadcast %slice3A_123 : vector<1x3200xf32> to vector<32x3200xf32>
    %mul3A_125 = arith.mulf %slice3A_122, %mul3A_124 : vector<32x3200xf32>
    %add3A_126 = arith.addf %add3A_121, %mul3A_125 : vector<32x3200xf32>
    %slice3A_127 = vector.extract_strided_slice %add3A_21 {offsets = [672, 0], sizes = [32, 3200], strides = [1, 1]} : vector<1024x3200xf32> to vector<32x3200xf32>
    %slice3A_128 = vector.extract_strided_slice %transpose3A {offsets = [21, 0], sizes = [1, 3200], strides = [1, 1]} : vector<32x3200xf32> to vector<1x3200xf32>
    %mul3A_129 = vector.broadcast %slice3A_128 : vector<1x3200xf32> to vector<32x3200xf32>
    %mul3A_130 = arith.mulf %slice3A_127, %mul3A_129 : vector<32x3200xf32>
    %add3A_131 = arith.addf %add3A_126, %mul3A_130 : vector<32x3200xf32>
    %slice3A_132 = vector.extract_strided_slice %add3A_21 {offsets = [704, 0], sizes = [32, 3200], strides = [1, 1]} : vector<1024x3200xf32> to vector<32x3200xf32>
    %slice3A_133 = vector.extract_strided_slice %transpose3A {offsets = [22, 0], sizes = [1, 3200], strides = [1, 1]} : vector<32x3200xf32> to vector<1x3200xf32>
    %mul3A_134 = vector.broadcast %slice3A_133 : vector<1x3200xf32> to vector<32x3200xf32>
    %mul3A_135 = arith.mulf %slice3A_132, %mul3A_134 : vector<32x3200xf32>
    %add3A_136 = arith.addf %add3A_131, %mul3A_135 : vector<32x3200xf32>
    %slice3A_137 = vector.extract_strided_slice %add3A_21 {offsets = [736, 0], sizes = [32, 3200], strides = [1, 1]} : vector<1024x3200xf32> to vector<32x3200xf32>
    %slice3A_138 = vector.extract_strided_slice %transpose3A {offsets = [23, 0], sizes = [1, 3200], strides = [1, 1]} : vector<32x3200xf32> to vector<1x3200xf32>
    %mul3A_139 = vector.broadcast %slice3A_138 : vector<1x3200xf32> to vector<32x3200xf32>
    %mul3A_140 = arith.mulf %slice3A_137, %mul3A_139 : vector<32x3200xf32>
    %add3A_141 = arith.addf %add3A_136, %mul3A_140 : vector<32x3200xf32>
    %slice3A_142 = vector.extract_strided_slice %add3A_21 {offsets = [768, 0], sizes = [32, 3200], strides = [1, 1]} : vector<1024x3200xf32> to vector<32x3200xf32>
    %slice3A_143 = vector.extract_strided_slice %transpose3A {offsets = [24, 0], sizes = [1, 3200], strides = [1, 1]} : vector<32x3200xf32> to vector<1x3200xf32>
    %mul3A_144 = vector.broadcast %slice3A_143 : vector<1x3200xf32> to vector<32x3200xf32>
    %mul3A_145 = arith.mulf %slice3A_142, %mul3A_144 : vector<32x3200xf32>
    %add3A_146 = arith.addf %add3A_141, %mul3A_145 : vector<32x3200xf32>
    %slice3A_147 = vector.extract_strided_slice %add3A_21 {offsets = [800, 0], sizes = [32, 3200], strides = [1, 1]} : vector<1024x3200xf32> to vector<32x3200xf32>
    %slice3A_148 = vector.extract_strided_slice %transpose3A {offsets = [25, 0], sizes = [1, 3200], strides = [1, 1]} : vector<32x3200xf32> to vector<1x3200xf32>
    %mul3A_149 = vector.broadcast %slice3A_148 : vector<1x3200xf32> to vector<32x3200xf32>
    %mul3A_150 = arith.mulf %slice3A_147, %mul3A_149 : vector<32x3200xf32>
    %add3A_151 = arith.addf %add3A_146, %mul3A_150 : vector<32x3200xf32>
    %slice3A_152 = vector.extract_strided_slice %add3A_21 {offsets = [832, 0], sizes = [32, 3200], strides = [1, 1]} : vector<1024x3200xf32> to vector<32x3200xf32>
    %slice3A_153 = vector.extract_strided_slice %transpose3A {offsets = [26, 0], sizes = [1, 3200], strides = [1, 1]} : vector<32x3200xf32> to vector<1x3200xf32>
    %mul3A_154 = vector.broadcast %slice3A_153 : vector<1x3200xf32> to vector<32x3200xf32>
    %mul3A_155 = arith.mulf %slice3A_152, %mul3A_154 : vector<32x3200xf32>
    %add3A_156 = arith.addf %add3A_151, %mul3A_155 : vector<32x3200xf32>
    %slice3A_157 = vector.extract_strided_slice %add3A_21 {offsets = [864, 0], sizes = [32, 3200], strides = [1, 1]} : vector<1024x3200xf32> to vector<32x3200xf32>
    %slice3A_158 = vector.extract_strided_slice %transpose3A {offsets = [27, 0], sizes = [1, 3200], strides = [1, 1]} : vector<32x3200xf32> to vector<1x3200xf32>
    %mul3A_159 = vector.broadcast %slice3A_158 : vector<1x3200xf32> to vector<32x3200xf32>
    %mul3A_160 = arith.mulf %slice3A_157, %mul3A_159 : vector<32x3200xf32>
    %add3A_161 = arith.addf %add3A_156, %mul3A_160 : vector<32x3200xf32>
    %slice3A_162 = vector.extract_strided_slice %add3A_21 {offsets = [896, 0], sizes = [32, 3200], strides = [1, 1]} : vector<1024x3200xf32> to vector<32x3200xf32>
    %slice3A_163 = vector.extract_strided_slice %transpose3A {offsets = [28, 0], sizes = [1, 3200], strides = [1, 1]} : vector<32x3200xf32> to vector<1x3200xf32>
    %mul3A_164 = vector.broadcast %slice3A_163 : vector<1x3200xf32> to vector<32x3200xf32>
    %mul3A_165 = arith.mulf %slice3A_162, %mul3A_164 : vector<32x3200xf32>
    %add3A_166 = arith.addf %add3A_161, %mul3A_165 : vector<32x3200xf32>
    %slice3A_167 = vector.extract_strided_slice %add3A_21 {offsets = [928, 0], sizes = [32, 3200], strides = [1, 1]} : vector<1024x3200xf32> to vector<32x3200xf32>
    %slice3A_168 = vector.extract_strided_slice %transpose3A {offsets = [29, 0], sizes = [1, 3200], strides = [1, 1]} : vector<32x3200xf32> to vector<1x3200xf32>
    %mul3A_169 = vector.broadcast %slice3A_168 : vector<1x3200xf32> to vector<32x3200xf32>
    %mul3A_170 = arith.mulf %slice3A_167, %mul3A_169 : vector<32x3200xf32>
    %add3A_171 = arith.addf %add3A_166, %mul3A_170 : vector<32x3200xf32>
    %slice3A_172 = vector.extract_strided_slice %add3A_21 {offsets = [960, 0], sizes = [32, 3200], strides = [1, 1]} : vector<1024x3200xf32> to vector<32x3200xf32>
    %slice3A_173 = vector.extract_strided_slice %transpose3A {offsets = [30, 0], sizes = [1, 3200], strides = [1, 1]} : vector<32x3200xf32> to vector<1x3200xf32>
    %mul3A_174 = vector.broadcast %slice3A_173 : vector<1x3200xf32> to vector<32x3200xf32>
    %mul3A_175 = arith.mulf %slice3A_172, %mul3A_174 : vector<32x3200xf32>
    %add3A_176 = arith.addf %add3A_171, %mul3A_175 : vector<32x3200xf32>
    %slice3A_177 = vector.extract_strided_slice %add3A_21 {offsets = [992, 0], sizes = [32, 3200], strides = [1, 1]} : vector<1024x3200xf32> to vector<32x3200xf32>
    %slice3A_178 = vector.extract_strided_slice %transpose3A {offsets = [31, 0], sizes = [1, 3200], strides = [1, 1]} : vector<32x3200xf32> to vector<1x3200xf32>
    %mul3A_179 = vector.broadcast %slice3A_178 : vector<1x3200xf32> to vector<32x3200xf32>
    %mul3A_180 = arith.mulf %slice3A_177, %mul3A_179 : vector<32x3200xf32>
    %add3A_181 = arith.addf %add3A_176, %mul3A_180 : vector<32x3200xf32>
    %transpose3A_182 = tpu.transpose %add3A_181, [1, 0] : vector<32x3200xf32> -> vector<3200x32xf32>
    %swap3A = arith.constant 0 : index
    %swap3A_183 = arith.constant 0 : index
    %swap3A_184 = vector.load %arg7[%swap3A, %swap3A_183] : memref<3200x128xf32, #tpu.memory_space<vmem>>, vector<3200x32xf32>
    tpu.vector_store %arg7[%swap3A, %swap3A_183], %transpose3A_182 {strides = array<i32>} : memref<3200x128xf32, #tpu.memory_space<vmem>>, vector<3200x32xf32>,
    %broadcast_in_dim3A = arith.constant 1.000000e+00 : f32
    %broadcast_in_dim3A_185 = vector.broadcast %broadcast_in_dim3A : f32 to vector<3200x1xf32>
    %swap3A_186 = arith.constant 0 : index
    %swap3A_187 = arith.constant 32 : index
    %swap3A_188 = vector.load %arg7[%swap3A_186, %swap3A_187] : memref<3200x128xf32, #tpu.memory_space<vmem>>, vector<3200x1xf32>
    tpu.vector_store %arg7[%swap3A_186, %swap3A_187], %broadcast_in_dim3A_185 {strides = array<i32>} : memref<3200x128xf32, #tpu.memory_space<vmem>>, vector<3200x1xf32>,
    %broadcast_in_dim3A_189 = arith.constant 0.000000e+00 : f32
    %broadcast_in_dim3A_190 = vector.broadcast %broadcast_in_dim3A_189 : f32 to vector<3200x95xf32>
    %swap3A_191 = arith.constant 0 : index
    %swap3A_192 = arith.constant 33 : index
    %swap3A_193 = vector.load %arg7[%swap3A_191, %swap3A_192] : memref<3200x128xf32, #tpu.memory_space<vmem>>, vector<3200x95xf32>
    tpu.vector_store %arg7[%swap3A_191, %swap3A_192], %broadcast_in_dim3A_190 {strides = array<i32>} : memref<3200x128xf32, #tpu.memory_space<vmem>>, vector<3200x95xf32>,
    return
  }
  func.func @transform_0(%arg0: i32) -> (i32, i32) {
    %c0_i32 = arith.constant 0 : i32
    %c0_i32_0 = arith.constant 0 : i32
    return %c0_i32, %arg0 : i32, i32
  }
  func.func @transform_1(%arg0: i32) -> (i32, i32) {
    %c0_i32 = arith.constant 0 : i32
    %c0_i32_0 = arith.constant 0 : i32
    return %arg0, %c0_i32 : i32, i32
  }
  func.func @transform_2(%arg0: i32) -> (i32, i32) {
    %c0_i32 = arith.constant 0 : i32
    %c0_i32_0 = arith.constant 0 : i32
    %c0_i32_1 = arith.constant 0 : i32
    return %c0_i32, %c0_i32_0 : i32, i32
  }
  func.func @transform_3(%arg0: i32) -> (i32, i32) {
    %c0_i32 = arith.constant 0 : i32
    %c0_i32_0 = arith.constant 0 : i32
    %c0_i32_1 = arith.constant 0 : i32
    return %c0_i32, %c0_i32_0 : i32, i32
  }
  func.func @transform_4(%arg0: i32) -> (i32, i32) {
    %c0_i32 = arith.constant 0 : i32
    %c0_i32_0 = arith.constant 0 : i32
    %c0_i32_1 = arith.constant 0 : i32
    return %c0_i32, %c0_i32_0 : i32, i32
  }
  func.func @transform_5(%arg0: i32) -> (i32, i32) {
    %c0_i32 = arith.constant 0 : i32
    %c0_i32_0 = arith.constant 0 : i32
    %c0_i32_1 = arith.constant 0 : i32
    return %c0_i32, %c0_i32_0 : i32, i32
  }
  func.func @transform_6(%arg0: i32) -> (i32, i32) {
    %c0_i32 = arith.constant 0 : i32
    %c0_i32_0 = arith.constant 0 : i32
    return %arg0, %c0_i32 : i32, i32
  }
}

module attributes {stable_mosaic.version = 14 : i64} {
  func.func @_tc_final_body(%arg0: i32, %arg1: memref<20000x48xf32, #tpu.memory_space<vmem>>, %arg2: memref<1x32xf32, #tpu.memory_space<vmem>>, %arg3: memref<1x32xf32, #tpu.memory_space<vmem>>, %arg4: memref<1x32xf32, #tpu.memory_space<vmem>>, %arg5: memref<10000x32xf32, #tpu.memory_space<vmem>>) attributes {dimension_semantics = [#tpu.dimension_semantics<arbitrary>], iteration_bounds = array<i64: 1>, scalar_prefetch = 0 : i64, scratch_operands = 0 : i64, tpu.core_type = #tpu.core_type<tc>, window_params = [{pipeline_mode = #tpu.pipeline_mode<synchronous>, transform_indices = @transform_0, window_bounds = array<i64: 20000, 48>}, {pipeline_mode = #tpu.pipeline_mode<synchronous>, transform_indices = @transform_1, window_bounds = array<i64: 1, 32>}, {pipeline_mode = #tpu.pipeline_mode<synchronous>, transform_indices = @transform_2, window_bounds = array<i64: 1, 32>}, {pipeline_mode = #tpu.pipeline_mode<synchronous>, transform_indices = @transform_3, window_bounds = array<i64: 1, 32>}, {pipeline_mode = #tpu.pipeline_mode<synchronous>, transform_indices = @transform_4, window_bounds = array<i64: 10000, 32>}]} {
    %get3A = arith.constant 0 : index
    %get3A_0 = arith.constant 0 : index
    %get3A_1 = vector.load %arg1[%get3A, %get3A_0] : memref<20000x48xf32, #tpu.memory_space<vmem>>, vector<10000x32xf32>
    %get3A_2 = arith.constant 10000 : index
    %get3A_3 = arith.constant 0 : index
    %get3A_4 = vector.load %arg1[%get3A_2, %get3A_3] : memref<20000x48xf32, #tpu.memory_space<vmem>>, vector<10000x32xf32>
    %add3A = arith.addf %get3A_1, %get3A_4 : vector<10000x32xf32>
    %get3A_5 = arith.constant 0 : index
    %get3A_6 = arith.constant 32 : index
    %get3A_7 = vector.load %arg1[%get3A_5, %get3A_6] : memref<20000x48xf32, #tpu.memory_space<vmem>>, vector<10000x1xf32>
    %get3A_8 = arith.constant 10000 : index
    %get3A_9 = arith.constant 32 : index
    %get3A_10 = vector.load %arg1[%get3A_8, %get3A_9] : memref<20000x48xf32, #tpu.memory_space<vmem>>, vector<10000x1xf32>
    %add3A_11 = arith.addf %get3A_7, %get3A_10 : vector<10000x1xf32>
    %max3A = arith.constant 1.000000e+00 : f32
    %max3A_12 = vector.broadcast %max3A : f32 to vector<10000x1xf32>
    %max3A_13 = arith.maximumf %add3A_11, %max3A_12 : vector<10000x1xf32>
    %div3A = vector.broadcast %max3A_13 : vector<10000x1xf32> to vector<10000x32xf32>
    %div3A_14 = arith.divf %add3A, %div3A : vector<10000x32xf32>
    %get3A_15 = arith.constant 0 : index
    %get3A_16 = arith.constant 0 : index
    %get3A_17 = vector.load %arg2[%get3A_15, %get3A_16] : memref<1x32xf32, #tpu.memory_space<vmem>>, vector<1x32xf32>
    %add3A_18 = vector.broadcast %get3A_17 : vector<1x32xf32> to vector<10000x32xf32>
    %add3A_19 = arith.addf %div3A_14, %add3A_18 : vector<10000x32xf32>
    %max3A_20 = arith.constant 0.000000e+00 : f32
    %max3A_21 = vector.broadcast %max3A_20 : f32 to vector<10000x32xf32>
    %max3A_22 = arith.maximumf %add3A_19, %max3A_21 : vector<10000x32xf32>
    %reduce_sum3A = arith.constant dense<0.000000e+00> : vector<32xf32>
    %reduce_sum3A_23 = vector.multi_reduction <add>, %max3A_22, %reduce_sum3A [0] : vector<10000x32xf32> to vector<32xf32>
    %broadcast_in_dim3A = vector.shape_cast %reduce_sum3A_23 : vector<32xf32> to vector<1x32xf32>
    %div3A_24 = arith.constant 1.000000e+04 : f32
    %div3A_25 = vector.broadcast %div3A_24 : f32 to vector<1x32xf32>
    %div3A_26 = arith.divf %broadcast_in_dim3A, %div3A_25 : vector<1x32xf32>
    %sub3A = vector.broadcast %div3A_26 : vector<1x32xf32> to vector<10000x32xf32>
    %sub3A_27 = arith.subf %max3A_22, %sub3A : vector<10000x32xf32>
    %mul3A = arith.mulf %sub3A_27, %sub3A_27 : vector<10000x32xf32>
    %reduce_sum3A_28 = arith.constant dense<0.000000e+00> : vector<32xf32>
    %reduce_sum3A_29 = vector.multi_reduction <add>, %mul3A, %reduce_sum3A_28 [0] : vector<10000x32xf32> to vector<32xf32>
    %broadcast_in_dim3A_30 = vector.shape_cast %reduce_sum3A_29 : vector<32xf32> to vector<1x32xf32>
    %div3A_31 = arith.constant 1.000000e+04 : f32
    %div3A_32 = vector.broadcast %div3A_31 : f32 to vector<1x32xf32>
    %div3A_33 = arith.divf %broadcast_in_dim3A_30, %div3A_32 : vector<1x32xf32>
    %get3A_34 = arith.constant 0 : index
    %get3A_35 = arith.constant 0 : index
    %get3A_36 = vector.load %arg3[%get3A_34, %get3A_35] : memref<1x32xf32, #tpu.memory_space<vmem>>, vector<1x32xf32>
    %mul3A_37 = vector.broadcast %get3A_36 : vector<1x32xf32> to vector<10000x32xf32>
    %mul3A_38 = arith.mulf %mul3A_37, %sub3A_27 : vector<10000x32xf32>
    %add3A_39 = arith.constant 9.99999974E-6 : f32
    %add3A_40 = vector.broadcast %add3A_39 : f32 to vector<1x32xf32>
    %add3A_41 = arith.addf %div3A_33, %add3A_40 : vector<1x32xf32>
    %rsqrt3A = math.rsqrt %add3A_41 : vector<1x32xf32>
    %mul3A_42 = vector.broadcast %rsqrt3A : vector<1x32xf32> to vector<10000x32xf32>
    %mul3A_43 = arith.mulf %mul3A_38, %mul3A_42 : vector<10000x32xf32>
    %get3A_44 = arith.constant 0 : index
    %get3A_45 = arith.constant 0 : index
    %get3A_46 = vector.load %arg4[%get3A_44, %get3A_45] : memref<1x32xf32, #tpu.memory_space<vmem>>, vector<1x32xf32>
    %add3A_47 = vector.broadcast %get3A_46 : vector<1x32xf32> to vector<10000x32xf32>
    %add3A_48 = arith.addf %mul3A_43, %add3A_47 : vector<10000x32xf32>
    %swap3A = arith.constant 0 : index
    %swap3A_49 = arith.constant 0 : index
    %swap3A_50 = vector.load %arg5[%swap3A, %swap3A_49] : memref<10000x32xf32, #tpu.memory_space<vmem>>, vector<10000x32xf32>
    tpu.vector_store %arg5[%swap3A, %swap3A_49], %add3A_48 {strides = array<i32>} : memref<10000x32xf32, #tpu.memory_space<vmem>>, vector<10000x32xf32>,
    return
  }
  func.func @transform_0(%arg0: i32) -> (i32, i32) {
    %c0_i32 = arith.constant 0 : i32
    %c0_i32_0 = arith.constant 0 : i32
    %c0_i32_1 = arith.constant 0 : i32
    return %c0_i32, %c0_i32_0 : i32, i32
  }
  func.func @transform_1(%arg0: i32) -> (i32, i32) {
    %c0_i32 = arith.constant 0 : i32
    %c0_i32_0 = arith.constant 0 : i32
    %c0_i32_1 = arith.constant 0 : i32
    return %c0_i32, %c0_i32_0 : i32, i32
  }
  func.func @transform_2(%arg0: i32) -> (i32, i32) {
    %c0_i32 = arith.constant 0 : i32
    %c0_i32_0 = arith.constant 0 : i32
    %c0_i32_1 = arith.constant 0 : i32
    return %c0_i32, %c0_i32_0 : i32, i32
  }
  func.func @transform_3(%arg0: i32) -> (i32, i32) {
    %c0_i32 = arith.constant 0 : i32
    %c0_i32_0 = arith.constant 0 : i32
    %c0_i32_1 = arith.constant 0 : i32
    return %c0_i32, %c0_i32_0 : i32, i32
  }
  func.func @transform_4(%arg0: i32) -> (i32, i32) {
    %c0_i32 = arith.constant 0 : i32
    %c0_i32_0 = arith.constant 0 : i32
    %c0_i32_1 = arith.constant 0 : i32
    return %c0_i32, %c0_i32_0 : i32, i32
  }
}

</mosaic_0001>

<sc_bundles>
// kernel: kernel.12.cloned.1.call-start
scs
__scs_entry_jumppad:
0x0: {  	(pc) =	sbr.rel $0x88, $3  }
0x1: {  	(tag) =	ssettag $0x0;
	lr =	simm.s32 $0x1  }
0x2: {  	[smem:$0x3F97] =	sst lr;
	_ =	strace $0xD0000000  }
0x3: {  	_ = 	snop  }
0x4: {  	_ = 	snop  }
0x5: {  	_ = 	snop  }
0x6: {  	_ = 	snop  }
0x7: {  	_ = 	snop  }
__scs_overlays_trampoline_lowered:
0x8: {  	[smem:$0x3FA6] =	sst s0  }
0x9: {  	[smem:$0x3FA7] =	sst s1  }
0xa: {  	[smem:$0x3FA8] =	sst s2  }
0xb: {  	[smem:$0x3FA9] =	sst s3  }
0xc: {  	[smem:$0x3FAA] =	sst s4  }
0xd: {  	[smem:$0x3FAB] =	sst s5  }
0xe: {  	[smem:$0x3FAC] =	sst s6  }
0xf: {  	[smem:$0x3FAD] =	sst s7  }
0x10: {  	[smem:$0x3FAE] =	sst s8  }
0x11: {  	[smem:$0x3FAF] =	sst s9;
	s0 =	simm.s32 @!p0 $0x0  }
0x12: {  	s1 =	sld [smem:$0x3F95];
	s0 =	simm.s32 @p0 $0x1  }
0x13: {  	[smem:$0x3FB0] =	sst s0;
	s0 =	simm.s32 @!p1 $0x0  }
0x14: {  	s2 =	sld [smem:$0x3F94];
	s0 =	simm.s32 @p1 $0x1  }
0x15: {  	[smem:$0x3FB1] =	sst s0;
	s0 =	simm.s32 @!p2 $0x0  }
0x16: {  	s3 =	sld [smem:$0x3FDB];
	s0 =	simm.s32 @p2 $0x1  }
0x17: {  	s4 =	simm.s32 $0x1BF5;
	[smem:$0x3FB3] =	sst s0  }
0x18: {  	s0 =	sld [smem:$0x3F96];
	_ =	swait.ge [sflag:s4], $0x0  }
0x19: {  	s7 =	sld [smem:$0x3F97]  }
0x1a: {  	s8 =	sadd.s32 $0xFFFFE003, lr  }
0x1b: {  	s9 =	sadd.s32 $0xFFFFFEF7, lr;
	s5 =	simm.s32 $0xFFFFFFFF;
	p2 =	slt.u32 s8, $0xFFFFF086  }
0x1c: {  	p1 =	slt.u32 s9, $0xF7A;
	s5 =	simm.s32 @!p2 $0x0  }
0x1d: {  	s5 =	simm.s32 @p1 $0x1;
	p0 =	seq.s32 s7, s2  }
0x1e: {  	s7 =	smul.u32 @!p0 $0xF7A, s2;
	p2 =	seq.s32 @!p0 s5, $0x0  }
0x1f: {  	s9 =	smul.u32 $0xF7A, s1;
	s8 =	simm.s32 @!p0 $0x1BF5;
	p2 =	por !p2, p0  }
0x20: {  	[sflag:s8] =	ssyncset.s32 @!p0 $0xFFFFF086;
	s6 =	sadd.s32 @!p0 s3, s7;
	s7 =	simm.s32 @!p0 $0x108  }
0x21: {  	s3 =	sadd.s32 s3, s9;
	s6 =	sadd.s32 @!p0 $0x88, s6;
	s7 =	simm.s32 @p2 $0x1082  }
0x22: {  	[simem:s7], [sflag:s8] =	dma.local @!p0 [hbm:s6], $0xF7A  }
0x23: {  	s9 =	sor.u32 $0xD0000000, s2;
	s6 =	simm.s32 $0x108;
	_ =	swait.ge @!p0 [sflag:s8], $0x0  }
0x24: {  	s3 =	sadd.s32 $0x88, s3;
	s6 =	simm.s32 @!p1 $0x1082;
	[sflag:s4] =	ssyncset.s32 $0xFFFFF086  }
0x25: {  	[simem:s6], [sflag:s4] =	dma.local [hbm:s3], $0xF7A  }
0x26: {  	[smem:$0x3F97] =	sst s1;
	(tag) =	ssettag s2;
	_ =	strace s9  }
0x27: {  	s1 =	sld [smem:$0x3FA7]  }
0x28: {  	s2 =	sld [smem:$0x3FA8]  }
0x29: {  	s4 =	sld [smem:$0x3FAA]  }
0x2a: {  	p0 =	seq.s32 s5, $0x0;
	s5 =	sld [smem:$0x3FAB]  }
0x2b: {  	s6 =	sld [smem:$0x3FAC]  }
0x2c: {  	s7 =	sld [smem:$0x3FAD]  }
0x2d: {  	s3 =	simm.s32 $0x108;
	s8 =	sld [smem:$0x3FAE]  }
0x2e: {  	s3 =	simm.s32 @!p0 $0x1082;
	s9 =	sld [smem:$0x3FAF]  }
0x2f: {  	lr =	sadd.s32 s0, s3;
	s0 =	sld [smem:$0x3FA6]  }
0x30: {  	s3 =	sld [smem:$0x3FA9]  }
0x31: {  	[smem:$0x3FB2] =	sst s10  }
0x32: {  	s10 =	sld [smem:$0x3FB0];
	_ =	sdelay $0x3  }
0x33: {  	p0 =	seq.s32 s10, $0x1;
	s10 =	sld [smem:$0x3FB2];
	_ =	sdelay $0x3  }
0x34: {  	[smem:$0x3FB2] =	sst s10  }
0x35: {  	s10 =	sld [smem:$0x3FB1];
	_ =	sdelay $0x3  }
0x36: {  	p1 =	seq.s32 s10, $0x1;
	s10 =	sld [smem:$0x3FB2];
	_ =	sdelay $0x3  }
0x37: {  	[smem:$0x3FB2] =	sst s10  }
0x38: {  	s10 =	sld [smem:$0x3FB3]  }
0x39: {  	_ = 	snop;
	(pc) =	sbr.ind lr, $3  }
0x3a: {  	_ = 	snop  }
0x3b: {  	_ = 	snop  }
0x3c: {  	p2 =	seq.s32 s10, $0x1;
	s10 =	sld [smem:$0x3FB2]  }
0x3d: {  	_ =	shalt  }
0x3e: {  	_ =	shalt  }
0x3f: {  	_ =	shalt  }
0x40: {  	_ =	shalt  }
0x41: {  	_ =	shalt  }
0x42: {  	_ =	shalt  }
0x43: {  	_ =	shalt  }
0x44: {  	_ =	shalt  }
0x45: {  	_ =	shalt  }
0x46: {  	_ =	shalt  }
0x47: {  	_ =	shalt  }
0x48: {  	_ =	shalt  }
0x49: {  	_ =	shalt  }
0x4a: {  	_ =	shalt  }
0x4b: {  	_ =	shalt  }
0x4c: {  	_ =	shalt  }
0x4d: {  	_ =	shalt  }
0x4e: {  	_ =	shalt  }
0x4f: {  	_ =	shalt  }
0x50: {  	_ =	shalt  }
0x51: {  	_ =	shalt  }
0x52: {  	_ =	shalt  }
0x53: {  	_ =	shalt  }
0x54: {  	_ =	shalt  }
0x55: {  	_ =	shalt  }
0x56: {  	_ =	shalt  }
0x57: {  	_ =	shalt  }
0x58: {  	_ =	shalt  }
0x59: {  	_ =	shalt  }
0x5a: {  	_ =	shalt  }
0x5b: {  	_ =	shalt  }
0x5c: {  	_ =	shalt  }
0x5d: {  	_ =	shalt  }
0x5e: {  	_ =	shalt  }
0x5f: {  	_ =	shalt  }
0x60: {  	_ =	shalt  }
0x61: {  	_ =	shalt  }
0x62: {  	_ =	shalt  }
0x63: {  	_ =	shalt  }
0x64: {  	_ =	shalt  }
0x65: {  	_ =	shalt  }
0x66: {  	_ =	shalt  }
0x67: {  	_ =	shalt  }
0x68: {  	_ =	shalt  }
0x69: {  	_ =	shalt  }
0x6a: {  	_ =	shalt  }
0x6b: {  	_ =	shalt  }
0x6c: {  	_ =	shalt  }
0x6d: {  	_ =	shalt  }
0x6e: {  	_ =	shalt  }
0x6f: {  	_ =	shalt  }
0x70: {  	_ =	shalt  }
0x71: {  	_ =	shalt  }
0x72: {  	_ =	shalt  }
0x73: {  	_ =	shalt  }
0x74: {  	_ =	shalt  }
0x75: {  	_ =	shalt  }
0x76: {  	_ =	shalt  }
0x77: {  	_ =	shalt  }
0x78: {  	_ =	shalt  }
0x79: {  	_ =	shalt  }
0x7a: {  	_ =	shalt  }
0x7b: {  	_ =	shalt  }
0x7c: {  	_ =	shalt  }
0x7d: {  	_ =	shalt  }
0x7e: {  	_ =	shalt  }
0x7f: {  	_ =	shalt  }
0x80: {  	_ =	shalt  }
0x81: {  	_ =	shalt  }
0x82: {  	_ =	shalt  }
0x83: {  	_ =	shalt  }
0x84: {  	_ =	shalt  }
0x85: {  	_ =	shalt  }
0x86: {  	_ =	shalt  }
0x87: {  	_ =	shalt  }
.Lfunc_end0:
.L_simem_size_0:
called_computation.1_lowered:
.L_overlay_start_0:
0x88: {  	s2 =	sld [smem:$0x3FD9]  }
0x89: {  	s3 =	sld [smem:$0x3FFE];
	_ =	sdelay $0x1  }
0x8a: {  	s1 =	srdreg.scid  }
0x8b: {  	s0 =	sand.u32 $0x1, s1  }
0x8c: {  	s17 =	sshll.u32 s0, $0xA;
	s2 =	sadd.s32 s3, s2  }
0x8d: {  	s2 =	sadd.s32 s2, s17  }
0x8e: {  	[smem:$0x3FBE] =	sst s2  }
0x8f: {  	_ = 	snop  }
0x90: {  	s18 =	sld [smem:$0x3FD0];
	(tm) =	ssettm $0x1  }
0x91: {  	s19 =	sld [smem:$0x3FFB];
	_ =	sdelay $0x3  }
0x92: {  	_ =	strace s19  }
0x93: {  	s2 =	sld [smem:$0x3FFC];
	_ =	sdelay $0x3  }
0x94: {  	_ =	strace s2  }
0x95: {  	s2 =	sld [smem:$0x3FFD];
	_ =	sdelay $0x3  }
0x96: {  	_ =	strace s2  }
0x97: {  	_ =	strace $0x8FFFFFFF  }
0x98: {  	s20 =	sld [smem:$0x3FDB];
	_ =	sdelay $0x1  }
0x99: {  	s4 =	simm.s32 $_scs_section_size  }
0x9a: {  	s5 =	simm.s32 $_size__tile_overlayer_lowered;
	s6 =	simm.s32 $_tile_overlayer_lowered  }
0x9b: {  	s7 =	simm.s32 $0x1BFF;
	s21 =	sshll.u32 s6, $0x1;
	s4 =	sadd.s32 s4, s20  }
0x9c: {  	s22 =	simm.s32 $0x0;
	s5 =	sshll.u32 s5, $0x1;
	s6 =	sadd.s32 s21, s4  }
0x9d: {  	[timem:s22], [sflag:s7] =	dma.local [hbm:s6], s5  }
0x9e: {  	_ =	swait.ge [sflag:s7], s5  }
0x9f: {  	s5 =	ssub.s32 $0x0, s5;
	[sflag:s7] =	ssyncset.done $0x0  }
0xa0: {  	[sflag:s7] =	ssyncadd.s32 s5;
	_ =	sdelay $0x1  }
0xa1: {  	s23 =	simm.s32 $0x1B8B  }
0xa2: {  	_ =	swait.ge [sflag:s23], $0x1  }
0xa3: {  	[sflag:s23] =	ssyncset.done $0x0  }
0xa4: {  	[sflag:s23] =	ssyncadd.s32 $0xFFFFFFFF  }
0xa5: {  	s5 =	sld [smem:$0x0]  }
0xa6: {  	s6 =	sand.u32 $0xFFFFFFFE, s1  }
0xa7: {  	p0 =	sne.s32 s1, s6  }
0xa8: {  	s6 =	sshll.u32 @p0 s6, $0xE  }
0xa9: {  	s6 =	sadd.s32 @p0 $0x11B8D, s6;
	s7 =	sshll.u32 @p0 s5, $0x11  }
0xaa: {  	s6 =	sor.u32 @p0 s7, s6  }
0xab: {  	[sflag:s6] =	ssyncadd.remote.s32 @p0 $0x1;
	_ =	sdelay $0x1  }
0xac: {  	s6 =	simm.s32 @p0 $0x1B8D  }
0xad: {  	_ =	swait.eq @p0 [sflag:s6], $0x1  }
0xae: {  	[sflag:s6] =	ssyncadd.s32 @p0 $0xFFFFFFFF  }
0xaf: {  	s7 =	sshll.u32 @!p0 s1, $0xE  }
0xb0: {  	s7 =	sor.u32 @!p0 $0x4000, s7;
	s6 =	simm.s32 @!p0 $0x1B8D  }
0xb1: {  	s5 =	sshll.u32 @!p0 s5, $0x11;
	s7 =	sadd.s32 @!p0 $0x11B8D, s7;
	_ =	swait.eq @!p0 [sflag:s6], $0x1  }
0xb2: {  	s5 =	sor.u32 @!p0 s5, s7;
	[sflag:s6] =	ssyncadd.s32 @!p0 $0xFFFFFFFF  }
0xb3: {  	s25 =	simm.s32 $0x1B8E;
	s24 =	sld [smem:$0x3FFE];
	[sflag:s5] =	ssyncadd.remote.s32 @!p0 $0x1  }
0xb4: {  	s26 =	simm.s32 $execute0_lowered;
	[smem:$0x3FD2] =	sst s25  }
0xb5: {  	s6 =	sshll.u32 s26, $0x1;
	_ =	strace $0x80000049;
	[dreg:$0x1] =	wrdreg $0xFFFFFFFF  }
0xb6: {  	s28 =	simm.s32 $_size_execute0_lowered;
	s4 =	sadd.s32 s4, s6;
	[dreg:$0x0] =	wrdreg $0x0  }
0xb7: {  	s6 =	sshll.u32 s28, $0x1;
	[dreg:$0x2] =	wrdreg s4  }
0xb8: {  	[dreg:$0x3] =	wrdreg s6  }
0xb9: {  	[dreg:$0x4] =	wrdreg $0xC0  }
0xba: {  	_ =	task [dreg:s22], $0x5FFFF  }
0xbb: {  	[dreg:$0x1] =	wrdreg $0xFFFFFFFF  }
0xbc: {  	[dreg:$0x0] =	wrdreg $0x60  }
0xbd: {  	[dreg:$0x2] =	wrdreg s18  }
0xbe: {  	[dreg:$0x3] =	wrdreg s24  }
0xbf: {  	[dreg:$0x4] =	wrdreg $0x9  }
0xc0: {  	_ =	task.clear_ibuf [dreg:s22], $0x5FFFF;
	_ =	strace $0x90000049  }
0xc1: {  	s29 =	simm.s32 $0x9;
	_ =	strace $0x8000004B  }
0xc2: {  	_ =	swait.ge [sflag:s29], $0x1  }
0xc3: {  	[sflag:s29] =	ssyncadd.s32 $0xFFFFFFFF  }
0xc4: {  	_ =	strace $0x9000004B  }
0xc5: {  	_ =	sfence  }
0xc6: {  	s30 =	sld [smem:$0x0];
	_ =	sdelay $0x2  }
0xc7: {  	s31 =	sshll.u32 s1, $0xD;
	s1 =	sshrl.u32 s1, $0x2  }
0xc8: {  	s4 =	sand.u32 $0x4000, s31;
	s1 =	sadd.s32 s1, s30  }
0xc9: {  	s0 =	sor.u32 s4, s0;
	s1 =	sshll.u32 s1, $0x11  }
0xca: {  	s0 =	sor.u32 s1, s0  }
0xcb: {  	s0 =	sadd.s32 $0x8F2B, s0  }
0xcc: {  	[sflag:s0] =	ssyncadd.remote.s32 $0x1  }
0xcd: {  	_ =	sfence.sel $0xFFFF  }
0xce: {  	[dreg:$0x0] =	wrdreg $0xFFFFFFFF;
	(pc) =	sbr.abs _section_cstart, $3  }
0xcf: {  	[dreg:$0x1] =	wrdreg $0xFFFFFFFF  }
0xd0: {  	_ =	task.clear_ibuf [dreg:s22], $0x2FFFF;
	_ =	strace $0x9FFFFFFF  }
0xd1: {  	(tm) =	ssettm $0x7FFFFFFF  }
tec
execute0_lowered:
.L_overlay_start_1:
0x0: {  	(tag) =	ssettag $0x1  }
0x1: {  	s10 =	stileid.u32  }
0x2: {  	s2 =	rddreg [dreg:$0x0];
	s9 =	smul.u32 $0x1388, s10  }
0x3: {  	s0 =	srdreg.scid;
	s12 =	smul.u32 $0x27100, s10  }
0x4: {  	s1 =	rddreg [dreg:$0x1];
	s0 =	sand.u32 $0x1, s0;
	s15 =	smul.u32 $0x4E20, s10  }
0x5: {  	s3 =	simm.s32 $0x0;
	s28 =	simm.s32 $0x6;
	s26 =	smul.u32 $0x9C4, s0  }
0x6: {  	s29 =	simm.s32 $0xA;
	s4 =	sshll.u32 s10, $0x1;
	s14 =	smul.u32 $0x13880, s0  }
0x7: {  	s4 =	sor.u32 s0, s4;
	s7 =	ssub.s32 $0x2, s0;
	s0 =	smul.u32 $0x2710, s0  }
0x8: {  	s30 =	simm.s32 $0xB;
	s31 =	simm.s32 $0xC;
	s5 =	smul.u32 $0x130, s4  }
0x9: {  	[smem:$0x7FF] =	sst s3;
	s6 =	smul.u32 $0x9, s4;
	s8 =	sshrl.u32 s7, $0x1  }
0xa: {  	_ =	strace $0x8000004A;
	s4 =	smul.u32 $0x13880, s4;
	s8 =	ssub.s32 s7, s8  }
0xb: {  	s13 =	sadd.s32 s26, s9;
	s9 =	simm.s32 $0xD;
	s5 =	sadd.s32 s5, s1  }
0xc: {  	s6 =	sadd.s32 s6, s1;
	s1 =	sadd.s32 $0x53800, s1;
	s4 =	sshrl.u32 s4, $0x3  }
0xd: {  	s8 =	smax.u32 s8, $0x1;
	s5 =	sadd.s32 $0x51200, s5;
	s11 =	sadd.s32 $0x51000, s6  }
0xe: {  	s4 =	sadd.s32 s1, s4;
	s6 =	sshll.u32 s13, $0x2;
	s16 =	sadd.s32 s15, s1  }
0xf: {  	s13 =	simm.s32 $0x19C8;
	s15 =	simm.s32 $0x29C8;
	[dreg:$0x9] =	wrdreg s5  }
0x10: {  	[dreg:$0xa] =	wrdreg s11;
	s6 =	sadd.s32 s1, s6;
	s5 =	sadd.s32 s14, s12  }
0x11: {  	s0 =	sadd.s32 s0, s16;
	s24 =	sadd.s32 $0x2400, s4;
	s26 =	sadd.s32 $0x2600, s4  }
0x12: {  	s4 =	simm.s32 $0x980;
	s11 =	simm.s32 $0x80;
	s12 =	simm.s32 $0x9C8  }
0x13: {  	s16 =	simm.s32 $0x39C8;
	s6 =	sadd.s32 $0x200, s6;
	[dreg:$0x4] =	wrdreg s0  }
0x14: {  	s17 =	sadd.s32 $0x5000, s5;
	s20 =	sadd.s32 $0x4000, s5;
	[dreg:$0xb] =	wrdreg s24  }
0x15: {  	s22 =	sadd.s32 $0x3000, s5;
	s5 =	sadd.s32 $0x2000, s5;
	[dreg:$0xc] =	wrdreg s26  }
0x16: {  	s24 =	simm.s32 $0x8;
	s26 =	simm.s32 $0x9;
	[dreg:$0x3] =	wrdreg s6  }
0x17: {  	s18 =	sshrl.u32 s17, $0x3;
	s21 =	sshrl.u32 s20, $0x3;
	s6 =	sshrl.u32 s22, $0x3  }
0x18: {  	s5 =	sshrl.u32 s5, $0x3;
	s17 =	simm.s32 $0x1;
	s19 =	sadd.s32 s18, s1  }
0x19: {  	s20 =	simm.s32 $0x59C8;
	s0 =	sadd.s32 s21, s1;
	[dreg:$0x5] =	wrdreg s19  }
0x1a: {  	s22 =	simm.s32 $0x7;
	s23 =	sadd.s32 s6, s1;
	[dreg:$0x6] =	wrdreg s0  }
0x1b: {  	s25 =	sadd.s32 s5, s1;
	s18 =	simm.s32 $0x49C8;
	[dreg:$0x7] =	wrdreg s23  }
0x1c: {  	s21 =	simm.s32 $0x3;
	[dreg:$0x8] =	wrdreg s25;
	s19 =	simm.s32 $0x2  }
0x1d: {  	s23 =	simm.s32 $0x4;
	s25 =	simm.s32 $0x5;
	s0 =	simm.s32 $0x0  }
.LBB2_1:
0x1e: {  	s1 =	rddreg [dreg:$0x9]  }
0x1f: {  	[tilespmem:s3], [sflag:$0xD] =	stream.linear.gather [hbm4b:s1+s3], $0x980, $0x38;
	[tilespmem:$0x69C8] =	vst v63  }
0x20: {  	_ =	swait.ge [sflag:s9], $0x980  }
0x21: {  	[sflag:s9] =	ssyncset.done $0x0  }
0x22: {  	s14 =	rddreg [dreg:$0xa];
	[sflag:s9] =	ssyncadd.s32 $0xFFFFF680  }
0x23: {  	[tilespmem:s4], [sflag:$0xD] =	stream.linear.gather [hbm4b:s14+s3], $0x48, $0x38;
	[tilespmem:$0x69C8] =	vst v63  }
0x24: {  	_ =	swait.ge [sflag:s9], $0x48  }
0x25: {  	[sflag:s9] =	ssyncset.done $0x0  }
0x26: {  	p0 =	por $0x1, $0x1;
	[sflag:s9] =	ssyncadd.s32 $0xFFFFFFB8  }
0x27: {  	[tilespmem:s12], [sflag:$0x1] =	stream.indirect.gather [hbm4b:s2+s11], $0x20, s3, s11, $0xb8;
	[tilespmem:$0x69C8] =	vst v63  }
0x28: {  	p0 =	por p0, p0  }
0x29: {  	[tilespmem:s13], [sflag:$0x2] =	stream.indirect.gather [hbm4b:s2+s11], $0x20, s11, s11, $0xb8;
	[tilespmem:$0x69C8] =	vst v63  }
0x2a: {  	s1 =	simm.s32 @!p0 $0xA;
	s4 =	simm.s32 $0x100  }
0x2b: {  	[tilespmem:s15], [sflag:$0x3] =	stream.indirect.gather [hbm4b:s2+s11], $0x20, s4, s11, $0xb8;
	[tilespmem:$0x69C8] =	vst v63  }
0x2c: {  	_ =	swait.ge @!p0 [sflag:s1], $0x1000  }
0x2d: {  	[sflag:s1] =	ssyncset.done @!p0 $0x0  }
0x2e: {  	s5 =	simm.s32 $0x180;
	[sflag:s1] =	ssyncadd.s32 @!p0 $0xFFFFF000  }
0x2f: {  	[tilespmem:s16], [sflag:$0x4] =	stream.indirect.gather [hbm4b:s2+s11], $0x20, s5, s11, $0xb8;
	[tilespmem:$0x69C8] =	vst v63  }
0x30: {  	_ =	swait.ge [sflag:s17], $0x1000  }
0x31: {  	s6 =	rddreg [dreg:$0x4];
	[sflag:s17] =	ssyncset.done $0x0  }
0x32: {  	s4 =	simm.s32 @!p0 $0xB;
	[sflag:s17] =	ssyncadd.s32 $0xFFFFF000;
	s1 =	sadd.s32 $0x0, s6  }
0x33: {  	[hbm4b:s1+s3] =	stream.linear.scatter [tilespmem:s12], [sflag:$0x7], $0x1000, $0x38;
	[tilespmem:$0x69C8] =	vst v63  }
0x34: {  	_ =	swait.ge @!p0 [sflag:s4], $0x1000  }
0x35: {  	[sflag:s4] =	ssyncset.done @!p0 $0x0  }
0x36: {  	s7 =	simm.s32 $0x200;
	[sflag:s4] =	ssyncadd.s32 @!p0 $0xFFFFF000  }
0x37: {  	[tilespmem:s18], [sflag:$0x5] =	stream.indirect.gather [hbm4b:s2+s11], $0x20, s7, s11, $0xb8;
	[tilespmem:$0x69C8] =	vst v63  }
0x38: {  	_ =	swait.ge [sflag:s19], $0x1000  }
0x39: {  	s10 =	rddreg [dreg:$0x3];
	[sflag:s19] =	ssyncset.done $0x0  }
0x3a: {  	s4 =	simm.s32 @!p0 $0xC;
	[sflag:s19] =	ssyncadd.s32 $0xFFFFF000;
	s1 =	sadd.s32 $0x0, s10  }
0x3b: {  	[hbm4b:s1+s3] =	stream.linear.scatter [tilespmem:s13], [sflag:$0x8], $0x1000, $0x38;
	[tilespmem:$0x69C8] =	vst v63  }
0x3c: {  	_ =	swait.ge @!p0 [sflag:s4], $0x1000  }
0x3d: {  	[sflag:s4] =	ssyncset.done @!p0 $0x0  }
0x3e: {  	s14 =	simm.s32 $0x280;
	[sflag:s4] =	ssyncadd.s32 @!p0 $0xFFFFF000  }
0x3f: {  	[tilespmem:s20], [sflag:$0x6] =	stream.indirect.gather [hbm4b:s2+s11], $0x20, s14, s11, $0xb8;
	[tilespmem:$0x69C8] =	vst v63  }
0x40: {  	_ =	swait.ge [sflag:s21], $0x1000  }
0x41: {  	s4 =	rddreg [dreg:$0x8];
	[sflag:s21] =	ssyncset.done $0x0  }
0x42: {  	[sflag:s21] =	ssyncadd.s32 $0xFFFFF000;
	s1 =	sadd.s32 $0x0, s4  }
0x43: {  	[hbm4b:s1+s3] =	stream.linear.scatter [tilespmem:s15], [sflag:$0x9], $0x1000, $0x38;
	[tilespmem:$0x69C8] =	vst v63  }
0x44: {  	_ =	swait.ge [sflag:s22], $0x1000  }
0x45: {  	[sflag:s22] =	ssyncset.done $0x0  }
0x46: {  	s5 =	simm.s32 $0x300;
	[sflag:s22] =	ssyncadd.s32 $0xFFFFF000  }
0x47: {  	[tilespmem:s12], [sflag:$0x1] =	stream.indirect.gather [hbm4b:s2+s11], $0x20, s5, s11, $0xb8;
	[tilespmem:$0x69C8] =	vst v63  }
0x48: {  	_ =	swait.ge [sflag:s23], $0x1000  }
0x49: {  	s6 =	rddreg [dreg:$0x7];
	[sflag:s23] =	ssyncset.done $0x0  }
0x4a: {  	[sflag:s23] =	ssyncadd.s32 $0xFFFFF000;
	s1 =	sadd.s32 $0x0, s6  }
0x4b: {  	[hbm4b:s1+s3] =	stream.linear.scatter [tilespmem:s16], [sflag:$0xA], $0x1000, $0x38;
	[tilespmem:$0x69C8] =	vst v63  }
0x4c: {  	p0 =	por $0x0, $0x0;
	_ =	swait.ge [sflag:s24], $0x1000  }
0x4d: {  	s4 =	simm.s32 @!p0 $0x380;
	[sflag:s24] =	ssyncset.done $0x0  }
0x4e: {  	s5 =	simm.s32 @!p0 $0x80;
	s1 =	simm.s32 @!p0 $0x19C8;
	[sflag:s24] =	ssyncadd.s32 $0xFFFFF000  }
0x4f: {  	[tilespmem:s1], [sflag:$0x2] =	stream.indirect.gather @!p0 [hbm4b:s2+s5], $0x20, s4, s5, $0xb8;
	[tilespmem:$0x69C8] =	vst v63  }
0x50: {  	_ =	swait.ge [sflag:s25], $0x1000  }
0x51: {  	s7 =	rddreg [dreg:$0x6];
	[sflag:s25] =	ssyncset.done $0x0  }
0x52: {  	[sflag:s25] =	ssyncadd.s32 $0xFFFFF000;
	s1 =	sadd.s32 $0x0, s7  }
0x53: {  	[hbm4b:s1+s3] =	stream.linear.scatter [tilespmem:s18], [sflag:$0xB], $0x1000, $0x38;
	[tilespmem:$0x69C8] =	vst v63  }
0x54: {  	_ =	swait.ge [sflag:s26], $0x1000  }
0x55: {  	[sflag:s26] =	ssyncset.done $0x0  }
0x56: {  	s4 =	simm.s32 @!p0 $0x29C8;
	s1 =	simm.s32 @!p0 $0x400;
	[sflag:s26] =	ssyncadd.s32 $0xFFFFF000  }
0x57: {  	[tilespmem:s4], [sflag:$0x3] =	stream.indirect.gather @!p0 [hbm4b:s2+s5], $0x20, s1, s5, $0xb8;
	[tilespmem:$0x69C8] =	vst v63  }
0x58: {  	p6 =	por $0x0, $0x0;
	s14 =	simm.s32 $0xC00;
	_ =	swait.ge [sflag:s28], $0x1000  }
0x59: {  	s1 =	simm.s32 $0x1800;
	s10 =	rddreg [dreg:$0x5];
	[sflag:s28] =	ssyncset.done $0x0  }
0x5a: {  	p0 =	por p6, p6;
	[sflag:s28] =	ssyncadd.s32 $0xFFFFF000;
	s5 =	sadd.s32 $0x0, s10  }
.LBB2_2:
0x5b: {  	[hbm4b:s5+s3] =	stream.linear.scatter [tilespmem:s20], [sflag:$0xC], $0x1000, $0x38;
	[tilespmem:$0x69C8] =	vst v63  }
0x5c: {  	s6 =	simm.s32 @!p0 $0xA  }
0x5d: {  	_ =	swait.ge @!p0 [sflag:s6], $0x1000  }
0x5e: {  	s5 =	sshra.s32 s14, $0x2;
	[sflag:s6] =	ssyncset.done @!p0 $0x0  }
0x5f: {  	s7 =	sadd.s32 $0x180, s5;
	[sflag:s6] =	ssyncadd.s32 @!p0 $0xFFFFF000  }
0x60: {  	[tilespmem:s16], [sflag:$0x4] =	stream.indirect.gather [hbm4b:s2+s11], $0x20, s7, s11, $0xb8;
	[tilespmem:$0x69C8] =	vst v63  }
0x61: {  	_ =	swait.ge [sflag:s17], $0x1000  }
0x62: {  	s10 =	rddreg [dreg:$0x4];
	[sflag:s17] =	ssyncset.done $0x0  }
0x63: {  	[sflag:s17] =	ssyncadd.s32 $0xFFFFF000;
	s6 =	sadd.s32 s14, s10;
	s10 =	simm.s32 @!p0 $0xB  }
0x64: {  	[hbm4b:s6+s3] =	stream.linear.scatter [tilespmem:s12], [sflag:$0x7], $0x1000, $0x38;
	[tilespmem:$0x69C8] =	vst v63  }
0x65: {  	_ =	swait.ge @!p0 [sflag:s10], $0x1000  }
0x66: {  	[sflag:s10] =	ssyncset.done @!p0 $0x0  }
0x67: {  	s7 =	sadd.s32 $0x200, s5;
	[sflag:s10] =	ssyncadd.s32 @!p0 $0xFFFFF000  }
0x68: {  	[tilespmem:s18], [sflag:$0x5] =	stream.indirect.gather [hbm4b:s2+s11], $0x20, s7, s11, $0xb8;
	[tilespmem:$0x69C8] =	vst v63  }
0x69: {  	_ =	swait.ge [sflag:s19], $0x1000  }
0x6a: {  	s10 =	rddreg [dreg:$0x3];
	[sflag:s19] =	ssyncset.done $0x0  }
0x6b: {  	[sflag:s19] =	ssyncadd.s32 $0xFFFFF000;
	s6 =	sadd.s32 s14, s10;
	s10 =	simm.s32 @!p0 $0xC  }
0x6c: {  	[hbm4b:s6+s3] =	stream.linear.scatter [tilespmem:s13], [sflag:$0x8], $0x1000, $0x38;
	[tilespmem:$0x69C8] =	vst v63  }
0x6d: {  	_ =	swait.ge @!p0 [sflag:s10], $0x1000  }
0x6e: {  	[sflag:s10] =	ssyncset.done @!p0 $0x0  }
0x6f: {  	s7 =	sadd.s32 $0x280, s5;
	[sflag:s10] =	ssyncadd.s32 @!p0 $0xFFFFF000  }
0x70: {  	[tilespmem:s20], [sflag:$0x6] =	stream.indirect.gather [hbm4b:s2+s11], $0x20, s7, s11, $0xb8;
	[tilespmem:$0x69C8] =	vst v63  }
0x71: {  	_ =	swait.ge [sflag:s21], $0x1000  }
0x72: {  	s10 =	rddreg [dreg:$0x8];
	[sflag:s21] =	ssyncset.done $0x0  }
0x73: {  	[sflag:s21] =	ssyncadd.s32 $0xFFFFF000;
	s6 =	sadd.s32 s14, s10  }
0x74: {  	[hbm4b:s6+s3] =	stream.linear.scatter [tilespmem:s15], [sflag:$0x9], $0x1000, $0x38;
	[tilespmem:$0x69C8] =	vst v63  }
0x75: {  	_ =	swait.ge [sflag:s22], $0x1000  }
0x76: {  	[sflag:s22] =	ssyncset.done $0x0  }
0x77: {  	s5 =	sadd.s32 $0x300, s5;
	[sflag:s22] =	ssyncadd.s32 $0xFFFFF000  }
0x78: {  	[tilespmem:s12], [sflag:$0x1] =	stream.indirect.gather [hbm4b:s2+s11], $0x20, s5, s11, $0xb8;
	[tilespmem:$0x69C8] =	vst v63  }
0x79: {  	_ =	swait.ge [sflag:s23], $0x1000  }
0x7a: {  	s4 =	smov.u32 s1;
	s7 =	rddreg [dreg:$0x7];
	[sflag:s23] =	ssyncset.done $0x0  }
0x7b: {  	p2 =	seq.s32 s4, $0x0;
	[sflag:s23] =	ssyncadd.s32 $0xFFFFF000;
	s5 =	sadd.s32 s14, s7  }
0x7c: {  	[hbm4b:s5+s3] =	stream.linear.scatter [tilespmem:s16], [sflag:$0xA], $0x1000, $0x38;
	[tilespmem:$0x69C8] =	vst v63  }
0x7d: {  	p0 =	por p2, p2;
	p2 =	seq.s32 s14, $0x1800;
	_ =	swait.ge [sflag:s24], $0x1000  }
0x7e: {  	s6 =	simm.s32 @!p2 $0x19C8;
	s5 =	sshra.s32 @!p2 s14, $0x2;
	[sflag:s24] =	ssyncset.done $0x0  }
0x7f: {  	s7 =	simm.s32 @!p2 $0x80;
	s10 =	sadd.s32 @!p2 $0x380, s5;
	[sflag:s24] =	ssyncadd.s32 $0xFFFFF000  }
0x80: {  	[tilespmem:s6], [sflag:$0x2] =	stream.indirect.gather @!p2 [hbm4b:s2+s7], $0x20, s10, s7, $0xb8;
	[tilespmem:$0x69C8] =	vst v63  }
0x81: {  	_ =	swait.ge [sflag:s25], $0x1000  }
0x82: {  	s10 =	rddreg [dreg:$0x6];
	[sflag:s25] =	ssyncset.done $0x0  }
0x83: {  	[sflag:s25] =	ssyncadd.s32 $0xFFFFF000;
	s6 =	sadd.s32 s14, s10  }
0x84: {  	[hbm4b:s6+s3] =	stream.linear.scatter [tilespmem:s18], [sflag:$0xB], $0x1000, $0x38;
	[tilespmem:$0x69C8] =	vst v63  }
0x85: {  	s1 =	sadd.s32 $0xC00, s1;
	_ =	swait.ge [sflag:s26], $0x1000  }
0x86: {  	p1 =	sne.s32 s1, $0x2400;
	s5 =	sadd.s32 @!p2 $0x400, s5;
	[sflag:s26] =	ssyncset.done $0x0  }
.Ltmp0:
0x87: {  	s6 =	simm.s32 @!p2 $0x29C8;
	[sflag:s26] =	ssyncadd.s32 $0xFFFFF000;
	(pc) =	sbr.rel @p1 .LBB2_2-.Ltmp0, $4  }
0x88: {  	[tilespmem:s6], [sflag:$0x3] =	stream.indirect.gather @!p2 [hbm4b:s2+s7], $0x20, s5, s7, $0xb8;
	[tilespmem:$0x69C8] =	vst v63  }
0x89: {  	_ =	swait.ge [sflag:s28], $0x1000  }
0x8a: {  	[sflag:s28] =	ssyncset.done $0x0;
	s10 =	rddreg [dreg:$0x5]  }
0x8b: {  	[sflag:s28] =	ssyncadd.s32 $0xFFFFF000;
	s5 =	sadd.s32 s14, s10;
	s14 =	smov.u32 s4  }
0x8c: {  	[hbm4b:s5+s3] =	stream.linear.scatter [tilespmem:s20], [sflag:$0xC], $0x1000, $0x38;
	[tilespmem:$0x69C8] =	vst v63  }
0x8d: {  	s1 =	simm.s32 @!p0 $0xA  }
0x8e: {  	_ =	swait.ge @!p0 [sflag:s1], $0x1000  }
0x8f: {  	s4 =	sshra.s32 s14, $0x2;
	[sflag:s1] =	ssyncset.done @!p0 $0x0  }
0x90: {  	s6 =	sadd.s32 $0x180, s4;
	[sflag:s1] =	ssyncadd.s32 @!p0 $0xFFFFF000  }
0x91: {  	[tilespmem:s16], [sflag:$0x4] =	stream.indirect.gather [hbm4b:s2+s11], $0x20, s6, s11, $0xb8;
	[tilespmem:$0x69C8] =	vst v63  }
0x92: {  	_ =	swait.ge [sflag:s17], $0x1000  }
0x93: {  	s7 =	rddreg [dreg:$0x4];
	[sflag:s17] =	ssyncset.done $0x0  }
0x94: {  	s5 =	simm.s32 @!p0 $0xB;
	[sflag:s17] =	ssyncadd.s32 $0xFFFFF000;
	s1 =	sadd.s32 s14, s7  }
0x95: {  	[hbm4b:s1+s3] =	stream.linear.scatter [tilespmem:s12], [sflag:$0x7], $0x1000, $0x38;
	[tilespmem:$0x69C8] =	vst v63  }
0x96: {  	_ =	swait.ge @!p0 [sflag:s5], $0x1000  }
0x97: {  	[sflag:s5] =	ssyncset.done @!p0 $0x0  }
0x98: {  	s10 =	sadd.s32 $0x200, s4;
	[sflag:s5] =	ssyncadd.s32 @!p0 $0xFFFFF000  }
0x99: {  	[tilespmem:s18], [sflag:$0x5] =	stream.indirect.gather [hbm4b:s2+s11], $0x20, s10, s11, $0xb8;
	[tilespmem:$0x69C8] =	vst v63  }
0x9a: {  	_ =	swait.ge [sflag:s19], $0x1000  }
0x9b: {  	s5 =	rddreg [dreg:$0x3];
	[sflag:s19] =	ssyncset.done $0x0  }
0x9c: {  	[sflag:s19] =	ssyncadd.s32 $0xFFFFF000;
	s1 =	sadd.s32 s14, s5;
	s5 =	simm.s32 @!p0 $0xC  }
0x9d: {  	[hbm4b:s1+s3] =	stream.linear.scatter [tilespmem:s13], [sflag:$0x8], $0x1000, $0x38;
	[tilespmem:$0x69C8] =	vst v63  }
0x9e: {  	_ =	swait.ge @!p0 [sflag:s5], $0x1000  }
0x9f: {  	[sflag:s5] =	ssyncset.done @!p0 $0x0  }
0xa0: {  	s6 =	sadd.s32 $0x280, s4;
	[sflag:s5] =	ssyncadd.s32 @!p0 $0xFFFFF000  }
0xa1: {  	[tilespmem:s20], [sflag:$0x6] =	stream.indirect.gather [hbm4b:s2+s11], $0x20, s6, s11, $0xb8;
	[tilespmem:$0x69C8] =	vst v63  }
0xa2: {  	_ =	swait.ge [sflag:s21], $0x1000  }
0xa3: {  	s7 =	rddreg [dreg:$0x8];
	[sflag:s21] =	ssyncset.done $0x0  }
0xa4: {  	[sflag:s21] =	ssyncadd.s32 $0xFFFFF000;
	s1 =	sadd.s32 s14, s7  }
0xa5: {  	[hbm4b:s1+s3] =	stream.linear.scatter [tilespmem:s15], [sflag:$0x9], $0x1000, $0x38;
	[tilespmem:$0x69C8] =	vst v63  }
0xa6: {  	_ =	swait.ge [sflag:s22], $0x1000  }
0xa7: {  	[sflag:s22] =	ssyncset.done $0x0  }
0xa8: {  	s10 =	sadd.s32 $0x300, s4;
	[sflag:s22] =	ssyncadd.s32 $0xFFFFF000  }
0xa9: {  	[tilespmem:s12], [sflag:$0x1] =	stream.indirect.gather [hbm4b:s2+s11], $0x20, s10, s11, $0xb8;
	[tilespmem:$0x69C8] =	vst v63  }
0xaa: {  	_ =	swait.ge [sflag:s23], $0x1000  }
0xab: {  	s4 =	rddreg [dreg:$0x7];
	[sflag:s23] =	ssyncset.done $0x0  }
0xac: {  	[sflag:s23] =	ssyncadd.s32 $0xFFFFF000;
	s1 =	sadd.s32 s14, s4  }
0xad: {  	[hbm4b:s1+s3] =	stream.linear.scatter [tilespmem:s16], [sflag:$0xA], $0x1000, $0x38;
	[tilespmem:$0x69C8] =	vst v63  }
0xae: {  	p0 =	seq.s32 s14, $0x1800;
	_ =	swait.ge [sflag:s24], $0x1000  }
0xaf: {  	s6 =	simm.s32 @!p0 $0x80;
	s1 =	sshra.s32 @!p0 s14, $0x2;
	[sflag:s24] =	ssyncset.done $0x0  }
0xb0: {  	s4 =	simm.s32 @!p0 $0x19C8;
	s5 =	sadd.s32 @!p0 $0x380, s1;
	[sflag:s24] =	ssyncadd.s32 $0xFFFFF000  }
0xb1: {  	[tilespmem:s4], [sflag:$0x2] =	stream.indirect.gather @!p0 [hbm4b:s2+s6], $0x20, s5, s6, $0xb8;
	[tilespmem:$0x69C8] =	vst v63  }
0xb2: {  	_ =	swait.ge [sflag:s25], $0x1000  }
0xb3: {  	s5 =	rddreg [dreg:$0x6];
	[sflag:s25] =	ssyncset.done $0x0  }
0xb4: {  	[sflag:s25] =	ssyncadd.s32 $0xFFFFF000;
	s4 =	sadd.s32 s14, s5  }
0xb5: {  	[hbm4b:s4+s3] =	stream.linear.scatter [tilespmem:s18], [sflag:$0xB], $0x1000, $0x38;
	[tilespmem:$0x69C8] =	vst v63  }
0xb6: {  	_ =	swait.ge [sflag:s26], $0x1000  }
0xb7: {  	[sflag:s26] =	ssyncset.done $0x0  }
0xb8: {  	s1 =	sadd.s32 @!p0 $0x400, s1;
	s4 =	simm.s32 @!p0 $0x29C8;
	[sflag:s26] =	ssyncadd.s32 $0xFFFFF000  }
0xb9: {  	[tilespmem:s4], [sflag:$0x3] =	stream.indirect.gather @!p0 [hbm4b:s2+s6], $0x20, s1, s6, $0xb8;
	[tilespmem:$0x69C8] =	vst v63  }
0xba: {  	_ =	swait.ge [sflag:s28], $0x1000  }
0xbb: {  	s6 =	rddreg [dreg:$0x5];
	[sflag:s28] =	ssyncset.done $0x0  }
0xbc: {  	s1 =	sadd.s32 s14, s6;
	[sflag:s28] =	ssyncadd.s32 $0xFFFFF000  }
0xbd: {  	[hbm4b:s1+s3] =	stream.linear.scatter [tilespmem:s20], [sflag:$0xC], $0x1000, $0x38;
	[tilespmem:$0x69C8] =	vst v63  }
0xbe: {  	_ =	swait.ge [sflag:s29], $0x1000  }
0xbf: {  	[sflag:s29] =	ssyncset.done $0x0  }
0xc0: {  	[sflag:s29] =	ssyncadd.s32 $0xFFFFF000  }
0xc1: {  	_ =	swait.ge [sflag:s17], $0x1000  }
0xc2: {  	[sflag:s17] =	ssyncset.done $0x0  }
0xc3: {  	s7 =	rddreg [dreg:$0xb];
	[sflag:s17] =	ssyncadd.s32 $0xFFFFF000  }
0xc4: {  	[hbm4b:s7+s3] =	stream.linear.scatter [tilespmem:s12], [sflag:$0x7], $0x1000, $0x38;
	[tilespmem:$0x69C8] =	vst v63  }
0xc5: {  	_ =	swait.ge [sflag:s30], $0x1000  }
0xc6: {  	[sflag:s30] =	ssyncset.done $0x0  }
0xc7: {  	[sflag:s30] =	ssyncadd.s32 $0xFFFFF000  }
0xc8: {  	_ =	swait.ge [sflag:s31], $0x1000  }
0xc9: {  	[sflag:s31] =	ssyncset.done $0x0  }
0xca: {  	[sflag:s31] =	ssyncadd.s32 $0xFFFFF000  }
0xcb: {  	_ =	swait.ge [sflag:s22], $0x1000  }
0xcc: {  	[sflag:s22] =	ssyncset.done $0x0  }
0xcd: {  	s10 =	simm.s32 $0x44;
	s4 =	simm.s32 $0x980;
	[sflag:s22] =	ssyncadd.s32 $0xFFFFF000  }
0xce: {  	[tilespmem:s16], [sflag:$0x4] =	stream.indirect.gather [hbm4b:s2+s10], $0x20, s4, s10, $0xb8;
	[tilespmem:$0x69C8] =	vst v63  }
0xcf: {  	s0 =	sadd.s32 $0x1, s0;
	_ =	swait.ge [sflag:s23], $0x880  }
0xd0: {  	p0 =	sne.s32 s0, s8;
	[sflag:s23] =	ssyncset.done $0x0  }
.Ltmp1:
0xd1: {  	s14 =	rddreg [dreg:$0xc];
	[sflag:s23] =	ssyncadd.s32 $0xFFFFF780;
	(pc) =	sbr.rel @p0 .LBB2_1-.Ltmp1, $4  }
0xd2: {  	[hbm4b:s14+s3] =	stream.linear.scatter [tilespmem:s16], [sflag:$0xD], $0x880, $0x38;
	[tilespmem:$0x69C8] =	vst v63  }
0xd3: {  	_ =	swait.ge [sflag:s9], $0x880  }
0xd4: {  	[sflag:s9] =	ssyncset.done $0x0  }
0xd5: {  	[sflag:s9] =	ssyncadd.s32 $0xFFFFF780  }
0xd6: {  	_ =	sfence.sel $0x180000  }
0xd7: {  	[bflag:$0x0] =	sbarrier.arrive $0xFFFF  }
0xd8: {  	_ =	strace $0x9000004A  }
0xd9: {  	s0 =	stileid.u32;
	[bflag:$0x2] =	sbarrier.arrive $0xFFFF  }
0xda: {  	p0 =	sne.s32 s0, $0x0;
	s0 =	rddreg [dreg:$0x2]  }
0xdb: {  	s0 =	sadd.s32 @!p0 $0x100000, s0  }
0xdc: {  	[sflag:s0] =	ssyncadd.tile.s32 @!p0 $0x1;
	_ =	shalt  }
.Lfunc_end2:
_tile_overlayer_lowered:
.L_overlay_start_2:
0xdd: {  	(tag) =	ssettag $0x2  }
0xde: {  	s0 =	rddreg [dreg:$0x0];
	s2 =	stileid.u32  }
0xdf: {  	s1 =	rddreg [dreg:$0x1];
	p0 =	sne.s32 s2, $0x0  }
0xe0: {  	s3 =	rddreg [dreg:$0x2];
	[bflag:$0x3] =	sbarrier.arrive $0xFFFF;
	s2 =	simm.s32 @!p0 $0x1C0D  }
0xe1: {  	[timem:s3], [sflag:s2] =	dma.local @!p0 [hbm:s0], s1  }
0xe2: {  	s0 =	simm.s32 @!p0 $0xD  }
0xe3: {  	_ =	swait.ge @!p0 [sflag:s0], s1  }
0xe4: {  	s1 =	ssub.s32 @!p0 $0x0, s1;
	[sflag:s0] =	ssyncset.done @!p0 $0x0  }
0xe5: {  	[sflag:s0] =	ssyncadd.s32 @!p0 s1  }
0xe6: {  	[bflag:$0x3] =	sbarrier.arrive $0xFFFF  }
0xe7: {  	_ =	shalt  }

// kernel: kernel.15.cloned.1.call-start
scs
__scs_entry_jumppad:
0x0: {  	(pc) =	sbr.rel $0x88, $3  }
0x1: {  	(tag) =	ssettag $0x0;
	lr =	simm.s32 $0x1  }
0x2: {  	[smem:$0x3F97] =	sst lr;
	_ =	strace $0xD0000000  }
0x3: {  	_ = 	snop  }
0x4: {  	_ = 	snop  }
0x5: {  	_ = 	snop  }
0x6: {  	_ = 	snop  }
0x7: {  	_ = 	snop  }
__scs_overlays_trampoline_lowered:
0x8: {  	[smem:$0x3FA6] =	sst s0  }
0x9: {  	[smem:$0x3FA7] =	sst s1  }
0xa: {  	[smem:$0x3FA8] =	sst s2  }
0xb: {  	[smem:$0x3FA9] =	sst s3  }
0xc: {  	[smem:$0x3FAA] =	sst s4  }
0xd: {  	[smem:$0x3FAB] =	sst s5  }
0xe: {  	[smem:$0x3FAC] =	sst s6  }
0xf: {  	[smem:$0x3FAD] =	sst s7  }
0x10: {  	[smem:$0x3FAE] =	sst s8  }
0x11: {  	[smem:$0x3FAF] =	sst s9;
	s0 =	simm.s32 @!p0 $0x0  }
0x12: {  	s1 =	sld [smem:$0x3F95];
	s0 =	simm.s32 @p0 $0x1  }
0x13: {  	[smem:$0x3FB0] =	sst s0;
	s0 =	simm.s32 @!p1 $0x0  }
0x14: {  	s2 =	sld [smem:$0x3F94];
	s0 =	simm.s32 @p1 $0x1  }
0x15: {  	[smem:$0x3FB1] =	sst s0;
	s0 =	simm.s32 @!p2 $0x0  }
0x16: {  	s3 =	sld [smem:$0x3FDB];
	s0 =	simm.s32 @p2 $0x1  }
0x17: {  	s4 =	simm.s32 $0x1BF5;
	[smem:$0x3FB3] =	sst s0  }
0x18: {  	s0 =	sld [smem:$0x3F96];
	_ =	swait.ge [sflag:s4], $0x0  }
0x19: {  	s7 =	sld [smem:$0x3F97]  }
0x1a: {  	s8 =	sadd.s32 $0xFFFFE003, lr  }
0x1b: {  	s9 =	sadd.s32 $0xFFFFFEF7, lr;
	s5 =	simm.s32 $0xFFFFFFFF;
	p2 =	slt.u32 s8, $0xFFFFF086  }
0x1c: {  	p1 =	slt.u32 s9, $0xF7A;
	s5 =	simm.s32 @!p2 $0x0  }
0x1d: {  	s5 =	simm.s32 @p1 $0x1;
	p0 =	seq.s32 s7, s2  }
0x1e: {  	s7 =	smul.u32 @!p0 $0xF7A, s2;
	p2 =	seq.s32 @!p0 s5, $0x0  }
0x1f: {  	s9 =	smul.u32 $0xF7A, s1;
	s8 =	simm.s32 @!p0 $0x1BF5;
	p2 =	por !p2, p0  }
0x20: {  	[sflag:s8] =	ssyncset.s32 @!p0 $0xFFFFF086;
	s6 =	sadd.s32 @!p0 s3, s7;
	s7 =	simm.s32 @!p0 $0x108  }
0x21: {  	s3 =	sadd.s32 s3, s9;
	s6 =	sadd.s32 @!p0 $0x88, s6;
	s7 =	simm.s32 @p2 $0x1082  }
0x22: {  	[simem:s7], [sflag:s8] =	dma.local @!p0 [hbm:s6], $0xF7A  }
0x23: {  	s9 =	sor.u32 $0xD0000000, s2;
	s6 =	simm.s32 $0x108;
	_ =	swait.ge @!p0 [sflag:s8], $0x0  }
0x24: {  	s3 =	sadd.s32 $0x88, s3;
	s6 =	simm.s32 @!p1 $0x1082;
	[sflag:s4] =	ssyncset.s32 $0xFFFFF086  }
0x25: {  	[simem:s6], [sflag:s4] =	dma.local [hbm:s3], $0xF7A  }
0x26: {  	[smem:$0x3F97] =	sst s1;
	(tag) =	ssettag s2;
	_ =	strace s9  }
0x27: {  	s1 =	sld [smem:$0x3FA7]  }
0x28: {  	s2 =	sld [smem:$0x3FA8]  }
0x29: {  	s4 =	sld [smem:$0x3FAA]  }
0x2a: {  	p0 =	seq.s32 s5, $0x0;
	s5 =	sld [smem:$0x3FAB]  }
0x2b: {  	s6 =	sld [smem:$0x3FAC]  }
0x2c: {  	s7 =	sld [smem:$0x3FAD]  }
0x2d: {  	s3 =	simm.s32 $0x108;
	s8 =	sld [smem:$0x3FAE]  }
0x2e: {  	s3 =	simm.s32 @!p0 $0x1082;
	s9 =	sld [smem:$0x3FAF]  }
0x2f: {  	lr =	sadd.s32 s0, s3;
	s0 =	sld [smem:$0x3FA6]  }
0x30: {  	s3 =	sld [smem:$0x3FA9]  }
0x31: {  	[smem:$0x3FB2] =	sst s10  }
0x32: {  	s10 =	sld [smem:$0x3FB0];
	_ =	sdelay $0x3  }
0x33: {  	p0 =	seq.s32 s10, $0x1;
	s10 =	sld [smem:$0x3FB2];
	_ =	sdelay $0x3  }
0x34: {  	[smem:$0x3FB2] =	sst s10  }
0x35: {  	s10 =	sld [smem:$0x3FB1];
	_ =	sdelay $0x3  }
0x36: {  	p1 =	seq.s32 s10, $0x1;
	s10 =	sld [smem:$0x3FB2];
	_ =	sdelay $0x3  }
0x37: {  	[smem:$0x3FB2] =	sst s10  }
0x38: {  	s10 =	sld [smem:$0x3FB3]  }
0x39: {  	_ = 	snop;
	(pc) =	sbr.ind lr, $3  }
0x3a: {  	_ = 	snop  }
0x3b: {  	_ = 	snop  }
0x3c: {  	p2 =	seq.s32 s10, $0x1;
	s10 =	sld [smem:$0x3FB2]  }
0x3d: {  	_ =	shalt  }
0x3e: {  	_ =	shalt  }
0x3f: {  	_ =	shalt  }
0x40: {  	_ =	shalt  }
0x41: {  	_ =	shalt  }
0x42: {  	_ =	shalt  }
0x43: {  	_ =	shalt  }
0x44: {  	_ =	shalt  }
0x45: {  	_ =	shalt  }
0x46: {  	_ =	shalt  }
0x47: {  	_ =	shalt  }
0x48: {  	_ =	shalt  }
0x49: {  	_ =	shalt  }
0x4a: {  	_ =	shalt  }
0x4b: {  	_ =	shalt  }
0x4c: {  	_ =	shalt  }
0x4d: {  	_ =	shalt  }
0x4e: {  	_ =	shalt  }
0x4f: {  	_ =	shalt  }
0x50: {  	_ =	shalt  }
0x51: {  	_ =	shalt  }
0x52: {  	_ =	shalt  }
0x53: {  	_ =	shalt  }
0x54: {  	_ =	shalt  }
0x55: {  	_ =	shalt  }
0x56: {  	_ =	shalt  }
0x57: {  	_ =	shalt  }
0x58: {  	_ =	shalt  }
0x59: {  	_ =	shalt  }
0x5a: {  	_ =	shalt  }
0x5b: {  	_ =	shalt  }
0x5c: {  	_ =	shalt  }
0x5d: {  	_ =	shalt  }
0x5e: {  	_ =	shalt  }
0x5f: {  	_ =	shalt  }
0x60: {  	_ =	shalt  }
0x61: {  	_ =	shalt  }
0x62: {  	_ =	shalt  }
0x63: {  	_ =	shalt  }
0x64: {  	_ =	shalt  }
0x65: {  	_ =	shalt  }
0x66: {  	_ =	shalt  }
0x67: {  	_ =	shalt  }
0x68: {  	_ =	shalt  }
0x69: {  	_ =	shalt  }
0x6a: {  	_ =	shalt  }
0x6b: {  	_ =	shalt  }
0x6c: {  	_ =	shalt  }
0x6d: {  	_ =	shalt  }
0x6e: {  	_ =	shalt  }
0x6f: {  	_ =	shalt  }
0x70: {  	_ =	shalt  }
0x71: {  	_ =	shalt  }
0x72: {  	_ =	shalt  }
0x73: {  	_ =	shalt  }
0x74: {  	_ =	shalt  }
0x75: {  	_ =	shalt  }
0x76: {  	_ =	shalt  }
0x77: {  	_ =	shalt  }
0x78: {  	_ =	shalt  }
0x79: {  	_ =	shalt  }
0x7a: {  	_ =	shalt  }
0x7b: {  	_ =	shalt  }
0x7c: {  	_ =	shalt  }
0x7d: {  	_ =	shalt  }
0x7e: {  	_ =	shalt  }
0x7f: {  	_ =	shalt  }
0x80: {  	_ =	shalt  }
0x81: {  	_ =	shalt  }
0x82: {  	_ =	shalt  }
0x83: {  	_ =	shalt  }
0x84: {  	_ =	shalt  }
0x85: {  	_ =	shalt  }
0x86: {  	_ =	shalt  }
0x87: {  	_ =	shalt  }
.Lfunc_end0:
.L_simem_size_0:
called_computation.2_lowered:
.L_overlay_start_0:
0x88: {  	s2 =	sld [smem:$0x3FD9]  }
0x89: {  	s3 =	sld [smem:$0x3FFE];
	_ =	sdelay $0x1  }
0x8a: {  	s1 =	srdreg.scid  }
0x8b: {  	s0 =	sand.u32 $0x1, s1  }
0x8c: {  	s17 =	sshll.u32 s0, $0xA;
	s2 =	sadd.s32 s3, s2  }
0x8d: {  	s2 =	sadd.s32 s2, s17  }
0x8e: {  	[smem:$0x3FBE] =	sst s2  }
0x8f: {  	_ = 	snop  }
0x90: {  	(tm) =	ssettm $0x1  }
0x91: {  	s18 =	sld [smem:$0x3FFB];
	_ =	sdelay $0x3  }
0x92: {  	_ =	strace s18  }
0x93: {  	s2 =	sld [smem:$0x3FFC];
	_ =	sdelay $0x3  }
0x94: {  	_ =	strace s2  }
0x95: {  	s2 =	sld [smem:$0x3FFD];
	_ =	sdelay $0x3  }
0x96: {  	_ =	strace s2  }
0x97: {  	_ =	strace $0x8FFFFFFF  }
0x98: {  	s19 =	sld [smem:$0x3FDB];
	_ =	sdelay $0x1  }
0x99: {  	s20 =	simm.s32 $_scs_section_size  }
0x9a: {  	s4 =	simm.s32 $_size__tile_overlayer_lowered;
	s5 =	simm.s32 $_tile_overlayer_lowered  }
0x9b: {  	s6 =	simm.s32 $0x1BFF;
	s21 =	sshll.u32 s5, $0x1;
	s3 =	sadd.s32 s20, s19  }
0x9c: {  	s22 =	simm.s32 $0x0;
	s4 =	sshll.u32 s4, $0x1;
	s5 =	sadd.s32 s21, s3  }
0x9d: {  	[timem:s22], [sflag:s6] =	dma.local [hbm:s5], s4  }
0x9e: {  	_ =	swait.ge [sflag:s6], s4  }
0x9f: {  	s4 =	ssub.s32 $0x0, s4;
	[sflag:s6] =	ssyncset.done $0x0  }
0xa0: {  	[sflag:s6] =	ssyncadd.s32 s4;
	_ =	sdelay $0x1  }
0xa1: {  	s23 =	simm.s32 $0x1B8B  }
0xa2: {  	_ =	swait.ge [sflag:s23], $0x1  }
0xa3: {  	[sflag:s23] =	ssyncset.done $0x0  }
0xa4: {  	[sflag:s23] =	ssyncadd.s32 $0xFFFFFFFF  }
0xa5: {  	s4 =	sld [smem:$0x0]  }
0xa6: {  	s5 =	sand.u32 $0xFFFFFFFE, s1  }
0xa7: {  	p0 =	sne.s32 s1, s5  }
0xa8: {  	s5 =	sshll.u32 @p0 s5, $0xE  }
0xa9: {  	s5 =	sadd.s32 @p0 $0x11B8D, s5;
	s6 =	sshll.u32 @p0 s4, $0x11  }
0xaa: {  	s5 =	sor.u32 @p0 s6, s5  }
0xab: {  	[sflag:s5] =	ssyncadd.remote.s32 @p0 $0x1;
	_ =	sdelay $0x1  }
0xac: {  	s5 =	simm.s32 @p0 $0x1B8D  }
0xad: {  	_ =	swait.eq @p0 [sflag:s5], $0x1  }
0xae: {  	[sflag:s5] =	ssyncadd.s32 @p0 $0xFFFFFFFF  }
0xaf: {  	s6 =	sshll.u32 @!p0 s1, $0xE  }
0xb0: {  	s6 =	sor.u32 @!p0 $0x4000, s6;
	s5 =	simm.s32 @!p0 $0x1B8D  }
0xb1: {  	s4 =	sshll.u32 @!p0 s4, $0x11;
	s6 =	sadd.s32 @!p0 $0x11B8D, s6;
	_ =	swait.eq @!p0 [sflag:s5], $0x1  }
0xb2: {  	s4 =	sor.u32 @!p0 s4, s6;
	[sflag:s5] =	ssyncadd.s32 @!p0 $0xFFFFFFFF  }
0xb3: {  	s25 =	simm.s32 $0x1B8E;
	s24 =	sld [smem:$0x3FFE];
	[sflag:s4] =	ssyncadd.remote.s32 @!p0 $0x1  }
0xb4: {  	s26 =	simm.s32 $execute0_lowered;
	[smem:$0x3FD2] =	sst s25  }
0xb5: {  	s5 =	sshll.u32 s26, $0x1;
	_ =	strace $0x8000004C;
	[dreg:$0x1] =	wrdreg $0xFFFFFFFF  }
0xb6: {  	s28 =	simm.s32 $_size_execute0_lowered;
	s3 =	sadd.s32 s3, s5;
	[dreg:$0x0] =	wrdreg $0x0  }
0xb7: {  	s5 =	sshll.u32 s28, $0x1;
	[dreg:$0x2] =	wrdreg s3  }
0xb8: {  	[dreg:$0x3] =	wrdreg s5  }
0xb9: {  	[dreg:$0x4] =	wrdreg $0xC0  }
0xba: {  	_ =	task [dreg:s22], $0x5FFFF  }
0xbb: {  	[dreg:$0x1] =	wrdreg $0xFFFFFFFF  }
0xbc: {  	[dreg:$0x0] =	wrdreg $0x60  }
0xbd: {  	[dreg:$0x2] =	wrdreg s24  }
0xbe: {  	[dreg:$0x3] =	wrdreg $0x99C80  }
0xbf: {  	[dreg:$0x4] =	wrdreg $0xA  }
0xc0: {  	_ =	task.clear_ibuf [dreg:s22], $0x5FFFF;
	_ =	strace $0x9000004C  }
0xc1: {  	s29 =	simm.s32 $0xA;
	_ =	strace $0x8000004E  }
0xc2: {  	_ =	swait.ge [sflag:s29], $0x1  }
0xc3: {  	[sflag:s29] =	ssyncadd.s32 $0xFFFFFFFF  }
0xc4: {  	_ =	strace $0x9000004E  }
0xc5: {  	_ =	sfence  }
0xc6: {  	s30 =	sld [smem:$0x0];
	_ =	sdelay $0x2  }
0xc7: {  	s31 =	sshll.u32 s1, $0xD;
	s1 =	sshrl.u32 s1, $0x2  }
0xc8: {  	s4 =	sand.u32 $0x4000, s31;
	s1 =	sadd.s32 s1, s30  }
0xc9: {  	s0 =	sor.u32 s4, s0;
	s1 =	sshll.u32 s1, $0x11  }
0xca: {  	s0 =	sor.u32 s1, s0  }
0xcb: {  	s0 =	sadd.s32 $0x8F2B, s0  }
0xcc: {  	[sflag:s0] =	ssyncadd.remote.s32 $0x1  }
0xcd: {  	_ =	sfence.sel $0xFFFF  }
0xce: {  	[dreg:$0x0] =	wrdreg $0xFFFFFFFF;
	(pc) =	sbr.abs _section_cstart, $3  }
0xcf: {  	[dreg:$0x1] =	wrdreg $0xFFFFFFFF  }
0xd0: {  	_ =	task.clear_ibuf [dreg:s22], $0x2FFFF;
	_ =	strace $0x9FFFFFFF  }
0xd1: {  	(tm) =	ssettm $0x7FFFFFFF  }
tec
execute0_lowered:
.L_overlay_start_1:
0x0: {  	(tag) =	ssettag $0x1  }
0x1: {  	s0 =	srdreg.scid  }
0x2: {  	s10 =	stileid.u32;
	s1 =	rddreg [dreg:$0x0]  }
0x3: {  	s2 =	rddreg [dreg:$0x1];
	s7 =	smul.u32 $0x1770, s10  }
0x4: {  	s4 =	simm.s32 $0x0;
	s28 =	simm.s32 $0x9C8;
	s9 =	smul.u32 $0x2EE00, s10  }
0x5: {  	s29 =	simm.s32 $0x21C8;
	s0 =	sand.u32 $0x1, s0;
	s13 =	smul.u32 $0x9C400, s10  }
0x6: {  	s30 =	simm.s32 $0x39C8;
	s3 =	sshll.u32 s10, $0x1;
	s6 =	smul.u32 $0xEA60, s0  }
0x7: {  	s3 =	sor.u32 s0, s3;
	s23 =	ssub.s32 $0x2, s0;
	s0 =	smul.u32 $0x4E200, s0  }
0x8: {  	s31 =	simm.s32 $0x51C8;
	[smem:$0x7FF] =	sst s4;
	s5 =	smul.u32 $0x130, s3  }
0x9: {  	s4 =	sadd.s32 $0x1DCA00, s1;
	p0 =	sgt.u32 s10, $0x9;
	s8 =	smul.u32 $0x9, s3  }
0xa: {  	_ =	strace $0x8000004D;
	s24 =	sshrl.u32 s23, $0x1;
	s26 =	smul.u32 $0x4E200, s3  }
0xb: {  	s25 =	sshrl.u32 s9, $0x2;
	s3 =	smul.u32 $0x9C40, s3;
	s9 =	simm.s32 $0x6  }
0xc: {  	s6 =	sadd.s32 s7, s6;
	s7 =	sadd.s32 s25, s2;
	s0 =	sadd.s32 s0, s13  }
0xd: {  	s5 =	sadd.s32 s5, s1;
	s8 =	sadd.s32 s8, s1;
	s1 =	sadd.s32 s6, s1  }
0xe: {  	s6 =	ssub.s32 s23, s24;
	s3 =	sadd.s32 s4, s3;
	s18 =	sadd.s32 $0x14000, s0  }
0xf: {  	s19 =	sadd.s32 $0x10000, s0;
	s20 =	sadd.s32 $0xC000, s0;
	s23 =	sadd.s32 $0x20000, s0  }
0x10: {  	s24 =	sadd.s32 $0x1C000, s0;
	s0 =	sadd.s32 $0x18000, s0;
	[dreg:$0x7] =	wrdreg s3  }
0x11: {  	s12 =	sshrl.u32 s26, $0x3;
	s26 =	simm.s32 $0x69C8;
	[dreg:$0x13] =	wrdreg s0  }
0x12: {  	s13 =	simm.s32 $0xE;
	s11 =	sadd.s32 $0x600, s1;
	[dreg:$0x3] =	wrdreg s26  }
0x13: {  	s5 =	sadd.s32 $0xA1C00, s5;
	s8 =	sadd.s32 $0xA1A00, s8;
	[dreg:$0x4] =	wrdreg s11  }
0x14: {  	s1 =	sadd.s32 $0x1DC00, s1;
	s17 =	smax.u32 s6, $0x1;
	[dreg:$0x5] =	wrdreg s5  }
0x15: {  	s3 =	sshrl.u32 s19, $0x3;
	s22 =	sshrl.u32 s20, $0x3;
	[dreg:$0x6] =	wrdreg s8  }
0x16: {  	s26 =	simm.s32 $0x80;
	s6 =	simm.s32 $0x7;
	[dreg:$0xb] =	wrdreg s1  }
0x17: {  	s5 =	sadd.s32 s4, s12;
	[dreg:$0xc] =	wrdreg s17;
	s21 =	sadd.s32 s3, s4  }
0x18: {  	s1 =	sshrl.u32 s18, $0x3;
	s12 =	sshrl.u32 @!p0 s7, $0x3;
	[dreg:$0xe] =	wrdreg s21  }
0x19: {  	s3 =	sshrl.u32 s24, $0x3;
	s14 =	sadd.s32 $0x800, s5;
	[dreg:$0x15] =	wrdreg s12  }
0x1a: {  	s7 =	simm.s32 $0x4;
	s15 =	sadd.s32 $0x1000, s5;
	[dreg:$0x8] =	wrdreg s14  }
0x1b: {  	s8 =	simm.s32 $0x8;
	s16 =	sadd.s32 $0x9800, s5;
	[dreg:$0x9] =	wrdreg s15  }
0x1c: {  	s1 =	sadd.s32 s1, s4;
	s25 =	sadd.s32 s3, s4;
	[dreg:$0xa] =	wrdreg s16  }
0x1d: {  	s3 =	simm.s32 $0x81C8;
	[dreg:$0xd] =	wrdreg s1;
	s1 =	sadd.s32 s22, s4  }
0x1e: {  	s5 =	simm.s32 $0x3;
	[dreg:$0xf] =	wrdreg s1;
	s1 =	sshrl.u32 s23, $0x3  }
0x1f: {  	[dreg:$0x11] =	wrdreg s25;
	s14 =	simm.s32 $0x980;
	s1 =	sadd.s32 s1, s4  }
0x20: {  	s25 =	simm.s32 $0x30;
	[dreg:$0x10] =	wrdreg s1;
	s1 =	sshll.u32 @!p0 s10, $0x6  }
0x21: {  	s15 =	simm.s32 $0x0;
	[dreg:$0x12] =	wrdreg s1;
	s0 =	sor.u32 @!p0 $0x1C0D, s1  }
0x22: {  	s1 =	simm.s32 $0x1;
	[dreg:$0x14] =	wrdreg s0;
	s0 =	simm.s32 $0x2  }
.LBB2_1:
0x23: {  	[dreg:$0x16] =	wrdreg s15  }
0x24: {  	s10 =	rddreg [dreg:$0x4]  }
0x25: {  	s11 =	rddreg [dreg:$0x14]  }
0x26: {  	[spmem:s12], [sflag:s11] =	dma.local @!p0 [hbm:s10], $0x1770  }
0x27: {  	s10 =	simm.s32 @!p0 $0xD  }
0x28: {  	_ =	swait.ge @!p0 [sflag:s10], $0x1770  }
0x29: {  	[sflag:s10] =	ssyncset.done @!p0 $0x0  }
0x2a: {  	s24 =	simm.s32 $0x0;
	s12 =	rddreg [dreg:$0x5];
	[sflag:s10] =	ssyncadd.s32 @!p0 $0xFFFFE890  }
0x2b: {  	[tilespmem:s24], [sflag:$0xE] =	stream.linear.gather [hbm4b:s12+s24], $0x980, $0x38;
	[tilespmem:$0x10EF8] =	vst v63  }
0x2c: {  	_ =	swait.ge [sflag:s13], $0x980  }
0x2d: {  	[sflag:s13] =	ssyncset.done $0x0  }
0x2e: {  	s15 =	rddreg [dreg:$0x6];
	[sflag:s13] =	ssyncadd.s32 $0xFFFFF680  }
0x2f: {  	[tilespmem:s14], [sflag:$0xE] =	stream.linear.gather [hbm4b:s15+s24], $0x48, $0x38;
	[tilespmem:$0x10EF8] =	vst v63  }
0x30: {  	_ =	swait.ge [sflag:s13], $0x48  }
0x31: {  	[sflag:s13] =	ssyncset.done $0x0  }
0x32: {  	[sflag:s13] =	ssyncadd.s32 $0xFFFFFFB8  }
0x33: {  	[bflag:$0x0] =	sbarrier.arrive $0xFFFF  }
0x34: {  	s16 =	rddreg [dreg:$0x7]  }
0x35: {  	[tilespmem:s28], [sflag:$0x1] =	stream.strided.gather [hbm4b:s16+s25], $0x1800, s26, s25, $0x38;
	[tilespmem:$0x10EF8] =	vst v63  }
0x36: {  	p1 =	por $0x1, $0x1;
	s17 =	rddreg [dreg:$0x8]  }
0x37: {  	[tilespmem:s29], [sflag:$0x2] =	stream.strided.gather [hbm4b:s17+s25], $0x1800, s26, s25, $0x38;
	[tilespmem:$0x10EF8] =	vst v63  }
0x38: {  	s10 =	simm.s32 @!p1 $0xA;
	s18 =	rddreg [dreg:$0x9]  }
0x39: {  	[tilespmem:s30], [sflag:$0x3] =	stream.strided.gather [hbm4b:s18+s25], $0x1800, s26, s25, $0x38;
	[tilespmem:$0x10EF8] =	vst v63  }
0x3a: {  	_ =	swait.ge @!p1 [sflag:s10], $0x1800  }
0x3b: {  	[sflag:s10] =	ssyncset.done @!p1 $0x0  }
0x3c: {  	s18 =	rddreg [dreg:$0xf];
	[sflag:s10] =	ssyncadd.s32 @!p1 $0xFFFFE800  }
0x3d: {  	[tilespmem:s31], [sflag:$0x4] =	stream.strided.gather [hbm4b:s18+s25], $0x1800, s26, s25, $0x38;
	[tilespmem:$0x10EF8] =	vst v63  }
0x3e: {  	_ =	swait.ge [sflag:s1], $0x1800  }
0x3f: {  	[sflag:s1] =	ssyncset.done $0x0  }
0x40: {  	s19 =	simm.s32 $0x0;
	s11 =	simm.s32 @!p1 $0xB;
	[sflag:s1] =	ssyncadd.s32 $0xFFFFE800  }
0x41: {  	[spmem:s2] =	stream.indirect.scatter.add.f32 [tilespmem:s28], [sflag:$0x7], $0x30, s19, s26, $0xb8;
	[tilespmem:$0x10EF8] =	vst v63  }
0x42: {  	_ =	swait.ge @!p1 [sflag:s11], $0x1800  }
0x43: {  	s20 =	rddreg [dreg:$0x3];
	[sflag:s11] =	ssyncset.done @!p1 $0x0  }
0x44: {  	s17 =	rddreg [dreg:$0xe];
	[sflag:s11] =	ssyncadd.s32 @!p1 $0xFFFFE800  }
0x45: {  	[tilespmem:s20], [sflag:$0x5] =	stream.strided.gather [hbm4b:s17+s25], $0x1800, s26, s25, $0x38;
	[tilespmem:$0x10EF8] =	vst v63  }
0x46: {  	_ =	swait.ge [sflag:s0], $0x1800  }
0x47: {  	[sflag:s0] =	ssyncset.done $0x0  }
0x48: {  	s21 =	simm.s32 $0x80;
	s11 =	simm.s32 @!p1 $0xC;
	[sflag:s0] =	ssyncadd.s32 $0xFFFFE800  }
0x49: {  	[spmem:s2] =	stream.indirect.scatter.add.f32 [tilespmem:s29], [sflag:$0x8], $0x30, s21, s26, $0xb8;
	[tilespmem:$0x10EF8] =	vst v63  }
0x4a: {  	_ =	swait.ge @!p1 [sflag:s11], $0x1800  }
0x4b: {  	[sflag:s11] =	ssyncset.done @!p1 $0x0  }
0x4c: {  	s13 =	rddreg [dreg:$0xd];
	[sflag:s11] =	ssyncadd.s32 @!p1 $0xFFFFE800  }
0x4d: {  	[tilespmem:s3], [sflag:$0x6] =	stream.strided.gather [hbm4b:s13+s25], $0x1800, s26, s25, $0x38;
	[tilespmem:$0x10EF8] =	vst v63  }
0x4e: {  	_ =	swait.ge [sflag:s5], $0x1800  }
0x4f: {  	[sflag:s5] =	ssyncset.done $0x0  }
0x50: {  	s22 =	simm.s32 $0x100;
	[sflag:s5] =	ssyncadd.s32 $0xFFFFE800  }
0x51: {  	[spmem:s2] =	stream.indirect.scatter.add.f32 [tilespmem:s30], [sflag:$0x9], $0x30, s22, s26, $0xb8;
	[tilespmem:$0x10EF8] =	vst v63  }
0x52: {  	_ =	swait.ge [sflag:s6], $0x1800  }
0x53: {  	s20 =	rddreg [dreg:$0x13]  }
0x54: {  	[sflag:s6] =	ssyncset.done $0x0;
	s23 =	sshrl.u32 s20, $0x3  }
0x55: {  	[sflag:s6] =	ssyncadd.s32 $0xFFFFE800;
	s10 =	sadd.s32 s4, s23  }
0x56: {  	[tilespmem:s28], [sflag:$0x1] =	stream.strided.gather [hbm4b:s10+s25], $0x1800, s26, s25, $0x38;
	[tilespmem:$0x10EF8] =	vst v63  }
0x57: {  	_ =	swait.ge [sflag:s7], $0x1800  }
0x58: {  	[sflag:s7] =	ssyncset.done $0x0  }
0x59: {  	s24 =	simm.s32 $0x180;
	[sflag:s7] =	ssyncadd.s32 $0xFFFFE800  }
0x5a: {  	[spmem:s2] =	stream.indirect.scatter.add.f32 [tilespmem:s31], [sflag:$0xA], $0x30, s24, s26, $0xb8;
	[tilespmem:$0x10EF8] =	vst v63  }
0x5b: {  	_ =	swait.ge [sflag:s8], $0x1800  }
0x5c: {  	p1 =	por $0x0, $0x0;
	[sflag:s8] =	ssyncset.done $0x0  }
0x5d: {  	s10 =	simm.s32 @p1 $0x5;
	[sflag:s8] =	ssyncadd.s32 $0xFFFFE800  }
0x5e: {  	_ =	swait.ge @p1 [sflag:s10], $0x1800  }
0x5f: {  	s11 =	simm.s32 @p1 $0x69C8;
	s12 =	simm.s32 @p1 $0x9;
	[sflag:s10] =	ssyncset.done @p1 $0x0  }
0x60: {  	s14 =	simm.s32 @p1 $0x800;
	[sflag:s10] =	ssyncadd.s32 @p1 $0xFFFFE800;
	s10 =	simm.s32 @p1 $0x80  }
0x61: {  	[spmem:s2] =	stream.indirect.scatter.add.f32 @p1 [tilespmem:s11], [sflag:$0xB], $0x30, s14, s10, $0xb8;
	[tilespmem:$0x10EF8] =	vst v63  }
0x62: {  	s16 =	simm.s32 @!p1 $0x80;
	_ =	swait.ge @p1 [sflag:s12], $0x1800  }
0x63: {  	s11 =	simm.s32 @!p1 $0x30;
	s10 =	simm.s32 @!p1 $0x21C8;
	[sflag:s12] =	ssyncset.done @p1 $0x0  }
0x64: {  	s19 =	rddreg [dreg:$0x11];
	[sflag:s12] =	ssyncadd.s32 @p1 $0xFFFFE800;
	s12 =	simm.s32 @!p1 $0x5  }
0x65: {  	[tilespmem:s10], [sflag:$0x2] =	stream.strided.gather @!p1 [hbm4b:s19+s11], $0x1800, s16, s11, $0x38;
	[tilespmem:$0x10EF8] =	vst v63  }
0x66: {  	p2 =	por $0x0, $0x0;
	_ =	swait.ge @!p1 [sflag:s12], $0x1800  }
0x67: {  	s15 =	simm.s32 @!p1 $0x9;
	s24 =	simm.s32 $0xC00;
	[sflag:s12] =	ssyncset.done @!p1 $0x0  }
0x68: {  	s10 =	simm.s32 @!p1 $0x200;
	[sflag:s12] =	ssyncadd.s32 @!p1 $0xFFFFE800;
	s12 =	simm.s32 @!p1 $0x69C8  }
0x69: {  	[spmem:s2] =	stream.indirect.scatter.add.f32 @!p1 [tilespmem:s12], [sflag:$0xB], $0x30, s10, s16, $0xb8;
	[tilespmem:$0x10EF8] =	vst v63  }
0x6a: {  	s14 =	simm.s32 $0x1800;
	s19 =	sadd.s32 $0x3000, s19;
	_ =	swait.ge @!p1 [sflag:s15], $0x1800  }
0x6b: {  	s10 =	sadd.s32 $0x18000, s20;
	[sflag:s15] =	ssyncset.done @!p1 $0x0;
	s20 =	rddreg [dreg:$0x10]  }
0x6c: {  	s12 =	simm.s32 @!p1 $0x39C8;
	s21 =	sadd.s32 $0x3000, s20;
	[sflag:s15] =	ssyncadd.s32 @!p1 $0xFFFFE800  }
0x6d: {  	[tilespmem:s12], [sflag:$0x3] =	stream.strided.gather @!p1 [hbm4b:s20+s11], $0x1800, s16, s11, $0x38;
	[tilespmem:$0x10EF8] =	vst v63  }
0x6e: {  	s15 =	sadd.s32 $0x3000, s18;
	s11 =	sadd.s32 $0x3000, s13;
	_ =	swait.ge [sflag:s9], $0x1800  }
0x6f: {  	s12 =	sadd.s32 $0x3000, s17;
	s17 =	simm.s32 $0x280;
	[sflag:s9] =	ssyncset.done $0x0  }
.LBB2_2:
0x70: {  	s20 =	simm.s32 @!p2 $0xA;
	[sflag:s9] =	ssyncadd.s32 $0xFFFFE800  }
0x71: {  	[spmem:s2] =	stream.indirect.scatter.add.f32 [tilespmem:s3], [sflag:$0xC], $0x30, s17, s26, $0xb8;
	[tilespmem:$0x10EF8] =	vst v63  }
0x72: {  	_ =	swait.ge @!p2 [sflag:s20], $0x1800  }
0x73: {  	[sflag:s20] =	ssyncset.done @!p2 $0x0  }
0x74: {  	[sflag:s20] =	ssyncadd.s32 @!p2 $0xFFFFE800  }
0x75: {  	[tilespmem:s31], [sflag:$0x4] =	stream.strided.gather [hbm4b:s15+s25], $0x1800, s26, s25, $0x38;
	[tilespmem:$0x10EF8] =	vst v63  }
0x76: {  	_ =	swait.ge [sflag:s1], $0x1800  }
0x77: {  	s18 =	smov.u32 s24;
	[sflag:s1] =	ssyncset.done $0x0  }
0x78: {  	s17 =	sshra.s32 s18, $0x2;
	s20 =	simm.s32 @!p2 $0xB;
	[sflag:s1] =	ssyncadd.s32 $0xFFFFE800  }
0x79: {  	[spmem:s2] =	stream.indirect.scatter.add.f32 [tilespmem:s28], [sflag:$0x7], $0x30, s17, s26, $0xb8;
	[tilespmem:$0x10EF8] =	vst v63  }
0x7a: {  	_ =	swait.ge @!p2 [sflag:s20], $0x1800  }
0x7b: {  	[sflag:s20] =	ssyncset.done @!p2 $0x0  }
0x7c: {  	s22 =	rddreg [dreg:$0x3];
	[sflag:s20] =	ssyncadd.s32 @!p2 $0xFFFFE800  }
0x7d: {  	[tilespmem:s22], [sflag:$0x5] =	stream.strided.gather [hbm4b:s12+s25], $0x1800, s26, s25, $0x38;
	[tilespmem:$0x10EF8] =	vst v63  }
0x7e: {  	_ =	swait.ge [sflag:s0], $0x1800  }
0x7f: {  	[sflag:s0] =	ssyncset.done $0x0  }
0x80: {  	s23 =	sadd.s32 $0x80, s17;
	s22 =	simm.s32 @!p2 $0xC;
	[sflag:s0] =	ssyncadd.s32 $0xFFFFE800  }
0x81: {  	[spmem:s2] =	stream.indirect.scatter.add.f32 [tilespmem:s29], [sflag:$0x8], $0x30, s23, s26, $0xb8;
	[tilespmem:$0x10EF8] =	vst v63  }
0x82: {  	_ =	swait.ge @!p2 [sflag:s22], $0x1800  }
0x83: {  	[sflag:s22] =	ssyncset.done @!p2 $0x0  }
0x84: {  	[sflag:s22] =	ssyncadd.s32 @!p2 $0xFFFFE800  }
0x85: {  	[tilespmem:s3], [sflag:$0x6] =	stream.strided.gather [hbm4b:s11+s25], $0x1800, s26, s25, $0x38;
	[tilespmem:$0x10EF8] =	vst v63  }
0x86: {  	_ =	swait.ge [sflag:s5], $0x1800  }
0x87: {  	[sflag:s5] =	ssyncset.done $0x0  }
0x88: {  	s13 =	sadd.s32 $0x100, s17;
	[sflag:s5] =	ssyncadd.s32 $0xFFFFE800  }
0x89: {  	[spmem:s2] =	stream.indirect.scatter.add.f32 [tilespmem:s30], [sflag:$0x9], $0x30, s13, s26, $0xb8;
	[tilespmem:$0x10EF8] =	vst v63  }
0x8a: {  	_ =	swait.ge [sflag:s6], $0x1800  }
0x8b: {  	s22 =	sshrl.u32 s10, $0x3;
	[sflag:s6] =	ssyncset.done $0x0  }
0x8c: {  	s20 =	sadd.s32 s4, s22;
	[sflag:s6] =	ssyncadd.s32 $0xFFFFE800  }
0x8d: {  	[tilespmem:s28], [sflag:$0x1] =	stream.strided.gather [hbm4b:s20+s25], $0x1800, s26, s25, $0x38;
	[tilespmem:$0x10EF8] =	vst v63  }
0x8e: {  	_ =	swait.ge [sflag:s7], $0x1800  }
0x8f: {  	[sflag:s7] =	ssyncset.done $0x0  }
0x90: {  	s23 =	sadd.s32 $0x180, s17;
	[sflag:s7] =	ssyncadd.s32 $0xFFFFE800  }
0x91: {  	[spmem:s2] =	stream.indirect.scatter.add.f32 [tilespmem:s31], [sflag:$0xA], $0x30, s23, s26, $0xb8;
	[tilespmem:$0x10EF8] =	vst v63  }
0x92: {  	_ =	swait.ge [sflag:s8], $0x1800  }
0x93: {  	p2 =	seq.s32 s18, $0x1800;
	[sflag:s8] =	ssyncset.done $0x0  }
0x94: {  	s20 =	simm.s32 @p2 $0x5;
	[sflag:s8] =	ssyncadd.s32 $0xFFFFE800  }
0x95: {  	_ =	swait.ge @p2 [sflag:s20], $0x1800  }
0x96: {  	s22 =	simm.s32 @p2 $0x69C8;
	s13 =	simm.s32 @p2 $0x800;
	[sflag:s20] =	ssyncset.done @p2 $0x0  }
0x97: {  	s23 =	simm.s32 @p2 $0x9;
	[sflag:s20] =	ssyncadd.s32 @p2 $0xFFFFE800;
	s20 =	simm.s32 @p2 $0x80  }
0x98: {  	[spmem:s2] =	stream.indirect.scatter.add.f32 @p2 [tilespmem:s22], [sflag:$0xB], $0x30, s13, s20, $0xb8;
	[tilespmem:$0x10EF8] =	vst v63  }
0x99: {  	s24 =	smov.u32 s14;
	s14 =	sadd.s32 $0xC00, s14;
	_ =	swait.ge @p2 [sflag:s23], $0x1800  }
0x9a: {  	s13 =	simm.s32 @!p2 $0x30;
	s20 =	simm.s32 @!p2 $0x80;
	[sflag:s23] =	ssyncset.done @p2 $0x0  }
0x9b: {  	s22 =	simm.s32 @!p2 $0x21C8;
	[sflag:s23] =	ssyncadd.s32 @p2 $0xFFFFE800;
	s23 =	simm.s32 @!p2 $0x5  }
0x9c: {  	[tilespmem:s22], [sflag:$0x2] =	stream.strided.gather @!p2 [hbm4b:s19+s13], $0x1800, s20, s13, $0x38;
	[tilespmem:$0x10EF8] =	vst v63  }
0x9d: {  	s16 =	smov.u32 s21;
	s18 =	sshra.s32 @!p2 s18, $0x2;
	_ =	swait.ge @!p2 [sflag:s23], $0x1800  }
0x9e: {  	s21 =	sadd.s32 $0x3000, s21;
	s18 =	sadd.s32 @!p2 $0x200, s18;
	[sflag:s23] =	ssyncset.done @!p2 $0x0  }
0x9f: {  	s22 =	simm.s32 @!p2 $0x9;
	[sflag:s23] =	ssyncadd.s32 @!p2 $0xFFFFE800;
	s23 =	simm.s32 @!p2 $0x69C8  }
0xa0: {  	[spmem:s2] =	stream.indirect.scatter.add.f32 @!p2 [tilespmem:s23], [sflag:$0xB], $0x30, s18, s20, $0xb8;
	[tilespmem:$0x10EF8] =	vst v63  }
0xa1: {  	p1 =	sne.s32 s14, $0x2400;
	s15 =	sadd.s32 $0x3000, s15;
	_ =	swait.ge @!p2 [sflag:s22], $0x1800  }
.Ltmp0:
0xa2: {  	s12 =	sadd.s32 $0x3000, s12;
	[sflag:s22] =	ssyncset.done @!p2 $0x0;
	(pc) =	sbr.rel @p1 .LBB2_2-.Ltmp0, $4  }
0xa3: {  	s17 =	sadd.s32 $0x280, s17;
	s18 =	simm.s32 @!p2 $0x39C8;
	[sflag:s22] =	ssyncadd.s32 @!p2 $0xFFFFE800  }
0xa4: {  	[tilespmem:s18], [sflag:$0x3] =	stream.strided.gather @!p2 [hbm4b:s16+s13], $0x1800, s20, s13, $0x38;
	[tilespmem:$0x10EF8] =	vst v63  }
0xa5: {  	s10 =	sadd.s32 $0x18000, s10;
	s11 =	sadd.s32 $0x3000, s11;
	_ =	swait.ge [sflag:s9], $0x1800  }
0xa6: {  	s19 =	sadd.s32 $0x3000, s19;
	p2 =	seq.s32 s24, $0x0;
	[sflag:s9] =	ssyncset.done $0x0  }
0xa7: {  	s13 =	simm.s32 @!p2 $0xA;
	[sflag:s9] =	ssyncadd.s32 $0xFFFFE800  }
0xa8: {  	[spmem:s2] =	stream.indirect.scatter.add.f32 [tilespmem:s3], [sflag:$0xC], $0x30, s17, s26, $0xb8;
	[tilespmem:$0x10EF8] =	vst v63  }
0xa9: {  	_ =	swait.ge @!p2 [sflag:s13], $0x1800  }
0xaa: {  	[sflag:s13] =	ssyncset.done @!p2 $0x0  }
0xab: {  	[sflag:s13] =	ssyncadd.s32 @!p2 $0xFFFFE800  }
0xac: {  	[tilespmem:s31], [sflag:$0x4] =	stream.strided.gather [hbm4b:s15+s25], $0x1800, s26, s25, $0x38;
	[tilespmem:$0x10EF8] =	vst v63  }
0xad: {  	_ =	swait.ge [sflag:s1], $0x1800  }
0xae: {  	[sflag:s1] =	ssyncset.done $0x0  }
0xaf: {  	s14 =	sshra.s32 s24, $0x2;
	s13 =	simm.s32 @!p2 $0xB;
	[sflag:s1] =	ssyncadd.s32 $0xFFFFE800  }
0xb0: {  	[spmem:s2] =	stream.indirect.scatter.add.f32 [tilespmem:s28], [sflag:$0x7], $0x30, s14, s26, $0xb8;
	[tilespmem:$0x10EF8] =	vst v63  }
0xb1: {  	_ =	swait.ge @!p2 [sflag:s13], $0x1800  }
0xb2: {  	[sflag:s13] =	ssyncset.done @!p2 $0x0  }
0xb3: {  	s22 =	rddreg [dreg:$0x3];
	[sflag:s13] =	ssyncadd.s32 @!p2 $0xFFFFE800  }
0xb4: {  	[tilespmem:s22], [sflag:$0x5] =	stream.strided.gather [hbm4b:s12+s25], $0x1800, s26, s25, $0x38;
	[tilespmem:$0x10EF8] =	vst v63  }
0xb5: {  	_ =	swait.ge [sflag:s0], $0x1800  }
0xb6: {  	[sflag:s0] =	ssyncset.done $0x0  }
0xb7: {  	s23 =	sadd.s32 $0x80, s14;
	s12 =	simm.s32 @!p2 $0xC;
	[sflag:s0] =	ssyncadd.s32 $0xFFFFE800  }
0xb8: {  	[spmem:s2] =	stream.indirect.scatter.add.f32 [tilespmem:s29], [sflag:$0x8], $0x30, s23, s26, $0xb8;
	[tilespmem:$0x10EF8] =	vst v63  }
0xb9: {  	_ =	swait.ge @!p2 [sflag:s12], $0x1800  }
0xba: {  	[sflag:s12] =	ssyncset.done @!p2 $0x0  }
0xbb: {  	[sflag:s12] =	ssyncadd.s32 @!p2 $0xFFFFE800  }
0xbc: {  	[tilespmem:s3], [sflag:$0x6] =	stream.strided.gather [hbm4b:s11+s25], $0x1800, s26, s25, $0x38;
	[tilespmem:$0x10EF8] =	vst v63  }
0xbd: {  	_ =	swait.ge [sflag:s5], $0x1800  }
0xbe: {  	[sflag:s5] =	ssyncset.done $0x0  }
0xbf: {  	s13 =	sadd.s32 $0x100, s14;
	[sflag:s5] =	ssyncadd.s32 $0xFFFFE800  }
0xc0: {  	[spmem:s2] =	stream.indirect.scatter.add.f32 [tilespmem:s30], [sflag:$0x9], $0x30, s13, s26, $0xb8;
	[tilespmem:$0x10EF8] =	vst v63  }
0xc1: {  	_ =	swait.ge [sflag:s6], $0x1800  }
0xc2: {  	s10 =	sshrl.u32 s10, $0x3;
	[sflag:s6] =	ssyncset.done $0x0  }
0xc3: {  	s10 =	sadd.s32 s4, s10;
	[sflag:s6] =	ssyncadd.s32 $0xFFFFE800  }
0xc4: {  	[tilespmem:s28], [sflag:$0x1] =	stream.strided.gather [hbm4b:s10+s25], $0x1800, s26, s25, $0x38;
	[tilespmem:$0x10EF8] =	vst v63  }
0xc5: {  	_ =	swait.ge [sflag:s7], $0x1800  }
0xc6: {  	[sflag:s7] =	ssyncset.done $0x0  }
0xc7: {  	s15 =	sadd.s32 $0x180, s14;
	[sflag:s7] =	ssyncadd.s32 $0xFFFFE800  }
0xc8: {  	[spmem:s2] =	stream.indirect.scatter.add.f32 [tilespmem:s31], [sflag:$0xA], $0x30, s15, s26, $0xb8;
	[tilespmem:$0x10EF8] =	vst v63  }
0xc9: {  	_ =	swait.ge [sflag:s8], $0x1800  }
0xca: {  	p1 =	seq.s32 s24, $0x1800;
	[sflag:s8] =	ssyncset.done $0x0  }
0xcb: {  	s10 =	simm.s32 @p1 $0x5;
	[sflag:s8] =	ssyncadd.s32 $0xFFFFE800  }
0xcc: {  	_ =	swait.ge @p1 [sflag:s10], $0x1800  }
0xcd: {  	s12 =	simm.s32 @p1 $0x800;
	[sflag:s10] =	ssyncset.done @p1 $0x0  }
0xce: {  	s11 =	simm.s32 @p1 $0x69C8;
	[sflag:s10] =	ssyncadd.s32 @p1 $0xFFFFE800;
	s10 =	simm.s32 @p1 $0x80  }
0xcf: {  	[spmem:s2] =	stream.indirect.scatter.add.f32 @p1 [tilespmem:s11], [sflag:$0xB], $0x30, s12, s10, $0xb8;
	[tilespmem:$0x10EF8] =	vst v63  }
0xd0: {  	s10 =	simm.s32 @p1 $0x9  }
0xd1: {  	_ =	swait.ge @p1 [sflag:s10], $0x1800  }
0xd2: {  	s11 =	simm.s32 @!p1 $0x30;
	[sflag:s10] =	ssyncset.done @p1 $0x0  }
0xd3: {  	s12 =	simm.s32 @!p1 $0x80;
	[sflag:s10] =	ssyncadd.s32 @p1 $0xFFFFE800;
	s10 =	simm.s32 @!p1 $0x21C8  }
0xd4: {  	[tilespmem:s10], [sflag:$0x2] =	stream.strided.gather @!p1 [hbm4b:s19+s11], $0x1800, s12, s11, $0x38;
	[tilespmem:$0x10EF8] =	vst v63  }
0xd5: {  	s10 =	simm.s32 @!p1 $0x5  }
0xd6: {  	_ =	swait.ge @!p1 [sflag:s10], $0x1800  }
0xd7: {  	s13 =	sshra.s32 @!p1 s24, $0x2;
	[sflag:s10] =	ssyncset.done @!p1 $0x0  }
0xd8: {  	[sflag:s10] =	ssyncadd.s32 @!p1 $0xFFFFE800;
	s10 =	sadd.s32 @!p1 $0x200, s13;
	s13 =	simm.s32 @!p1 $0x69C8  }
0xd9: {  	[spmem:s2] =	stream.indirect.scatter.add.f32 @!p1 [tilespmem:s13], [sflag:$0xB], $0x30, s10, s12, $0xb8;
	[tilespmem:$0x10EF8] =	vst v63  }
0xda: {  	s10 =	simm.s32 @!p1 $0x9  }
0xdb: {  	_ =	swait.ge @!p1 [sflag:s10], $0x1800  }
0xdc: {  	[sflag:s10] =	ssyncset.done @!p1 $0x0  }
0xdd: {  	[sflag:s10] =	ssyncadd.s32 @!p1 $0xFFFFE800;
	s10 =	simm.s32 @!p1 $0x39C8  }
0xde: {  	[tilespmem:s10], [sflag:$0x3] =	stream.strided.gather @!p1 [hbm4b:s21+s11], $0x1800, s12, s11, $0x38;
	[tilespmem:$0x10EF8] =	vst v63  }
0xdf: {  	_ =	swait.ge [sflag:s9], $0x1800  }
0xe0: {  	[sflag:s9] =	ssyncset.done $0x0  }
0xe1: {  	s16 =	sadd.s32 $0x280, s14;
	s17 =	simm.s32 $0xA;
	[sflag:s9] =	ssyncadd.s32 $0xFFFFE800  }
0xe2: {  	[spmem:s2] =	stream.indirect.scatter.add.f32 [tilespmem:s3], [sflag:$0xC], $0x30, s16, s26, $0xb8;
	[tilespmem:$0x10EF8] =	vst v63  }
0xe3: {  	_ =	swait.ge [sflag:s17], $0x1800  }
0xe4: {  	[sflag:s17] =	ssyncset.done $0x0  }
0xe5: {  	[sflag:s17] =	ssyncadd.s32 $0xFFFFE800  }
0xe6: {  	_ =	swait.ge [sflag:s1], $0x1800  }
0xe7: {  	[sflag:s1] =	ssyncset.done $0x0  }
0xe8: {  	s18 =	simm.s32 $0x900;
	s19 =	simm.s32 $0xB;
	[sflag:s1] =	ssyncadd.s32 $0xFFFFE800  }
0xe9: {  	[spmem:s2] =	stream.indirect.scatter.add.f32 [tilespmem:s28], [sflag:$0x7], $0x30, s18, s26, $0xb8;
	[tilespmem:$0x10EF8] =	vst v63  }
0xea: {  	_ =	swait.ge [sflag:s19], $0x1800  }
0xeb: {  	[sflag:s19] =	ssyncset.done $0x0  }
0xec: {  	s20 =	simm.s32 $0xC;
	[sflag:s19] =	ssyncadd.s32 $0xFFFFE800  }
0xed: {  	_ =	swait.ge [sflag:s20], $0x1800  }
0xee: {  	[sflag:s20] =	ssyncset.done $0x0  }
0xef: {  	[sflag:s20] =	ssyncadd.s32 $0xFFFFE800  }
0xf0: {  	_ =	swait.ge [sflag:s6], $0x1800  }
0xf1: {  	[sflag:s6] =	ssyncset.done $0x0  }
0xf2: {  	s13 =	simm.s32 $0xE;
	s21 =	rddreg [dreg:$0xa];
	[sflag:s6] =	ssyncadd.s32 $0xFFFFE800  }
0xf3: {  	[tilespmem:s31], [sflag:$0xE] =	stream.strided.gather [hbm4b:s21+s25], $0xCC0, s26, s25, $0x38;
	[tilespmem:$0x10EF8] =	vst v63  }
0xf4: {  	_ =	swait.ge [sflag:s13], $0xCC0  }
0xf5: {  	[sflag:s13] =	ssyncset.done $0x0  }
0xf6: {  	s14 =	simm.s32 $0x980;
	s22 =	simm.s32 $0x44;
	[sflag:s13] =	ssyncadd.s32 $0xFFFFF340  }
0xf7: {  	[spmem:s2] =	stream.indirect.scatter.add.f32 [tilespmem:s31], [sflag:$0xE], $0x30, s14, s22, $0xb8;
	[tilespmem:$0x10EF8] =	vst v63  }
0xf8: {  	_ =	swait.ge [sflag:s13], $0xCC0  }
0xf9: {  	[sflag:s13] =	ssyncset.done $0x0  }
0xfa: {  	[sflag:s13] =	ssyncadd.s32 $0xFFFFF340  }
0xfb: {  	[bflag:$0x0] =	sbarrier.arrive $0xFFFF  }
0xfc: {  	s10 =	rddreg [dreg:$0x12]  }
0xfd: {  	s11 =	rddreg [dreg:$0xb]  }
0xfe: {  	s12 =	rddreg [dreg:$0x15];
	s10 =	sor.u32 @!p0 $0x1C0E, s10  }
0xff: {  	[hbm:s11], [sflag:s10] =	dma.local @!p0 [spmem:s12], $0x1770  }
0x100: {  	s10 =	simm.s32 @!p0 $0xE  }
0x101: {  	_ =	swait.ge @!p0 [sflag:s10], $0x1770  }
0x102: {  	s23 =	rddreg [dreg:$0x16]  }
0x103: {  	s24 =	rddreg [dreg:$0xc];
	s15 =	sadd.s32 $0x1, s23  }
0x104: {  	p1 =	sne.s32 s15, s24  }
.Ltmp1:
0x105: {  	_ = 	snop;
	(pc) =	sbr.rel @p1 .LBB2_1-.Ltmp1, $3  }
0x106: {  	_ =	sdelay $0x1  }
0x107: {  	[sflag:s10] =	ssyncset.done @!p0 $0x0  }
0x108: {  	[sflag:s10] =	ssyncadd.s32 @!p0 $0xFFFFE890  }
0x109: {  	_ =	sfence.sel $0x180000  }
0x10a: {  	[bflag:$0x0] =	sbarrier.arrive $0xFFFF  }
0x10b: {  	_ =	strace $0x9000004D  }
0x10c: {  	s0 =	stileid.u32;
	[bflag:$0x2] =	sbarrier.arrive $0xFFFF  }
0x10d: {  	p0 =	sne.s32 s0, $0x0;
	s0 =	rddreg [dreg:$0x2]  }
0x10e: {  	s0 =	sadd.s32 @!p0 $0x100000, s0  }
0x10f: {  	[sflag:s0] =	ssyncadd.tile.s32 @!p0 $0x1;
	_ =	shalt  }
.Lfunc_end2:
_tile_overlayer_lowered:
.L_overlay_start_2:
0x110: {  	(tag) =	ssettag $0x2  }
0x111: {  	s0 =	rddreg [dreg:$0x0];
	s2 =	stileid.u32  }
0x112: {  	s1 =	rddreg [dreg:$0x1];
	p0 =	sne.s32 s2, $0x0  }
0x113: {  	s3 =	rddreg [dreg:$0x2];
	[bflag:$0x3] =	sbarrier.arrive $0xFFFF;
	s2 =	simm.s32 @!p0 $0x1C0E  }
0x114: {  	[timem:s3], [sflag:s2] =	dma.local @!p0 [hbm:s0], s1  }
0x115: {  	s0 =	simm.s32 @!p0 $0xE  }
0x116: {  	_ =	swait.ge @!p0 [sflag:s0], s1  }
0x117: {  	s1 =	ssub.s32 @!p0 $0x0, s1;
	[sflag:s0] =	ssyncset.done @!p0 $0x0  }
0x118: {  	[sflag:s0] =	ssyncadd.s32 @!p0 s1  }
0x119: {  	[bflag:$0x3] =	sbarrier.arrive $0xFFFF  }
0x11a: {  	_ =	shalt  }

// kernel: kernel.18.cloned.1.call-start
scs
__scs_entry_jumppad:
0x0: {  	(pc) =	sbr.rel $0x88, $3  }
0x1: {  	(tag) =	ssettag $0x0;
	lr =	simm.s32 $0x1  }
0x2: {  	[smem:$0x3F97] =	sst lr;
	_ =	strace $0xD0000000  }
0x3: {  	_ = 	snop  }
0x4: {  	_ = 	snop  }
0x5: {  	_ = 	snop  }
0x6: {  	_ = 	snop  }
0x7: {  	_ = 	snop  }
__scs_overlays_trampoline_lowered:
0x8: {  	[smem:$0x3FA6] =	sst s0  }
0x9: {  	[smem:$0x3FA7] =	sst s1  }
0xa: {  	[smem:$0x3FA8] =	sst s2  }
0xb: {  	[smem:$0x3FA9] =	sst s3  }
0xc: {  	[smem:$0x3FAA] =	sst s4  }
0xd: {  	[smem:$0x3FAB] =	sst s5  }
0xe: {  	[smem:$0x3FAC] =	sst s6  }
0xf: {  	[smem:$0x3FAD] =	sst s7  }
0x10: {  	[smem:$0x3FAE] =	sst s8  }
0x11: {  	[smem:$0x3FAF] =	sst s9;
	s0 =	simm.s32 @!p0 $0x0  }
0x12: {  	s1 =	sld [smem:$0x3F95];
	s0 =	simm.s32 @p0 $0x1  }
0x13: {  	[smem:$0x3FB0] =	sst s0;
	s0 =	simm.s32 @!p1 $0x0  }
0x14: {  	s2 =	sld [smem:$0x3F94];
	s0 =	simm.s32 @p1 $0x1  }
0x15: {  	[smem:$0x3FB1] =	sst s0;
	s0 =	simm.s32 @!p2 $0x0  }
0x16: {  	s3 =	sld [smem:$0x3FDB];
	s0 =	simm.s32 @p2 $0x1  }
0x17: {  	s4 =	simm.s32 $0x1BF5;
	[smem:$0x3FB3] =	sst s0  }
0x18: {  	s0 =	sld [smem:$0x3F96];
	_ =	swait.ge [sflag:s4], $0x0  }
0x19: {  	s7 =	sld [smem:$0x3F97]  }
0x1a: {  	s8 =	sadd.s32 $0xFFFFE003, lr  }
0x1b: {  	s9 =	sadd.s32 $0xFFFFFEF7, lr;
	s5 =	simm.s32 $0xFFFFFFFF;
	p2 =	slt.u32 s8, $0xFFFFF086  }
0x1c: {  	p1 =	slt.u32 s9, $0xF7A;
	s5 =	simm.s32 @!p2 $0x0  }
0x1d: {  	s5 =	simm.s32 @p1 $0x1;
	p0 =	seq.s32 s7, s2  }
0x1e: {  	s7 =	smul.u32 @!p0 $0xF7A, s2;
	p2 =	seq.s32 @!p0 s5, $0x0  }
0x1f: {  	s9 =	smul.u32 $0xF7A, s1;
	s8 =	simm.s32 @!p0 $0x1BF5;
	p2 =	por !p2, p0  }
0x20: {  	[sflag:s8] =	ssyncset.s32 @!p0 $0xFFFFF086;
	s6 =	sadd.s32 @!p0 s3, s7;
	s7 =	simm.s32 @!p0 $0x108  }
0x21: {  	s3 =	sadd.s32 s3, s9;
	s6 =	sadd.s32 @!p0 $0x88, s6;
	s7 =	simm.s32 @p2 $0x1082  }
0x22: {  	[simem:s7], [sflag:s8] =	dma.local @!p0 [hbm:s6], $0xF7A  }
0x23: {  	s9 =	sor.u32 $0xD0000000, s2;
	s6 =	simm.s32 $0x108;
	_ =	swait.ge @!p0 [sflag:s8], $0x0  }
0x24: {  	s3 =	sadd.s32 $0x88, s3;
	s6 =	simm.s32 @!p1 $0x1082;
	[sflag:s4] =	ssyncset.s32 $0xFFFFF086  }
0x25: {  	[simem:s6], [sflag:s4] =	dma.local [hbm:s3], $0xF7A  }
0x26: {  	[smem:$0x3F97] =	sst s1;
	(tag) =	ssettag s2;
	_ =	strace s9  }
0x27: {  	s1 =	sld [smem:$0x3FA7]  }
0x28: {  	s2 =	sld [smem:$0x3FA8]  }
0x29: {  	s4 =	sld [smem:$0x3FAA]  }
0x2a: {  	p0 =	seq.s32 s5, $0x0;
	s5 =	sld [smem:$0x3FAB]  }
0x2b: {  	s6 =	sld [smem:$0x3FAC]  }
0x2c: {  	s7 =	sld [smem:$0x3FAD]  }
0x2d: {  	s3 =	simm.s32 $0x108;
	s8 =	sld [smem:$0x3FAE]  }
0x2e: {  	s3 =	simm.s32 @!p0 $0x1082;
	s9 =	sld [smem:$0x3FAF]  }
0x2f: {  	lr =	sadd.s32 s0, s3;
	s0 =	sld [smem:$0x3FA6]  }
0x30: {  	s3 =	sld [smem:$0x3FA9]  }
0x31: {  	[smem:$0x3FB2] =	sst s10  }
0x32: {  	s10 =	sld [smem:$0x3FB0];
	_ =	sdelay $0x3  }
0x33: {  	p0 =	seq.s32 s10, $0x1;
	s10 =	sld [smem:$0x3FB2];
	_ =	sdelay $0x3  }
0x34: {  	[smem:$0x3FB2] =	sst s10  }
0x35: {  	s10 =	sld [smem:$0x3FB1];
	_ =	sdelay $0x3  }
0x36: {  	p1 =	seq.s32 s10, $0x1;
	s10 =	sld [smem:$0x3FB2];
	_ =	sdelay $0x3  }
0x37: {  	[smem:$0x3FB2] =	sst s10  }
0x38: {  	s10 =	sld [smem:$0x3FB3]  }
0x39: {  	_ = 	snop;
	(pc) =	sbr.ind lr, $3  }
0x3a: {  	_ = 	snop  }
0x3b: {  	_ = 	snop  }
0x3c: {  	p2 =	seq.s32 s10, $0x1;
	s10 =	sld [smem:$0x3FB2]  }
0x3d: {  	_ =	shalt  }
0x3e: {  	_ =	shalt  }
0x3f: {  	_ =	shalt  }
0x40: {  	_ =	shalt  }
0x41: {  	_ =	shalt  }
0x42: {  	_ =	shalt  }
0x43: {  	_ =	shalt  }
0x44: {  	_ =	shalt  }
0x45: {  	_ =	shalt  }
0x46: {  	_ =	shalt  }
0x47: {  	_ =	shalt  }
0x48: {  	_ =	shalt  }
0x49: {  	_ =	shalt  }
0x4a: {  	_ =	shalt  }
0x4b: {  	_ =	shalt  }
0x4c: {  	_ =	shalt  }
0x4d: {  	_ =	shalt  }
0x4e: {  	_ =	shalt  }
0x4f: {  	_ =	shalt  }
0x50: {  	_ =	shalt  }
0x51: {  	_ =	shalt  }
0x52: {  	_ =	shalt  }
0x53: {  	_ =	shalt  }
0x54: {  	_ =	shalt  }
0x55: {  	_ =	shalt  }
0x56: {  	_ =	shalt  }
0x57: {  	_ =	shalt  }
0x58: {  	_ =	shalt  }
0x59: {  	_ =	shalt  }
0x5a: {  	_ =	shalt  }
0x5b: {  	_ =	shalt  }
0x5c: {  	_ =	shalt  }
0x5d: {  	_ =	shalt  }
0x5e: {  	_ =	shalt  }
0x5f: {  	_ =	shalt  }
0x60: {  	_ =	shalt  }
0x61: {  	_ =	shalt  }
0x62: {  	_ =	shalt  }
0x63: {  	_ =	shalt  }
0x64: {  	_ =	shalt  }
0x65: {  	_ =	shalt  }
0x66: {  	_ =	shalt  }
0x67: {  	_ =	shalt  }
0x68: {  	_ =	shalt  }
0x69: {  	_ =	shalt  }
0x6a: {  	_ =	shalt  }
0x6b: {  	_ =	shalt  }
0x6c: {  	_ =	shalt  }
0x6d: {  	_ =	shalt  }
0x6e: {  	_ =	shalt  }
0x6f: {  	_ =	shalt  }
0x70: {  	_ =	shalt  }
0x71: {  	_ =	shalt  }
0x72: {  	_ =	shalt  }
0x73: {  	_ =	shalt  }
0x74: {  	_ =	shalt  }
0x75: {  	_ =	shalt  }
0x76: {  	_ =	shalt  }
0x77: {  	_ =	shalt  }
0x78: {  	_ =	shalt  }
0x79: {  	_ =	shalt  }
0x7a: {  	_ =	shalt  }
0x7b: {  	_ =	shalt  }
0x7c: {  	_ =	shalt  }
0x7d: {  	_ =	shalt  }
0x7e: {  	_ =	shalt  }
0x7f: {  	_ =	shalt  }
0x80: {  	_ =	shalt  }
0x81: {  	_ =	shalt  }
0x82: {  	_ =	shalt  }
0x83: {  	_ =	shalt  }
0x84: {  	_ =	shalt  }
0x85: {  	_ =	shalt  }
0x86: {  	_ =	shalt  }
0x87: {  	_ =	shalt  }
.Lfunc_end0:
.L_simem_size_0:
called_computation.3_lowered:
.L_overlay_start_0:
0x88: {  	s2 =	sld [smem:$0x3FD9]  }
0x89: {  	s3 =	sld [smem:$0x3FFE];
	_ =	sdelay $0x1  }
0x8a: {  	s1 =	srdreg.scid  }
0x8b: {  	s0 =	sand.u32 $0x1, s1  }
0x8c: {  	s16 =	sshll.u32 s0, $0xA;
	s2 =	sadd.s32 s3, s2  }
0x8d: {  	s2 =	sadd.s32 s2, s16  }
0x8e: {  	[smem:$0x3FBE] =	sst s2  }
0x8f: {  	_ = 	snop  }
0x90: {  	(tm) =	ssettm $0x1  }
0x91: {  	s17 =	sld [smem:$0x3FFB];
	_ =	sdelay $0x3  }
0x92: {  	_ =	strace s17  }
0x93: {  	s2 =	sld [smem:$0x3FFC];
	_ =	sdelay $0x3  }
0x94: {  	_ =	strace s2  }
0x95: {  	s2 =	sld [smem:$0x3FFD];
	_ =	sdelay $0x3  }
0x96: {  	_ =	strace s2  }
0x97: {  	_ =	strace $0x8FFFFFFF  }
0x98: {  	s18 =	sld [smem:$0x3FDB];
	_ =	sdelay $0x1  }
0x99: {  	s19 =	simm.s32 $_scs_section_size  }
0x9a: {  	s4 =	simm.s32 $_size__tile_overlayer_lowered;
	s5 =	simm.s32 $_tile_overlayer_lowered  }
0x9b: {  	s22 =	simm.s32 $0x1BFF;
	s21 =	sshll.u32 s5, $0x1;
	s2 =	sadd.s32 s19, s18  }
0x9c: {  	s6 =	simm.s32 $0x0;
	s20 =	sshll.u32 s4, $0x1;
	s4 =	sadd.s32 s21, s2  }
0x9d: {  	[timem:s6], [sflag:s22] =	dma.local [hbm:s4], s20  }
0x9e: {  	_ =	swait.ge [sflag:s22], s20  }
0x9f: {  	s3 =	ssub.s32 $0x0, s20;
	[sflag:s22] =	ssyncset.done $0x0  }
0xa0: {  	[sflag:s22] =	ssyncadd.s32 s3;
	_ =	sdelay $0x1  }
0xa1: {  	s23 =	simm.s32 $0x1B8B  }
0xa2: {  	_ =	swait.ge [sflag:s23], $0x1  }
0xa3: {  	[sflag:s23] =	ssyncset.done $0x0  }
0xa4: {  	s25 =	simm.s32 $0x1B8E;
	s24 =	sld [smem:$0x3FFE];
	[sflag:s23] =	ssyncadd.s32 $0xFFFFFFFF  }
0xa5: {  	s26 =	simm.s32 $execute0_lowered;
	[smem:$0x3FD2] =	sst s25  }
0xa6: {  	s4 =	sshll.u32 s26, $0x1;
	_ =	strace $0x8000004F;
	[dreg:$0x1] =	wrdreg $0xFFFFFFFF  }
0xa7: {  	s28 =	simm.s32 $_size_execute0_lowered;
	s2 =	sadd.s32 s2, s4;
	[dreg:$0x0] =	wrdreg $0x0  }
0xa8: {  	s4 =	sshll.u32 s28, $0x1;
	[dreg:$0x2] =	wrdreg s2  }
0xa9: {  	[dreg:$0x3] =	wrdreg s4  }
0xaa: {  	[dreg:$0x4] =	wrdreg $0xC0  }
0xab: {  	_ =	task [dreg:s6], $0x5FFFF  }
0xac: {  	[dreg:$0x1] =	wrdreg $0xFFFFFFFF  }
0xad: {  	[dreg:$0x0] =	wrdreg $0x60  }
0xae: {  	[dreg:$0x2] =	wrdreg s24  }
0xaf: {  	[dreg:$0x3] =	wrdreg $0x99C80  }
0xb0: {  	[dreg:$0x4] =	wrdreg $0x9  }
0xb1: {  	_ =	task.clear_ibuf [dreg:s6], $0x5FFFF;
	_ =	strace $0x9000004F  }
0xb2: {  	s29 =	simm.s32 $0x9;
	_ =	strace $0x80000051  }
0xb3: {  	_ =	swait.ge [sflag:s29], $0x1  }
0xb4: {  	[sflag:s29] =	ssyncadd.s32 $0xFFFFFFFF  }
0xb5: {  	_ =	strace $0x90000051  }
0xb6: {  	_ =	sfence  }
0xb7: {  	s30 =	sld [smem:$0x0];
	_ =	sdelay $0x2  }
0xb8: {  	s31 =	sshll.u32 s1, $0xD;
	s1 =	sshrl.u32 s1, $0x2  }
0xb9: {  	s3 =	sand.u32 $0x4000, s31;
	s1 =	sadd.s32 s1, s30  }
0xba: {  	s0 =	sor.u32 s3, s0;
	s1 =	sshll.u32 s1, $0x11  }
0xbb: {  	s0 =	sor.u32 s1, s0  }
0xbc: {  	s0 =	sadd.s32 $0x8F2B, s0  }
0xbd: {  	[sflag:s0] =	ssyncadd.remote.s32 $0x1  }
0xbe: {  	_ =	sfence.sel $0xFFFF  }
0xbf: {  	[dreg:$0x0] =	wrdreg $0xFFFFFFFF;
	(pc) =	sbr.abs _section_cstart, $3  }
0xc0: {  	[dreg:$0x1] =	wrdreg $0xFFFFFFFF  }
0xc1: {  	_ =	task.clear_ibuf [dreg:s6], $0x2FFFF;
	_ =	strace $0x9FFFFFFF  }
0xc2: {  	(tm) =	ssettm $0x7FFFFFFF  }
0xc3: {  	_ =	shalt  }
tec
execute0_lowered:
.L_overlay_start_1:
0x0: {  	(tag) =	ssettag $0x1  }
0x1: {  	s0 =	srdreg.scid  }
0x2: {  	s10 =	stileid.u32;
	s1 =	rddreg [dreg:$0x0]  }
0x3: {  	s2 =	rddreg [dreg:$0x1];
	s7 =	smul.u32 $0x1770, s10  }
0x4: {  	s4 =	simm.s32 $0x0;
	s28 =	simm.s32 $0x9C8;
	s9 =	smul.u32 $0x2EE00, s10  }
0x5: {  	s29 =	simm.s32 $0x21C8;
	s0 =	sand.u32 $0x1, s0;
	s13 =	smul.u32 $0x9C400, s10  }
0x6: {  	s30 =	simm.s32 $0x39C8;
	s3 =	sshll.u32 s10, $0x1;
	s6 =	smul.u32 $0xEA60, s0  }
0x7: {  	s3 =	sor.u32 s0, s3;
	s23 =	ssub.s32 $0x2, s0;
	s0 =	smul.u32 $0x4E200, s0  }
0x8: {  	s31 =	simm.s32 $0x51C8;
	[smem:$0x7FF] =	sst s4;
	s5 =	smul.u32 $0x130, s3  }
0x9: {  	s4 =	sadd.s32 $0x315200, s1;
	p0 =	sgt.u32 s10, $0x9;
	s8 =	smul.u32 $0x9, s3  }
0xa: {  	_ =	strace $0x80000050;
	s24 =	sshrl.u32 s23, $0x1;
	s26 =	smul.u32 $0x4E200, s3  }
0xb: {  	s25 =	sshrl.u32 s9, $0x2;
	s3 =	smul.u32 $0x9C40, s3;
	s9 =	simm.s32 $0x6  }
0xc: {  	s6 =	sadd.s32 s7, s6;
	s7 =	sadd.s32 s25, s2;
	s0 =	sadd.s32 s0, s13  }
0xd: {  	s5 =	sadd.s32 s5, s1;
	s8 =	sadd.s32 s8, s1;
	s1 =	sadd.s32 s6, s1  }
0xe: {  	s6 =	ssub.s32 s23, s24;
	s3 =	sadd.s32 s4, s3;
	s18 =	sadd.s32 $0x14000, s0  }
0xf: {  	s19 =	sadd.s32 $0x10000, s0;
	s20 =	sadd.s32 $0xC000, s0;
	s23 =	sadd.s32 $0x20000, s0  }
0x10: {  	s24 =	sadd.s32 $0x1C000, s0;
	s0 =	sadd.s32 $0x18000, s0;
	[dreg:$0x7] =	wrdreg s3  }
0x11: {  	s12 =	sshrl.u32 s26, $0x3;
	s26 =	simm.s32 $0x69C8;
	[dreg:$0x13] =	wrdreg s0  }
0x12: {  	s13 =	simm.s32 $0xE;
	s11 =	sadd.s32 $0x1DC00, s1;
	[dreg:$0x3] =	wrdreg s26  }
0x13: {  	s5 =	sadd.s32 $0x3B400, s5;
	s8 =	sadd.s32 $0x3B200, s8;
	[dreg:$0x4] =	wrdreg s11  }
0x14: {  	s1 =	sadd.s32 $0x600, s1;
	s17 =	smax.u32 s6, $0x1;
	[dreg:$0x5] =	wrdreg s5  }
0x15: {  	s3 =	sshrl.u32 s19, $0x3;
	s22 =	sshrl.u32 s20, $0x3;
	[dreg:$0x6] =	wrdreg s8  }
0x16: {  	s26 =	simm.s32 $0x80;
	s6 =	simm.s32 $0x7;
	[dreg:$0xb] =	wrdreg s1  }
0x17: {  	s5 =	sadd.s32 s4, s12;
	[dreg:$0xc] =	wrdreg s17;
	s21 =	sadd.s32 s3, s4  }
0x18: {  	s1 =	sshrl.u32 s18, $0x3;
	s12 =	sshrl.u32 @!p0 s7, $0x3;
	[dreg:$0xe] =	wrdreg s21  }
0x19: {  	s3 =	sshrl.u32 s24, $0x3;
	s14 =	sadd.s32 $0x800, s5;
	[dreg:$0x15] =	wrdreg s12  }
0x1a: {  	s7 =	simm.s32 $0x4;
	s15 =	sadd.s32 $0x1000, s5;
	[dreg:$0x8] =	wrdreg s14  }
0x1b: {  	s8 =	simm.s32 $0x8;
	s16 =	sadd.s32 $0x9800, s5;
	[dreg:$0x9] =	wrdreg s15  }
0x1c: {  	s1 =	sadd.s32 s1, s4;
	s25 =	sadd.s32 s3, s4;
	[dreg:$0xa] =	wrdreg s16  }
0x1d: {  	s3 =	simm.s32 $0x81C8;
	[dreg:$0xd] =	wrdreg s1;
	s1 =	sadd.s32 s22, s4  }
0x1e: {  	s5 =	simm.s32 $0x3;
	[dreg:$0xf] =	wrdreg s1;
	s1 =	sshrl.u32 s23, $0x3  }
0x1f: {  	[dreg:$0x11] =	wrdreg s25;
	s14 =	simm.s32 $0x980;
	s1 =	sadd.s32 s1, s4  }
0x20: {  	s25 =	simm.s32 $0x30;
	[dreg:$0x10] =	wrdreg s1;
	s1 =	sshll.u32 @!p0 s10, $0x6  }
0x21: {  	s15 =	simm.s32 $0x0;
	[dreg:$0x12] =	wrdreg s1;
	s0 =	sor.u32 @!p0 $0x1C0D, s1  }
0x22: {  	s1 =	simm.s32 $0x1;
	[dreg:$0x14] =	wrdreg s0;
	s0 =	simm.s32 $0x2  }
.LBB2_1:
0x23: {  	[dreg:$0x16] =	wrdreg s15  }
0x24: {  	s10 =	rddreg [dreg:$0x4]  }
0x25: {  	s11 =	rddreg [dreg:$0x14]  }
0x26: {  	[spmem:s12], [sflag:s11] =	dma.local @!p0 [hbm:s10], $0x1770  }
0x27: {  	s10 =	simm.s32 @!p0 $0xD  }
0x28: {  	_ =	swait.ge @!p0 [sflag:s10], $0x1770  }
0x29: {  	[sflag:s10] =	ssyncset.done @!p0 $0x0  }
0x2a: {  	s24 =	simm.s32 $0x0;
	s12 =	rddreg [dreg:$0x5];
	[sflag:s10] =	ssyncadd.s32 @!p0 $0xFFFFE890  }
0x2b: {  	[tilespmem:s24], [sflag:$0xE] =	stream.linear.gather [hbm4b:s12+s24], $0x980, $0x38;
	[tilespmem:$0x10EF8] =	vst v63  }
0x2c: {  	_ =	swait.ge [sflag:s13], $0x980  }
0x2d: {  	[sflag:s13] =	ssyncset.done $0x0  }
0x2e: {  	s15 =	rddreg [dreg:$0x6];
	[sflag:s13] =	ssyncadd.s32 $0xFFFFF680  }
0x2f: {  	[tilespmem:s14], [sflag:$0xE] =	stream.linear.gather [hbm4b:s15+s24], $0x48, $0x38;
	[tilespmem:$0x10EF8] =	vst v63  }
0x30: {  	_ =	swait.ge [sflag:s13], $0x48  }
0x31: {  	[sflag:s13] =	ssyncset.done $0x0  }
0x32: {  	[sflag:s13] =	ssyncadd.s32 $0xFFFFFFB8  }
0x33: {  	[bflag:$0x0] =	sbarrier.arrive $0xFFFF  }
0x34: {  	s16 =	rddreg [dreg:$0x7]  }
0x35: {  	[tilespmem:s28], [sflag:$0x1] =	stream.strided.gather [hbm4b:s16+s25], $0x1800, s26, s25, $0x38;
	[tilespmem:$0x10EF8] =	vst v63  }
0x36: {  	p1 =	por $0x1, $0x1;
	s17 =	rddreg [dreg:$0x8]  }
0x37: {  	[tilespmem:s29], [sflag:$0x2] =	stream.strided.gather [hbm4b:s17+s25], $0x1800, s26, s25, $0x38;
	[tilespmem:$0x10EF8] =	vst v63  }
0x38: {  	s10 =	simm.s32 @!p1 $0xA;
	s18 =	rddreg [dreg:$0x9]  }
0x39: {  	[tilespmem:s30], [sflag:$0x3] =	stream.strided.gather [hbm4b:s18+s25], $0x1800, s26, s25, $0x38;
	[tilespmem:$0x10EF8] =	vst v63  }
0x3a: {  	_ =	swait.ge @!p1 [sflag:s10], $0x1800  }
0x3b: {  	[sflag:s10] =	ssyncset.done @!p1 $0x0  }
0x3c: {  	s18 =	rddreg [dreg:$0xf];
	[sflag:s10] =	ssyncadd.s32 @!p1 $0xFFFFE800  }
0x3d: {  	[tilespmem:s31], [sflag:$0x4] =	stream.strided.gather [hbm4b:s18+s25], $0x1800, s26, s25, $0x38;
	[tilespmem:$0x10EF8] =	vst v63  }
0x3e: {  	_ =	swait.ge [sflag:s1], $0x1800  }
0x3f: {  	[sflag:s1] =	ssyncset.done $0x0  }
0x40: {  	s19 =	simm.s32 $0x0;
	s11 =	simm.s32 @!p1 $0xB;
	[sflag:s1] =	ssyncadd.s32 $0xFFFFE800  }
0x41: {  	[spmem:s2] =	stream.indirect.scatter.add.f32 [tilespmem:s28], [sflag:$0x7], $0x30, s19, s26, $0xb8;
	[tilespmem:$0x10EF8] =	vst v63  }
0x42: {  	_ =	swait.ge @!p1 [sflag:s11], $0x1800  }
0x43: {  	s20 =	rddreg [dreg:$0x3];
	[sflag:s11] =	ssyncset.done @!p1 $0x0  }
0x44: {  	s17 =	rddreg [dreg:$0xe];
	[sflag:s11] =	ssyncadd.s32 @!p1 $0xFFFFE800  }
0x45: {  	[tilespmem:s20], [sflag:$0x5] =	stream.strided.gather [hbm4b:s17+s25], $0x1800, s26, s25, $0x38;
	[tilespmem:$0x10EF8] =	vst v63  }
0x46: {  	_ =	swait.ge [sflag:s0], $0x1800  }
0x47: {  	[sflag:s0] =	ssyncset.done $0x0  }
0x48: {  	s21 =	simm.s32 $0x80;
	s11 =	simm.s32 @!p1 $0xC;
	[sflag:s0] =	ssyncadd.s32 $0xFFFFE800  }
0x49: {  	[spmem:s2] =	stream.indirect.scatter.add.f32 [tilespmem:s29], [sflag:$0x8], $0x30, s21, s26, $0xb8;
	[tilespmem:$0x10EF8] =	vst v63  }
0x4a: {  	_ =	swait.ge @!p1 [sflag:s11], $0x1800  }
0x4b: {  	[sflag:s11] =	ssyncset.done @!p1 $0x0  }
0x4c: {  	s13 =	rddreg [dreg:$0xd];
	[sflag:s11] =	ssyncadd.s32 @!p1 $0xFFFFE800  }
0x4d: {  	[tilespmem:s3], [sflag:$0x6] =	stream.strided.gather [hbm4b:s13+s25], $0x1800, s26, s25, $0x38;
	[tilespmem:$0x10EF8] =	vst v63  }
0x4e: {  	_ =	swait.ge [sflag:s5], $0x1800  }
0x4f: {  	[sflag:s5] =	ssyncset.done $0x0  }
0x50: {  	s22 =	simm.s32 $0x100;
	[sflag:s5] =	ssyncadd.s32 $0xFFFFE800  }
0x51: {  	[spmem:s2] =	stream.indirect.scatter.add.f32 [tilespmem:s30], [sflag:$0x9], $0x30, s22, s26, $0xb8;
	[tilespmem:$0x10EF8] =	vst v63  }
0x52: {  	_ =	swait.ge [sflag:s6], $0x1800  }
0x53: {  	s20 =	rddreg [dreg:$0x13]  }
0x54: {  	[sflag:s6] =	ssyncset.done $0x0;
	s23 =	sshrl.u32 s20, $0x3  }
0x55: {  	[sflag:s6] =	ssyncadd.s32 $0xFFFFE800;
	s10 =	sadd.s32 s4, s23  }
0x56: {  	[tilespmem:s28], [sflag:$0x1] =	stream.strided.gather [hbm4b:s10+s25], $0x1800, s26, s25, $0x38;
	[tilespmem:$0x10EF8] =	vst v63  }
0x57: {  	_ =	swait.ge [sflag:s7], $0x1800  }
0x58: {  	[sflag:s7] =	ssyncset.done $0x0  }
0x59: {  	s24 =	simm.s32 $0x180;
	[sflag:s7] =	ssyncadd.s32 $0xFFFFE800  }
0x5a: {  	[spmem:s2] =	stream.indirect.scatter.add.f32 [tilespmem:s31], [sflag:$0xA], $0x30, s24, s26, $0xb8;
	[tilespmem:$0x10EF8] =	vst v63  }
0x5b: {  	_ =	swait.ge [sflag:s8], $0x1800  }
0x5c: {  	p1 =	por $0x0, $0x0;
	[sflag:s8] =	ssyncset.done $0x0  }
0x5d: {  	s10 =	simm.s32 @p1 $0x5;
	[sflag:s8] =	ssyncadd.s32 $0xFFFFE800  }
0x5e: {  	_ =	swait.ge @p1 [sflag:s10], $0x1800  }
0x5f: {  	s11 =	simm.s32 @p1 $0x69C8;
	s12 =	simm.s32 @p1 $0x9;
	[sflag:s10] =	ssyncset.done @p1 $0x0  }
0x60: {  	s14 =	simm.s32 @p1 $0x800;
	[sflag:s10] =	ssyncadd.s32 @p1 $0xFFFFE800;
	s10 =	simm.s32 @p1 $0x80  }
0x61: {  	[spmem:s2] =	stream.indirect.scatter.add.f32 @p1 [tilespmem:s11], [sflag:$0xB], $0x30, s14, s10, $0xb8;
	[tilespmem:$0x10EF8] =	vst v63  }
0x62: {  	s16 =	simm.s32 @!p1 $0x80;
	_ =	swait.ge @p1 [sflag:s12], $0x1800  }
0x63: {  	s11 =	simm.s32 @!p1 $0x30;
	s10 =	simm.s32 @!p1 $0x21C8;
	[sflag:s12] =	ssyncset.done @p1 $0x0  }
0x64: {  	s19 =	rddreg [dreg:$0x11];
	[sflag:s12] =	ssyncadd.s32 @p1 $0xFFFFE800;
	s12 =	simm.s32 @!p1 $0x5  }
0x65: {  	[tilespmem:s10], [sflag:$0x2] =	stream.strided.gather @!p1 [hbm4b:s19+s11], $0x1800, s16, s11, $0x38;
	[tilespmem:$0x10EF8] =	vst v63  }
0x66: {  	p2 =	por $0x0, $0x0;
	_ =	swait.ge @!p1 [sflag:s12], $0x1800  }
0x67: {  	s15 =	simm.s32 @!p1 $0x9;
	s24 =	simm.s32 $0xC00;
	[sflag:s12] =	ssyncset.done @!p1 $0x0  }
0x68: {  	s10 =	simm.s32 @!p1 $0x200;
	[sflag:s12] =	ssyncadd.s32 @!p1 $0xFFFFE800;
	s12 =	simm.s32 @!p1 $0x69C8  }
0x69: {  	[spmem:s2] =	stream.indirect.scatter.add.f32 @!p1 [tilespmem:s12], [sflag:$0xB], $0x30, s10, s16, $0xb8;
	[tilespmem:$0x10EF8] =	vst v63  }
0x6a: {  	s14 =	simm.s32 $0x1800;
	s19 =	sadd.s32 $0x3000, s19;
	_ =	swait.ge @!p1 [sflag:s15], $0x1800  }
0x6b: {  	s10 =	sadd.s32 $0x18000, s20;
	[sflag:s15] =	ssyncset.done @!p1 $0x0;
	s20 =	rddreg [dreg:$0x10]  }
0x6c: {  	s12 =	simm.s32 @!p1 $0x39C8;
	s21 =	sadd.s32 $0x3000, s20;
	[sflag:s15] =	ssyncadd.s32 @!p1 $0xFFFFE800  }
0x6d: {  	[tilespmem:s12], [sflag:$0x3] =	stream.strided.gather @!p1 [hbm4b:s20+s11], $0x1800, s16, s11, $0x38;
	[tilespmem:$0x10EF8] =	vst v63  }
0x6e: {  	s15 =	sadd.s32 $0x3000, s18;
	s11 =	sadd.s32 $0x3000, s13;
	_ =	swait.ge [sflag:s9], $0x1800  }
0x6f: {  	s12 =	sadd.s32 $0x3000, s17;
	s17 =	simm.s32 $0x280;
	[sflag:s9] =	ssyncset.done $0x0  }
.LBB2_2:
0x70: {  	s20 =	simm.s32 @!p2 $0xA;
	[sflag:s9] =	ssyncadd.s32 $0xFFFFE800  }
0x71: {  	[spmem:s2] =	stream.indirect.scatter.add.f32 [tilespmem:s3], [sflag:$0xC], $0x30, s17, s26, $0xb8;
	[tilespmem:$0x10EF8] =	vst v63  }
0x72: {  	_ =	swait.ge @!p2 [sflag:s20], $0x1800  }
0x73: {  	[sflag:s20] =	ssyncset.done @!p2 $0x0  }
0x74: {  	[sflag:s20] =	ssyncadd.s32 @!p2 $0xFFFFE800  }
0x75: {  	[tilespmem:s31], [sflag:$0x4] =	stream.strided.gather [hbm4b:s15+s25], $0x1800, s26, s25, $0x38;
	[tilespmem:$0x10EF8] =	vst v63  }
0x76: {  	_ =	swait.ge [sflag:s1], $0x1800  }
0x77: {  	s18 =	smov.u32 s24;
	[sflag:s1] =	ssyncset.done $0x0  }
0x78: {  	s17 =	sshra.s32 s18, $0x2;
	s20 =	simm.s32 @!p2 $0xB;
	[sflag:s1] =	ssyncadd.s32 $0xFFFFE800  }
0x79: {  	[spmem:s2] =	stream.indirect.scatter.add.f32 [tilespmem:s28], [sflag:$0x7], $0x30, s17, s26, $0xb8;
	[tilespmem:$0x10EF8] =	vst v63  }
0x7a: {  	_ =	swait.ge @!p2 [sflag:s20], $0x1800  }
0x7b: {  	[sflag:s20] =	ssyncset.done @!p2 $0x0  }
0x7c: {  	s22 =	rddreg [dreg:$0x3];
	[sflag:s20] =	ssyncadd.s32 @!p2 $0xFFFFE800  }
0x7d: {  	[tilespmem:s22], [sflag:$0x5] =	stream.strided.gather [hbm4b:s12+s25], $0x1800, s26, s25, $0x38;
	[tilespmem:$0x10EF8] =	vst v63  }
0x7e: {  	_ =	swait.ge [sflag:s0], $0x1800  }
0x7f: {  	[sflag:s0] =	ssyncset.done $0x0  }
0x80: {  	s23 =	sadd.s32 $0x80, s17;
	s22 =	simm.s32 @!p2 $0xC;
	[sflag:s0] =	ssyncadd.s32 $0xFFFFE800  }
0x81: {  	[spmem:s2] =	stream.indirect.scatter.add.f32 [tilespmem:s29], [sflag:$0x8], $0x30, s23, s26, $0xb8;
	[tilespmem:$0x10EF8] =	vst v63  }
0x82: {  	_ =	swait.ge @!p2 [sflag:s22], $0x1800  }
0x83: {  	[sflag:s22] =	ssyncset.done @!p2 $0x0  }
0x84: {  	[sflag:s22] =	ssyncadd.s32 @!p2 $0xFFFFE800  }
0x85: {  	[tilespmem:s3], [sflag:$0x6] =	stream.strided.gather [hbm4b:s11+s25], $0x1800, s26, s25, $0x38;
	[tilespmem:$0x10EF8] =	vst v63  }
0x86: {  	_ =	swait.ge [sflag:s5], $0x1800  }
0x87: {  	[sflag:s5] =	ssyncset.done $0x0  }
0x88: {  	s13 =	sadd.s32 $0x100, s17;
	[sflag:s5] =	ssyncadd.s32 $0xFFFFE800  }
0x89: {  	[spmem:s2] =	stream.indirect.scatter.add.f32 [tilespmem:s30], [sflag:$0x9], $0x30, s13, s26, $0xb8;
	[tilespmem:$0x10EF8] =	vst v63  }
0x8a: {  	_ =	swait.ge [sflag:s6], $0x1800  }
0x8b: {  	s22 =	sshrl.u32 s10, $0x3;
	[sflag:s6] =	ssyncset.done $0x0  }
0x8c: {  	s20 =	sadd.s32 s4, s22;
	[sflag:s6] =	ssyncadd.s32 $0xFFFFE800  }
0x8d: {  	[tilespmem:s28], [sflag:$0x1] =	stream.strided.gather [hbm4b:s20+s25], $0x1800, s26, s25, $0x38;
	[tilespmem:$0x10EF8] =	vst v63  }
0x8e: {  	_ =	swait.ge [sflag:s7], $0x1800  }
0x8f: {  	[sflag:s7] =	ssyncset.done $0x0  }
0x90: {  	s23 =	sadd.s32 $0x180, s17;
	[sflag:s7] =	ssyncadd.s32 $0xFFFFE800  }
0x91: {  	[spmem:s2] =	stream.indirect.scatter.add.f32 [tilespmem:s31], [sflag:$0xA], $0x30, s23, s26, $0xb8;
	[tilespmem:$0x10EF8] =	vst v63  }
0x92: {  	_ =	swait.ge [sflag:s8], $0x1800  }
0x93: {  	p2 =	seq.s32 s18, $0x1800;
	[sflag:s8] =	ssyncset.done $0x0  }
0x94: {  	s20 =	simm.s32 @p2 $0x5;
	[sflag:s8] =	ssyncadd.s32 $0xFFFFE800  }
0x95: {  	_ =	swait.ge @p2 [sflag:s20], $0x1800  }
0x96: {  	s22 =	simm.s32 @p2 $0x69C8;
	s13 =	simm.s32 @p2 $0x800;
	[sflag:s20] =	ssyncset.done @p2 $0x0  }
0x97: {  	s23 =	simm.s32 @p2 $0x9;
	[sflag:s20] =	ssyncadd.s32 @p2 $0xFFFFE800;
	s20 =	simm.s32 @p2 $0x80  }
0x98: {  	[spmem:s2] =	stream.indirect.scatter.add.f32 @p2 [tilespmem:s22], [sflag:$0xB], $0x30, s13, s20, $0xb8;
	[tilespmem:$0x10EF8] =	vst v63  }
0x99: {  	s24 =	smov.u32 s14;
	s14 =	sadd.s32 $0xC00, s14;
	_ =	swait.ge @p2 [sflag:s23], $0x1800  }
0x9a: {  	s13 =	simm.s32 @!p2 $0x30;
	s20 =	simm.s32 @!p2 $0x80;
	[sflag:s23] =	ssyncset.done @p2 $0x0  }
0x9b: {  	s22 =	simm.s32 @!p2 $0x21C8;
	[sflag:s23] =	ssyncadd.s32 @p2 $0xFFFFE800;
	s23 =	simm.s32 @!p2 $0x5  }
0x9c: {  	[tilespmem:s22], [sflag:$0x2] =	stream.strided.gather @!p2 [hbm4b:s19+s13], $0x1800, s20, s13, $0x38;
	[tilespmem:$0x10EF8] =	vst v63  }
0x9d: {  	s16 =	smov.u32 s21;
	s18 =	sshra.s32 @!p2 s18, $0x2;
	_ =	swait.ge @!p2 [sflag:s23], $0x1800  }
0x9e: {  	s21 =	sadd.s32 $0x3000, s21;
	s18 =	sadd.s32 @!p2 $0x200, s18;
	[sflag:s23] =	ssyncset.done @!p2 $0x0  }
0x9f: {  	s22 =	simm.s32 @!p2 $0x9;
	[sflag:s23] =	ssyncadd.s32 @!p2 $0xFFFFE800;
	s23 =	simm.s32 @!p2 $0x69C8  }
0xa0: {  	[spmem:s2] =	stream.indirect.scatter.add.f32 @!p2 [tilespmem:s23], [sflag:$0xB], $0x30, s18, s20, $0xb8;
	[tilespmem:$0x10EF8] =	vst v63  }
0xa1: {  	p1 =	sne.s32 s14, $0x2400;
	s15 =	sadd.s32 $0x3000, s15;
	_ =	swait.ge @!p2 [sflag:s22], $0x1800  }
.Ltmp0:
0xa2: {  	s12 =	sadd.s32 $0x3000, s12;
	[sflag:s22] =	ssyncset.done @!p2 $0x0;
	(pc) =	sbr.rel @p1 .LBB2_2-.Ltmp0, $4  }
0xa3: {  	s17 =	sadd.s32 $0x280, s17;
	s18 =	simm.s32 @!p2 $0x39C8;
	[sflag:s22] =	ssyncadd.s32 @!p2 $0xFFFFE800  }
0xa4: {  	[tilespmem:s18], [sflag:$0x3] =	stream.strided.gather @!p2 [hbm4b:s16+s13], $0x1800, s20, s13, $0x38;
	[tilespmem:$0x10EF8] =	vst v63  }
0xa5: {  	s10 =	sadd.s32 $0x18000, s10;
	s11 =	sadd.s32 $0x3000, s11;
	_ =	swait.ge [sflag:s9], $0x1800  }
0xa6: {  	s19 =	sadd.s32 $0x3000, s19;
	p2 =	seq.s32 s24, $0x0;
	[sflag:s9] =	ssyncset.done $0x0  }
0xa7: {  	s13 =	simm.s32 @!p2 $0xA;
	[sflag:s9] =	ssyncadd.s32 $0xFFFFE800  }
0xa8: {  	[spmem:s2] =	stream.indirect.scatter.add.f32 [tilespmem:s3], [sflag:$0xC], $0x30, s17, s26, $0xb8;
	[tilespmem:$0x10EF8] =	vst v63  }
0xa9: {  	_ =	swait.ge @!p2 [sflag:s13], $0x1800  }
0xaa: {  	[sflag:s13] =	ssyncset.done @!p2 $0x0  }
0xab: {  	[sflag:s13] =	ssyncadd.s32 @!p2 $0xFFFFE800  }
0xac: {  	[tilespmem:s31], [sflag:$0x4] =	stream.strided.gather [hbm4b:s15+s25], $0x1800, s26, s25, $0x38;
	[tilespmem:$0x10EF8] =	vst v63  }
0xad: {  	_ =	swait.ge [sflag:s1], $0x1800  }
0xae: {  	[sflag:s1] =	ssyncset.done $0x0  }
0xaf: {  	s14 =	sshra.s32 s24, $0x2;
	s13 =	simm.s32 @!p2 $0xB;
	[sflag:s1] =	ssyncadd.s32 $0xFFFFE800  }
0xb0: {  	[spmem:s2] =	stream.indirect.scatter.add.f32 [tilespmem:s28], [sflag:$0x7], $0x30, s14, s26, $0xb8;
	[tilespmem:$0x10EF8] =	vst v63  }
0xb1: {  	_ =	swait.ge @!p2 [sflag:s13], $0x1800  }
0xb2: {  	[sflag:s13] =	ssyncset.done @!p2 $0x0  }
0xb3: {  	s22 =	rddreg [dreg:$0x3];
	[sflag:s13] =	ssyncadd.s32 @!p2 $0xFFFFE800  }
0xb4: {  	[tilespmem:s22], [sflag:$0x5] =	stream.strided.gather [hbm4b:s12+s25], $0x1800, s26, s25, $0x38;
	[tilespmem:$0x10EF8] =	vst v63  }
0xb5: {  	_ =	swait.ge [sflag:s0], $0x1800  }
0xb6: {  	[sflag:s0] =	ssyncset.done $0x0  }
0xb7: {  	s23 =	sadd.s32 $0x80, s14;
	s12 =	simm.s32 @!p2 $0xC;
	[sflag:s0] =	ssyncadd.s32 $0xFFFFE800  }
0xb8: {  	[spmem:s2] =	stream.indirect.scatter.add.f32 [tilespmem:s29], [sflag:$0x8], $0x30, s23, s26, $0xb8;
	[tilespmem:$0x10EF8] =	vst v63  }
0xb9: {  	_ =	swait.ge @!p2 [sflag:s12], $0x1800  }
0xba: {  	[sflag:s12] =	ssyncset.done @!p2 $0x0  }
0xbb: {  	[sflag:s12] =	ssyncadd.s32 @!p2 $0xFFFFE800  }
0xbc: {  	[tilespmem:s3], [sflag:$0x6] =	stream.strided.gather [hbm4b:s11+s25], $0x1800, s26, s25, $0x38;
	[tilespmem:$0x10EF8] =	vst v63  }
0xbd: {  	_ =	swait.ge [sflag:s5], $0x1800  }
0xbe: {  	[sflag:s5] =	ssyncset.done $0x0  }
0xbf: {  	s13 =	sadd.s32 $0x100, s14;
	[sflag:s5] =	ssyncadd.s32 $0xFFFFE800  }
0xc0: {  	[spmem:s2] =	stream.indirect.scatter.add.f32 [tilespmem:s30], [sflag:$0x9], $0x30, s13, s26, $0xb8;
	[tilespmem:$0x10EF8] =	vst v63  }
0xc1: {  	_ =	swait.ge [sflag:s6], $0x1800  }
0xc2: {  	s10 =	sshrl.u32 s10, $0x3;
	[sflag:s6] =	ssyncset.done $0x0  }
0xc3: {  	s10 =	sadd.s32 s4, s10;
	[sflag:s6] =	ssyncadd.s32 $0xFFFFE800  }
0xc4: {  	[tilespmem:s28], [sflag:$0x1] =	stream.strided.gather [hbm4b:s10+s25], $0x1800, s26, s25, $0x38;
	[tilespmem:$0x10EF8] =	vst v63  }
0xc5: {  	_ =	swait.ge [sflag:s7], $0x1800  }
0xc6: {  	[sflag:s7] =	ssyncset.done $0x0  }
0xc7: {  	s15 =	sadd.s32 $0x180, s14;
	[sflag:s7] =	ssyncadd.s32 $0xFFFFE800  }
0xc8: {  	[spmem:s2] =	stream.indirect.scatter.add.f32 [tilespmem:s31], [sflag:$0xA], $0x30, s15, s26, $0xb8;
	[tilespmem:$0x10EF8] =	vst v63  }
0xc9: {  	_ =	swait.ge [sflag:s8], $0x1800  }
0xca: {  	p1 =	seq.s32 s24, $0x1800;
	[sflag:s8] =	ssyncset.done $0x0  }
0xcb: {  	s10 =	simm.s32 @p1 $0x5;
	[sflag:s8] =	ssyncadd.s32 $0xFFFFE800  }
0xcc: {  	_ =	swait.ge @p1 [sflag:s10], $0x1800  }
0xcd: {  	s12 =	simm.s32 @p1 $0x800;
	[sflag:s10] =	ssyncset.done @p1 $0x0  }
0xce: {  	s11 =	simm.s32 @p1 $0x69C8;
	[sflag:s10] =	ssyncadd.s32 @p1 $0xFFFFE800;
	s10 =	simm.s32 @p1 $0x80  }
0xcf: {  	[spmem:s2] =	stream.indirect.scatter.add.f32 @p1 [tilespmem:s11], [sflag:$0xB], $0x30, s12, s10, $0xb8;
	[tilespmem:$0x10EF8] =	vst v63  }
0xd0: {  	s10 =	simm.s32 @p1 $0x9  }
0xd1: {  	_ =	swait.ge @p1 [sflag:s10], $0x1800  }
0xd2: {  	s11 =	simm.s32 @!p1 $0x30;
	[sflag:s10] =	ssyncset.done @p1 $0x0  }
0xd3: {  	s12 =	simm.s32 @!p1 $0x80;
	[sflag:s10] =	ssyncadd.s32 @p1 $0xFFFFE800;
	s10 =	simm.s32 @!p1 $0x21C8  }
0xd4: {  	[tilespmem:s10], [sflag:$0x2] =	stream.strided.gather @!p1 [hbm4b:s19+s11], $0x1800, s12, s11, $0x38;
	[tilespmem:$0x10EF8] =	vst v63  }
0xd5: {  	s10 =	simm.s32 @!p1 $0x5  }
0xd6: {  	_ =	swait.ge @!p1 [sflag:s10], $0x1800  }
0xd7: {  	s13 =	sshra.s32 @!p1 s24, $0x2;
	[sflag:s10] =	ssyncset.done @!p1 $0x0  }
0xd8: {  	[sflag:s10] =	ssyncadd.s32 @!p1 $0xFFFFE800;
	s10 =	sadd.s32 @!p1 $0x200, s13;
	s13 =	simm.s32 @!p1 $0x69C8  }
0xd9: {  	[spmem:s2] =	stream.indirect.scatter.add.f32 @!p1 [tilespmem:s13], [sflag:$0xB], $0x30, s10, s12, $0xb8;
	[tilespmem:$0x10EF8] =	vst v63  }
0xda: {  	s10 =	simm.s32 @!p1 $0x9  }
0xdb: {  	_ =	swait.ge @!p1 [sflag:s10], $0x1800  }
0xdc: {  	[sflag:s10] =	ssyncset.done @!p1 $0x0  }
0xdd: {  	[sflag:s10] =	ssyncadd.s32 @!p1 $0xFFFFE800;
	s10 =	simm.s32 @!p1 $0x39C8  }
0xde: {  	[tilespmem:s10], [sflag:$0x3] =	stream.strided.gather @!p1 [hbm4b:s21+s11], $0x1800, s12, s11, $0x38;
	[tilespmem:$0x10EF8] =	vst v63  }
0xdf: {  	_ =	swait.ge [sflag:s9], $0x1800  }
0xe0: {  	[sflag:s9] =	ssyncset.done $0x0  }
0xe1: {  	s16 =	sadd.s32 $0x280, s14;
	s17 =	simm.s32 $0xA;
	[sflag:s9] =	ssyncadd.s32 $0xFFFFE800  }
0xe2: {  	[spmem:s2] =	stream.indirect.scatter.add.f32 [tilespmem:s3], [sflag:$0xC], $0x30, s16, s26, $0xb8;
	[tilespmem:$0x10EF8] =	vst v63  }
0xe3: {  	_ =	swait.ge [sflag:s17], $0x1800  }
0xe4: {  	[sflag:s17] =	ssyncset.done $0x0  }
0xe5: {  	[sflag:s17] =	ssyncadd.s32 $0xFFFFE800  }
0xe6: {  	_ =	swait.ge [sflag:s1], $0x1800  }
0xe7: {  	[sflag:s1] =	ssyncset.done $0x0  }
0xe8: {  	s18 =	simm.s32 $0x900;
	s19 =	simm.s32 $0xB;
	[sflag:s1] =	ssyncadd.s32 $0xFFFFE800  }
0xe9: {  	[spmem:s2] =	stream.indirect.scatter.add.f32 [tilespmem:s28], [sflag:$0x7], $0x30, s18, s26, $0xb8;
	[tilespmem:$0x10EF8] =	vst v63  }
0xea: {  	_ =	swait.ge [sflag:s19], $0x1800  }
0xeb: {  	[sflag:s19] =	ssyncset.done $0x0  }
0xec: {  	s20 =	simm.s32 $0xC;
	[sflag:s19] =	ssyncadd.s32 $0xFFFFE800  }
0xed: {  	_ =	swait.ge [sflag:s20], $0x1800  }
0xee: {  	[sflag:s20] =	ssyncset.done $0x0  }
0xef: {  	[sflag:s20] =	ssyncadd.s32 $0xFFFFE800  }
0xf0: {  	_ =	swait.ge [sflag:s6], $0x1800  }
0xf1: {  	[sflag:s6] =	ssyncset.done $0x0  }
0xf2: {  	s13 =	simm.s32 $0xE;
	s21 =	rddreg [dreg:$0xa];
	[sflag:s6] =	ssyncadd.s32 $0xFFFFE800  }
0xf3: {  	[tilespmem:s31], [sflag:$0xE] =	stream.strided.gather [hbm4b:s21+s25], $0xCC0, s26, s25, $0x38;
	[tilespmem:$0x10EF8] =	vst v63  }
0xf4: {  	_ =	swait.ge [sflag:s13], $0xCC0  }
0xf5: {  	[sflag:s13] =	ssyncset.done $0x0  }
0xf6: {  	s14 =	simm.s32 $0x980;
	s22 =	simm.s32 $0x44;
	[sflag:s13] =	ssyncadd.s32 $0xFFFFF340  }
0xf7: {  	[spmem:s2] =	stream.indirect.scatter.add.f32 [tilespmem:s31], [sflag:$0xE], $0x30, s14, s22, $0xb8;
	[tilespmem:$0x10EF8] =	vst v63  }
0xf8: {  	_ =	swait.ge [sflag:s13], $0xCC0  }
0xf9: {  	[sflag:s13] =	ssyncset.done $0x0  }
0xfa: {  	[sflag:s13] =	ssyncadd.s32 $0xFFFFF340  }
0xfb: {  	[bflag:$0x0] =	sbarrier.arrive $0xFFFF  }
0xfc: {  	s10 =	rddreg [dreg:$0x12]  }
0xfd: {  	s11 =	rddreg [dreg:$0xb]  }
0xfe: {  	s12 =	rddreg [dreg:$0x15];
	s10 =	sor.u32 @!p0 $0x1C0E, s10  }
0xff: {  	[hbm:s11], [sflag:s10] =	dma.local @!p0 [spmem:s12], $0x1770  }
0x100: {  	s10 =	simm.s32 @!p0 $0xE  }
0x101: {  	_ =	swait.ge @!p0 [sflag:s10], $0x1770  }
0x102: {  	s23 =	rddreg [dreg:$0x16]  }
0x103: {  	s24 =	rddreg [dreg:$0xc];
	s15 =	sadd.s32 $0x1, s23  }
0x104: {  	p1 =	sne.s32 s15, s24  }
.Ltmp1:
0x105: {  	_ = 	snop;
	(pc) =	sbr.rel @p1 .LBB2_1-.Ltmp1, $3  }
0x106: {  	_ =	sdelay $0x1  }
0x107: {  	[sflag:s10] =	ssyncset.done @!p0 $0x0  }
0x108: {  	[sflag:s10] =	ssyncadd.s32 @!p0 $0xFFFFE890  }
0x109: {  	_ =	sfence.sel $0x180000  }
0x10a: {  	[bflag:$0x0] =	sbarrier.arrive $0xFFFF  }
0x10b: {  	_ =	strace $0x90000050  }
0x10c: {  	s0 =	stileid.u32;
	[bflag:$0x2] =	sbarrier.arrive $0xFFFF  }
0x10d: {  	p0 =	sne.s32 s0, $0x0;
	s0 =	rddreg [dreg:$0x2]  }
0x10e: {  	s0 =	sadd.s32 @!p0 $0x100000, s0  }
0x10f: {  	[sflag:s0] =	ssyncadd.tile.s32 @!p0 $0x1;
	_ =	shalt  }
.Lfunc_end2:
_tile_overlayer_lowered:
.L_overlay_start_2:
0x110: {  	(tag) =	ssettag $0x2  }
0x111: {  	s0 =	rddreg [dreg:$0x0];
	s2 =	stileid.u32  }
0x112: {  	s1 =	rddreg [dreg:$0x1];
	p0 =	sne.s32 s2, $0x0  }
0x113: {  	s3 =	rddreg [dreg:$0x2];
	[bflag:$0x3] =	sbarrier.arrive $0xFFFF;
	s2 =	simm.s32 @!p0 $0x1C0E  }
0x114: {  	[timem:s3], [sflag:s2] =	dma.local @!p0 [hbm:s0], s1  }
0x115: {  	s0 =	simm.s32 @!p0 $0xE  }
0x116: {  	_ =	swait.ge @!p0 [sflag:s0], s1  }
0x117: {  	s1 =	ssub.s32 @!p0 $0x0, s1;
	[sflag:s0] =	ssyncset.done @!p0 $0x0  }
0x118: {  	[sflag:s0] =	ssyncadd.s32 @!p0 s1  }
0x119: {  	[bflag:$0x3] =	sbarrier.arrive $0xFFFF  }
0x11a: {  	_ =	shalt  }

// kernel: kernel.9.cloned.1.call-start
scs
__scs_entry_jumppad:
0x0: {  	(pc) =	sbr.rel $0x88, $3  }
0x1: {  	(tag) =	ssettag $0x0;
	lr =	simm.s32 $0x1  }
0x2: {  	[smem:$0x3F97] =	sst lr;
	_ =	strace $0xD0000000  }
0x3: {  	_ = 	snop  }
0x4: {  	_ = 	snop  }
0x5: {  	_ = 	snop  }
0x6: {  	_ = 	snop  }
0x7: {  	_ = 	snop  }
__scs_overlays_trampoline_lowered:
0x8: {  	[smem:$0x3FA6] =	sst s0  }
0x9: {  	[smem:$0x3FA7] =	sst s1  }
0xa: {  	[smem:$0x3FA8] =	sst s2  }
0xb: {  	[smem:$0x3FA9] =	sst s3  }
0xc: {  	[smem:$0x3FAA] =	sst s4  }
0xd: {  	[smem:$0x3FAB] =	sst s5  }
0xe: {  	[smem:$0x3FAC] =	sst s6  }
0xf: {  	[smem:$0x3FAD] =	sst s7  }
0x10: {  	[smem:$0x3FAE] =	sst s8  }
0x11: {  	[smem:$0x3FAF] =	sst s9;
	s0 =	simm.s32 @!p0 $0x0  }
0x12: {  	s1 =	sld [smem:$0x3F95];
	s0 =	simm.s32 @p0 $0x1  }
0x13: {  	[smem:$0x3FB0] =	sst s0;
	s0 =	simm.s32 @!p1 $0x0  }
0x14: {  	s2 =	sld [smem:$0x3F94];
	s0 =	simm.s32 @p1 $0x1  }
0x15: {  	[smem:$0x3FB1] =	sst s0;
	s0 =	simm.s32 @!p2 $0x0  }
0x16: {  	s3 =	sld [smem:$0x3FDB];
	s0 =	simm.s32 @p2 $0x1  }
0x17: {  	s4 =	simm.s32 $0x1BF5;
	[smem:$0x3FB3] =	sst s0  }
0x18: {  	s0 =	sld [smem:$0x3F96];
	_ =	swait.ge [sflag:s4], $0x0  }
0x19: {  	s7 =	sld [smem:$0x3F97]  }
0x1a: {  	s8 =	sadd.s32 $0xFFFFE003, lr  }
0x1b: {  	s9 =	sadd.s32 $0xFFFFFEF7, lr;
	s5 =	simm.s32 $0xFFFFFFFF;
	p2 =	slt.u32 s8, $0xFFFFF086  }
0x1c: {  	p1 =	slt.u32 s9, $0xF7A;
	s5 =	simm.s32 @!p2 $0x0  }
0x1d: {  	s5 =	simm.s32 @p1 $0x1;
	p0 =	seq.s32 s7, s2  }
0x1e: {  	s7 =	smul.u32 @!p0 $0xF7A, s2;
	p2 =	seq.s32 @!p0 s5, $0x0  }
0x1f: {  	s9 =	smul.u32 $0xF7A, s1;
	s8 =	simm.s32 @!p0 $0x1BF5;
	p2 =	por !p2, p0  }
0x20: {  	[sflag:s8] =	ssyncset.s32 @!p0 $0xFFFFF086;
	s6 =	sadd.s32 @!p0 s3, s7;
	s7 =	simm.s32 @!p0 $0x108  }
0x21: {  	s3 =	sadd.s32 s3, s9;
	s6 =	sadd.s32 @!p0 $0x88, s6;
	s7 =	simm.s32 @p2 $0x1082  }
0x22: {  	[simem:s7], [sflag:s8] =	dma.local @!p0 [hbm:s6], $0xF7A  }
0x23: {  	s9 =	sor.u32 $0xD0000000, s2;
	s6 =	simm.s32 $0x108;
	_ =	swait.ge @!p0 [sflag:s8], $0x0  }
0x24: {  	s3 =	sadd.s32 $0x88, s3;
	s6 =	simm.s32 @!p1 $0x1082;
	[sflag:s4] =	ssyncset.s32 $0xFFFFF086  }
0x25: {  	[simem:s6], [sflag:s4] =	dma.local [hbm:s3], $0xF7A  }
0x26: {  	[smem:$0x3F97] =	sst s1;
	(tag) =	ssettag s2;
	_ =	strace s9  }
0x27: {  	s1 =	sld [smem:$0x3FA7]  }
0x28: {  	s2 =	sld [smem:$0x3FA8]  }
0x29: {  	s4 =	sld [smem:$0x3FAA]  }
0x2a: {  	p0 =	seq.s32 s5, $0x0;
	s5 =	sld [smem:$0x3FAB]  }
0x2b: {  	s6 =	sld [smem:$0x3FAC]  }
0x2c: {  	s7 =	sld [smem:$0x3FAD]  }
0x2d: {  	s3 =	simm.s32 $0x108;
	s8 =	sld [smem:$0x3FAE]  }
0x2e: {  	s3 =	simm.s32 @!p0 $0x1082;
	s9 =	sld [smem:$0x3FAF]  }
0x2f: {  	lr =	sadd.s32 s0, s3;
	s0 =	sld [smem:$0x3FA6]  }
0x30: {  	s3 =	sld [smem:$0x3FA9]  }
0x31: {  	[smem:$0x3FB2] =	sst s10  }
0x32: {  	s10 =	sld [smem:$0x3FB0];
	_ =	sdelay $0x3  }
0x33: {  	p0 =	seq.s32 s10, $0x1;
	s10 =	sld [smem:$0x3FB2];
	_ =	sdelay $0x3  }
0x34: {  	[smem:$0x3FB2] =	sst s10  }
0x35: {  	s10 =	sld [smem:$0x3FB1];
	_ =	sdelay $0x3  }
0x36: {  	p1 =	seq.s32 s10, $0x1;
	s10 =	sld [smem:$0x3FB2];
	_ =	sdelay $0x3  }
0x37: {  	[smem:$0x3FB2] =	sst s10  }
0x38: {  	s10 =	sld [smem:$0x3FB3]  }
0x39: {  	_ = 	snop;
	(pc) =	sbr.ind lr, $3  }
0x3a: {  	_ = 	snop  }
0x3b: {  	_ = 	snop  }
0x3c: {  	p2 =	seq.s32 s10, $0x1;
	s10 =	sld [smem:$0x3FB2]  }
0x3d: {  	_ =	shalt  }
0x3e: {  	_ =	shalt  }
0x3f: {  	_ =	shalt  }
0x40: {  	_ =	shalt  }
0x41: {  	_ =	shalt  }
0x42: {  	_ =	shalt  }
0x43: {  	_ =	shalt  }
0x44: {  	_ =	shalt  }
0x45: {  	_ =	shalt  }
0x46: {  	_ =	shalt  }
0x47: {  	_ =	shalt  }
0x48: {  	_ =	shalt  }
0x49: {  	_ =	shalt  }
0x4a: {  	_ =	shalt  }
0x4b: {  	_ =	shalt  }
0x4c: {  	_ =	shalt  }
0x4d: {  	_ =	shalt  }
0x4e: {  	_ =	shalt  }
0x4f: {  	_ =	shalt  }
0x50: {  	_ =	shalt  }
0x51: {  	_ =	shalt  }
0x52: {  	_ =	shalt  }
0x53: {  	_ =	shalt  }
0x54: {  	_ =	shalt  }
0x55: {  	_ =	shalt  }
0x56: {  	_ =	shalt  }
0x57: {  	_ =	shalt  }
0x58: {  	_ =	shalt  }
0x59: {  	_ =	shalt  }
0x5a: {  	_ =	shalt  }
0x5b: {  	_ =	shalt  }
0x5c: {  	_ =	shalt  }
0x5d: {  	_ =	shalt  }
0x5e: {  	_ =	shalt  }
0x5f: {  	_ =	shalt  }
0x60: {  	_ =	shalt  }
0x61: {  	_ =	shalt  }
0x62: {  	_ =	shalt  }
0x63: {  	_ =	shalt  }
0x64: {  	_ =	shalt  }
0x65: {  	_ =	shalt  }
0x66: {  	_ =	shalt  }
0x67: {  	_ =	shalt  }
0x68: {  	_ =	shalt  }
0x69: {  	_ =	shalt  }
0x6a: {  	_ =	shalt  }
0x6b: {  	_ =	shalt  }
0x6c: {  	_ =	shalt  }
0x6d: {  	_ =	shalt  }
0x6e: {  	_ =	shalt  }
0x6f: {  	_ =	shalt  }
0x70: {  	_ =	shalt  }
0x71: {  	_ =	shalt  }
0x72: {  	_ =	shalt  }
0x73: {  	_ =	shalt  }
0x74: {  	_ =	shalt  }
0x75: {  	_ =	shalt  }
0x76: {  	_ =	shalt  }
0x77: {  	_ =	shalt  }
0x78: {  	_ =	shalt  }
0x79: {  	_ =	shalt  }
0x7a: {  	_ =	shalt  }
0x7b: {  	_ =	shalt  }
0x7c: {  	_ =	shalt  }
0x7d: {  	_ =	shalt  }
0x7e: {  	_ =	shalt  }
0x7f: {  	_ =	shalt  }
0x80: {  	_ =	shalt  }
0x81: {  	_ =	shalt  }
0x82: {  	_ =	shalt  }
0x83: {  	_ =	shalt  }
0x84: {  	_ =	shalt  }
0x85: {  	_ =	shalt  }
0x86: {  	_ =	shalt  }
0x87: {  	_ =	shalt  }
.Lfunc_end0:
.L_simem_size_0:
called_computation_lowered:
.L_overlay_start_0:
0x88: {  	s2 =	sld [smem:$0x3FD9]  }
0x89: {  	s3 =	sld [smem:$0x3FFE];
	_ =	sdelay $0x1  }
0x8a: {  	s1 =	srdreg.scid  }
0x8b: {  	s0 =	sand.u32 $0x1, s1  }
0x8c: {  	s17 =	sshll.u32 s0, $0xA;
	s2 =	sadd.s32 s3, s2  }
0x8d: {  	s2 =	sadd.s32 s2, s17  }
0x8e: {  	[smem:$0x3FBE] =	sst s2  }
0x8f: {  	_ = 	snop  }
0x90: {  	s2 =	sld [smem:$0x3FD0];
	(tm) =	ssettm $0x1  }
0x91: {  	s18 =	sld [smem:$0x3FFB];
	_ =	sdelay $0x3  }
0x92: {  	_ =	strace s18  }
0x93: {  	s3 =	sld [smem:$0x3FFC];
	_ =	sdelay $0x3  }
0x94: {  	_ =	strace s3  }
0x95: {  	s3 =	sld [smem:$0x3FFD];
	_ =	sdelay $0x3  }
0x96: {  	_ =	strace s3  }
0x97: {  	_ =	strace $0x8FFFFFFF  }
0x98: {  	s19 =	sld [smem:$0x3FDB];
	_ =	sdelay $0x1  }
0x99: {  	s4 =	simm.s32 $_scs_section_size  }
0x9a: {  	s5 =	simm.s32 $_size__tile_overlayer_lowered;
	s6 =	simm.s32 $_tile_overlayer_lowered  }
0x9b: {  	s22 =	simm.s32 $0x1BFF;
	s21 =	sshll.u32 s6, $0x1;
	s3 =	sadd.s32 s4, s19  }
0x9c: {  	s7 =	simm.s32 $0x0;
	s20 =	sshll.u32 s5, $0x1;
	s5 =	sadd.s32 s21, s3  }
0x9d: {  	[timem:s7], [sflag:s22] =	dma.local [hbm:s5], s20  }
0x9e: {  	_ =	swait.ge [sflag:s22], s20  }
0x9f: {  	s4 =	ssub.s32 $0x0, s20;
	[sflag:s22] =	ssyncset.done $0x0  }
0xa0: {  	[sflag:s22] =	ssyncadd.s32 s4;
	_ =	sdelay $0x1  }
0xa1: {  	s23 =	simm.s32 $0x1B8B  }
0xa2: {  	_ =	swait.ge [sflag:s23], $0x1  }
0xa3: {  	[sflag:s23] =	ssyncset.done $0x0  }
0xa4: {  	s25 =	simm.s32 $0x1B8E;
	s24 =	sld [smem:$0x3FFE];
	[sflag:s23] =	ssyncadd.s32 $0xFFFFFFFF  }
0xa5: {  	s26 =	simm.s32 $execute0_lowered;
	[smem:$0x3FD2] =	sst s25  }
0xa6: {  	s5 =	sshll.u32 s26, $0x1;
	_ =	strace $0x80000046;
	[dreg:$0x1] =	wrdreg $0xFFFFFFFF  }
0xa7: {  	s28 =	simm.s32 $_size_execute0_lowered;
	s3 =	sadd.s32 s3, s5;
	[dreg:$0x0] =	wrdreg $0x0  }
0xa8: {  	s5 =	sshll.u32 s28, $0x1;
	[dreg:$0x2] =	wrdreg s3  }
0xa9: {  	[dreg:$0x3] =	wrdreg s5  }
0xaa: {  	[dreg:$0x4] =	wrdreg $0xC0  }
0xab: {  	_ =	task [dreg:s7], $0x5FFFF  }
0xac: {  	[dreg:$0x1] =	wrdreg $0xFFFFFFFF  }
0xad: {  	[dreg:$0x0] =	wrdreg $0x60  }
0xae: {  	[dreg:$0x2] =	wrdreg s2  }
0xaf: {  	[dreg:$0x3] =	wrdreg s24  }
0xb0: {  	[dreg:$0x4] =	wrdreg $0xA  }
0xb1: {  	_ =	task.clear_ibuf [dreg:s7], $0x5FFFF;
	_ =	strace $0x90000046  }
0xb2: {  	s29 =	simm.s32 $0xA;
	_ =	strace $0x80000048  }
0xb3: {  	_ =	swait.ge [sflag:s29], $0x1  }
0xb4: {  	[sflag:s29] =	ssyncadd.s32 $0xFFFFFFFF  }
0xb5: {  	_ =	strace $0x90000048  }
0xb6: {  	_ =	sfence  }
0xb7: {  	s30 =	sld [smem:$0x0];
	_ =	sdelay $0x2  }
0xb8: {  	s31 =	sshll.u32 s1, $0xD;
	s1 =	sshrl.u32 s1, $0x2  }
0xb9: {  	s3 =	sand.u32 $0x4000, s31;
	s1 =	sadd.s32 s1, s30  }
0xba: {  	s0 =	sor.u32 s3, s0;
	s1 =	sshll.u32 s1, $0x11  }
0xbb: {  	s0 =	sor.u32 s1, s0  }
0xbc: {  	s0 =	sadd.s32 $0x8F2B, s0  }
0xbd: {  	[sflag:s0] =	ssyncadd.remote.s32 $0x1  }
0xbe: {  	_ =	sfence.sel $0xFFFF  }
0xbf: {  	[dreg:$0x0] =	wrdreg $0xFFFFFFFF;
	(pc) =	sbr.abs _section_cstart, $3  }
0xc0: {  	[dreg:$0x1] =	wrdreg $0xFFFFFFFF  }
0xc1: {  	_ =	task.clear_ibuf [dreg:s7], $0x2FFFF;
	_ =	strace $0x9FFFFFFF  }
0xc2: {  	(tm) =	ssettm $0x7FFFFFFF  }
0xc3: {  	_ =	shalt  }
tec
execute0_lowered:
.L_overlay_start_1:
0x0: {  	(tag) =	ssettag $0x1  }
0x1: {  	s10 =	stileid.u32  }
0x2: {  	s2 =	rddreg [dreg:$0x0];
	s9 =	smul.u32 $0x1388, s10  }
0x3: {  	s0 =	srdreg.scid;
	s12 =	smul.u32 $0x27100, s10  }
0x4: {  	s1 =	rddreg [dreg:$0x1];
	s0 =	sand.u32 $0x1, s0;
	s15 =	smul.u32 $0x4E20, s10  }
0x5: {  	s3 =	simm.s32 $0x0;
	s28 =	simm.s32 $0x6;
	s26 =	smul.u32 $0x9C4, s0  }
0x6: {  	s29 =	simm.s32 $0xA;
	s4 =	sshll.u32 s10, $0x1;
	s14 =	smul.u32 $0x13880, s0  }
0x7: {  	s4 =	sor.u32 s0, s4;
	s7 =	ssub.s32 $0x2, s0;
	s0 =	smul.u32 $0x2710, s0  }
0x8: {  	s30 =	simm.s32 $0xB;
	s31 =	simm.s32 $0xC;
	s5 =	smul.u32 $0x130, s4  }
0x9: {  	[smem:$0x7FF] =	sst s3;
	s6 =	smul.u32 $0x9, s4;
	s8 =	sshrl.u32 s7, $0x1  }
0xa: {  	_ =	strace $0x80000047;
	s4 =	smul.u32 $0x13880, s4;
	s8 =	ssub.s32 s7, s8  }
0xb: {  	s13 =	sadd.s32 s26, s9;
	s9 =	simm.s32 $0xD;
	s5 =	sadd.s32 s5, s1  }
0xc: {  	s6 =	sadd.s32 s6, s1;
	s1 =	sadd.s32 $0x2E00, s1;
	s4 =	sshrl.u32 s4, $0x3  }
0xd: {  	s8 =	smax.u32 s8, $0x1;
	s5 =	sadd.s32 $0x800, s5;
	s11 =	sadd.s32 $0x600, s6  }
0xe: {  	s4 =	sadd.s32 s1, s4;
	s6 =	sshll.u32 s13, $0x2;
	s16 =	sadd.s32 s15, s1  }
0xf: {  	s13 =	simm.s32 $0x19C8;
	s15 =	simm.s32 $0x29C8;
	[dreg:$0x9] =	wrdreg s5  }
0x10: {  	[dreg:$0xa] =	wrdreg s11;
	s6 =	sadd.s32 s1, s6;
	s5 =	sadd.s32 s14, s12  }
0x11: {  	s0 =	sadd.s32 s0, s16;
	s24 =	sadd.s32 $0x2400, s4;
	s26 =	sadd.s32 $0x2600, s4  }
0x12: {  	s4 =	simm.s32 $0x980;
	s11 =	simm.s32 $0x80;
	s12 =	simm.s32 $0x9C8  }
0x13: {  	s16 =	simm.s32 $0x39C8;
	s6 =	sadd.s32 $0x200, s6;
	[dreg:$0x4] =	wrdreg s0  }
0x14: {  	s17 =	sadd.s32 $0x5000, s5;
	s20 =	sadd.s32 $0x4000, s5;
	[dreg:$0xb] =	wrdreg s24  }
0x15: {  	s22 =	sadd.s32 $0x3000, s5;
	s5 =	sadd.s32 $0x2000, s5;
	[dreg:$0xc] =	wrdreg s26  }
0x16: {  	s24 =	simm.s32 $0x8;
	s26 =	simm.s32 $0x9;
	[dreg:$0x3] =	wrdreg s6  }
0x17: {  	s18 =	sshrl.u32 s17, $0x3;
	s21 =	sshrl.u32 s20, $0x3;
	s6 =	sshrl.u32 s22, $0x3  }
0x18: {  	s5 =	sshrl.u32 s5, $0x3;
	s17 =	simm.s32 $0x1;
	s19 =	sadd.s32 s18, s1  }
0x19: {  	s20 =	simm.s32 $0x59C8;
	s0 =	sadd.s32 s21, s1;
	[dreg:$0x5] =	wrdreg s19  }
0x1a: {  	s22 =	simm.s32 $0x7;
	s23 =	sadd.s32 s6, s1;
	[dreg:$0x6] =	wrdreg s0  }
0x1b: {  	s25 =	sadd.s32 s5, s1;
	s18 =	simm.s32 $0x49C8;
	[dreg:$0x7] =	wrdreg s23  }
0x1c: {  	s21 =	simm.s32 $0x3;
	[dreg:$0x8] =	wrdreg s25;
	s19 =	simm.s32 $0x2  }
0x1d: {  	s23 =	simm.s32 $0x4;
	s25 =	simm.s32 $0x5;
	s0 =	simm.s32 $0x0  }
.LBB2_1:
0x1e: {  	s1 =	rddreg [dreg:$0x9]  }
0x1f: {  	[tilespmem:s3], [sflag:$0xD] =	stream.linear.gather [hbm4b:s1+s3], $0x980, $0x38;
	[tilespmem:$0x69C8] =	vst v63  }
0x20: {  	_ =	swait.ge [sflag:s9], $0x980  }
0x21: {  	[sflag:s9] =	ssyncset.done $0x0  }
0x22: {  	s14 =	rddreg [dreg:$0xa];
	[sflag:s9] =	ssyncadd.s32 $0xFFFFF680  }
0x23: {  	[tilespmem:s4], [sflag:$0xD] =	stream.linear.gather [hbm4b:s14+s3], $0x48, $0x38;
	[tilespmem:$0x69C8] =	vst v63  }
0x24: {  	_ =	swait.ge [sflag:s9], $0x48  }
0x25: {  	[sflag:s9] =	ssyncset.done $0x0  }
0x26: {  	p0 =	por $0x1, $0x1;
	[sflag:s9] =	ssyncadd.s32 $0xFFFFFFB8  }
0x27: {  	[tilespmem:s12], [sflag:$0x1] =	stream.indirect.gather [hbm4b:s2+s11], $0x20, s3, s11, $0xb8;
	[tilespmem:$0x69C8] =	vst v63  }
0x28: {  	p0 =	por p0, p0  }
0x29: {  	[tilespmem:s13], [sflag:$0x2] =	stream.indirect.gather [hbm4b:s2+s11], $0x20, s11, s11, $0xb8;
	[tilespmem:$0x69C8] =	vst v63  }
0x2a: {  	s1 =	simm.s32 @!p0 $0xA;
	s4 =	simm.s32 $0x100  }
0x2b: {  	[tilespmem:s15], [sflag:$0x3] =	stream.indirect.gather [hbm4b:s2+s11], $0x20, s4, s11, $0xb8;
	[tilespmem:$0x69C8] =	vst v63  }
0x2c: {  	_ =	swait.ge @!p0 [sflag:s1], $0x1000  }
0x2d: {  	[sflag:s1] =	ssyncset.done @!p0 $0x0  }
0x2e: {  	s5 =	simm.s32 $0x180;
	[sflag:s1] =	ssyncadd.s32 @!p0 $0xFFFFF000  }
0x2f: {  	[tilespmem:s16], [sflag:$0x4] =	stream.indirect.gather [hbm4b:s2+s11], $0x20, s5, s11, $0xb8;
	[tilespmem:$0x69C8] =	vst v63  }
0x30: {  	_ =	swait.ge [sflag:s17], $0x1000  }
0x31: {  	s6 =	rddreg [dreg:$0x4];
	[sflag:s17] =	ssyncset.done $0x0  }
0x32: {  	s4 =	simm.s32 @!p0 $0xB;
	[sflag:s17] =	ssyncadd.s32 $0xFFFFF000;
	s1 =	sadd.s32 $0x0, s6  }
0x33: {  	[hbm4b:s1+s3] =	stream.linear.scatter [tilespmem:s12], [sflag:$0x7], $0x1000, $0x38;
	[tilespmem:$0x69C8] =	vst v63  }
0x34: {  	_ =	swait.ge @!p0 [sflag:s4], $0x1000  }
0x35: {  	[sflag:s4] =	ssyncset.done @!p0 $0x0  }
0x36: {  	s7 =	simm.s32 $0x200;
	[sflag:s4] =	ssyncadd.s32 @!p0 $0xFFFFF000  }
0x37: {  	[tilespmem:s18], [sflag:$0x5] =	stream.indirect.gather [hbm4b:s2+s11], $0x20, s7, s11, $0xb8;
	[tilespmem:$0x69C8] =	vst v63  }
0x38: {  	_ =	swait.ge [sflag:s19], $0x1000  }
0x39: {  	s10 =	rddreg [dreg:$0x3];
	[sflag:s19] =	ssyncset.done $0x0  }
0x3a: {  	s4 =	simm.s32 @!p0 $0xC;
	[sflag:s19] =	ssyncadd.s32 $0xFFFFF000;
	s1 =	sadd.s32 $0x0, s10  }
0x3b: {  	[hbm4b:s1+s3] =	stream.linear.scatter [tilespmem:s13], [sflag:$0x8], $0x1000, $0x38;
	[tilespmem:$0x69C8] =	vst v63  }
0x3c: {  	_ =	swait.ge @!p0 [sflag:s4], $0x1000  }
0x3d: {  	[sflag:s4] =	ssyncset.done @!p0 $0x0  }
0x3e: {  	s14 =	simm.s32 $0x280;
	[sflag:s4] =	ssyncadd.s32 @!p0 $0xFFFFF000  }
0x3f: {  	[tilespmem:s20], [sflag:$0x6] =	stream.indirect.gather [hbm4b:s2+s11], $0x20, s14, s11, $0xb8;
	[tilespmem:$0x69C8] =	vst v63  }
0x40: {  	_ =	swait.ge [sflag:s21], $0x1000  }
0x41: {  	s4 =	rddreg [dreg:$0x8];
	[sflag:s21] =	ssyncset.done $0x0  }
0x42: {  	[sflag:s21] =	ssyncadd.s32 $0xFFFFF000;
	s1 =	sadd.s32 $0x0, s4  }
0x43: {  	[hbm4b:s1+s3] =	stream.linear.scatter [tilespmem:s15], [sflag:$0x9], $0x1000, $0x38;
	[tilespmem:$0x69C8] =	vst v63  }
0x44: {  	_ =	swait.ge [sflag:s22], $0x1000  }
0x45: {  	[sflag:s22] =	ssyncset.done $0x0  }
0x46: {  	s5 =	simm.s32 $0x300;
	[sflag:s22] =	ssyncadd.s32 $0xFFFFF000  }
0x47: {  	[tilespmem:s12], [sflag:$0x1] =	stream.indirect.gather [hbm4b:s2+s11], $0x20, s5, s11, $0xb8;
	[tilespmem:$0x69C8] =	vst v63  }
0x48: {  	_ =	swait.ge [sflag:s23], $0x1000  }
0x49: {  	s6 =	rddreg [dreg:$0x7];
	[sflag:s23] =	ssyncset.done $0x0  }
0x4a: {  	[sflag:s23] =	ssyncadd.s32 $0xFFFFF000;
	s1 =	sadd.s32 $0x0, s6  }
0x4b: {  	[hbm4b:s1+s3] =	stream.linear.scatter [tilespmem:s16], [sflag:$0xA], $0x1000, $0x38;
	[tilespmem:$0x69C8] =	vst v63  }
0x4c: {  	p0 =	por $0x0, $0x0;
	_ =	swait.ge [sflag:s24], $0x1000  }
0x4d: {  	s4 =	simm.s32 @!p0 $0x380;
	[sflag:s24] =	ssyncset.done $0x0  }
0x4e: {  	s5 =	simm.s32 @!p0 $0x80;
	s1 =	simm.s32 @!p0 $0x19C8;
	[sflag:s24] =	ssyncadd.s32 $0xFFFFF000  }
0x4f: {  	[tilespmem:s1], [sflag:$0x2] =	stream.indirect.gather @!p0 [hbm4b:s2+s5], $0x20, s4, s5, $0xb8;
	[tilespmem:$0x69C8] =	vst v63  }
0x50: {  	_ =	swait.ge [sflag:s25], $0x1000  }
0x51: {  	s7 =	rddreg [dreg:$0x6];
	[sflag:s25] =	ssyncset.done $0x0  }
0x52: {  	[sflag:s25] =	ssyncadd.s32 $0xFFFFF000;
	s1 =	sadd.s32 $0x0, s7  }
0x53: {  	[hbm4b:s1+s3] =	stream.linear.scatter [tilespmem:s18], [sflag:$0xB], $0x1000, $0x38;
	[tilespmem:$0x69C8] =	vst v63  }
0x54: {  	_ =	swait.ge [sflag:s26], $0x1000  }
0x55: {  	[sflag:s26] =	ssyncset.done $0x0  }
0x56: {  	s4 =	simm.s32 @!p0 $0x29C8;
	s1 =	simm.s32 @!p0 $0x400;
	[sflag:s26] =	ssyncadd.s32 $0xFFFFF000  }
0x57: {  	[tilespmem:s4], [sflag:$0x3] =	stream.indirect.gather @!p0 [hbm4b:s2+s5], $0x20, s1, s5, $0xb8;
	[tilespmem:$0x69C8] =	vst v63  }
0x58: {  	p6 =	por $0x0, $0x0;
	s14 =	simm.s32 $0xC00;
	_ =	swait.ge [sflag:s28], $0x1000  }
0x59: {  	s1 =	simm.s32 $0x1800;
	s10 =	rddreg [dreg:$0x5];
	[sflag:s28] =	ssyncset.done $0x0  }
0x5a: {  	p0 =	por p6, p6;
	[sflag:s28] =	ssyncadd.s32 $0xFFFFF000;
	s5 =	sadd.s32 $0x0, s10  }
.LBB2_2:
0x5b: {  	[hbm4b:s5+s3] =	stream.linear.scatter [tilespmem:s20], [sflag:$0xC], $0x1000, $0x38;
	[tilespmem:$0x69C8] =	vst v63  }
0x5c: {  	s6 =	simm.s32 @!p0 $0xA  }
0x5d: {  	_ =	swait.ge @!p0 [sflag:s6], $0x1000  }
0x5e: {  	s5 =	sshra.s32 s14, $0x2;
	[sflag:s6] =	ssyncset.done @!p0 $0x0  }
0x5f: {  	s7 =	sadd.s32 $0x180, s5;
	[sflag:s6] =	ssyncadd.s32 @!p0 $0xFFFFF000  }
0x60: {  	[tilespmem:s16], [sflag:$0x4] =	stream.indirect.gather [hbm4b:s2+s11], $0x20, s7, s11, $0xb8;
	[tilespmem:$0x69C8] =	vst v63  }
0x61: {  	_ =	swait.ge [sflag:s17], $0x1000  }
0x62: {  	s10 =	rddreg [dreg:$0x4];
	[sflag:s17] =	ssyncset.done $0x0  }
0x63: {  	[sflag:s17] =	ssyncadd.s32 $0xFFFFF000;
	s6 =	sadd.s32 s14, s10;
	s10 =	simm.s32 @!p0 $0xB  }
0x64: {  	[hbm4b:s6+s3] =	stream.linear.scatter [tilespmem:s12], [sflag:$0x7], $0x1000, $0x38;
	[tilespmem:$0x69C8] =	vst v63  }
0x65: {  	_ =	swait.ge @!p0 [sflag:s10], $0x1000  }
0x66: {  	[sflag:s10] =	ssyncset.done @!p0 $0x0  }
0x67: {  	s7 =	sadd.s32 $0x200, s5;
	[sflag:s10] =	ssyncadd.s32 @!p0 $0xFFFFF000  }
0x68: {  	[tilespmem:s18], [sflag:$0x5] =	stream.indirect.gather [hbm4b:s2+s11], $0x20, s7, s11, $0xb8;
	[tilespmem:$0x69C8] =	vst v63  }
0x69: {  	_ =	swait.ge [sflag:s19], $0x1000  }
0x6a: {  	s10 =	rddreg [dreg:$0x3];
	[sflag:s19] =	ssyncset.done $0x0  }
0x6b: {  	[sflag:s19] =	ssyncadd.s32 $0xFFFFF000;
	s6 =	sadd.s32 s14, s10;
	s10 =	simm.s32 @!p0 $0xC  }
0x6c: {  	[hbm4b:s6+s3] =	stream.linear.scatter [tilespmem:s13], [sflag:$0x8], $0x1000, $0x38;
	[tilespmem:$0x69C8] =	vst v63  }
0x6d: {  	_ =	swait.ge @!p0 [sflag:s10], $0x1000  }
0x6e: {  	[sflag:s10] =	ssyncset.done @!p0 $0x0  }
0x6f: {  	s7 =	sadd.s32 $0x280, s5;
	[sflag:s10] =	ssyncadd.s32 @!p0 $0xFFFFF000  }
0x70: {  	[tilespmem:s20], [sflag:$0x6] =	stream.indirect.gather [hbm4b:s2+s11], $0x20, s7, s11, $0xb8;
	[tilespmem:$0x69C8] =	vst v63  }
0x71: {  	_ =	swait.ge [sflag:s21], $0x1000  }
0x72: {  	s10 =	rddreg [dreg:$0x8];
	[sflag:s21] =	ssyncset.done $0x0  }
0x73: {  	[sflag:s21] =	ssyncadd.s32 $0xFFFFF000;
	s6 =	sadd.s32 s14, s10  }
0x74: {  	[hbm4b:s6+s3] =	stream.linear.scatter [tilespmem:s15], [sflag:$0x9], $0x1000, $0x38;
	[tilespmem:$0x69C8] =	vst v63  }
0x75: {  	_ =	swait.ge [sflag:s22], $0x1000  }
0x76: {  	[sflag:s22] =	ssyncset.done $0x0  }
0x77: {  	s5 =	sadd.s32 $0x300, s5;
	[sflag:s22] =	ssyncadd.s32 $0xFFFFF000  }
0x78: {  	[tilespmem:s12], [sflag:$0x1] =	stream.indirect.gather [hbm4b:s2+s11], $0x20, s5, s11, $0xb8;
	[tilespmem:$0x69C8] =	vst v63  }
0x79: {  	_ =	swait.ge [sflag:s23], $0x1000  }
0x7a: {  	s4 =	smov.u32 s1;
	s7 =	rddreg [dreg:$0x7];
	[sflag:s23] =	ssyncset.done $0x0  }
0x7b: {  	p2 =	seq.s32 s4, $0x0;
	[sflag:s23] =	ssyncadd.s32 $0xFFFFF000;
	s5 =	sadd.s32 s14, s7  }
0x7c: {  	[hbm4b:s5+s3] =	stream.linear.scatter [tilespmem:s16], [sflag:$0xA], $0x1000, $0x38;
	[tilespmem:$0x69C8] =	vst v63  }
0x7d: {  	p0 =	por p2, p2;
	p2 =	seq.s32 s14, $0x1800;
	_ =	swait.ge [sflag:s24], $0x1000  }
0x7e: {  	s6 =	simm.s32 @!p2 $0x19C8;
	s5 =	sshra.s32 @!p2 s14, $0x2;
	[sflag:s24] =	ssyncset.done $0x0  }
0x7f: {  	s7 =	simm.s32 @!p2 $0x80;
	s10 =	sadd.s32 @!p2 $0x380, s5;
	[sflag:s24] =	ssyncadd.s32 $0xFFFFF000  }
0x80: {  	[tilespmem:s6], [sflag:$0x2] =	stream.indirect.gather @!p2 [hbm4b:s2+s7], $0x20, s10, s7, $0xb8;
	[tilespmem:$0x69C8] =	vst v63  }
0x81: {  	_ =	swait.ge [sflag:s25], $0x1000  }
0x82: {  	s10 =	rddreg [dreg:$0x6];
	[sflag:s25] =	ssyncset.done $0x0  }
0x83: {  	[sflag:s25] =	ssyncadd.s32 $0xFFFFF000;
	s6 =	sadd.s32 s14, s10  }
0x84: {  	[hbm4b:s6+s3] =	stream.linear.scatter [tilespmem:s18], [sflag:$0xB], $0x1000, $0x38;
	[tilespmem:$0x69C8] =	vst v63  }
0x85: {  	s1 =	sadd.s32 $0xC00, s1;
	_ =	swait.ge [sflag:s26], $0x1000  }
0x86: {  	p1 =	sne.s32 s1, $0x2400;
	s5 =	sadd.s32 @!p2 $0x400, s5;
	[sflag:s26] =	ssyncset.done $0x0  }
.Ltmp0:
0x87: {  	s6 =	simm.s32 @!p2 $0x29C8;
	[sflag:s26] =	ssyncadd.s32 $0xFFFFF000;
	(pc) =	sbr.rel @p1 .LBB2_2-.Ltmp0, $4  }
0x88: {  	[tilespmem:s6], [sflag:$0x3] =	stream.indirect.gather @!p2 [hbm4b:s2+s7], $0x20, s5, s7, $0xb8;
	[tilespmem:$0x69C8] =	vst v63  }
0x89: {  	_ =	swait.ge [sflag:s28], $0x1000  }
0x8a: {  	[sflag:s28] =	ssyncset.done $0x0;
	s10 =	rddreg [dreg:$0x5]  }
0x8b: {  	[sflag:s28] =	ssyncadd.s32 $0xFFFFF000;
	s5 =	sadd.s32 s14, s10;
	s14 =	smov.u32 s4  }
0x8c: {  	[hbm4b:s5+s3] =	stream.linear.scatter [tilespmem:s20], [sflag:$0xC], $0x1000, $0x38;
	[tilespmem:$0x69C8] =	vst v63  }
0x8d: {  	s1 =	simm.s32 @!p0 $0xA  }
0x8e: {  	_ =	swait.ge @!p0 [sflag:s1], $0x1000  }
0x8f: {  	s4 =	sshra.s32 s14, $0x2;
	[sflag:s1] =	ssyncset.done @!p0 $0x0  }
0x90: {  	s6 =	sadd.s32 $0x180, s4;
	[sflag:s1] =	ssyncadd.s32 @!p0 $0xFFFFF000  }
0x91: {  	[tilespmem:s16], [sflag:$0x4] =	stream.indirect.gather [hbm4b:s2+s11], $0x20, s6, s11, $0xb8;
	[tilespmem:$0x69C8] =	vst v63  }
0x92: {  	_ =	swait.ge [sflag:s17], $0x1000  }
0x93: {  	s7 =	rddreg [dreg:$0x4];
	[sflag:s17] =	ssyncset.done $0x0  }
0x94: {  	s5 =	simm.s32 @!p0 $0xB;
	[sflag:s17] =	ssyncadd.s32 $0xFFFFF000;
	s1 =	sadd.s32 s14, s7  }
0x95: {  	[hbm4b:s1+s3] =	stream.linear.scatter [tilespmem:s12], [sflag:$0x7], $0x1000, $0x38;
	[tilespmem:$0x69C8] =	vst v63  }
0x96: {  	_ =	swait.ge @!p0 [sflag:s5], $0x1000  }
0x97: {  	[sflag:s5] =	ssyncset.done @!p0 $0x0  }
0x98: {  	s10 =	sadd.s32 $0x200, s4;
	[sflag:s5] =	ssyncadd.s32 @!p0 $0xFFFFF000  }
0x99: {  	[tilespmem:s18], [sflag:$0x5] =	stream.indirect.gather [hbm4b:s2+s11], $0x20, s10, s11, $0xb8;
	[tilespmem:$0x69C8] =	vst v63  }
0x9a: {  	_ =	swait.ge [sflag:s19], $0x1000  }
0x9b: {  	s5 =	rddreg [dreg:$0x3];
	[sflag:s19] =	ssyncset.done $0x0  }
0x9c: {  	[sflag:s19] =	ssyncadd.s32 $0xFFFFF000;
	s1 =	sadd.s32 s14, s5;
	s5 =	simm.s32 @!p0 $0xC  }
0x9d: {  	[hbm4b:s1+s3] =	stream.linear.scatter [tilespmem:s13], [sflag:$0x8], $0x1000, $0x38;
	[tilespmem:$0x69C8] =	vst v63  }
0x9e: {  	_ =	swait.ge @!p0 [sflag:s5], $0x1000  }
0x9f: {  	[sflag:s5] =	ssyncset.done @!p0 $0x0  }
0xa0: {  	s6 =	sadd.s32 $0x280, s4;
	[sflag:s5] =	ssyncadd.s32 @!p0 $0xFFFFF000  }
0xa1: {  	[tilespmem:s20], [sflag:$0x6] =	stream.indirect.gather [hbm4b:s2+s11], $0x20, s6, s11, $0xb8;
	[tilespmem:$0x69C8] =	vst v63  }
0xa2: {  	_ =	swait.ge [sflag:s21], $0x1000  }
0xa3: {  	s7 =	rddreg [dreg:$0x8];
	[sflag:s21] =	ssyncset.done $0x0  }
0xa4: {  	[sflag:s21] =	ssyncadd.s32 $0xFFFFF000;
	s1 =	sadd.s32 s14, s7  }
0xa5: {  	[hbm4b:s1+s3] =	stream.linear.scatter [tilespmem:s15], [sflag:$0x9], $0x1000, $0x38;
	[tilespmem:$0x69C8] =	vst v63  }
0xa6: {  	_ =	swait.ge [sflag:s22], $0x1000  }
0xa7: {  	[sflag:s22] =	ssyncset.done $0x0  }
0xa8: {  	s10 =	sadd.s32 $0x300, s4;
	[sflag:s22] =	ssyncadd.s32 $0xFFFFF000  }
0xa9: {  	[tilespmem:s12], [sflag:$0x1] =	stream.indirect.gather [hbm4b:s2+s11], $0x20, s10, s11, $0xb8;
	[tilespmem:$0x69C8] =	vst v63  }
0xaa: {  	_ =	swait.ge [sflag:s23], $0x1000  }
0xab: {  	s4 =	rddreg [dreg:$0x7];
	[sflag:s23] =	ssyncset.done $0x0  }
0xac: {  	[sflag:s23] =	ssyncadd.s32 $0xFFFFF000;
	s1 =	sadd.s32 s14, s4  }
0xad: {  	[hbm4b:s1+s3] =	stream.linear.scatter [tilespmem:s16], [sflag:$0xA], $0x1000, $0x38;
	[tilespmem:$0x69C8] =	vst v63  }
0xae: {  	p0 =	seq.s32 s14, $0x1800;
	_ =	swait.ge [sflag:s24], $0x1000  }
0xaf: {  	s6 =	simm.s32 @!p0 $0x80;
	s1 =	sshra.s32 @!p0 s14, $0x2;
	[sflag:s24] =	ssyncset.done $0x0  }
0xb0: {  	s4 =	simm.s32 @!p0 $0x19C8;
	s5 =	sadd.s32 @!p0 $0x380, s1;
	[sflag:s24] =	ssyncadd.s32 $0xFFFFF000  }
0xb1: {  	[tilespmem:s4], [sflag:$0x2] =	stream.indirect.gather @!p0 [hbm4b:s2+s6], $0x20, s5, s6, $0xb8;
	[tilespmem:$0x69C8] =	vst v63  }
0xb2: {  	_ =	swait.ge [sflag:s25], $0x1000  }
0xb3: {  	s5 =	rddreg [dreg:$0x6];
	[sflag:s25] =	ssyncset.done $0x0  }
0xb4: {  	[sflag:s25] =	ssyncadd.s32 $0xFFFFF000;
	s4 =	sadd.s32 s14, s5  }
0xb5: {  	[hbm4b:s4+s3] =	stream.linear.scatter [tilespmem:s18], [sflag:$0xB], $0x1000, $0x38;
	[tilespmem:$0x69C8] =	vst v63  }
0xb6: {  	_ =	swait.ge [sflag:s26], $0x1000  }
0xb7: {  	[sflag:s26] =	ssyncset.done $0x0  }
0xb8: {  	s1 =	sadd.s32 @!p0 $0x400, s1;
	s4 =	simm.s32 @!p0 $0x29C8;
	[sflag:s26] =	ssyncadd.s32 $0xFFFFF000  }
0xb9: {  	[tilespmem:s4], [sflag:$0x3] =	stream.indirect.gather @!p0 [hbm4b:s2+s6], $0x20, s1, s6, $0xb8;
	[tilespmem:$0x69C8] =	vst v63  }
0xba: {  	_ =	swait.ge [sflag:s28], $0x1000  }
0xbb: {  	s6 =	rddreg [dreg:$0x5];
	[sflag:s28] =	ssyncset.done $0x0  }
0xbc: {  	s1 =	sadd.s32 s14, s6;
	[sflag:s28] =	ssyncadd.s32 $0xFFFFF000  }
0xbd: {  	[hbm4b:s1+s3] =	stream.linear.scatter [tilespmem:s20], [sflag:$0xC], $0x1000, $0x38;
	[tilespmem:$0x69C8] =	vst v63  }
0xbe: {  	_ =	swait.ge [sflag:s29], $0x1000  }
0xbf: {  	[sflag:s29] =	ssyncset.done $0x0  }
0xc0: {  	[sflag:s29] =	ssyncadd.s32 $0xFFFFF000  }
0xc1: {  	_ =	swait.ge [sflag:s17], $0x1000  }
0xc2: {  	[sflag:s17] =	ssyncset.done $0x0  }
0xc3: {  	s7 =	rddreg [dreg:$0xb];
	[sflag:s17] =	ssyncadd.s32 $0xFFFFF000  }
0xc4: {  	[hbm4b:s7+s3] =	stream.linear.scatter [tilespmem:s12], [sflag:$0x7], $0x1000, $0x38;
	[tilespmem:$0x69C8] =	vst v63  }
0xc5: {  	_ =	swait.ge [sflag:s30], $0x1000  }
0xc6: {  	[sflag:s30] =	ssyncset.done $0x0  }
0xc7: {  	[sflag:s30] =	ssyncadd.s32 $0xFFFFF000  }
0xc8: {  	_ =	swait.ge [sflag:s31], $0x1000  }
0xc9: {  	[sflag:s31] =	ssyncset.done $0x0  }
0xca: {  	[sflag:s31] =	ssyncadd.s32 $0xFFFFF000  }
0xcb: {  	_ =	swait.ge [sflag:s22], $0x1000  }
0xcc: {  	[sflag:s22] =	ssyncset.done $0x0  }
0xcd: {  	s10 =	simm.s32 $0x44;
	s4 =	simm.s32 $0x980;
	[sflag:s22] =	ssyncadd.s32 $0xFFFFF000  }
0xce: {  	[tilespmem:s16], [sflag:$0x4] =	stream.indirect.gather [hbm4b:s2+s10], $0x20, s4, s10, $0xb8;
	[tilespmem:$0x69C8] =	vst v63  }
0xcf: {  	s0 =	sadd.s32 $0x1, s0;
	_ =	swait.ge [sflag:s23], $0x880  }
0xd0: {  	p0 =	sne.s32 s0, s8;
	[sflag:s23] =	ssyncset.done $0x0  }
.Ltmp1:
0xd1: {  	s14 =	rddreg [dreg:$0xc];
	[sflag:s23] =	ssyncadd.s32 $0xFFFFF780;
	(pc) =	sbr.rel @p0 .LBB2_1-.Ltmp1, $4  }
0xd2: {  	[hbm4b:s14+s3] =	stream.linear.scatter [tilespmem:s16], [sflag:$0xD], $0x880, $0x38;
	[tilespmem:$0x69C8] =	vst v63  }
0xd3: {  	_ =	swait.ge [sflag:s9], $0x880  }
0xd4: {  	[sflag:s9] =	ssyncset.done $0x0  }
0xd5: {  	[sflag:s9] =	ssyncadd.s32 $0xFFFFF780  }
0xd6: {  	_ =	sfence.sel $0x180000  }
0xd7: {  	[bflag:$0x0] =	sbarrier.arrive $0xFFFF  }
0xd8: {  	_ =	strace $0x90000047  }
0xd9: {  	s0 =	stileid.u32;
	[bflag:$0x2] =	sbarrier.arrive $0xFFFF  }
0xda: {  	p0 =	sne.s32 s0, $0x0;
	s0 =	rddreg [dreg:$0x2]  }
0xdb: {  	s0 =	sadd.s32 @!p0 $0x100000, s0  }
0xdc: {  	[sflag:s0] =	ssyncadd.tile.s32 @!p0 $0x1;
	_ =	shalt  }
.Lfunc_end2:
_tile_overlayer_lowered:
.L_overlay_start_2:
0xdd: {  	(tag) =	ssettag $0x2  }
0xde: {  	s0 =	rddreg [dreg:$0x0];
	s2 =	stileid.u32  }
0xdf: {  	s1 =	rddreg [dreg:$0x1];
	p0 =	sne.s32 s2, $0x0  }
0xe0: {  	s3 =	rddreg [dreg:$0x2];
	[bflag:$0x3] =	sbarrier.arrive $0xFFFF;
	s2 =	simm.s32 @!p0 $0x1C0D  }
0xe1: {  	[timem:s3], [sflag:s2] =	dma.local @!p0 [hbm:s0], s1  }
0xe2: {  	s0 =	simm.s32 @!p0 $0xD  }
0xe3: {  	_ =	swait.ge @!p0 [sflag:s0], s1  }
0xe4: {  	s1 =	ssub.s32 @!p0 $0x0, s1;
	[sflag:s0] =	ssyncset.done @!p0 $0x0  }
0xe5: {  	[sflag:s0] =	ssyncadd.s32 @!p0 s1  }
0xe6: {  	[bflag:$0x3] =	sbarrier.arrive $0xFFFF  }
0xe7: {  	_ =	shalt  }

</sc_bundles>
